<compile_context>
chip_gen: v7x
topology: tpu7x:2x2x1
jax: 0.10.2.dev20260603
libtpu: 0.0.44.dev20260713+nightly
codegen_flags: <defaults>
</compile_context>

<pallas_src>
import functools

import jax
import jax.numpy as jnp
from jax import lax
from jax.experimental import pallas as pl
from jax.experimental.pallas import tpu as pltpu
from jax.experimental.pallas import tpu_sc as plsc

BATCH = 16384
LATENT_DIM = 32
NUM_WORKERS = 32
B_PER_W = BATCH // NUM_WORKERS
LANES = 16
N_GROUPS = B_PER_W // LANES
NSLOT = 8
TILE_L = 128


@functools.partial(
    pl.kernel,
    out_type=jax.ShapeDtypeStruct((BATCH,), jnp.float32),
    mesh=plsc.VectorSubcoreMesh(core_axis_name="c", subcore_axis_name="s"),
    compiler_params=pltpu.CompilerParams(needs_layout_passes=False),
    scratch_types=[
        pltpu.VMEM((B_PER_W,), jnp.int32),
        pltpu.VMEM((B_PER_W,), jnp.int32),
        pltpu.VMEM((NSLOT, LATENT_DIM, TILE_L), jnp.float32),
        pltpu.VMEM((NSLOT, LATENT_DIM, TILE_L), jnp.float32),
        pltpu.VMEM((LATENT_DIM, B_PER_W), jnp.float32),
        pltpu.VMEM((LATENT_DIM, B_PER_W), jnp.float32),
        pltpu.VMEM((LATENT_DIM + 1, LANES), jnp.float32),
        pltpu.VMEM((B_PER_W,), jnp.float32),
        pltpu.SemaphoreType.DMA,
        pltpu.SemaphoreType.DMA,
    ],
)
def _gmf_sc(uidx_hbm, iidx_hbm, utab_hbm, itab_hbm, params_hbm, out_hbm,
            uidx_v, iidx_v, uslot_v, islot_v, ubuf_v, ibuf_v, params_v,
            out_v, sem_u, sem_i):
    wid = lax.axis_index("s") * 2 + lax.axis_index("c")
    base = wid * B_PER_W

    pltpu.sync_copy(params_hbm, params_v)
    pltpu.sync_copy(uidx_hbm.at[pl.ds(base, B_PER_W)], uidx_v)
    pltpu.sync_copy(iidx_hbm.at[pl.ds(base, B_PER_W)], iidx_v)

    d_lo = lax.iota(jnp.int32, LANES)
    d_hi = d_lo + LANES

    def fire(tab_hbm, slot_v, sem, idx_scalar, s):
        vt = lax.shift_right_logical(idx_scalar, 7)
        cols = pl.ds(pl.multiple_of(vt * TILE_L, TILE_L), TILE_L)
        pltpu.async_copy(tab_hbm.at[:, cols], slot_v.at[s], sem)

    def wait_slot(tab_hbm, slot_v, sem, s):
        pltpu.make_async_copy(tab_hbm.at[:, pl.ds(0, TILE_L)],
                              slot_v.at[s], sem).wait()

    def extract(slot_v, buf_v, idx_scalar, s, b):
        voff = lax.bitwise_and(idx_scalar, TILE_L - 1)
        s_vec = jnp.full((LANES,), s, jnp.int32)
        voff_vec = jnp.full((LANES,), voff, jnp.int32)
        b_vec = jnp.full((LANES,), b, jnp.int32)
        v0 = plsc.load_gather(slot_v, [s_vec, d_lo, voff_vec])
        v1 = plsc.load_gather(slot_v, [s_vec, d_hi, voff_vec])
        plsc.store_scatter(buf_v, [d_lo, b_vec], v0)
        plsc.store_scatter(buf_v, [d_hi, b_vec], v1)

    uvec_p = uidx_v[pl.ds(0, LANES)]
    ivec_p = iidx_v[pl.ds(0, LANES)]
    for k in range(NSLOT):
        fire(utab_hbm, uslot_v, sem_u, uvec_p[k], k)
        fire(itab_hbm, islot_v, sem_i, ivec_p[k], k)

    lane_iota = lax.iota(jnp.int32, LANES)
    wvecs = [params_v[d, pl.ds(0, LANES)] for d in range(LATENT_DIM)]
    bias_vec = params_v[LATENT_DIM, pl.ds(0, LANES)]

    def group_body(g, carry):
        uvec = uidx_v[pl.ds(g * LANES, LANES)]
        ivec = iidx_v[pl.ds(g * LANES, LANES)]
        g1 = jnp.minimum(g + 1, N_GROUPS - 1)
        uvec1 = uidx_v[pl.ds(g1 * LANES, LANES)]
        ivec1 = iidx_v[pl.ds(g1 * LANES, LANES)]
        for k in range(LANES):
            b = g * LANES + k
            s = k % NSLOT
            kn = k + NSLOT
            wait_slot(utab_hbm, uslot_v, sem_u, s)
            extract(uslot_v, ubuf_v, uvec[k], s, b)
            if kn < LANES:
                fire(utab_hbm, uslot_v, sem_u, uvec[kn], s)
            else:
                @pl.when(g < N_GROUPS - 1)
                def _():
                    fire(utab_hbm, uslot_v, sem_u, uvec1[kn - LANES], s)
            wait_slot(itab_hbm, islot_v, sem_i, s)
            extract(islot_v, ibuf_v, ivec[k], s, b)
            if kn < LANES:
                fire(itab_hbm, islot_v, sem_i, ivec[kn], s)
            else:
                @pl.when(g < N_GROUPS - 1)
                def _():
                    fire(itab_hbm, islot_v, sem_i, ivec1[kn - LANES], s)
        col = g * LANES
        acc = bias_vec
        for d in range(LATENT_DIM):
            u = ubuf_v[d, pl.ds(col, LANES)]
            i = ibuf_v[d, pl.ds(col, LANES)]
            acc = acc + (u * i) * wvecs[d]
        sig = 1.0 / (1.0 + jnp.exp(-acc))
        plsc.store_scatter(out_v, [col + lane_iota], sig)
        return carry

    lax.fori_loop(0, N_GROUPS, group_body, 0)
    pltpu.sync_copy(out_v, out_hbm.at[pl.ds(base, B_PER_W)])


def kernel(user_indices, item_indices, user_table, item_table, affine_w, affine_b):
    params = jnp.concatenate(
        [jnp.broadcast_to(affine_w.reshape(LATENT_DIM, 1), (LATENT_DIM, LANES)),
         jnp.broadcast_to(affine_b.reshape(1, 1), (1, LANES))]).astype(jnp.float32)
    out = _gmf_sc(user_indices, item_indices, user_table.T, item_table.T, params)
    return out.reshape(BATCH, 1)

# --- scband reference (transcript-rebuilt; emitter-appended) ---
"""Pipeline reference for scband-gmf-66288525247040 (READ-ONLY COPY).

The authoritative reference and input builder live on the scoring server;
editing this copy changes nothing except your own understanding.
"""

import jax, jax.numpy as jnp
import numpy as np

NUM_USERS = 1000000
NUM_ITEMS = 1000000
LATENT_DIM = 32
BATCH = 16384
INIT_STD = 0.01


def setup_inputs(seed: int = 0) -> dict:
    key = jax.random.key(seed)
    k1, k2, k3, k4, k5 = jax.random.split(key, 5)
    user_indices = jax.random.randint(k1, (BATCH,), 0, NUM_USERS, dtype=jnp.int64 if jax.config.jax_enable_x64 else jnp.int32).astype(jnp.int32)
    item_indices = jax.random.randint(k2, (BATCH,), 0, NUM_ITEMS, dtype=jnp.int32)
    user_table = jax.random.normal(k3, (NUM_USERS, LATENT_DIM), dtype=jnp.float32) * INIT_STD
    item_table = jax.random.normal(k4, (NUM_ITEMS, LATENT_DIM), dtype=jnp.float32) * INIT_STD
    affine_w = jax.random.normal(k5, (1, LATENT_DIM), dtype=jnp.float32) * INIT_STD
    affine_b = jnp.zeros((1,), dtype=jnp.float32)
    return {
        "user_indices": user_indices,
        "item_indices": item_indices,
        "user_table": user_table,
        "item_table": item_table,
        "affine_w": affine_w,
        "affine_b": affine_b,
    }


def reference(user_indices, item_indices, user_table, item_table, affine_w, affine_b):
    u = jnp.take(user_table, user_indices, axis=0)   # [B, D] embedding gather
    i = jnp.take(item_table, item_indices, axis=0)   # [B, D] embedding gather
    x = u * i                                        # elementwise GMF interaction
    logits = x @ affine_w.T + affine_b               # [B, 1]
    return jax.nn.sigmoid(logits)

if __name__ == "__main__":
    import jax
    _d = setup_inputs()
    print(jax.jit(kernel)(*tuple(_d.values())))

</pallas_src>

<mosaic_0001>
#map = affine_map<(d0, d1) -> (0)>
#map1 = affine_map<(d0, d1) -> (0, 0)>
module attributes {stable_mosaic.version = 14 : i64} {
  func.func @_gmf_sc(%arg0: i32, %arg1: i32, %arg2: memref<16384xi32, #tpu.memory_space<hbm>>, %arg3: memref<16384xi32, #tpu.memory_space<hbm>>, %arg4: memref<32x1000000xf32, #tpu.memory_space<hbm>>, %arg5: memref<32x1000000xf32, #tpu.memory_space<hbm>>, %arg6: memref<33x16xf32, #tpu.memory_space<hbm>>, %arg7: memref<16384xf32, #tpu.memory_space<hbm>>, %arg8: memref<512xi32, #tpu.memory_space<vmem>>, %arg9: memref<512xi32, #tpu.memory_space<vmem>>, %arg10: memref<8x32x128xf32, #tpu.memory_space<vmem>>, %arg11: memref<8x32x128xf32, #tpu.memory_space<vmem>>, %arg12: memref<32x512xf32, #tpu.memory_space<vmem>>, %arg13: memref<32x512xf32, #tpu.memory_space<vmem>>, %arg14: memref<33x16xf32, #tpu.memory_space<vmem>>, %arg15: memref<512xf32, #tpu.memory_space<vmem>>, %arg16: memref<!tpu.dma_semaphore, #tpu.memory_space<semaphore_mem>>, %arg17: memref<!tpu.dma_semaphore, #tpu.memory_space<semaphore_mem>>) attributes {dimension_semantics = [#tpu.dimension_semantics<core_parallel>, #tpu.dimension_semantics<subcore_parallel>], iteration_bounds = array<i64: 2, 16>, scalar_prefetch = 0 : i64, scratch_operands = 10 : i64, tpu.core_type = #tpu.core_type<sc_vector_subcore>, window_params = [{transform_indices = #map}, {transform_indices = #map}, {transform_indices = #map1}, {transform_indices = #map1}, {transform_indices = #map1}, {transform_indices = #map}]} {
    %mul3A = arith.constant 2 : i32
    %mul3A_0 = arith.muli %arg1, %mul3A : i32
    %add3A = arith.addi %mul3A_0, %arg0 : i32
    %mul3A_1 = arith.constant 512 : i32
    %mul3A_2 = arith.muli %add3A, %mul3A_1 : i32
    "tpu.region"() ({
      %run_scoped3A = tpu.sem_alloc : memref<!tpu.dma_semaphore, #tpu.memory_space<semaphore_mem>>
      tpu.enqueue_dma source(%arg6 : memref<33x16xf32, #tpu.memory_space<hbm>>) target(%arg14 : memref<33x16xf32, #tpu.memory_space<vmem>>) target_semaphore(%run_scoped3A : memref<!tpu.dma_semaphore, #tpu.memory_space<semaphore_mem>>)
      tpu.wait_dma2 semaphore(%run_scoped3A : memref<!tpu.dma_semaphore, #tpu.memory_space<semaphore_mem>>) src(%arg6 : memref<33x16xf32, #tpu.memory_space<hbm>>) dst(%arg14 : memref<33x16xf32, #tpu.memory_space<vmem>>)
      tpu.yield
    }) : () -> ()
    "tpu.region"() ({
      %run_scoped3A = tpu.sem_alloc : memref<!tpu.dma_semaphore, #tpu.memory_space<semaphore_mem>>
      %dma_start3A_462 = tpu.memref_slice %arg2[%mul3A_2] : memref<16384xi32, #tpu.memory_space<hbm>> -> memref<512xi32, #tpu.memory_space<hbm>>
      %dma_start3A_463 = tpu.memref_slice %arg2[%mul3A_2] : memref<16384xi32, #tpu.memory_space<hbm>> -> memref<512xi32, #tpu.memory_space<hbm>>
      tpu.enqueue_dma source(%dma_start3A_463 : memref<512xi32, #tpu.memory_space<hbm>>) target(%arg8 : memref<512xi32, #tpu.memory_space<vmem>>) target_semaphore(%run_scoped3A : memref<!tpu.dma_semaphore, #tpu.memory_space<semaphore_mem>>)
      %dma_wait3A = tpu.memref_slice %arg2[%mul3A_2] : memref<16384xi32, #tpu.memory_space<hbm>> -> memref<512xi32, #tpu.memory_space<hbm>>
      %dma_wait3A_464 = tpu.memref_slice %arg2[%mul3A_2] : memref<16384xi32, #tpu.memory_space<hbm>> -> memref<512xi32, #tpu.memory_space<hbm>>
      tpu.wait_dma2 semaphore(%run_scoped3A : memref<!tpu.dma_semaphore, #tpu.memory_space<semaphore_mem>>) src(%dma_wait3A_464 : memref<512xi32, #tpu.memory_space<hbm>>) dst(%arg8 : memref<512xi32, #tpu.memory_space<vmem>>)
      tpu.yield
    }) : () -> ()
    "tpu.region"() ({
      %run_scoped3A = tpu.sem_alloc : memref<!tpu.dma_semaphore, #tpu.memory_space<semaphore_mem>>
      %dma_start3A_462 = tpu.memref_slice %arg3[%mul3A_2] : memref<16384xi32, #tpu.memory_space<hbm>> -> memref<512xi32, #tpu.memory_space<hbm>>
      %dma_start3A_463 = tpu.memref_slice %arg3[%mul3A_2] : memref<16384xi32, #tpu.memory_space<hbm>> -> memref<512xi32, #tpu.memory_space<hbm>>
      tpu.enqueue_dma source(%dma_start3A_463 : memref<512xi32, #tpu.memory_space<hbm>>) target(%arg9 : memref<512xi32, #tpu.memory_space<vmem>>) target_semaphore(%run_scoped3A : memref<!tpu.dma_semaphore, #tpu.memory_space<semaphore_mem>>)
      %dma_wait3A = tpu.memref_slice %arg3[%mul3A_2] : memref<16384xi32, #tpu.memory_space<hbm>> -> memref<512xi32, #tpu.memory_space<hbm>>
      %dma_wait3A_464 = tpu.memref_slice %arg3[%mul3A_2] : memref<16384xi32, #tpu.memory_space<hbm>> -> memref<512xi32, #tpu.memory_space<hbm>>
      tpu.wait_dma2 semaphore(%run_scoped3A : memref<!tpu.dma_semaphore, #tpu.memory_space<semaphore_mem>>) src(%dma_wait3A_464 : memref<512xi32, #tpu.memory_space<hbm>>) dst(%arg9 : memref<512xi32, #tpu.memory_space<vmem>>)
      tpu.yield
    }) : () -> ()
    %iota3A = tpu.iota {dimensions = array<i32: 0>} : vector<16xi32>
    %add3A_3 = arith.constant 16 : i32
    %add3A_4 = vector.broadcast %add3A_3 : i32 to vector<16xi32>
    %add3A_5 = arith.addi %iota3A, %add3A_4 : vector<16xi32>
    %get3A = arith.constant 0 : index
    %get3A_6 = tpu.vector_load %arg8[%get3A] {strides = array<i32>} : memref<512xi32, #tpu.memory_space<vmem>>, vector<16xi32>,
    %get3A_7 = arith.constant 0 : index
    %get3A_8 = tpu.vector_load %arg9[%get3A_7] {strides = array<i32>} : memref<512xi32, #tpu.memory_space<vmem>>, vector<16xi32>,
    %slice3A = vector.extract_strided_slice %get3A_6 {offsets = [0], sizes = [1], strides = [1]} : vector<16xi32> to vector<1xi32>
    %squeeze3A = vector.extract %slice3A[0] : i32 from vector<1xi32>
    %shift_right_logical3A = arith.constant 7 : i32
    %shift_right_logical3A_9 = arith.shrui %squeeze3A, %shift_right_logical3A : i32
    %mul3A_10 = arith.constant 128 : i32
    %mul3A_11 = arith.muli %shift_right_logical3A_9, %mul3A_10 : i32
    %multiple_of3A = tpu.assume_multiple %mul3A_11, 128 : i32
    %dma_start3A = arith.constant 0 : i32
    %dma_start3A_12 = arith.constant 0 : i32
    %dma_start3A_13 = arith.constant 0 : i32
    %dma_start3A_14 = tpu.memref_slice %arg10[%dma_start3A, %dma_start3A_12, %dma_start3A_13] : memref<8x32x128xf32, #tpu.memory_space<vmem>> -> memref<1x32x128xf32, #tpu.memory_space<vmem>>
    %dma_start3A_15 = tpu.memref_squeeze %dma_start3A_14 : memref<1x32x128xf32, #tpu.memory_space<vmem>> -> memref<32x128xf32, #tpu.memory_space<vmem>>
    %dma_start3A_16 = arith.constant 0 : i32
    %dma_start3A_17 = tpu.memref_slice %arg4[%dma_start3A_16, %multiple_of3A] : memref<32x1000000xf32, #tpu.memory_space<hbm>> -> memref<32x128xf32, #tpu.memory_space<hbm>>
    %dma_start3A_18 = arith.constant 0 : i32
    %dma_start3A_19 = arith.constant 0 : i32
    %dma_start3A_20 = tpu.memref_slice %arg10[%dma_start3A, %dma_start3A_18, %dma_start3A_19] : memref<8x32x128xf32, #tpu.memory_space<vmem>> -> memref<1x32x128xf32, #tpu.memory_space<vmem>>
    %dma_start3A_21 = tpu.memref_squeeze %dma_start3A_20 : memref<1x32x128xf32, #tpu.memory_space<vmem>> -> memref<32x128xf32, #tpu.memory_space<vmem>>
    %dma_start3A_22 = arith.constant 0 : i32
    %dma_start3A_23 = tpu.memref_slice %arg4[%dma_start3A_22, %multiple_of3A] : memref<32x1000000xf32, #tpu.memory_space<hbm>> -> memref<32x128xf32, #tpu.memory_space<hbm>>
    tpu.enqueue_dma source(%dma_start3A_23 : memref<32x128xf32, #tpu.memory_space<hbm>>) target(%dma_start3A_21 : memref<32x128xf32, #tpu.memory_space<vmem>>) target_semaphore(%arg16 : memref<!tpu.dma_semaphore, #tpu.memory_space<semaphore_mem>>)
    %slice3A_24 = vector.extract_strided_slice %get3A_8 {offsets = [0], sizes = [1], strides = [1]} : vector<16xi32> to vector<1xi32>
    %squeeze3A_25 = vector.extract %slice3A_24[0] : i32 from vector<1xi32>
    %shift_right_logical3A_26 = arith.constant 7 : i32
    %shift_right_logical3A_27 = arith.shrui %squeeze3A_25, %shift_right_logical3A_26 : i32
    %mul3A_28 = arith.constant 128 : i32
    %mul3A_29 = arith.muli %shift_right_logical3A_27, %mul3A_28 : i32
    %multiple_of3A_30 = tpu.assume_multiple %mul3A_29, 128 : i32
    %dma_start3A_31 = arith.constant 0 : i32
    %dma_start3A_32 = arith.constant 0 : i32
    %dma_start3A_33 = arith.constant 0 : i32
    %dma_start3A_34 = tpu.memref_slice %arg11[%dma_start3A_31, %dma_start3A_32, %dma_start3A_33] : memref<8x32x128xf32, #tpu.memory_space<vmem>> -> memref<1x32x128xf32, #tpu.memory_space<vmem>>
    %dma_start3A_35 = tpu.memref_squeeze %dma_start3A_34 : memref<1x32x128xf32, #tpu.memory_space<vmem>> -> memref<32x128xf32, #tpu.memory_space<vmem>>
    %dma_start3A_36 = arith.constant 0 : i32
    %dma_start3A_37 = tpu.memref_slice %arg5[%dma_start3A_36, %multiple_of3A_30] : memref<32x1000000xf32, #tpu.memory_space<hbm>> -> memref<32x128xf32, #tpu.memory_space<hbm>>
    %dma_start3A_38 = arith.constant 0 : i32
    %dma_start3A_39 = arith.constant 0 : i32
    %dma_start3A_40 = tpu.memref_slice %arg11[%dma_start3A_31, %dma_start3A_38, %dma_start3A_39] : memref<8x32x128xf32, #tpu.memory_space<vmem>> -> memref<1x32x128xf32, #tpu.memory_space<vmem>>
    %dma_start3A_41 = tpu.memref_squeeze %dma_start3A_40 : memref<1x32x128xf32, #tpu.memory_space<vmem>> -> memref<32x128xf32, #tpu.memory_space<vmem>>
    %dma_start3A_42 = arith.constant 0 : i32
    %dma_start3A_43 = tpu.memref_slice %arg5[%dma_start3A_42, %multiple_of3A_30] : memref<32x1000000xf32, #tpu.memory_space<hbm>> -> memref<32x128xf32, #tpu.memory_space<hbm>>
    tpu.enqueue_dma source(%dma_start3A_43 : memref<32x128xf32, #tpu.memory_space<hbm>>) target(%dma_start3A_41 : memref<32x128xf32, #tpu.memory_space<vmem>>) target_semaphore(%arg17 : memref<!tpu.dma_semaphore, #tpu.memory_space<semaphore_mem>>)
    %slice3A_44 = vector.extract_strided_slice %get3A_6 {offsets = [1], sizes = [1], strides = [1]} : vector<16xi32> to vector<1xi32>
    %squeeze3A_45 = vector.extract %slice3A_44[0] : i32 from vector<1xi32>
    %shift_right_logical3A_46 = arith.constant 7 : i32
    %shift_right_logical3A_47 = arith.shrui %squeeze3A_45, %shift_right_logical3A_46 : i32
    %mul3A_48 = arith.constant 128 : i32
    %mul3A_49 = arith.muli %shift_right_logical3A_47, %mul3A_48 : i32
    %multiple_of3A_50 = tpu.assume_multiple %mul3A_49, 128 : i32
    %dma_start3A_51 = arith.constant 1 : i32
    %dma_start3A_52 = arith.constant 0 : i32
    %dma_start3A_53 = arith.constant 0 : i32
    %dma_start3A_54 = tpu.memref_slice %arg10[%dma_start3A_51, %dma_start3A_52, %dma_start3A_53] : memref<8x32x128xf32, #tpu.memory_space<vmem>> -> memref<1x32x128xf32, #tpu.memory_space<vmem>>
    %dma_start3A_55 = tpu.memref_squeeze %dma_start3A_54 : memref<1x32x128xf32, #tpu.memory_space<vmem>> -> memref<32x128xf32, #tpu.memory_space<vmem>>
    %dma_start3A_56 = arith.constant 0 : i32
    %dma_start3A_57 = tpu.memref_slice %arg4[%dma_start3A_56, %multiple_of3A_50] : memref<32x1000000xf32, #tpu.memory_space<hbm>> -> memref<32x128xf32, #tpu.memory_space<hbm>>
    %dma_start3A_58 = arith.constant 0 : i32
    %dma_start3A_59 = arith.constant 0 : i32
    %dma_start3A_60 = tpu.memref_slice %arg10[%dma_start3A_51, %dma_start3A_58, %dma_start3A_59] : memref<8x32x128xf32, #tpu.memory_space<vmem>> -> memref<1x32x128xf32, #tpu.memory_space<vmem>>
    %dma_start3A_61 = tpu.memref_squeeze %dma_start3A_60 : memref<1x32x128xf32, #tpu.memory_space<vmem>> -> memref<32x128xf32, #tpu.memory_space<vmem>>
    %dma_start3A_62 = arith.constant 0 : i32
    %dma_start3A_63 = tpu.memref_slice %arg4[%dma_start3A_62, %multiple_of3A_50] : memref<32x1000000xf32, #tpu.memory_space<hbm>> -> memref<32x128xf32, #tpu.memory_space<hbm>>
    tpu.enqueue_dma source(%dma_start3A_63 : memref<32x128xf32, #tpu.memory_space<hbm>>) target(%dma_start3A_61 : memref<32x128xf32, #tpu.memory_space<vmem>>) target_semaphore(%arg16 : memref<!tpu.dma_semaphore, #tpu.memory_space<semaphore_mem>>)
    %slice3A_64 = vector.extract_strided_slice %get3A_8 {offsets = [1], sizes = [1], strides = [1]} : vector<16xi32> to vector<1xi32>
    %squeeze3A_65 = vector.extract %slice3A_64[0] : i32 from vector<1xi32>
    %shift_right_logical3A_66 = arith.constant 7 : i32
    %shift_right_logical3A_67 = arith.shrui %squeeze3A_65, %shift_right_logical3A_66 : i32
    %mul3A_68 = arith.constant 128 : i32
    %mul3A_69 = arith.muli %shift_right_logical3A_67, %mul3A_68 : i32
    %multiple_of3A_70 = tpu.assume_multiple %mul3A_69, 128 : i32
    %dma_start3A_71 = arith.constant 1 : i32
    %dma_start3A_72 = arith.constant 0 : i32
    %dma_start3A_73 = arith.constant 0 : i32
    %dma_start3A_74 = tpu.memref_slice %arg11[%dma_start3A_71, %dma_start3A_72, %dma_start3A_73] : memref<8x32x128xf32, #tpu.memory_space<vmem>> -> memref<1x32x128xf32, #tpu.memory_space<vmem>>
    %dma_start3A_75 = tpu.memref_squeeze %dma_start3A_74 : memref<1x32x128xf32, #tpu.memory_space<vmem>> -> memref<32x128xf32, #tpu.memory_space<vmem>>
    %dma_start3A_76 = arith.constant 0 : i32
    %dma_start3A_77 = tpu.memref_slice %arg5[%dma_start3A_76, %multiple_of3A_70] : memref<32x1000000xf32, #tpu.memory_space<hbm>> -> memref<32x128xf32, #tpu.memory_space<hbm>>
    %dma_start3A_78 = arith.constant 0 : i32
    %dma_start3A_79 = arith.constant 0 : i32
    %dma_start3A_80 = tpu.memref_slice %arg11[%dma_start3A_71, %dma_start3A_78, %dma_start3A_79] : memref<8x32x128xf32, #tpu.memory_space<vmem>> -> memref<1x32x128xf32, #tpu.memory_space<vmem>>
    %dma_start3A_81 = tpu.memref_squeeze %dma_start3A_80 : memref<1x32x128xf32, #tpu.memory_space<vmem>> -> memref<32x128xf32, #tpu.memory_space<vmem>>
    %dma_start3A_82 = arith.constant 0 : i32
    %dma_start3A_83 = tpu.memref_slice %arg5[%dma_start3A_82, %multiple_of3A_70] : memref<32x1000000xf32, #tpu.memory_space<hbm>> -> memref<32x128xf32, #tpu.memory_space<hbm>>
    tpu.enqueue_dma source(%dma_start3A_83 : memref<32x128xf32, #tpu.memory_space<hbm>>) target(%dma_start3A_81 : memref<32x128xf32, #tpu.memory_space<vmem>>) target_semaphore(%arg17 : memref<!tpu.dma_semaphore, #tpu.memory_space<semaphore_mem>>)
    %slice3A_84 = vector.extract_strided_slice %get3A_6 {offsets = [2], sizes = [1], strides = [1]} : vector<16xi32> to vector<1xi32>
    %squeeze3A_85 = vector.extract %slice3A_84[0] : i32 from vector<1xi32>
    %shift_right_logical3A_86 = arith.constant 7 : i32
    %shift_right_logical3A_87 = arith.shrui %squeeze3A_85, %shift_right_logical3A_86 : i32
    %mul3A_88 = arith.constant 128 : i32
    %mul3A_89 = arith.muli %shift_right_logical3A_87, %mul3A_88 : i32
    %multiple_of3A_90 = tpu.assume_multiple %mul3A_89, 128 : i32
    %dma_start3A_91 = arith.constant 2 : i32
    %dma_start3A_92 = arith.constant 0 : i32
    %dma_start3A_93 = arith.constant 0 : i32
    %dma_start3A_94 = tpu.memref_slice %arg10[%dma_start3A_91, %dma_start3A_92, %dma_start3A_93] : memref<8x32x128xf32, #tpu.memory_space<vmem>> -> memref<1x32x128xf32, #tpu.memory_space<vmem>>
    %dma_start3A_95 = tpu.memref_squeeze %dma_start3A_94 : memref<1x32x128xf32, #tpu.memory_space<vmem>> -> memref<32x128xf32, #tpu.memory_space<vmem>>
    %dma_start3A_96 = arith.constant 0 : i32
    %dma_start3A_97 = tpu.memref_slice %arg4[%dma_start3A_96, %multiple_of3A_90] : memref<32x1000000xf32, #tpu.memory_space<hbm>> -> memref<32x128xf32, #tpu.memory_space<hbm>>
    %dma_start3A_98 = arith.constant 0 : i32
    %dma_start3A_99 = arith.constant 0 : i32
    %dma_start3A_100 = tpu.memref_slice %arg10[%dma_start3A_91, %dma_start3A_98, %dma_start3A_99] : memref<8x32x128xf32, #tpu.memory_space<vmem>> -> memref<1x32x128xf32, #tpu.memory_space<vmem>>
    %dma_start3A_101 = tpu.memref_squeeze %dma_start3A_100 : memref<1x32x128xf32, #tpu.memory_space<vmem>> -> memref<32x128xf32, #tpu.memory_space<vmem>>
    %dma_start3A_102 = arith.constant 0 : i32
    %dma_start3A_103 = tpu.memref_slice %arg4[%dma_start3A_102, %multiple_of3A_90] : memref<32x1000000xf32, #tpu.memory_space<hbm>> -> memref<32x128xf32, #tpu.memory_space<hbm>>
    tpu.enqueue_dma source(%dma_start3A_103 : memref<32x128xf32, #tpu.memory_space<hbm>>) target(%dma_start3A_101 : memref<32x128xf32, #tpu.memory_space<vmem>>) target_semaphore(%arg16 : memref<!tpu.dma_semaphore, #tpu.memory_space<semaphore_mem>>)
    %slice3A_104 = vector.extract_strided_slice %get3A_8 {offsets = [2], sizes = [1], strides = [1]} : vector<16xi32> to vector<1xi32>
    %squeeze3A_105 = vector.extract %slice3A_104[0] : i32 from vector<1xi32>
    %shift_right_logical3A_106 = arith.constant 7 : i32
    %shift_right_logical3A_107 = arith.shrui %squeeze3A_105, %shift_right_logical3A_106 : i32
    %mul3A_108 = arith.constant 128 : i32
    %mul3A_109 = arith.muli %shift_right_logical3A_107, %mul3A_108 : i32
    %multiple_of3A_110 = tpu.assume_multiple %mul3A_109, 128 : i32
    %dma_start3A_111 = arith.constant 2 : i32
    %dma_start3A_112 = arith.constant 0 : i32
    %dma_start3A_113 = arith.constant 0 : i32
    %dma_start3A_114 = tpu.memref_slice %arg11[%dma_start3A_111, %dma_start3A_112, %dma_start3A_113] : memref<8x32x128xf32, #tpu.memory_space<vmem>> -> memref<1x32x128xf32, #tpu.memory_space<vmem>>
    %dma_start3A_115 = tpu.memref_squeeze %dma_start3A_114 : memref<1x32x128xf32, #tpu.memory_space<vmem>> -> memref<32x128xf32, #tpu.memory_space<vmem>>
    %dma_start3A_116 = arith.constant 0 : i32
    %dma_start3A_117 = tpu.memref_slice %arg5[%dma_start3A_116, %multiple_of3A_110] : memref<32x1000000xf32, #tpu.memory_space<hbm>> -> memref<32x128xf32, #tpu.memory_space<hbm>>
    %dma_start3A_118 = arith.constant 0 : i32
    %dma_start3A_119 = arith.constant 0 : i32
    %dma_start3A_120 = tpu.memref_slice %arg11[%dma_start3A_111, %dma_start3A_118, %dma_start3A_119] : memref<8x32x128xf32, #tpu.memory_space<vmem>> -> memref<1x32x128xf32, #tpu.memory_space<vmem>>
    %dma_start3A_121 = tpu.memref_squeeze %dma_start3A_120 : memref<1x32x128xf32, #tpu.memory_space<vmem>> -> memref<32x128xf32, #tpu.memory_space<vmem>>
    %dma_start3A_122 = arith.constant 0 : i32
    %dma_start3A_123 = tpu.memref_slice %arg5[%dma_start3A_122, %multiple_of3A_110] : memref<32x1000000xf32, #tpu.memory_space<hbm>> -> memref<32x128xf32, #tpu.memory_space<hbm>>
    tpu.enqueue_dma source(%dma_start3A_123 : memref<32x128xf32, #tpu.memory_space<hbm>>) target(%dma_start3A_121 : memref<32x128xf32, #tpu.memory_space<vmem>>) target_semaphore(%arg17 : memref<!tpu.dma_semaphore, #tpu.memory_space<semaphore_mem>>)
    %slice3A_124 = vector.extract_strided_slice %get3A_6 {offsets = [3], sizes = [1], strides = [1]} : vector<16xi32> to vector<1xi32>
    %squeeze3A_125 = vector.extract %slice3A_124[0] : i32 from vector<1xi32>
    %shift_right_logical3A_126 = arith.constant 7 : i32
    %shift_right_logical3A_127 = arith.shrui %squeeze3A_125, %shift_right_logical3A_126 : i32
    %mul3A_128 = arith.constant 128 : i32
    %mul3A_129 = arith.muli %shift_right_logical3A_127, %mul3A_128 : i32
    %multiple_of3A_130 = tpu.assume_multiple %mul3A_129, 128 : i32
    %dma_start3A_131 = arith.constant 3 : i32
    %dma_start3A_132 = arith.constant 0 : i32
    %dma_start3A_133 = arith.constant 0 : i32
    %dma_start3A_134 = tpu.memref_slice %arg10[%dma_start3A_131, %dma_start3A_132, %dma_start3A_133] : memref<8x32x128xf32, #tpu.memory_space<vmem>> -> memref<1x32x128xf32, #tpu.memory_space<vmem>>
    %dma_start3A_135 = tpu.memref_squeeze %dma_start3A_134 : memref<1x32x128xf32, #tpu.memory_space<vmem>> -> memref<32x128xf32, #tpu.memory_space<vmem>>
    %dma_start3A_136 = arith.constant 0 : i32
    %dma_start3A_137 = tpu.memref_slice %arg4[%dma_start3A_136, %multiple_of3A_130] : memref<32x1000000xf32, #tpu.memory_space<hbm>> -> memref<32x128xf32, #tpu.memory_space<hbm>>
    %dma_start3A_138 = arith.constant 0 : i32
    %dma_start3A_139 = arith.constant 0 : i32
    %dma_start3A_140 = tpu.memref_slice %arg10[%dma_start3A_131, %dma_start3A_138, %dma_start3A_139] : memref<8x32x128xf32, #tpu.memory_space<vmem>> -> memref<1x32x128xf32, #tpu.memory_space<vmem>>
    %dma_start3A_141 = tpu.memref_squeeze %dma_start3A_140 : memref<1x32x128xf32, #tpu.memory_space<vmem>> -> memref<32x128xf32, #tpu.memory_space<vmem>>
    %dma_start3A_142 = arith.constant 0 : i32
    %dma_start3A_143 = tpu.memref_slice %arg4[%dma_start3A_142, %multiple_of3A_130] : memref<32x1000000xf32, #tpu.memory_space<hbm>> -> memref<32x128xf32, #tpu.memory_space<hbm>>
    tpu.enqueue_dma source(%dma_start3A_143 : memref<32x128xf32, #tpu.memory_space<hbm>>) target(%dma_start3A_141 : memref<32x128xf32, #tpu.memory_space<vmem>>) target_semaphore(%arg16 : memref<!tpu.dma_semaphore, #tpu.memory_space<semaphore_mem>>)
    %slice3A_144 = vector.extract_strided_slice %get3A_8 {offsets = [3], sizes = [1], strides = [1]} : vector<16xi32> to vector<1xi32>
    %squeeze3A_145 = vector.extract %slice3A_144[0] : i32 from vector<1xi32>
    %shift_right_logical3A_146 = arith.constant 7 : i32
    %shift_right_logical3A_147 = arith.shrui %squeeze3A_145, %shift_right_logical3A_146 : i32
    %mul3A_148 = arith.constant 128 : i32
    %mul3A_149 = arith.muli %shift_right_logical3A_147, %mul3A_148 : i32
    %multiple_of3A_150 = tpu.assume_multiple %mul3A_149, 128 : i32
    %dma_start3A_151 = arith.constant 3 : i32
    %dma_start3A_152 = arith.constant 0 : i32
    %dma_start3A_153 = arith.constant 0 : i32
    %dma_start3A_154 = tpu.memref_slice %arg11[%dma_start3A_151, %dma_start3A_152, %dma_start3A_153] : memref<8x32x128xf32, #tpu.memory_space<vmem>> -> memref<1x32x128xf32, #tpu.memory_space<vmem>>
    %dma_start3A_155 = tpu.memref_squeeze %dma_start3A_154 : memref<1x32x128xf32, #tpu.memory_space<vmem>> -> memref<32x128xf32, #tpu.memory_space<vmem>>
    %dma_start3A_156 = arith.constant 0 : i32
    %dma_start3A_157 = tpu.memref_slice %arg5[%dma_start3A_156, %multiple_of3A_150] : memref<32x1000000xf32, #tpu.memory_space<hbm>> -> memref<32x128xf32, #tpu.memory_space<hbm>>
    %dma_start3A_158 = arith.constant 0 : i32
    %dma_start3A_159 = arith.constant 0 : i32
    %dma_start3A_160 = tpu.memref_slice %arg11[%dma_start3A_151, %dma_start3A_158, %dma_start3A_159] : memref<8x32x128xf32, #tpu.memory_space<vmem>> -> memref<1x32x128xf32, #tpu.memory_space<vmem>>
    %dma_start3A_161 = tpu.memref_squeeze %dma_start3A_160 : memref<1x32x128xf32, #tpu.memory_space<vmem>> -> memref<32x128xf32, #tpu.memory_space<vmem>>
    %dma_start3A_162 = arith.constant 0 : i32
    %dma_start3A_163 = tpu.memref_slice %arg5[%dma_start3A_162, %multiple_of3A_150] : memref<32x1000000xf32, #tpu.memory_space<hbm>> -> memref<32x128xf32, #tpu.memory_space<hbm>>
    tpu.enqueue_dma source(%dma_start3A_163 : memref<32x128xf32, #tpu.memory_space<hbm>>) target(%dma_start3A_161 : memref<32x128xf32, #tpu.memory_space<vmem>>) target_semaphore(%arg17 : memref<!tpu.dma_semaphore, #tpu.memory_space<semaphore_mem>>)
    %slice3A_164 = vector.extract_strided_slice %get3A_6 {offsets = [4], sizes = [1], strides = [1]} : vector<16xi32> to vector<1xi32>
    %squeeze3A_165 = vector.extract %slice3A_164[0] : i32 from vector<1xi32>
    %shift_right_logical3A_166 = arith.constant 7 : i32
    %shift_right_logical3A_167 = arith.shrui %squeeze3A_165, %shift_right_logical3A_166 : i32
    %mul3A_168 = arith.constant 128 : i32
    %mul3A_169 = arith.muli %shift_right_logical3A_167, %mul3A_168 : i32
    %multiple_of3A_170 = tpu.assume_multiple %mul3A_169, 128 : i32
    %dma_start3A_171 = arith.constant 4 : i32
    %dma_start3A_172 = arith.constant 0 : i32
    %dma_start3A_173 = arith.constant 0 : i32
    %dma_start3A_174 = tpu.memref_slice %arg10[%dma_start3A_171, %dma_start3A_172, %dma_start3A_173] : memref<8x32x128xf32, #tpu.memory_space<vmem>> -> memref<1x32x128xf32, #tpu.memory_space<vmem>>
    %dma_start3A_175 = tpu.memref_squeeze %dma_start3A_174 : memref<1x32x128xf32, #tpu.memory_space<vmem>> -> memref<32x128xf32, #tpu.memory_space<vmem>>
    %dma_start3A_176 = arith.constant 0 : i32
    %dma_start3A_177 = tpu.memref_slice %arg4[%dma_start3A_176, %multiple_of3A_170] : memref<32x1000000xf32, #tpu.memory_space<hbm>> -> memref<32x128xf32, #tpu.memory_space<hbm>>
    %dma_start3A_178 = arith.constant 0 : i32
    %dma_start3A_179 = arith.constant 0 : i32
    %dma_start3A_180 = tpu.memref_slice %arg10[%dma_start3A_171, %dma_start3A_178, %dma_start3A_179] : memref<8x32x128xf32, #tpu.memory_space<vmem>> -> memref<1x32x128xf32, #tpu.memory_space<vmem>>
    %dma_start3A_181 = tpu.memref_squeeze %dma_start3A_180 : memref<1x32x128xf32, #tpu.memory_space<vmem>> -> memref<32x128xf32, #tpu.memory_space<vmem>>
    %dma_start3A_182 = arith.constant 0 : i32
    %dma_start3A_183 = tpu.memref_slice %arg4[%dma_start3A_182, %multiple_of3A_170] : memref<32x1000000xf32, #tpu.memory_space<hbm>> -> memref<32x128xf32, #tpu.memory_space<hbm>>
    tpu.enqueue_dma source(%dma_start3A_183 : memref<32x128xf32, #tpu.memory_space<hbm>>) target(%dma_start3A_181 : memref<32x128xf32, #tpu.memory_space<vmem>>) target_semaphore(%arg16 : memref<!tpu.dma_semaphore, #tpu.memory_space<semaphore_mem>>)
    %slice3A_184 = vector.extract_strided_slice %get3A_8 {offsets = [4], sizes = [1], strides = [1]} : vector<16xi32> to vector<1xi32>
    %squeeze3A_185 = vector.extract %slice3A_184[0] : i32 from vector<1xi32>
    %shift_right_logical3A_186 = arith.constant 7 : i32
    %shift_right_logical3A_187 = arith.shrui %squeeze3A_185, %shift_right_logical3A_186 : i32
    %mul3A_188 = arith.constant 128 : i32
    %mul3A_189 = arith.muli %shift_right_logical3A_187, %mul3A_188 : i32
    %multiple_of3A_190 = tpu.assume_multiple %mul3A_189, 128 : i32
    %dma_start3A_191 = arith.constant 4 : i32
    %dma_start3A_192 = arith.constant 0 : i32
    %dma_start3A_193 = arith.constant 0 : i32
    %dma_start3A_194 = tpu.memref_slice %arg11[%dma_start3A_191, %dma_start3A_192, %dma_start3A_193] : memref<8x32x128xf32, #tpu.memory_space<vmem>> -> memref<1x32x128xf32, #tpu.memory_space<vmem>>
    %dma_start3A_195 = tpu.memref_squeeze %dma_start3A_194 : memref<1x32x128xf32, #tpu.memory_space<vmem>> -> memref<32x128xf32, #tpu.memory_space<vmem>>
    %dma_start3A_196 = arith.constant 0 : i32
    %dma_start3A_197 = tpu.memref_slice %arg5[%dma_start3A_196, %multiple_of3A_190] : memref<32x1000000xf32, #tpu.memory_space<hbm>> -> memref<32x128xf32, #tpu.memory_space<hbm>>
    %dma_start3A_198 = arith.constant 0 : i32
    %dma_start3A_199 = arith.constant 0 : i32
    %dma_start3A_200 = tpu.memref_slice %arg11[%dma_start3A_191, %dma_start3A_198, %dma_start3A_199] : memref<8x32x128xf32, #tpu.memory_space<vmem>> -> memref<1x32x128xf32, #tpu.memory_space<vmem>>
    %dma_start3A_201 = tpu.memref_squeeze %dma_start3A_200 : memref<1x32x128xf32, #tpu.memory_space<vmem>> -> memref<32x128xf32, #tpu.memory_space<vmem>>
    %dma_start3A_202 = arith.constant 0 : i32
    %dma_start3A_203 = tpu.memref_slice %arg5[%dma_start3A_202, %multiple_of3A_190] : memref<32x1000000xf32, #tpu.memory_space<hbm>> -> memref<32x128xf32, #tpu.memory_space<hbm>>
    tpu.enqueue_dma source(%dma_start3A_203 : memref<32x128xf32, #tpu.memory_space<hbm>>) target(%dma_start3A_201 : memref<32x128xf32, #tpu.memory_space<vmem>>) target_semaphore(%arg17 : memref<!tpu.dma_semaphore, #tpu.memory_space<semaphore_mem>>)
    %slice3A_204 = vector.extract_strided_slice %get3A_6 {offsets = [5], sizes = [1], strides = [1]} : vector<16xi32> to vector<1xi32>
    %squeeze3A_205 = vector.extract %slice3A_204[0] : i32 from vector<1xi32>
    %shift_right_logical3A_206 = arith.constant 7 : i32
    %shift_right_logical3A_207 = arith.shrui %squeeze3A_205, %shift_right_logical3A_206 : i32
    %mul3A_208 = arith.constant 128 : i32
    %mul3A_209 = arith.muli %shift_right_logical3A_207, %mul3A_208 : i32
    %multiple_of3A_210 = tpu.assume_multiple %mul3A_209, 128 : i32
    %dma_start3A_211 = arith.constant 5 : i32
    %dma_start3A_212 = arith.constant 0 : i32
    %dma_start3A_213 = arith.constant 0 : i32
    %dma_start3A_214 = tpu.memref_slice %arg10[%dma_start3A_211, %dma_start3A_212, %dma_start3A_213] : memref<8x32x128xf32, #tpu.memory_space<vmem>> -> memref<1x32x128xf32, #tpu.memory_space<vmem>>
    %dma_start3A_215 = tpu.memref_squeeze %dma_start3A_214 : memref<1x32x128xf32, #tpu.memory_space<vmem>> -> memref<32x128xf32, #tpu.memory_space<vmem>>
    %dma_start3A_216 = arith.constant 0 : i32
    %dma_start3A_217 = tpu.memref_slice %arg4[%dma_start3A_216, %multiple_of3A_210] : memref<32x1000000xf32, #tpu.memory_space<hbm>> -> memref<32x128xf32, #tpu.memory_space<hbm>>
    %dma_start3A_218 = arith.constant 0 : i32
    %dma_start3A_219 = arith.constant 0 : i32
    %dma_start3A_220 = tpu.memref_slice %arg10[%dma_start3A_211, %dma_start3A_218, %dma_start3A_219] : memref<8x32x128xf32, #tpu.memory_space<vmem>> -> memref<1x32x128xf32, #tpu.memory_space<vmem>>
    %dma_start3A_221 = tpu.memref_squeeze %dma_start3A_220 : memref<1x32x128xf32, #tpu.memory_space<vmem>> -> memref<32x128xf32, #tpu.memory_space<vmem>>
    %dma_start3A_222 = arith.constant 0 : i32
    %dma_start3A_223 = tpu.memref_slice %arg4[%dma_start3A_222, %multiple_of3A_210] : memref<32x1000000xf32, #tpu.memory_space<hbm>> -> memref<32x128xf32, #tpu.memory_space<hbm>>
    tpu.enqueue_dma source(%dma_start3A_223 : memref<32x128xf32, #tpu.memory_space<hbm>>) target(%dma_start3A_221 : memref<32x128xf32, #tpu.memory_space<vmem>>) target_semaphore(%arg16 : memref<!tpu.dma_semaphore, #tpu.memory_space<semaphore_mem>>)
    %slice3A_224 = vector.extract_strided_slice %get3A_8 {offsets = [5], sizes = [1], strides = [1]} : vector<16xi32> to vector<1xi32>
    %squeeze3A_225 = vector.extract %slice3A_224[0] : i32 from vector<1xi32>
    %shift_right_logical3A_226 = arith.constant 7 : i32
    %shift_right_logical3A_227 = arith.shrui %squeeze3A_225, %shift_right_logical3A_226 : i32
    %mul3A_228 = arith.constant 128 : i32
    %mul3A_229 = arith.muli %shift_right_logical3A_227, %mul3A_228 : i32
    %multiple_of3A_230 = tpu.assume_multiple %mul3A_229, 128 : i32
    %dma_start3A_231 = arith.constant 5 : i32
    %dma_start3A_232 = arith.constant 0 : i32
    %dma_start3A_233 = arith.constant 0 : i32
    %dma_start3A_234 = tpu.memref_slice %arg11[%dma_start3A_231, %dma_start3A_232, %dma_start3A_233] : memref<8x32x128xf32, #tpu.memory_space<vmem>> -> memref<1x32x128xf32, #tpu.memory_space<vmem>>
    %dma_start3A_235 = tpu.memref_squeeze %dma_start3A_234 : memref<1x32x128xf32, #tpu.memory_space<vmem>> -> memref<32x128xf32, #tpu.memory_space<vmem>>
    %dma_start3A_236 = arith.constant 0 : i32
    %dma_start3A_237 = tpu.memref_slice %arg5[%dma_start3A_236, %multiple_of3A_230] : memref<32x1000000xf32, #tpu.memory_space<hbm>> -> memref<32x128xf32, #tpu.memory_space<hbm>>
    %dma_start3A_238 = arith.constant 0 : i32
    %dma_start3A_239 = arith.constant 0 : i32
    %dma_start3A_240 = tpu.memref_slice %arg11[%dma_start3A_231, %dma_start3A_238, %dma_start3A_239] : memref<8x32x128xf32, #tpu.memory_space<vmem>> -> memref<1x32x128xf32, #tpu.memory_space<vmem>>
    %dma_start3A_241 = tpu.memref_squeeze %dma_start3A_240 : memref<1x32x128xf32, #tpu.memory_space<vmem>> -> memref<32x128xf32, #tpu.memory_space<vmem>>
    %dma_start3A_242 = arith.constant 0 : i32
    %dma_start3A_243 = tpu.memref_slice %arg5[%dma_start3A_242, %multiple_of3A_230] : memref<32x1000000xf32, #tpu.memory_space<hbm>> -> memref<32x128xf32, #tpu.memory_space<hbm>>
    tpu.enqueue_dma source(%dma_start3A_243 : memref<32x128xf32, #tpu.memory_space<hbm>>) target(%dma_start3A_241 : memref<32x128xf32, #tpu.memory_space<vmem>>) target_semaphore(%arg17 : memref<!tpu.dma_semaphore, #tpu.memory_space<semaphore_mem>>)
    %slice3A_244 = vector.extract_strided_slice %get3A_6 {offsets = [6], sizes = [1], strides = [1]} : vector<16xi32> to vector<1xi32>
    %squeeze3A_245 = vector.extract %slice3A_244[0] : i32 from vector<1xi32>
    %shift_right_logical3A_246 = arith.constant 7 : i32
    %shift_right_logical3A_247 = arith.shrui %squeeze3A_245, %shift_right_logical3A_246 : i32
    %mul3A_248 = arith.constant 128 : i32
    %mul3A_249 = arith.muli %shift_right_logical3A_247, %mul3A_248 : i32
    %multiple_of3A_250 = tpu.assume_multiple %mul3A_249, 128 : i32
    %dma_start3A_251 = arith.constant 6 : i32
    %dma_start3A_252 = arith.constant 0 : i32
    %dma_start3A_253 = arith.constant 0 : i32
    %dma_start3A_254 = tpu.memref_slice %arg10[%dma_start3A_251, %dma_start3A_252, %dma_start3A_253] : memref<8x32x128xf32, #tpu.memory_space<vmem>> -> memref<1x32x128xf32, #tpu.memory_space<vmem>>
    %dma_start3A_255 = tpu.memref_squeeze %dma_start3A_254 : memref<1x32x128xf32, #tpu.memory_space<vmem>> -> memref<32x128xf32, #tpu.memory_space<vmem>>
    %dma_start3A_256 = arith.constant 0 : i32
    %dma_start3A_257 = tpu.memref_slice %arg4[%dma_start3A_256, %multiple_of3A_250] : memref<32x1000000xf32, #tpu.memory_space<hbm>> -> memref<32x128xf32, #tpu.memory_space<hbm>>
    %dma_start3A_258 = arith.constant 0 : i32
    %dma_start3A_259 = arith.constant 0 : i32
    %dma_start3A_260 = tpu.memref_slice %arg10[%dma_start3A_251, %dma_start3A_258, %dma_start3A_259] : memref<8x32x128xf32, #tpu.memory_space<vmem>> -> memref<1x32x128xf32, #tpu.memory_space<vmem>>
    %dma_start3A_261 = tpu.memref_squeeze %dma_start3A_260 : memref<1x32x128xf32, #tpu.memory_space<vmem>> -> memref<32x128xf32, #tpu.memory_space<vmem>>
    %dma_start3A_262 = arith.constant 0 : i32
    %dma_start3A_263 = tpu.memref_slice %arg4[%dma_start3A_262, %multiple_of3A_250] : memref<32x1000000xf32, #tpu.memory_space<hbm>> -> memref<32x128xf32, #tpu.memory_space<hbm>>
    tpu.enqueue_dma source(%dma_start3A_263 : memref<32x128xf32, #tpu.memory_space<hbm>>) target(%dma_start3A_261 : memref<32x128xf32, #tpu.memory_space<vmem>>) target_semaphore(%arg16 : memref<!tpu.dma_semaphore, #tpu.memory_space<semaphore_mem>>)
    %slice3A_264 = vector.extract_strided_slice %get3A_8 {offsets = [6], sizes = [1], strides = [1]} : vector<16xi32> to vector<1xi32>
    %squeeze3A_265 = vector.extract %slice3A_264[0] : i32 from vector<1xi32>
    %shift_right_logical3A_266 = arith.constant 7 : i32
    %shift_right_logical3A_267 = arith.shrui %squeeze3A_265, %shift_right_logical3A_266 : i32
    %mul3A_268 = arith.constant 128 : i32
    %mul3A_269 = arith.muli %shift_right_logical3A_267, %mul3A_268 : i32
    %multiple_of3A_270 = tpu.assume_multiple %mul3A_269, 128 : i32
    %dma_start3A_271 = arith.constant 6 : i32
    %dma_start3A_272 = arith.constant 0 : i32
    %dma_start3A_273 = arith.constant 0 : i32
    %dma_start3A_274 = tpu.memref_slice %arg11[%dma_start3A_271, %dma_start3A_272, %dma_start3A_273] : memref<8x32x128xf32, #tpu.memory_space<vmem>> -> memref<1x32x128xf32, #tpu.memory_space<vmem>>
    %dma_start3A_275 = tpu.memref_squeeze %dma_start3A_274 : memref<1x32x128xf32, #tpu.memory_space<vmem>> -> memref<32x128xf32, #tpu.memory_space<vmem>>
    %dma_start3A_276 = arith.constant 0 : i32
    %dma_start3A_277 = tpu.memref_slice %arg5[%dma_start3A_276, %multiple_of3A_270] : memref<32x1000000xf32, #tpu.memory_space<hbm>> -> memref<32x128xf32, #tpu.memory_space<hbm>>
    %dma_start3A_278 = arith.constant 0 : i32
    %dma_start3A_279 = arith.constant 0 : i32
    %dma_start3A_280 = tpu.memref_slice %arg11[%dma_start3A_271, %dma_start3A_278, %dma_start3A_279] : memref<8x32x128xf32, #tpu.memory_space<vmem>> -> memref<1x32x128xf32, #tpu.memory_space<vmem>>
    %dma_start3A_281 = tpu.memref_squeeze %dma_start3A_280 : memref<1x32x128xf32, #tpu.memory_space<vmem>> -> memref<32x128xf32, #tpu.memory_space<vmem>>
    %dma_start3A_282 = arith.constant 0 : i32
    %dma_start3A_283 = tpu.memref_slice %arg5[%dma_start3A_282, %multiple_of3A_270] : memref<32x1000000xf32, #tpu.memory_space<hbm>> -> memref<32x128xf32, #tpu.memory_space<hbm>>
    tpu.enqueue_dma source(%dma_start3A_283 : memref<32x128xf32, #tpu.memory_space<hbm>>) target(%dma_start3A_281 : memref<32x128xf32, #tpu.memory_space<vmem>>) target_semaphore(%arg17 : memref<!tpu.dma_semaphore, #tpu.memory_space<semaphore_mem>>)
    %slice3A_284 = vector.extract_strided_slice %get3A_6 {offsets = [7], sizes = [1], strides = [1]} : vector<16xi32> to vector<1xi32>
    %squeeze3A_285 = vector.extract %slice3A_284[0] : i32 from vector<1xi32>
    %shift_right_logical3A_286 = arith.constant 7 : i32
    %shift_right_logical3A_287 = arith.shrui %squeeze3A_285, %shift_right_logical3A_286 : i32
    %mul3A_288 = arith.constant 128 : i32
    %mul3A_289 = arith.muli %shift_right_logical3A_287, %mul3A_288 : i32
    %multiple_of3A_290 = tpu.assume_multiple %mul3A_289, 128 : i32
    %dma_start3A_291 = arith.constant 7 : i32
    %dma_start3A_292 = arith.constant 0 : i32
    %dma_start3A_293 = arith.constant 0 : i32
    %dma_start3A_294 = tpu.memref_slice %arg10[%dma_start3A_291, %dma_start3A_292, %dma_start3A_293] : memref<8x32x128xf32, #tpu.memory_space<vmem>> -> memref<1x32x128xf32, #tpu.memory_space<vmem>>
    %dma_start3A_295 = tpu.memref_squeeze %dma_start3A_294 : memref<1x32x128xf32, #tpu.memory_space<vmem>> -> memref<32x128xf32, #tpu.memory_space<vmem>>
    %dma_start3A_296 = arith.constant 0 : i32
    %dma_start3A_297 = tpu.memref_slice %arg4[%dma_start3A_296, %multiple_of3A_290] : memref<32x1000000xf32, #tpu.memory_space<hbm>> -> memref<32x128xf32, #tpu.memory_space<hbm>>
    %dma_start3A_298 = arith.constant 0 : i32
    %dma_start3A_299 = arith.constant 0 : i32
    %dma_start3A_300 = tpu.memref_slice %arg10[%dma_start3A_291, %dma_start3A_298, %dma_start3A_299] : memref<8x32x128xf32, #tpu.memory_space<vmem>> -> memref<1x32x128xf32, #tpu.memory_space<vmem>>
    %dma_start3A_301 = tpu.memref_squeeze %dma_start3A_300 : memref<1x32x128xf32, #tpu.memory_space<vmem>> -> memref<32x128xf32, #tpu.memory_space<vmem>>
    %dma_start3A_302 = arith.constant 0 : i32
    %dma_start3A_303 = tpu.memref_slice %arg4[%dma_start3A_302, %multiple_of3A_290] : memref<32x1000000xf32, #tpu.memory_space<hbm>> -> memref<32x128xf32, #tpu.memory_space<hbm>>
    tpu.enqueue_dma source(%dma_start3A_303 : memref<32x128xf32, #tpu.memory_space<hbm>>) target(%dma_start3A_301 : memref<32x128xf32, #tpu.memory_space<vmem>>) target_semaphore(%arg16 : memref<!tpu.dma_semaphore, #tpu.memory_space<semaphore_mem>>)
    %slice3A_304 = vector.extract_strided_slice %get3A_8 {offsets = [7], sizes = [1], strides = [1]} : vector<16xi32> to vector<1xi32>
    %squeeze3A_305 = vector.extract %slice3A_304[0] : i32 from vector<1xi32>
    %shift_right_logical3A_306 = arith.constant 7 : i32
    %shift_right_logical3A_307 = arith.shrui %squeeze3A_305, %shift_right_logical3A_306 : i32
    %mul3A_308 = arith.constant 128 : i32
    %mul3A_309 = arith.muli %shift_right_logical3A_307, %mul3A_308 : i32
    %multiple_of3A_310 = tpu.assume_multiple %mul3A_309, 128 : i32
    %dma_start3A_311 = arith.constant 7 : i32
    %dma_start3A_312 = arith.constant 0 : i32
    %dma_start3A_313 = arith.constant 0 : i32
    %dma_start3A_314 = tpu.memref_slice %arg11[%dma_start3A_311, %dma_start3A_312, %dma_start3A_313] : memref<8x32x128xf32, #tpu.memory_space<vmem>> -> memref<1x32x128xf32, #tpu.memory_space<vmem>>
    %dma_start3A_315 = tpu.memref_squeeze %dma_start3A_314 : memref<1x32x128xf32, #tpu.memory_space<vmem>> -> memref<32x128xf32, #tpu.memory_space<vmem>>
    %dma_start3A_316 = arith.constant 0 : i32
    %dma_start3A_317 = tpu.memref_slice %arg5[%dma_start3A_316, %multiple_of3A_310] : memref<32x1000000xf32, #tpu.memory_space<hbm>> -> memref<32x128xf32, #tpu.memory_space<hbm>>
    %dma_start3A_318 = arith.constant 0 : i32
    %dma_start3A_319 = arith.constant 0 : i32
    %dma_start3A_320 = tpu.memref_slice %arg11[%dma_start3A_311, %dma_start3A_318, %dma_start3A_319] : memref<8x32x128xf32, #tpu.memory_space<vmem>> -> memref<1x32x128xf32, #tpu.memory_space<vmem>>
    %dma_start3A_321 = tpu.memref_squeeze %dma_start3A_320 : memref<1x32x128xf32, #tpu.memory_space<vmem>> -> memref<32x128xf32, #tpu.memory_space<vmem>>
    %dma_start3A_322 = arith.constant 0 : i32
    %dma_start3A_323 = tpu.memref_slice %arg5[%dma_start3A_322, %multiple_of3A_310] : memref<32x1000000xf32, #tpu.memory_space<hbm>> -> memref<32x128xf32, #tpu.memory_space<hbm>>
    tpu.enqueue_dma source(%dma_start3A_323 : memref<32x128xf32, #tpu.memory_space<hbm>>) target(%dma_start3A_321 : memref<32x128xf32, #tpu.memory_space<vmem>>) target_semaphore(%arg17 : memref<!tpu.dma_semaphore, #tpu.memory_space<semaphore_mem>>)
    %iota3A_324 = tpu.iota {dimensions = array<i32: 0>} : vector<16xi32>
    %get3A_325 = arith.constant 0 : i32
    %get3A_326 = arith.index_cast %get3A_325 : i32 to index
    %get3A_327 = arith.constant 0 : index
    %get3A_328 = tpu.vector_load %arg14[%get3A_326, %get3A_327] {strides = array<i32>} : memref<33x16xf32, #tpu.memory_space<vmem>>, vector<16xf32>,
    %get3A_329 = arith.constant 1 : i32
    %get3A_330 = arith.index_cast %get3A_329 : i32 to index
    %get3A_331 = arith.constant 0 : index
    %get3A_332 = tpu.vector_load %arg14[%get3A_330, %get3A_331] {strides = array<i32>} : memref<33x16xf32, #tpu.memory_space<vmem>>, vector<16xf32>,
    %get3A_333 = arith.constant 2 : i32
    %get3A_334 = arith.index_cast %get3A_333 : i32 to index
    %get3A_335 = arith.constant 0 : index
    %get3A_336 = tpu.vector_load %arg14[%get3A_334, %get3A_335] {strides = array<i32>} : memref<33x16xf32, #tpu.memory_space<vmem>>, vector<16xf32>,
    %get3A_337 = arith.constant 3 : i32
    %get3A_338 = arith.index_cast %get3A_337 : i32 to index
    %get3A_339 = arith.constant 0 : index
    %get3A_340 = tpu.vector_load %arg14[%get3A_338, %get3A_339] {strides = array<i32>} : memref<33x16xf32, #tpu.memory_space<vmem>>, vector<16xf32>,
    %get3A_341 = arith.constant 4 : i32
    %get3A_342 = arith.index_cast %get3A_341 : i32 to index
    %get3A_343 = arith.constant 0 : index
    %get3A_344 = tpu.vector_load %arg14[%get3A_342, %get3A_343] {strides = array<i32>} : memref<33x16xf32, #tpu.memory_space<vmem>>, vector<16xf32>,
    %get3A_345 = arith.constant 5 : i32
    %get3A_346 = arith.index_cast %get3A_345 : i32 to index
    %get3A_347 = arith.constant 0 : index
    %get3A_348 = tpu.vector_load %arg14[%get3A_346, %get3A_347] {strides = array<i32>} : memref<33x16xf32, #tpu.memory_space<vmem>>, vector<16xf32>,
    %get3A_349 = arith.constant 6 : i32
    %get3A_350 = arith.index_cast %get3A_349 : i32 to index
    %get3A_351 = arith.constant 0 : index
    %get3A_352 = tpu.vector_load %arg14[%get3A_350, %get3A_351] {strides = array<i32>} : memref<33x16xf32, #tpu.memory_space<vmem>>, vector<16xf32>,
    %get3A_353 = arith.constant 7 : i32
    %get3A_354 = arith.index_cast %get3A_353 : i32 to index
    %get3A_355 = arith.constant 0 : index
    %get3A_356 = tpu.vector_load %arg14[%get3A_354, %get3A_355] {strides = array<i32>} : memref<33x16xf32, #tpu.memory_space<vmem>>, vector<16xf32>,
    %get3A_357 = arith.constant 8 : i32
    %get3A_358 = arith.index_cast %get3A_357 : i32 to index
    %get3A_359 = arith.constant 0 : index
    %get3A_360 = tpu.vector_load %arg14[%get3A_358, %get3A_359] {strides = array<i32>} : memref<33x16xf32, #tpu.memory_space<vmem>>, vector<16xf32>,
    %get3A_361 = arith.constant 9 : i32
    %get3A_362 = arith.index_cast %get3A_361 : i32 to index
    %get3A_363 = arith.constant 0 : index
    %get3A_364 = tpu.vector_load %arg14[%get3A_362, %get3A_363] {strides = array<i32>} : memref<33x16xf32, #tpu.memory_space<vmem>>, vector<16xf32>,
    %get3A_365 = arith.constant 10 : i32
    %get3A_366 = arith.index_cast %get3A_365 : i32 to index
    %get3A_367 = arith.constant 0 : index
    %get3A_368 = tpu.vector_load %arg14[%get3A_366, %get3A_367] {strides = array<i32>} : memref<33x16xf32, #tpu.memory_space<vmem>>, vector<16xf32>,
    %get3A_369 = arith.constant 11 : i32
    %get3A_370 = arith.index_cast %get3A_369 : i32 to index
    %get3A_371 = arith.constant 0 : index
    %get3A_372 = tpu.vector_load %arg14[%get3A_370, %get3A_371] {strides = array<i32>} : memref<33x16xf32, #tpu.memory_space<vmem>>, vector<16xf32>,
    %get3A_373 = arith.constant 12 : i32
    %get3A_374 = arith.index_cast %get3A_373 : i32 to index
    %get3A_375 = arith.constant 0 : index
    %get3A_376 = tpu.vector_load %arg14[%get3A_374, %get3A_375] {strides = array<i32>} : memref<33x16xf32, #tpu.memory_space<vmem>>, vector<16xf32>,
    %get3A_377 = arith.constant 13 : i32
    %get3A_378 = arith.index_cast %get3A_377 : i32 to index
    %get3A_379 = arith.constant 0 : index
    %get3A_380 = tpu.vector_load %arg14[%get3A_378, %get3A_379] {strides = array<i32>} : memref<33x16xf32, #tpu.memory_space<vmem>>, vector<16xf32>,
    %get3A_381 = arith.constant 14 : i32
    %get3A_382 = arith.index_cast %get3A_381 : i32 to index
    %get3A_383 = arith.constant 0 : index
    %get3A_384 = tpu.vector_load %arg14[%get3A_382, %get3A_383] {strides = array<i32>} : memref<33x16xf32, #tpu.memory_space<vmem>>, vector<16xf32>,
    %get3A_385 = arith.constant 15 : i32
    %get3A_386 = arith.index_cast %get3A_385 : i32 to index
    %get3A_387 = arith.constant 0 : index
    %get3A_388 = tpu.vector_load %arg14[%get3A_386, %get3A_387] {strides = array<i32>} : memref<33x16xf32, #tpu.memory_space<vmem>>, vector<16xf32>,
    %get3A_389 = arith.constant 16 : i32
    %get3A_390 = arith.index_cast %get3A_389 : i32 to index
    %get3A_391 = arith.constant 0 : index
    %get3A_392 = tpu.vector_load %arg14[%get3A_390, %get3A_391] {strides = array<i32>} : memref<33x16xf32, #tpu.memory_space<vmem>>, vector<16xf32>,
    %get3A_393 = arith.constant 17 : i32
    %get3A_394 = arith.index_cast %get3A_393 : i32 to index
    %get3A_395 = arith.constant 0 : index
    %get3A_396 = tpu.vector_load %arg14[%get3A_394, %get3A_395] {strides = array<i32>} : memref<33x16xf32, #tpu.memory_space<vmem>>, vector<16xf32>,
    %get3A_397 = arith.constant 18 : i32
    %get3A_398 = arith.index_cast %get3A_397 : i32 to index
    %get3A_399 = arith.constant 0 : index
    %get3A_400 = tpu.vector_load %arg14[%get3A_398, %get3A_399] {strides = array<i32>} : memref<33x16xf32, #tpu.memory_space<vmem>>, vector<16xf32>,
    %get3A_401 = arith.constant 19 : i32
    %get3A_402 = arith.index_cast %get3A_401 : i32 to index
    %get3A_403 = arith.constant 0 : index
    %get3A_404 = tpu.vector_load %arg14[%get3A_402, %get3A_403] {strides = array<i32>} : memref<33x16xf32, #tpu.memory_space<vmem>>, vector<16xf32>,
    %get3A_405 = arith.constant 20 : i32
    %get3A_406 = arith.index_cast %get3A_405 : i32 to index
    %get3A_407 = arith.constant 0 : index
    %get3A_408 = tpu.vector_load %arg14[%get3A_406, %get3A_407] {strides = array<i32>} : memref<33x16xf32, #tpu.memory_space<vmem>>, vector<16xf32>,
    %get3A_409 = arith.constant 21 : i32
    %get3A_410 = arith.index_cast %get3A_409 : i32 to index
    %get3A_411 = arith.constant 0 : index
    %get3A_412 = tpu.vector_load %arg14[%get3A_410, %get3A_411] {strides = array<i32>} : memref<33x16xf32, #tpu.memory_space<vmem>>, vector<16xf32>,
    %get3A_413 = arith.constant 22 : i32
    %get3A_414 = arith.index_cast %get3A_413 : i32 to index
    %get3A_415 = arith.constant 0 : index
    %get3A_416 = tpu.vector_load %arg14[%get3A_414, %get3A_415] {strides = array<i32>} : memref<33x16xf32, #tpu.memory_space<vmem>>, vector<16xf32>,
    %get3A_417 = arith.constant 23 : i32
    %get3A_418 = arith.index_cast %get3A_417 : i32 to index
    %get3A_419 = arith.constant 0 : index
    %get3A_420 = tpu.vector_load %arg14[%get3A_418, %get3A_419] {strides = array<i32>} : memref<33x16xf32, #tpu.memory_space<vmem>>, vector<16xf32>,
    %get3A_421 = arith.constant 24 : i32
    %get3A_422 = arith.index_cast %get3A_421 : i32 to index
    %get3A_423 = arith.constant 0 : index
    %get3A_424 = tpu.vector_load %arg14[%get3A_422, %get3A_423] {strides = array<i32>} : memref<33x16xf32, #tpu.memory_space<vmem>>, vector<16xf32>,
    %get3A_425 = arith.constant 25 : i32
    %get3A_426 = arith.index_cast %get3A_425 : i32 to index
    %get3A_427 = arith.constant 0 : index
    %get3A_428 = tpu.vector_load %arg14[%get3A_426, %get3A_427] {strides = array<i32>} : memref<33x16xf32, #tpu.memory_space<vmem>>, vector<16xf32>,
    %get3A_429 = arith.constant 26 : i32
    %get3A_430 = arith.index_cast %get3A_429 : i32 to index
    %get3A_431 = arith.constant 0 : index
    %get3A_432 = tpu.vector_load %arg14[%get3A_430, %get3A_431] {strides = array<i32>} : memref<33x16xf32, #tpu.memory_space<vmem>>, vector<16xf32>,
    %get3A_433 = arith.constant 27 : i32
    %get3A_434 = arith.index_cast %get3A_433 : i32 to index
    %get3A_435 = arith.constant 0 : index
    %get3A_436 = tpu.vector_load %arg14[%get3A_434, %get3A_435] {strides = array<i32>} : memref<33x16xf32, #tpu.memory_space<vmem>>, vector<16xf32>,
    %get3A_437 = arith.constant 28 : i32
    %get3A_438 = arith.index_cast %get3A_437 : i32 to index
    %get3A_439 = arith.constant 0 : index
    %get3A_440 = tpu.vector_load %arg14[%get3A_438, %get3A_439] {strides = array<i32>} : memref<33x16xf32, #tpu.memory_space<vmem>>, vector<16xf32>,
    %get3A_441 = arith.constant 29 : i32
    %get3A_442 = arith.index_cast %get3A_441 : i32 to index
    %get3A_443 = arith.constant 0 : index
    %get3A_444 = tpu.vector_load %arg14[%get3A_442, %get3A_443] {strides = array<i32>} : memref<33x16xf32, #tpu.memory_space<vmem>>, vector<16xf32>,
    %get3A_445 = arith.constant 30 : i32
    %get3A_446 = arith.index_cast %get3A_445 : i32 to index
    %get3A_447 = arith.constant 0 : index
    %get3A_448 = tpu.vector_load %arg14[%get3A_446, %get3A_447] {strides = array<i32>} : memref<33x16xf32, #tpu.memory_space<vmem>>, vector<16xf32>,
    %get3A_449 = arith.constant 31 : i32
    %get3A_450 = arith.index_cast %get3A_449 : i32 to index
    %get3A_451 = arith.constant 0 : index
    %get3A_452 = tpu.vector_load %arg14[%get3A_450, %get3A_451] {strides = array<i32>} : memref<33x16xf32, #tpu.memory_space<vmem>>, vector<16xf32>,
    %get3A_453 = arith.constant 32 : i32
    %get3A_454 = arith.index_cast %get3A_453 : i32 to index
    %get3A_455 = arith.constant 0 : index
    %get3A_456 = tpu.vector_load %arg14[%get3A_454, %get3A_455] {strides = array<i32>} : memref<33x16xf32, #tpu.memory_space<vmem>>, vector<16xf32>,
    %scan3A = arith.constant 0 : i32
    %scan3A_457 = arith.constant 0 : i32
    %scan3A_458 = arith.constant 32 : i32
    %scan3A_459 = arith.addi %scan3A_457, %scan3A_458 : i32
    %scan3A_460 = arith.constant 1 : i32
    scf.for %scan3A_462 = %scan3A_457 to %scan3A_459 step %scan3A_460  : i32 {
      %mul3A_463 = arith.constant 16 : i32
      %mul3A_464 = arith.muli %scan3A_462, %mul3A_463 : i32
      %get3A_465 = arith.index_cast %mul3A_464 : i32 to index
      %get3A_466 = tpu.vector_load %arg8[%get3A_465] {strides = array<i32>} : memref<512xi32, #tpu.memory_space<vmem>>, vector<16xi32>,
      %mul3A_467 = arith.constant 16 : i32
      %mul3A_468 = arith.muli %scan3A_462, %mul3A_467 : i32
      %get3A_469 = arith.index_cast %mul3A_468 : i32 to index
      %get3A_470 = tpu.vector_load %arg9[%get3A_469] {strides = array<i32>} : memref<512xi32, #tpu.memory_space<vmem>>, vector<16xi32>,
      %add3A_471 = arith.constant 1 : i32
      %add3A_472 = arith.addi %scan3A_462, %add3A_471 : i32
      %min3A = arith.constant 31 : i32
      %min3A_473 = arith.minsi %add3A_472, %min3A : i32
      %mul3A_474 = arith.constant 16 : i32
      %mul3A_475 = arith.muli %min3A_473, %mul3A_474 : i32
      %get3A_476 = arith.index_cast %mul3A_475 : i32 to index
      %get3A_477 = tpu.vector_load %arg8[%get3A_476] {strides = array<i32>} : memref<512xi32, #tpu.memory_space<vmem>>, vector<16xi32>,
      %mul3A_478 = arith.constant 16 : i32
      %mul3A_479 = arith.muli %min3A_473, %mul3A_478 : i32
      %get3A_480 = arith.index_cast %mul3A_479 : i32 to index
      %get3A_481 = tpu.vector_load %arg9[%get3A_480] {strides = array<i32>} : memref<512xi32, #tpu.memory_space<vmem>>, vector<16xi32>,
      %mul3A_482 = arith.constant 16 : i32
      %mul3A_483 = arith.muli %scan3A_462, %mul3A_482 : i32
      %add3A_484 = arith.constant 0 : i32
      %add3A_485 = arith.addi %mul3A_483, %add3A_484 : i32
      %dma_wait3A = arith.constant 0 : i32
      %dma_wait3A_486 = arith.constant 0 : i32
      %dma_wait3A_487 = arith.constant 0 : i32
      %dma_wait3A_488 = tpu.memref_slice %arg10[%dma_wait3A, %dma_wait3A_486, %dma_wait3A_487] : memref<8x32x128xf32, #tpu.memory_space<vmem>> -> memref<1x32x128xf32, #tpu.memory_space<vmem>>
      %dma_wait3A_489 = tpu.memref_squeeze %dma_wait3A_488 : memref<1x32x128xf32, #tpu.memory_space<vmem>> -> memref<32x128xf32, #tpu.memory_space<vmem>>
      %dma_wait3A_490 = arith.constant 0 : i32
      %dma_wait3A_491 = arith.constant 0 : i32
      %dma_wait3A_492 = tpu.memref_slice %arg4[%dma_wait3A_490, %dma_wait3A_491] : memref<32x1000000xf32, #tpu.memory_space<hbm>> -> memref<32x128xf32, #tpu.memory_space<hbm>>
      %dma_wait3A_493 = arith.constant 0 : i32
      %dma_wait3A_494 = arith.constant 0 : i32
      %dma_wait3A_495 = tpu.memref_slice %arg10[%dma_wait3A, %dma_wait3A_493, %dma_wait3A_494] : memref<8x32x128xf32, #tpu.memory_space<vmem>> -> memref<1x32x128xf32, #tpu.memory_space<vmem>>
      %dma_wait3A_496 = tpu.memref_squeeze %dma_wait3A_495 : memref<1x32x128xf32, #tpu.memory_space<vmem>> -> memref<32x128xf32, #tpu.memory_space<vmem>>
      %dma_wait3A_497 = arith.constant 0 : i32
      %dma_wait3A_498 = arith.constant 0 : i32
      %dma_wait3A_499 = tpu.memref_slice %arg4[%dma_wait3A_497, %dma_wait3A_498] : memref<32x1000000xf32, #tpu.memory_space<hbm>> -> memref<32x128xf32, #tpu.memory_space<hbm>>
      tpu.wait_dma2 semaphore(%arg16 : memref<!tpu.dma_semaphore, #tpu.memory_space<semaphore_mem>>) src(%dma_wait3A_499 : memref<32x128xf32, #tpu.memory_space<hbm>>) dst(%dma_wait3A_496 : memref<32x128xf32, #tpu.memory_space<vmem>>)
      %slice3A_500 = vector.extract_strided_slice %get3A_466 {offsets = [0], sizes = [1], strides = [1]} : vector<16xi32> to vector<1xi32>
      %squeeze3A_501 = vector.extract %slice3A_500[0] : i32 from vector<1xi32>
      %and3A = arith.constant 127 : i32
      %and3A_502 = arith.andi %squeeze3A_501, %and3A : i32
      %broadcast_in_dim3A = arith.constant 0 : i32
      %broadcast_in_dim3A_503 = vector.broadcast %broadcast_in_dim3A : i32 to vector<16xi32>
      %broadcast_in_dim3A_504 = vector.broadcast %and3A_502 : i32 to vector<16xi32>
      %broadcast_in_dim3A_505 = vector.broadcast %add3A_485 : i32 to vector<16xi32>
      %gather3A = tpu.vector_load_idx %arg10[%broadcast_in_dim3A_503, %iota3A, %broadcast_in_dim3A_504] : memref<8x32x128xf32, #tpu.memory_space<vmem>>[vector<16xi32>, vector<16xi32>, vector<16xi32>], vector<16xf32>,
      %gather3A_506 = tpu.vector_load_idx %arg10[%broadcast_in_dim3A_503, %add3A_5, %broadcast_in_dim3A_504] : memref<8x32x128xf32, #tpu.memory_space<vmem>>[vector<16xi32>, vector<16xi32>, vector<16xi32>], vector<16xf32>,
      tpu.vector_store_idx %arg12[%iota3A, %broadcast_in_dim3A_505], %gather3A : memref<32x512xf32, #tpu.memory_space<vmem>>[vector<16xi32>, vector<16xi32>], vector<16xf32>,
      tpu.vector_store_idx %arg12[%add3A_5, %broadcast_in_dim3A_505], %gather3A_506 : memref<32x512xf32, #tpu.memory_space<vmem>>[vector<16xi32>, vector<16xi32>], vector<16xf32>,
      %slice3A_507 = vector.extract_strided_slice %get3A_466 {offsets = [8], sizes = [1], strides = [1]} : vector<16xi32> to vector<1xi32>
      %squeeze3A_508 = vector.extract %slice3A_507[0] : i32 from vector<1xi32>
      %shift_right_logical3A_509 = arith.constant 7 : i32
      %shift_right_logical3A_510 = arith.shrui %squeeze3A_508, %shift_right_logical3A_509 : i32
      %mul3A_511 = arith.constant 128 : i32
      %mul3A_512 = arith.muli %shift_right_logical3A_510, %mul3A_511 : i32
      %multiple_of3A_513 = tpu.assume_multiple %mul3A_512, 128 : i32
      %dma_start3A_514 = arith.constant 0 : i32
      %dma_start3A_515 = arith.constant 0 : i32
      %dma_start3A_516 = arith.constant 0 : i32
      %dma_start3A_517 = tpu.memref_slice %arg10[%dma_start3A_514, %dma_start3A_515, %dma_start3A_516] : memref<8x32x128xf32, #tpu.memory_space<vmem>> -> memref<1x32x128xf32, #tpu.memory_space<vmem>>
      %dma_start3A_518 = tpu.memref_squeeze %dma_start3A_517 : memref<1x32x128xf32, #tpu.memory_space<vmem>> -> memref<32x128xf32, #tpu.memory_space<vmem>>
      %dma_start3A_519 = arith.constant 0 : i32
      %dma_start3A_520 = tpu.memref_slice %arg4[%dma_start3A_519, %multiple_of3A_513] : memref<32x1000000xf32, #tpu.memory_space<hbm>> -> memref<32x128xf32, #tpu.memory_space<hbm>>
      %dma_start3A_521 = arith.constant 0 : i32
      %dma_start3A_522 = arith.constant 0 : i32
      %dma_start3A_523 = tpu.memref_slice %arg10[%dma_start3A_514, %dma_start3A_521, %dma_start3A_522] : memref<8x32x128xf32, #tpu.memory_space<vmem>> -> memref<1x32x128xf32, #tpu.memory_space<vmem>>
      %dma_start3A_524 = tpu.memref_squeeze %dma_start3A_523 : memref<1x32x128xf32, #tpu.memory_space<vmem>> -> memref<32x128xf32, #tpu.memory_space<vmem>>
      %dma_start3A_525 = arith.constant 0 : i32
      %dma_start3A_526 = tpu.memref_slice %arg4[%dma_start3A_525, %multiple_of3A_513] : memref<32x1000000xf32, #tpu.memory_space<hbm>> -> memref<32x128xf32, #tpu.memory_space<hbm>>
      tpu.enqueue_dma source(%dma_start3A_526 : memref<32x128xf32, #tpu.memory_space<hbm>>) target(%dma_start3A_524 : memref<32x128xf32, #tpu.memory_space<vmem>>) target_semaphore(%arg16 : memref<!tpu.dma_semaphore, #tpu.memory_space<semaphore_mem>>)
      %dma_wait3A_527 = arith.constant 0 : i32
      %dma_wait3A_528 = arith.constant 0 : i32
      %dma_wait3A_529 = arith.constant 0 : i32
      %dma_wait3A_530 = tpu.memref_slice %arg11[%dma_wait3A_527, %dma_wait3A_528, %dma_wait3A_529] : memref<8x32x128xf32, #tpu.memory_space<vmem>> -> memref<1x32x128xf32, #tpu.memory_space<vmem>>
      %dma_wait3A_531 = tpu.memref_squeeze %dma_wait3A_530 : memref<1x32x128xf32, #tpu.memory_space<vmem>> -> memref<32x128xf32, #tpu.memory_space<vmem>>
      %dma_wait3A_532 = arith.constant 0 : i32
      %dma_wait3A_533 = arith.constant 0 : i32
      %dma_wait3A_534 = tpu.memref_slice %arg5[%dma_wait3A_532, %dma_wait3A_533] : memref<32x1000000xf32, #tpu.memory_space<hbm>> -> memref<32x128xf32, #tpu.memory_space<hbm>>
      %dma_wait3A_535 = arith.constant 0 : i32
      %dma_wait3A_536 = arith.constant 0 : i32
      %dma_wait3A_537 = tpu.memref_slice %arg11[%dma_wait3A_527, %dma_wait3A_535, %dma_wait3A_536] : memref<8x32x128xf32, #tpu.memory_space<vmem>> -> memref<1x32x128xf32, #tpu.memory_space<vmem>>
      %dma_wait3A_538 = tpu.memref_squeeze %dma_wait3A_537 : memref<1x32x128xf32, #tpu.memory_space<vmem>> -> memref<32x128xf32, #tpu.memory_space<vmem>>
      %dma_wait3A_539 = arith.constant 0 : i32
      %dma_wait3A_540 = arith.constant 0 : i32
      %dma_wait3A_541 = tpu.memref_slice %arg5[%dma_wait3A_539, %dma_wait3A_540] : memref<32x1000000xf32, #tpu.memory_space<hbm>> -> memref<32x128xf32, #tpu.memory_space<hbm>>
      tpu.wait_dma2 semaphore(%arg17 : memref<!tpu.dma_semaphore, #tpu.memory_space<semaphore_mem>>) src(%dma_wait3A_541 : memref<32x128xf32, #tpu.memory_space<hbm>>) dst(%dma_wait3A_538 : memref<32x128xf32, #tpu.memory_space<vmem>>)
      %slice3A_542 = vector.extract_strided_slice %get3A_470 {offsets = [0], sizes = [1], strides = [1]} : vector<16xi32> to vector<1xi32>
      %squeeze3A_543 = vector.extract %slice3A_542[0] : i32 from vector<1xi32>
      %and3A_544 = arith.constant 127 : i32
      %and3A_545 = arith.andi %squeeze3A_543, %and3A_544 : i32
      %broadcast_in_dim3A_546 = arith.constant 0 : i32
      %broadcast_in_dim3A_547 = vector.broadcast %broadcast_in_dim3A_546 : i32 to vector<16xi32>
      %broadcast_in_dim3A_548 = vector.broadcast %and3A_545 : i32 to vector<16xi32>
      %broadcast_in_dim3A_549 = vector.broadcast %add3A_485 : i32 to vector<16xi32>
      %gather3A_550 = tpu.vector_load_idx %arg11[%broadcast_in_dim3A_547, %iota3A, %broadcast_in_dim3A_548] : memref<8x32x128xf32, #tpu.memory_space<vmem>>[vector<16xi32>, vector<16xi32>, vector<16xi32>], vector<16xf32>,
      %gather3A_551 = tpu.vector_load_idx %arg11[%broadcast_in_dim3A_547, %add3A_5, %broadcast_in_dim3A_548] : memref<8x32x128xf32, #tpu.memory_space<vmem>>[vector<16xi32>, vector<16xi32>, vector<16xi32>], vector<16xf32>,
      tpu.vector_store_idx %arg13[%iota3A, %broadcast_in_dim3A_549], %gather3A_550 : memref<32x512xf32, #tpu.memory_space<vmem>>[vector<16xi32>, vector<16xi32>], vector<16xf32>,
      tpu.vector_store_idx %arg13[%add3A_5, %broadcast_in_dim3A_549], %gather3A_551 : memref<32x512xf32, #tpu.memory_space<vmem>>[vector<16xi32>, vector<16xi32>], vector<16xf32>,
      %slice3A_552 = vector.extract_strided_slice %get3A_470 {offsets = [8], sizes = [1], strides = [1]} : vector<16xi32> to vector<1xi32>
      %squeeze3A_553 = vector.extract %slice3A_552[0] : i32 from vector<1xi32>
      %shift_right_logical3A_554 = arith.constant 7 : i32
      %shift_right_logical3A_555 = arith.shrui %squeeze3A_553, %shift_right_logical3A_554 : i32
      %mul3A_556 = arith.constant 128 : i32
      %mul3A_557 = arith.muli %shift_right_logical3A_555, %mul3A_556 : i32
      %multiple_of3A_558 = tpu.assume_multiple %mul3A_557, 128 : i32
      %dma_start3A_559 = arith.constant 0 : i32
      %dma_start3A_560 = arith.constant 0 : i32
      %dma_start3A_561 = arith.constant 0 : i32
      %dma_start3A_562 = tpu.memref_slice %arg11[%dma_start3A_559, %dma_start3A_560, %dma_start3A_561] : memref<8x32x128xf32, #tpu.memory_space<vmem>> -> memref<1x32x128xf32, #tpu.memory_space<vmem>>
      %dma_start3A_563 = tpu.memref_squeeze %dma_start3A_562 : memref<1x32x128xf32, #tpu.memory_space<vmem>> -> memref<32x128xf32, #tpu.memory_space<vmem>>
      %dma_start3A_564 = arith.constant 0 : i32
      %dma_start3A_565 = tpu.memref_slice %arg5[%dma_start3A_564, %multiple_of3A_558] : memref<32x1000000xf32, #tpu.memory_space<hbm>> -> memref<32x128xf32, #tpu.memory_space<hbm>>
      %dma_start3A_566 = arith.constant 0 : i32
      %dma_start3A_567 = arith.constant 0 : i32
      %dma_start3A_568 = tpu.memref_slice %arg11[%dma_start3A_559, %dma_start3A_566, %dma_start3A_567] : memref<8x32x128xf32, #tpu.memory_space<vmem>> -> memref<1x32x128xf32, #tpu.memory_space<vmem>>
      %dma_start3A_569 = tpu.memref_squeeze %dma_start3A_568 : memref<1x32x128xf32, #tpu.memory_space<vmem>> -> memref<32x128xf32, #tpu.memory_space<vmem>>
      %dma_start3A_570 = arith.constant 0 : i32
      %dma_start3A_571 = tpu.memref_slice %arg5[%dma_start3A_570, %multiple_of3A_558] : memref<32x1000000xf32, #tpu.memory_space<hbm>> -> memref<32x128xf32, #tpu.memory_space<hbm>>
      tpu.enqueue_dma source(%dma_start3A_571 : memref<32x128xf32, #tpu.memory_space<hbm>>) target(%dma_start3A_569 : memref<32x128xf32, #tpu.memory_space<vmem>>) target_semaphore(%arg17 : memref<!tpu.dma_semaphore, #tpu.memory_space<semaphore_mem>>)
      %mul3A_572 = arith.constant 16 : i32
      %mul3A_573 = arith.muli %scan3A_462, %mul3A_572 : i32
      %add3A_574 = arith.constant 1 : i32
      %add3A_575 = arith.addi %mul3A_573, %add3A_574 : i32
      %dma_wait3A_576 = arith.constant 1 : i32
      %dma_wait3A_577 = arith.constant 0 : i32
      %dma_wait3A_578 = arith.constant 0 : i32
      %dma_wait3A_579 = tpu.memref_slice %arg10[%dma_wait3A_576, %dma_wait3A_577, %dma_wait3A_578] : memref<8x32x128xf32, #tpu.memory_space<vmem>> -> memref<1x32x128xf32, #tpu.memory_space<vmem>>
      %dma_wait3A_580 = tpu.memref_squeeze %dma_wait3A_579 : memref<1x32x128xf32, #tpu.memory_space<vmem>> -> memref<32x128xf32, #tpu.memory_space<vmem>>
      %dma_wait3A_581 = arith.constant 0 : i32
      %dma_wait3A_582 = arith.constant 0 : i32
      %dma_wait3A_583 = tpu.memref_slice %arg4[%dma_wait3A_581, %dma_wait3A_582] : memref<32x1000000xf32, #tpu.memory_space<hbm>> -> memref<32x128xf32, #tpu.memory_space<hbm>>
      %dma_wait3A_584 = arith.constant 0 : i32
      %dma_wait3A_585 = arith.constant 0 : i32
      %dma_wait3A_586 = tpu.memref_slice %arg10[%dma_wait3A_576, %dma_wait3A_584, %dma_wait3A_585] : memref<8x32x128xf32, #tpu.memory_space<vmem>> -> memref<1x32x128xf32, #tpu.memory_space<vmem>>
      %dma_wait3A_587 = tpu.memref_squeeze %dma_wait3A_586 : memref<1x32x128xf32, #tpu.memory_space<vmem>> -> memref<32x128xf32, #tpu.memory_space<vmem>>
      %dma_wait3A_588 = arith.constant 0 : i32
      %dma_wait3A_589 = arith.constant 0 : i32
      %dma_wait3A_590 = tpu.memref_slice %arg4[%dma_wait3A_588, %dma_wait3A_589] : memref<32x1000000xf32, #tpu.memory_space<hbm>> -> memref<32x128xf32, #tpu.memory_space<hbm>>
      tpu.wait_dma2 semaphore(%arg16 : memref<!tpu.dma_semaphore, #tpu.memory_space<semaphore_mem>>) src(%dma_wait3A_590 : memref<32x128xf32, #tpu.memory_space<hbm>>) dst(%dma_wait3A_587 : memref<32x128xf32, #tpu.memory_space<vmem>>)
      %slice3A_591 = vector.extract_strided_slice %get3A_466 {offsets = [1], sizes = [1], strides = [1]} : vector<16xi32> to vector<1xi32>
      %squeeze3A_592 = vector.extract %slice3A_591[0] : i32 from vector<1xi32>
      %and3A_593 = arith.constant 127 : i32
      %and3A_594 = arith.andi %squeeze3A_592, %and3A_593 : i32
      %broadcast_in_dim3A_595 = arith.constant 1 : i32
      %broadcast_in_dim3A_596 = vector.broadcast %broadcast_in_dim3A_595 : i32 to vector<16xi32>
      %broadcast_in_dim3A_597 = vector.broadcast %and3A_594 : i32 to vector<16xi32>
      %broadcast_in_dim3A_598 = vector.broadcast %add3A_575 : i32 to vector<16xi32>
      %gather3A_599 = tpu.vector_load_idx %arg10[%broadcast_in_dim3A_596, %iota3A, %broadcast_in_dim3A_597] : memref<8x32x128xf32, #tpu.memory_space<vmem>>[vector<16xi32>, vector<16xi32>, vector<16xi32>], vector<16xf32>,
      %gather3A_600 = tpu.vector_load_idx %arg10[%broadcast_in_dim3A_596, %add3A_5, %broadcast_in_dim3A_597] : memref<8x32x128xf32, #tpu.memory_space<vmem>>[vector<16xi32>, vector<16xi32>, vector<16xi32>], vector<16xf32>,
      tpu.vector_store_idx %arg12[%iota3A, %broadcast_in_dim3A_598], %gather3A_599 : memref<32x512xf32, #tpu.memory_space<vmem>>[vector<16xi32>, vector<16xi32>], vector<16xf32>,
      tpu.vector_store_idx %arg12[%add3A_5, %broadcast_in_dim3A_598], %gather3A_600 : memref<32x512xf32, #tpu.memory_space<vmem>>[vector<16xi32>, vector<16xi32>], vector<16xf32>,
      %slice3A_601 = vector.extract_strided_slice %get3A_466 {offsets = [9], sizes = [1], strides = [1]} : vector<16xi32> to vector<1xi32>
      %squeeze3A_602 = vector.extract %slice3A_601[0] : i32 from vector<1xi32>
      %shift_right_logical3A_603 = arith.constant 7 : i32
      %shift_right_logical3A_604 = arith.shrui %squeeze3A_602, %shift_right_logical3A_603 : i32
      %mul3A_605 = arith.constant 128 : i32
      %mul3A_606 = arith.muli %shift_right_logical3A_604, %mul3A_605 : i32
      %multiple_of3A_607 = tpu.assume_multiple %mul3A_606, 128 : i32
      %dma_start3A_608 = arith.constant 1 : i32
      %dma_start3A_609 = arith.constant 0 : i32
      %dma_start3A_610 = arith.constant 0 : i32
      %dma_start3A_611 = tpu.memref_slice %arg10[%dma_start3A_608, %dma_start3A_609, %dma_start3A_610] : memref<8x32x128xf32, #tpu.memory_space<vmem>> -> memref<1x32x128xf32, #tpu.memory_space<vmem>>
      %dma_start3A_612 = tpu.memref_squeeze %dma_start3A_611 : memref<1x32x128xf32, #tpu.memory_space<vmem>> -> memref<32x128xf32, #tpu.memory_space<vmem>>
      %dma_start3A_613 = arith.constant 0 : i32
      %dma_start3A_614 = tpu.memref_slice %arg4[%dma_start3A_613, %multiple_of3A_607] : memref<32x1000000xf32, #tpu.memory_space<hbm>> -> memref<32x128xf32, #tpu.memory_space<hbm>>
      %dma_start3A_615 = arith.constant 0 : i32
      %dma_start3A_616 = arith.constant 0 : i32
      %dma_start3A_617 = tpu.memref_slice %arg10[%dma_start3A_608, %dma_start3A_615, %dma_start3A_616] : memref<8x32x128xf32, #tpu.memory_space<vmem>> -> memref<1x32x128xf32, #tpu.memory_space<vmem>>
      %dma_start3A_618 = tpu.memref_squeeze %dma_start3A_617 : memref<1x32x128xf32, #tpu.memory_space<vmem>> -> memref<32x128xf32, #tpu.memory_space<vmem>>
      %dma_start3A_619 = arith.constant 0 : i32
      %dma_start3A_620 = tpu.memref_slice %arg4[%dma_start3A_619, %multiple_of3A_607] : memref<32x1000000xf32, #tpu.memory_space<hbm>> -> memref<32x128xf32, #tpu.memory_space<hbm>>
      tpu.enqueue_dma source(%dma_start3A_620 : memref<32x128xf32, #tpu.memory_space<hbm>>) target(%dma_start3A_618 : memref<32x128xf32, #tpu.memory_space<vmem>>) target_semaphore(%arg16 : memref<!tpu.dma_semaphore, #tpu.memory_space<semaphore_mem>>)
      %dma_wait3A_621 = arith.constant 1 : i32
      %dma_wait3A_622 = arith.constant 0 : i32
      %dma_wait3A_623 = arith.constant 0 : i32
      %dma_wait3A_624 = tpu.memref_slice %arg11[%dma_wait3A_621, %dma_wait3A_622, %dma_wait3A_623] : memref<8x32x128xf32, #tpu.memory_space<vmem>> -> memref<1x32x128xf32, #tpu.memory_space<vmem>>
      %dma_wait3A_625 = tpu.memref_squeeze %dma_wait3A_624 : memref<1x32x128xf32, #tpu.memory_space<vmem>> -> memref<32x128xf32, #tpu.memory_space<vmem>>
      %dma_wait3A_626 = arith.constant 0 : i32
      %dma_wait3A_627 = arith.constant 0 : i32
      %dma_wait3A_628 = tpu.memref_slice %arg5[%dma_wait3A_626, %dma_wait3A_627] : memref<32x1000000xf32, #tpu.memory_space<hbm>> -> memref<32x128xf32, #tpu.memory_space<hbm>>
      %dma_wait3A_629 = arith.constant 0 : i32
      %dma_wait3A_630 = arith.constant 0 : i32
      %dma_wait3A_631 = tpu.memref_slice %arg11[%dma_wait3A_621, %dma_wait3A_629, %dma_wait3A_630] : memref<8x32x128xf32, #tpu.memory_space<vmem>> -> memref<1x32x128xf32, #tpu.memory_space<vmem>>
      %dma_wait3A_632 = tpu.memref_squeeze %dma_wait3A_631 : memref<1x32x128xf32, #tpu.memory_space<vmem>> -> memref<32x128xf32, #tpu.memory_space<vmem>>
      %dma_wait3A_633 = arith.constant 0 : i32
      %dma_wait3A_634 = arith.constant 0 : i32
      %dma_wait3A_635 = tpu.memref_slice %arg5[%dma_wait3A_633, %dma_wait3A_634] : memref<32x1000000xf32, #tpu.memory_space<hbm>> -> memref<32x128xf32, #tpu.memory_space<hbm>>
      tpu.wait_dma2 semaphore(%arg17 : memref<!tpu.dma_semaphore, #tpu.memory_space<semaphore_mem>>) src(%dma_wait3A_635 : memref<32x128xf32, #tpu.memory_space<hbm>>) dst(%dma_wait3A_632 : memref<32x128xf32, #tpu.memory_space<vmem>>)
      %slice3A_636 = vector.extract_strided_slice %get3A_470 {offsets = [1], sizes = [1], strides = [1]} : vector<16xi32> to vector<1xi32>
      %squeeze3A_637 = vector.extract %slice3A_636[0] : i32 from vector<1xi32>
      %and3A_638 = arith.constant 127 : i32
      %and3A_639 = arith.andi %squeeze3A_637, %and3A_638 : i32
      %broadcast_in_dim3A_640 = arith.constant 1 : i32
      %broadcast_in_dim3A_641 = vector.broadcast %broadcast_in_dim3A_640 : i32 to vector<16xi32>
      %broadcast_in_dim3A_642 = vector.broadcast %and3A_639 : i32 to vector<16xi32>
      %broadcast_in_dim3A_643 = vector.broadcast %add3A_575 : i32 to vector<16xi32>
      %gather3A_644 = tpu.vector_load_idx %arg11[%broadcast_in_dim3A_641, %iota3A, %broadcast_in_dim3A_642] : memref<8x32x128xf32, #tpu.memory_space<vmem>>[vector<16xi32>, vector<16xi32>, vector<16xi32>], vector<16xf32>,
      %gather3A_645 = tpu.vector_load_idx %arg11[%broadcast_in_dim3A_641, %add3A_5, %broadcast_in_dim3A_642] : memref<8x32x128xf32, #tpu.memory_space<vmem>>[vector<16xi32>, vector<16xi32>, vector<16xi32>], vector<16xf32>,
      tpu.vector_store_idx %arg13[%iota3A, %broadcast_in_dim3A_643], %gather3A_644 : memref<32x512xf32, #tpu.memory_space<vmem>>[vector<16xi32>, vector<16xi32>], vector<16xf32>,
      tpu.vector_store_idx %arg13[%add3A_5, %broadcast_in_dim3A_643], %gather3A_645 : memref<32x512xf32, #tpu.memory_space<vmem>>[vector<16xi32>, vector<16xi32>], vector<16xf32>,
      %slice3A_646 = vector.extract_strided_slice %get3A_470 {offsets = [9], sizes = [1], strides = [1]} : vector<16xi32> to vector<1xi32>
      %squeeze3A_647 = vector.extract %slice3A_646[0] : i32 from vector<1xi32>
      %shift_right_logical3A_648 = arith.constant 7 : i32
      %shift_right_logical3A_649 = arith.shrui %squeeze3A_647, %shift_right_logical3A_648 : i32
      %mul3A_650 = arith.constant 128 : i32
      %mul3A_651 = arith.muli %shift_right_logical3A_649, %mul3A_650 : i32
      %multiple_of3A_652 = tpu.assume_multiple %mul3A_651, 128 : i32
      %dma_start3A_653 = arith.constant 1 : i32
      %dma_start3A_654 = arith.constant 0 : i32
      %dma_start3A_655 = arith.constant 0 : i32
      %dma_start3A_656 = tpu.memref_slice %arg11[%dma_start3A_653, %dma_start3A_654, %dma_start3A_655] : memref<8x32x128xf32, #tpu.memory_space<vmem>> -> memref<1x32x128xf32, #tpu.memory_space<vmem>>
      %dma_start3A_657 = tpu.memref_squeeze %dma_start3A_656 : memref<1x32x128xf32, #tpu.memory_space<vmem>> -> memref<32x128xf32, #tpu.memory_space<vmem>>
      %dma_start3A_658 = arith.constant 0 : i32
      %dma_start3A_659 = tpu.memref_slice %arg5[%dma_start3A_658, %multiple_of3A_652] : memref<32x1000000xf32, #tpu.memory_space<hbm>> -> memref<32x128xf32, #tpu.memory_space<hbm>>
      %dma_start3A_660 = arith.constant 0 : i32
      %dma_start3A_661 = arith.constant 0 : i32
      %dma_start3A_662 = tpu.memref_slice %arg11[%dma_start3A_653, %dma_start3A_660, %dma_start3A_661] : memref<8x32x128xf32, #tpu.memory_space<vmem>> -> memref<1x32x128xf32, #tpu.memory_space<vmem>>
      %dma_start3A_663 = tpu.memref_squeeze %dma_start3A_662 : memref<1x32x128xf32, #tpu.memory_space<vmem>> -> memref<32x128xf32, #tpu.memory_space<vmem>>
      %dma_start3A_664 = arith.constant 0 : i32
      %dma_start3A_665 = tpu.memref_slice %arg5[%dma_start3A_664, %multiple_of3A_652] : memref<32x1000000xf32, #tpu.memory_space<hbm>> -> memref<32x128xf32, #tpu.memory_space<hbm>>
      tpu.enqueue_dma source(%dma_start3A_665 : memref<32x128xf32, #tpu.memory_space<hbm>>) target(%dma_start3A_663 : memref<32x128xf32, #tpu.memory_space<vmem>>) target_semaphore(%arg17 : memref<!tpu.dma_semaphore, #tpu.memory_space<semaphore_mem>>)
      %mul3A_666 = arith.constant 16 : i32
      %mul3A_667 = arith.muli %scan3A_462, %mul3A_666 : i32
      %add3A_668 = arith.constant 2 : i32
      %add3A_669 = arith.addi %mul3A_667, %add3A_668 : i32
      %dma_wait3A_670 = arith.constant 2 : i32
      %dma_wait3A_671 = arith.constant 0 : i32
      %dma_wait3A_672 = arith.constant 0 : i32
      %dma_wait3A_673 = tpu.memref_slice %arg10[%dma_wait3A_670, %dma_wait3A_671, %dma_wait3A_672] : memref<8x32x128xf32, #tpu.memory_space<vmem>> -> memref<1x32x128xf32, #tpu.memory_space<vmem>>
      %dma_wait3A_674 = tpu.memref_squeeze %dma_wait3A_673 : memref<1x32x128xf32, #tpu.memory_space<vmem>> -> memref<32x128xf32, #tpu.memory_space<vmem>>
      %dma_wait3A_675 = arith.constant 0 : i32
      %dma_wait3A_676 = arith.constant 0 : i32
      %dma_wait3A_677 = tpu.memref_slice %arg4[%dma_wait3A_675, %dma_wait3A_676] : memref<32x1000000xf32, #tpu.memory_space<hbm>> -> memref<32x128xf32, #tpu.memory_space<hbm>>
      %dma_wait3A_678 = arith.constant 0 : i32
      %dma_wait3A_679 = arith.constant 0 : i32
      %dma_wait3A_680 = tpu.memref_slice %arg10[%dma_wait3A_670, %dma_wait3A_678, %dma_wait3A_679] : memref<8x32x128xf32, #tpu.memory_space<vmem>> -> memref<1x32x128xf32, #tpu.memory_space<vmem>>
      %dma_wait3A_681 = tpu.memref_squeeze %dma_wait3A_680 : memref<1x32x128xf32, #tpu.memory_space<vmem>> -> memref<32x128xf32, #tpu.memory_space<vmem>>
      %dma_wait3A_682 = arith.constant 0 : i32
      %dma_wait3A_683 = arith.constant 0 : i32
      %dma_wait3A_684 = tpu.memref_slice %arg4[%dma_wait3A_682, %dma_wait3A_683] : memref<32x1000000xf32, #tpu.memory_space<hbm>> -> memref<32x128xf32, #tpu.memory_space<hbm>>
      tpu.wait_dma2 semaphore(%arg16 : memref<!tpu.dma_semaphore, #tpu.memory_space<semaphore_mem>>) src(%dma_wait3A_684 : memref<32x128xf32, #tpu.memory_space<hbm>>) dst(%dma_wait3A_681 : memref<32x128xf32, #tpu.memory_space<vmem>>)
      %slice3A_685 = vector.extract_strided_slice %get3A_466 {offsets = [2], sizes = [1], strides = [1]} : vector<16xi32> to vector<1xi32>
      %squeeze3A_686 = vector.extract %slice3A_685[0] : i32 from vector<1xi32>
      %and3A_687 = arith.constant 127 : i32
      %and3A_688 = arith.andi %squeeze3A_686, %and3A_687 : i32
      %broadcast_in_dim3A_689 = arith.constant 2 : i32
      %broadcast_in_dim3A_690 = vector.broadcast %broadcast_in_dim3A_689 : i32 to vector<16xi32>
      %broadcast_in_dim3A_691 = vector.broadcast %and3A_688 : i32 to vector<16xi32>
      %broadcast_in_dim3A_692 = vector.broadcast %add3A_669 : i32 to vector<16xi32>
      %gather3A_693 = tpu.vector_load_idx %arg10[%broadcast_in_dim3A_690, %iota3A, %broadcast_in_dim3A_691] : memref<8x32x128xf32, #tpu.memory_space<vmem>>[vector<16xi32>, vector<16xi32>, vector<16xi32>], vector<16xf32>,
      %gather3A_694 = tpu.vector_load_idx %arg10[%broadcast_in_dim3A_690, %add3A_5, %broadcast_in_dim3A_691] : memref<8x32x128xf32, #tpu.memory_space<vmem>>[vector<16xi32>, vector<16xi32>, vector<16xi32>], vector<16xf32>,
      tpu.vector_store_idx %arg12[%iota3A, %broadcast_in_dim3A_692], %gather3A_693 : memref<32x512xf32, #tpu.memory_space<vmem>>[vector<16xi32>, vector<16xi32>], vector<16xf32>,
      tpu.vector_store_idx %arg12[%add3A_5, %broadcast_in_dim3A_692], %gather3A_694 : memref<32x512xf32, #tpu.memory_space<vmem>>[vector<16xi32>, vector<16xi32>], vector<16xf32>,
      %slice3A_695 = vector.extract_strided_slice %get3A_466 {offsets = [10], sizes = [1], strides = [1]} : vector<16xi32> to vector<1xi32>
      %squeeze3A_696 = vector.extract %slice3A_695[0] : i32 from vector<1xi32>
      %shift_right_logical3A_697 = arith.constant 7 : i32
      %shift_right_logical3A_698 = arith.shrui %squeeze3A_696, %shift_right_logical3A_697 : i32
      %mul3A_699 = arith.constant 128 : i32
      %mul3A_700 = arith.muli %shift_right_logical3A_698, %mul3A_699 : i32
      %multiple_of3A_701 = tpu.assume_multiple %mul3A_700, 128 : i32
      %dma_start3A_702 = arith.constant 2 : i32
      %dma_start3A_703 = arith.constant 0 : i32
      %dma_start3A_704 = arith.constant 0 : i32
      %dma_start3A_705 = tpu.memref_slice %arg10[%dma_start3A_702, %dma_start3A_703, %dma_start3A_704] : memref<8x32x128xf32, #tpu.memory_space<vmem>> -> memref<1x32x128xf32, #tpu.memory_space<vmem>>
      %dma_start3A_706 = tpu.memref_squeeze %dma_start3A_705 : memref<1x32x128xf32, #tpu.memory_space<vmem>> -> memref<32x128xf32, #tpu.memory_space<vmem>>
      %dma_start3A_707 = arith.constant 0 : i32
      %dma_start3A_708 = tpu.memref_slice %arg4[%dma_start3A_707, %multiple_of3A_701] : memref<32x1000000xf32, #tpu.memory_space<hbm>> -> memref<32x128xf32, #tpu.memory_space<hbm>>
      %dma_start3A_709 = arith.constant 0 : i32
      %dma_start3A_710 = arith.constant 0 : i32
      %dma_start3A_711 = tpu.memref_slice %arg10[%dma_start3A_702, %dma_start3A_709, %dma_start3A_710] : memref<8x32x128xf32, #tpu.memory_space<vmem>> -> memref<1x32x128xf32, #tpu.memory_space<vmem>>
      %dma_start3A_712 = tpu.memref_squeeze %dma_start3A_711 : memref<1x32x128xf32, #tpu.memory_space<vmem>> -> memref<32x128xf32, #tpu.memory_space<vmem>>
      %dma_start3A_713 = arith.constant 0 : i32
      %dma_start3A_714 = tpu.memref_slice %arg4[%dma_start3A_713, %multiple_of3A_701] : memref<32x1000000xf32, #tpu.memory_space<hbm>> -> memref<32x128xf32, #tpu.memory_space<hbm>>
      tpu.enqueue_dma source(%dma_start3A_714 : memref<32x128xf32, #tpu.memory_space<hbm>>) target(%dma_start3A_712 : memref<32x128xf32, #tpu.memory_space<vmem>>) target_semaphore(%arg16 : memref<!tpu.dma_semaphore, #tpu.memory_space<semaphore_mem>>)
      %dma_wait3A_715 = arith.constant 2 : i32
      %dma_wait3A_716 = arith.constant 0 : i32
      %dma_wait3A_717 = arith.constant 0 : i32
      %dma_wait3A_718 = tpu.memref_slice %arg11[%dma_wait3A_715, %dma_wait3A_716, %dma_wait3A_717] : memref<8x32x128xf32, #tpu.memory_space<vmem>> -> memref<1x32x128xf32, #tpu.memory_space<vmem>>
      %dma_wait3A_719 = tpu.memref_squeeze %dma_wait3A_718 : memref<1x32x128xf32, #tpu.memory_space<vmem>> -> memref<32x128xf32, #tpu.memory_space<vmem>>
      %dma_wait3A_720 = arith.constant 0 : i32
      %dma_wait3A_721 = arith.constant 0 : i32
      %dma_wait3A_722 = tpu.memref_slice %arg5[%dma_wait3A_720, %dma_wait3A_721] : memref<32x1000000xf32, #tpu.memory_space<hbm>> -> memref<32x128xf32, #tpu.memory_space<hbm>>
      %dma_wait3A_723 = arith.constant 0 : i32
      %dma_wait3A_724 = arith.constant 0 : i32
      %dma_wait3A_725 = tpu.memref_slice %arg11[%dma_wait3A_715, %dma_wait3A_723, %dma_wait3A_724] : memref<8x32x128xf32, #tpu.memory_space<vmem>> -> memref<1x32x128xf32, #tpu.memory_space<vmem>>
      %dma_wait3A_726 = tpu.memref_squeeze %dma_wait3A_725 : memref<1x32x128xf32, #tpu.memory_space<vmem>> -> memref<32x128xf32, #tpu.memory_space<vmem>>
      %dma_wait3A_727 = arith.constant 0 : i32
      %dma_wait3A_728 = arith.constant 0 : i32
      %dma_wait3A_729 = tpu.memref_slice %arg5[%dma_wait3A_727, %dma_wait3A_728] : memref<32x1000000xf32, #tpu.memory_space<hbm>> -> memref<32x128xf32, #tpu.memory_space<hbm>>
      tpu.wait_dma2 semaphore(%arg17 : memref<!tpu.dma_semaphore, #tpu.memory_space<semaphore_mem>>) src(%dma_wait3A_729 : memref<32x128xf32, #tpu.memory_space<hbm>>) dst(%dma_wait3A_726 : memref<32x128xf32, #tpu.memory_space<vmem>>)
      %slice3A_730 = vector.extract_strided_slice %get3A_470 {offsets = [2], sizes = [1], strides = [1]} : vector<16xi32> to vector<1xi32>
      %squeeze3A_731 = vector.extract %slice3A_730[0] : i32 from vector<1xi32>
      %and3A_732 = arith.constant 127 : i32
      %and3A_733 = arith.andi %squeeze3A_731, %and3A_732 : i32
      %broadcast_in_dim3A_734 = arith.constant 2 : i32
      %broadcast_in_dim3A_735 = vector.broadcast %broadcast_in_dim3A_734 : i32 to vector<16xi32>
      %broadcast_in_dim3A_736 = vector.broadcast %and3A_733 : i32 to vector<16xi32>
      %broadcast_in_dim3A_737 = vector.broadcast %add3A_669 : i32 to vector<16xi32>
      %gather3A_738 = tpu.vector_load_idx %arg11[%broadcast_in_dim3A_735, %iota3A, %broadcast_in_dim3A_736] : memref<8x32x128xf32, #tpu.memory_space<vmem>>[vector<16xi32>, vector<16xi32>, vector<16xi32>], vector<16xf32>,
      %gather3A_739 = tpu.vector_load_idx %arg11[%broadcast_in_dim3A_735, %add3A_5, %broadcast_in_dim3A_736] : memref<8x32x128xf32, #tpu.memory_space<vmem>>[vector<16xi32>, vector<16xi32>, vector<16xi32>], vector<16xf32>,
      tpu.vector_store_idx %arg13[%iota3A, %broadcast_in_dim3A_737], %gather3A_738 : memref<32x512xf32, #tpu.memory_space<vmem>>[vector<16xi32>, vector<16xi32>], vector<16xf32>,
      tpu.vector_store_idx %arg13[%add3A_5, %broadcast_in_dim3A_737], %gather3A_739 : memref<32x512xf32, #tpu.memory_space<vmem>>[vector<16xi32>, vector<16xi32>], vector<16xf32>,
      %slice3A_740 = vector.extract_strided_slice %get3A_470 {offsets = [10], sizes = [1], strides = [1]} : vector<16xi32> to vector<1xi32>
      %squeeze3A_741 = vector.extract %slice3A_740[0] : i32 from vector<1xi32>
      %shift_right_logical3A_742 = arith.constant 7 : i32
      %shift_right_logical3A_743 = arith.shrui %squeeze3A_741, %shift_right_logical3A_742 : i32
      %mul3A_744 = arith.constant 128 : i32
      %mul3A_745 = arith.muli %shift_right_logical3A_743, %mul3A_744 : i32
      %multiple_of3A_746 = tpu.assume_multiple %mul3A_745, 128 : i32
      %dma_start3A_747 = arith.constant 2 : i32
      %dma_start3A_748 = arith.constant 0 : i32
      %dma_start3A_749 = arith.constant 0 : i32
      %dma_start3A_750 = tpu.memref_slice %arg11[%dma_start3A_747, %dma_start3A_748, %dma_start3A_749] : memref<8x32x128xf32, #tpu.memory_space<vmem>> -> memref<1x32x128xf32, #tpu.memory_space<vmem>>
      %dma_start3A_751 = tpu.memref_squeeze %dma_start3A_750 : memref<1x32x128xf32, #tpu.memory_space<vmem>> -> memref<32x128xf32, #tpu.memory_space<vmem>>
      %dma_start3A_752 = arith.constant 0 : i32
      %dma_start3A_753 = tpu.memref_slice %arg5[%dma_start3A_752, %multiple_of3A_746] : memref<32x1000000xf32, #tpu.memory_space<hbm>> -> memref<32x128xf32, #tpu.memory_space<hbm>>
      %dma_start3A_754 = arith.constant 0 : i32
      %dma_start3A_755 = arith.constant 0 : i32
      %dma_start3A_756 = tpu.memref_slice %arg11[%dma_start3A_747, %dma_start3A_754, %dma_start3A_755] : memref<8x32x128xf32, #tpu.memory_space<vmem>> -> memref<1x32x128xf32, #tpu.memory_space<vmem>>
      %dma_start3A_757 = tpu.memref_squeeze %dma_start3A_756 : memref<1x32x128xf32, #tpu.memory_space<vmem>> -> memref<32x128xf32, #tpu.memory_space<vmem>>
      %dma_start3A_758 = arith.constant 0 : i32
      %dma_start3A_759 = tpu.memref_slice %arg5[%dma_start3A_758, %multiple_of3A_746] : memref<32x1000000xf32, #tpu.memory_space<hbm>> -> memref<32x128xf32, #tpu.memory_space<hbm>>
      tpu.enqueue_dma source(%dma_start3A_759 : memref<32x128xf32, #tpu.memory_space<hbm>>) target(%dma_start3A_757 : memref<32x128xf32, #tpu.memory_space<vmem>>) target_semaphore(%arg17 : memref<!tpu.dma_semaphore, #tpu.memory_space<semaphore_mem>>)
      %mul3A_760 = arith.constant 16 : i32
      %mul3A_761 = arith.muli %scan3A_462, %mul3A_760 : i32
      %add3A_762 = arith.constant 3 : i32
      %add3A_763 = arith.addi %mul3A_761, %add3A_762 : i32
      %dma_wait3A_764 = arith.constant 3 : i32
      %dma_wait3A_765 = arith.constant 0 : i32
      %dma_wait3A_766 = arith.constant 0 : i32
      %dma_wait3A_767 = tpu.memref_slice %arg10[%dma_wait3A_764, %dma_wait3A_765, %dma_wait3A_766] : memref<8x32x128xf32, #tpu.memory_space<vmem>> -> memref<1x32x128xf32, #tpu.memory_space<vmem>>
      %dma_wait3A_768 = tpu.memref_squeeze %dma_wait3A_767 : memref<1x32x128xf32, #tpu.memory_space<vmem>> -> memref<32x128xf32, #tpu.memory_space<vmem>>
      %dma_wait3A_769 = arith.constant 0 : i32
      %dma_wait3A_770 = arith.constant 0 : i32
      %dma_wait3A_771 = tpu.memref_slice %arg4[%dma_wait3A_769, %dma_wait3A_770] : memref<32x1000000xf32, #tpu.memory_space<hbm>> -> memref<32x128xf32, #tpu.memory_space<hbm>>
      %dma_wait3A_772 = arith.constant 0 : i32
      %dma_wait3A_773 = arith.constant 0 : i32
      %dma_wait3A_774 = tpu.memref_slice %arg10[%dma_wait3A_764, %dma_wait3A_772, %dma_wait3A_773] : memref<8x32x128xf32, #tpu.memory_space<vmem>> -> memref<1x32x128xf32, #tpu.memory_space<vmem>>
      %dma_wait3A_775 = tpu.memref_squeeze %dma_wait3A_774 : memref<1x32x128xf32, #tpu.memory_space<vmem>> -> memref<32x128xf32, #tpu.memory_space<vmem>>
      %dma_wait3A_776 = arith.constant 0 : i32
      %dma_wait3A_777 = arith.constant 0 : i32
      %dma_wait3A_778 = tpu.memref_slice %arg4[%dma_wait3A_776, %dma_wait3A_777] : memref<32x1000000xf32, #tpu.memory_space<hbm>> -> memref<32x128xf32, #tpu.memory_space<hbm>>
      tpu.wait_dma2 semaphore(%arg16 : memref<!tpu.dma_semaphore, #tpu.memory_space<semaphore_mem>>) src(%dma_wait3A_778 : memref<32x128xf32, #tpu.memory_space<hbm>>) dst(%dma_wait3A_775 : memref<32x128xf32, #tpu.memory_space<vmem>>)
      %slice3A_779 = vector.extract_strided_slice %get3A_466 {offsets = [3], sizes = [1], strides = [1]} : vector<16xi32> to vector<1xi32>
      %squeeze3A_780 = vector.extract %slice3A_779[0] : i32 from vector<1xi32>
      %and3A_781 = arith.constant 127 : i32
      %and3A_782 = arith.andi %squeeze3A_780, %and3A_781 : i32
      %broadcast_in_dim3A_783 = arith.constant 3 : i32
      %broadcast_in_dim3A_784 = vector.broadcast %broadcast_in_dim3A_783 : i32 to vector<16xi32>
      %broadcast_in_dim3A_785 = vector.broadcast %and3A_782 : i32 to vector<16xi32>
      %broadcast_in_dim3A_786 = vector.broadcast %add3A_763 : i32 to vector<16xi32>
      %gather3A_787 = tpu.vector_load_idx %arg10[%broadcast_in_dim3A_784, %iota3A, %broadcast_in_dim3A_785] : memref<8x32x128xf32, #tpu.memory_space<vmem>>[vector<16xi32>, vector<16xi32>, vector<16xi32>], vector<16xf32>,
      %gather3A_788 = tpu.vector_load_idx %arg10[%broadcast_in_dim3A_784, %add3A_5, %broadcast_in_dim3A_785] : memref<8x32x128xf32, #tpu.memory_space<vmem>>[vector<16xi32>, vector<16xi32>, vector<16xi32>], vector<16xf32>,
      tpu.vector_store_idx %arg12[%iota3A, %broadcast_in_dim3A_786], %gather3A_787 : memref<32x512xf32, #tpu.memory_space<vmem>>[vector<16xi32>, vector<16xi32>], vector<16xf32>,
      tpu.vector_store_idx %arg12[%add3A_5, %broadcast_in_dim3A_786], %gather3A_788 : memref<32x512xf32, #tpu.memory_space<vmem>>[vector<16xi32>, vector<16xi32>], vector<16xf32>,
      %slice3A_789 = vector.extract_strided_slice %get3A_466 {offsets = [11], sizes = [1], strides = [1]} : vector<16xi32> to vector<1xi32>
      %squeeze3A_790 = vector.extract %slice3A_789[0] : i32 from vector<1xi32>
      %shift_right_logical3A_791 = arith.constant 7 : i32
      %shift_right_logical3A_792 = arith.shrui %squeeze3A_790, %shift_right_logical3A_791 : i32
      %mul3A_793 = arith.constant 128 : i32
      %mul3A_794 = arith.muli %shift_right_logical3A_792, %mul3A_793 : i32
      %multiple_of3A_795 = tpu.assume_multiple %mul3A_794, 128 : i32
      %dma_start3A_796 = arith.constant 3 : i32
      %dma_start3A_797 = arith.constant 0 : i32
      %dma_start3A_798 = arith.constant 0 : i32
      %dma_start3A_799 = tpu.memref_slice %arg10[%dma_start3A_796, %dma_start3A_797, %dma_start3A_798] : memref<8x32x128xf32, #tpu.memory_space<vmem>> -> memref<1x32x128xf32, #tpu.memory_space<vmem>>
      %dma_start3A_800 = tpu.memref_squeeze %dma_start3A_799 : memref<1x32x128xf32, #tpu.memory_space<vmem>> -> memref<32x128xf32, #tpu.memory_space<vmem>>
      %dma_start3A_801 = arith.constant 0 : i32
      %dma_start3A_802 = tpu.memref_slice %arg4[%dma_start3A_801, %multiple_of3A_795] : memref<32x1000000xf32, #tpu.memory_space<hbm>> -> memref<32x128xf32, #tpu.memory_space<hbm>>
      %dma_start3A_803 = arith.constant 0 : i32
      %dma_start3A_804 = arith.constant 0 : i32
      %dma_start3A_805 = tpu.memref_slice %arg10[%dma_start3A_796, %dma_start3A_803, %dma_start3A_804] : memref<8x32x128xf32, #tpu.memory_space<vmem>> -> memref<1x32x128xf32, #tpu.memory_space<vmem>>
      %dma_start3A_806 = tpu.memref_squeeze %dma_start3A_805 : memref<1x32x128xf32, #tpu.memory_space<vmem>> -> memref<32x128xf32, #tpu.memory_space<vmem>>
      %dma_start3A_807 = arith.constant 0 : i32
      %dma_start3A_808 = tpu.memref_slice %arg4[%dma_start3A_807, %multiple_of3A_795] : memref<32x1000000xf32, #tpu.memory_space<hbm>> -> memref<32x128xf32, #tpu.memory_space<hbm>>
      tpu.enqueue_dma source(%dma_start3A_808 : memref<32x128xf32, #tpu.memory_space<hbm>>) target(%dma_start3A_806 : memref<32x128xf32, #tpu.memory_space<vmem>>) target_semaphore(%arg16 : memref<!tpu.dma_semaphore, #tpu.memory_space<semaphore_mem>>)
      %dma_wait3A_809 = arith.constant 3 : i32
      %dma_wait3A_810 = arith.constant 0 : i32
      %dma_wait3A_811 = arith.constant 0 : i32
      %dma_wait3A_812 = tpu.memref_slice %arg11[%dma_wait3A_809, %dma_wait3A_810, %dma_wait3A_811] : memref<8x32x128xf32, #tpu.memory_space<vmem>> -> memref<1x32x128xf32, #tpu.memory_space<vmem>>
      %dma_wait3A_813 = tpu.memref_squeeze %dma_wait3A_812 : memref<1x32x128xf32, #tpu.memory_space<vmem>> -> memref<32x128xf32, #tpu.memory_space<vmem>>
      %dma_wait3A_814 = arith.constant 0 : i32
      %dma_wait3A_815 = arith.constant 0 : i32
      %dma_wait3A_816 = tpu.memref_slice %arg5[%dma_wait3A_814, %dma_wait3A_815] : memref<32x1000000xf32, #tpu.memory_space<hbm>> -> memref<32x128xf32, #tpu.memory_space<hbm>>
      %dma_wait3A_817 = arith.constant 0 : i32
      %dma_wait3A_818 = arith.constant 0 : i32
      %dma_wait3A_819 = tpu.memref_slice %arg11[%dma_wait3A_809, %dma_wait3A_817, %dma_wait3A_818] : memref<8x32x128xf32, #tpu.memory_space<vmem>> -> memref<1x32x128xf32, #tpu.memory_space<vmem>>
      %dma_wait3A_820 = tpu.memref_squeeze %dma_wait3A_819 : memref<1x32x128xf32, #tpu.memory_space<vmem>> -> memref<32x128xf32, #tpu.memory_space<vmem>>
      %dma_wait3A_821 = arith.constant 0 : i32
      %dma_wait3A_822 = arith.constant 0 : i32
      %dma_wait3A_823 = tpu.memref_slice %arg5[%dma_wait3A_821, %dma_wait3A_822] : memref<32x1000000xf32, #tpu.memory_space<hbm>> -> memref<32x128xf32, #tpu.memory_space<hbm>>
      tpu.wait_dma2 semaphore(%arg17 : memref<!tpu.dma_semaphore, #tpu.memory_space<semaphore_mem>>) src(%dma_wait3A_823 : memref<32x128xf32, #tpu.memory_space<hbm>>) dst(%dma_wait3A_820 : memref<32x128xf32, #tpu.memory_space<vmem>>)
      %slice3A_824 = vector.extract_strided_slice %get3A_470 {offsets = [3], sizes = [1], strides = [1]} : vector<16xi32> to vector<1xi32>
      %squeeze3A_825 = vector.extract %slice3A_824[0] : i32 from vector<1xi32>
      %and3A_826 = arith.constant 127 : i32
      %and3A_827 = arith.andi %squeeze3A_825, %and3A_826 : i32
      %broadcast_in_dim3A_828 = arith.constant 3 : i32
      %broadcast_in_dim3A_829 = vector.broadcast %broadcast_in_dim3A_828 : i32 to vector<16xi32>
      %broadcast_in_dim3A_830 = vector.broadcast %and3A_827 : i32 to vector<16xi32>
      %broadcast_in_dim3A_831 = vector.broadcast %add3A_763 : i32 to vector<16xi32>
      %gather3A_832 = tpu.vector_load_idx %arg11[%broadcast_in_dim3A_829, %iota3A, %broadcast_in_dim3A_830] : memref<8x32x128xf32, #tpu.memory_space<vmem>>[vector<16xi32>, vector<16xi32>, vector<16xi32>], vector<16xf32>,
      %gather3A_833 = tpu.vector_load_idx %arg11[%broadcast_in_dim3A_829, %add3A_5, %broadcast_in_dim3A_830] : memref<8x32x128xf32, #tpu.memory_space<vmem>>[vector<16xi32>, vector<16xi32>, vector<16xi32>], vector<16xf32>,
      tpu.vector_store_idx %arg13[%iota3A, %broadcast_in_dim3A_831], %gather3A_832 : memref<32x512xf32, #tpu.memory_space<vmem>>[vector<16xi32>, vector<16xi32>], vector<16xf32>,
      tpu.vector_store_idx %arg13[%add3A_5, %broadcast_in_dim3A_831], %gather3A_833 : memref<32x512xf32, #tpu.memory_space<vmem>>[vector<16xi32>, vector<16xi32>], vector<16xf32>,
      %slice3A_834 = vector.extract_strided_slice %get3A_470 {offsets = [11], sizes = [1], strides = [1]} : vector<16xi32> to vector<1xi32>
      %squeeze3A_835 = vector.extract %slice3A_834[0] : i32 from vector<1xi32>
      %shift_right_logical3A_836 = arith.constant 7 : i32
      %shift_right_logical3A_837 = arith.shrui %squeeze3A_835, %shift_right_logical3A_836 : i32
      %mul3A_838 = arith.constant 128 : i32
      %mul3A_839 = arith.muli %shift_right_logical3A_837, %mul3A_838 : i32
      %multiple_of3A_840 = tpu.assume_multiple %mul3A_839, 128 : i32
      %dma_start3A_841 = arith.constant 3 : i32
      %dma_start3A_842 = arith.constant 0 : i32
      %dma_start3A_843 = arith.constant 0 : i32
      %dma_start3A_844 = tpu.memref_slice %arg11[%dma_start3A_841, %dma_start3A_842, %dma_start3A_843] : memref<8x32x128xf32, #tpu.memory_space<vmem>> -> memref<1x32x128xf32, #tpu.memory_space<vmem>>
      %dma_start3A_845 = tpu.memref_squeeze %dma_start3A_844 : memref<1x32x128xf32, #tpu.memory_space<vmem>> -> memref<32x128xf32, #tpu.memory_space<vmem>>
      %dma_start3A_846 = arith.constant 0 : i32
      %dma_start3A_847 = tpu.memref_slice %arg5[%dma_start3A_846, %multiple_of3A_840] : memref<32x1000000xf32, #tpu.memory_space<hbm>> -> memref<32x128xf32, #tpu.memory_space<hbm>>
      %dma_start3A_848 = arith.constant 0 : i32
      %dma_start3A_849 = arith.constant 0 : i32
      %dma_start3A_850 = tpu.memref_slice %arg11[%dma_start3A_841, %dma_start3A_848, %dma_start3A_849] : memref<8x32x128xf32, #tpu.memory_space<vmem>> -> memref<1x32x128xf32, #tpu.memory_space<vmem>>
      %dma_start3A_851 = tpu.memref_squeeze %dma_start3A_850 : memref<1x32x128xf32, #tpu.memory_space<vmem>> -> memref<32x128xf32, #tpu.memory_space<vmem>>
      %dma_start3A_852 = arith.constant 0 : i32
      %dma_start3A_853 = tpu.memref_slice %arg5[%dma_start3A_852, %multiple_of3A_840] : memref<32x1000000xf32, #tpu.memory_space<hbm>> -> memref<32x128xf32, #tpu.memory_space<hbm>>
      tpu.enqueue_dma source(%dma_start3A_853 : memref<32x128xf32, #tpu.memory_space<hbm>>) target(%dma_start3A_851 : memref<32x128xf32, #tpu.memory_space<vmem>>) target_semaphore(%arg17 : memref<!tpu.dma_semaphore, #tpu.memory_space<semaphore_mem>>)
      %mul3A_854 = arith.constant 16 : i32
      %mul3A_855 = arith.muli %scan3A_462, %mul3A_854 : i32
      %add3A_856 = arith.constant 4 : i32
      %add3A_857 = arith.addi %mul3A_855, %add3A_856 : i32
      %dma_wait3A_858 = arith.constant 4 : i32
      %dma_wait3A_859 = arith.constant 0 : i32
      %dma_wait3A_860 = arith.constant 0 : i32
      %dma_wait3A_861 = tpu.memref_slice %arg10[%dma_wait3A_858, %dma_wait3A_859, %dma_wait3A_860] : memref<8x32x128xf32, #tpu.memory_space<vmem>> -> memref<1x32x128xf32, #tpu.memory_space<vmem>>
      %dma_wait3A_862 = tpu.memref_squeeze %dma_wait3A_861 : memref<1x32x128xf32, #tpu.memory_space<vmem>> -> memref<32x128xf32, #tpu.memory_space<vmem>>
      %dma_wait3A_863 = arith.constant 0 : i32
      %dma_wait3A_864 = arith.constant 0 : i32
      %dma_wait3A_865 = tpu.memref_slice %arg4[%dma_wait3A_863, %dma_wait3A_864] : memref<32x1000000xf32, #tpu.memory_space<hbm>> -> memref<32x128xf32, #tpu.memory_space<hbm>>
      %dma_wait3A_866 = arith.constant 0 : i32
      %dma_wait3A_867 = arith.constant 0 : i32
      %dma_wait3A_868 = tpu.memref_slice %arg10[%dma_wait3A_858, %dma_wait3A_866, %dma_wait3A_867] : memref<8x32x128xf32, #tpu.memory_space<vmem>> -> memref<1x32x128xf32, #tpu.memory_space<vmem>>
      %dma_wait3A_869 = tpu.memref_squeeze %dma_wait3A_868 : memref<1x32x128xf32, #tpu.memory_space<vmem>> -> memref<32x128xf32, #tpu.memory_space<vmem>>
      %dma_wait3A_870 = arith.constant 0 : i32
      %dma_wait3A_871 = arith.constant 0 : i32
      %dma_wait3A_872 = tpu.memref_slice %arg4[%dma_wait3A_870, %dma_wait3A_871] : memref<32x1000000xf32, #tpu.memory_space<hbm>> -> memref<32x128xf32, #tpu.memory_space<hbm>>
      tpu.wait_dma2 semaphore(%arg16 : memref<!tpu.dma_semaphore, #tpu.memory_space<semaphore_mem>>) src(%dma_wait3A_872 : memref<32x128xf32, #tpu.memory_space<hbm>>) dst(%dma_wait3A_869 : memref<32x128xf32, #tpu.memory_space<vmem>>)
      %slice3A_873 = vector.extract_strided_slice %get3A_466 {offsets = [4], sizes = [1], strides = [1]} : vector<16xi32> to vector<1xi32>
      %squeeze3A_874 = vector.extract %slice3A_873[0] : i32 from vector<1xi32>
      %and3A_875 = arith.constant 127 : i32
      %and3A_876 = arith.andi %squeeze3A_874, %and3A_875 : i32
      %broadcast_in_dim3A_877 = arith.constant 4 : i32
      %broadcast_in_dim3A_878 = vector.broadcast %broadcast_in_dim3A_877 : i32 to vector<16xi32>
      %broadcast_in_dim3A_879 = vector.broadcast %and3A_876 : i32 to vector<16xi32>
      %broadcast_in_dim3A_880 = vector.broadcast %add3A_857 : i32 to vector<16xi32>
      %gather3A_881 = tpu.vector_load_idx %arg10[%broadcast_in_dim3A_878, %iota3A, %broadcast_in_dim3A_879] : memref<8x32x128xf32, #tpu.memory_space<vmem>>[vector<16xi32>, vector<16xi32>, vector<16xi32>], vector<16xf32>,
      %gather3A_882 = tpu.vector_load_idx %arg10[%broadcast_in_dim3A_878, %add3A_5, %broadcast_in_dim3A_879] : memref<8x32x128xf32, #tpu.memory_space<vmem>>[vector<16xi32>, vector<16xi32>, vector<16xi32>], vector<16xf32>,
      tpu.vector_store_idx %arg12[%iota3A, %broadcast_in_dim3A_880], %gather3A_881 : memref<32x512xf32, #tpu.memory_space<vmem>>[vector<16xi32>, vector<16xi32>], vector<16xf32>,
      tpu.vector_store_idx %arg12[%add3A_5, %broadcast_in_dim3A_880], %gather3A_882 : memref<32x512xf32, #tpu.memory_space<vmem>>[vector<16xi32>, vector<16xi32>], vector<16xf32>,
      %slice3A_883 = vector.extract_strided_slice %get3A_466 {offsets = [12], sizes = [1], strides = [1]} : vector<16xi32> to vector<1xi32>
      %squeeze3A_884 = vector.extract %slice3A_883[0] : i32 from vector<1xi32>
      %shift_right_logical3A_885 = arith.constant 7 : i32
      %shift_right_logical3A_886 = arith.shrui %squeeze3A_884, %shift_right_logical3A_885 : i32
      %mul3A_887 = arith.constant 128 : i32
      %mul3A_888 = arith.muli %shift_right_logical3A_886, %mul3A_887 : i32
      %multiple_of3A_889 = tpu.assume_multiple %mul3A_888, 128 : i32
      %dma_start3A_890 = arith.constant 4 : i32
      %dma_start3A_891 = arith.constant 0 : i32
      %dma_start3A_892 = arith.constant 0 : i32
      %dma_start3A_893 = tpu.memref_slice %arg10[%dma_start3A_890, %dma_start3A_891, %dma_start3A_892] : memref<8x32x128xf32, #tpu.memory_space<vmem>> -> memref<1x32x128xf32, #tpu.memory_space<vmem>>
      %dma_start3A_894 = tpu.memref_squeeze %dma_start3A_893 : memref<1x32x128xf32, #tpu.memory_space<vmem>> -> memref<32x128xf32, #tpu.memory_space<vmem>>
      %dma_start3A_895 = arith.constant 0 : i32
      %dma_start3A_896 = tpu.memref_slice %arg4[%dma_start3A_895, %multiple_of3A_889] : memref<32x1000000xf32, #tpu.memory_space<hbm>> -> memref<32x128xf32, #tpu.memory_space<hbm>>
      %dma_start3A_897 = arith.constant 0 : i32
      %dma_start3A_898 = arith.constant 0 : i32
      %dma_start3A_899 = tpu.memref_slice %arg10[%dma_start3A_890, %dma_start3A_897, %dma_start3A_898] : memref<8x32x128xf32, #tpu.memory_space<vmem>> -> memref<1x32x128xf32, #tpu.memory_space<vmem>>
      %dma_start3A_900 = tpu.memref_squeeze %dma_start3A_899 : memref<1x32x128xf32, #tpu.memory_space<vmem>> -> memref<32x128xf32, #tpu.memory_space<vmem>>
      %dma_start3A_901 = arith.constant 0 : i32
      %dma_start3A_902 = tpu.memref_slice %arg4[%dma_start3A_901, %multiple_of3A_889] : memref<32x1000000xf32, #tpu.memory_space<hbm>> -> memref<32x128xf32, #tpu.memory_space<hbm>>
      tpu.enqueue_dma source(%dma_start3A_902 : memref<32x128xf32, #tpu.memory_space<hbm>>) target(%dma_start3A_900 : memref<32x128xf32, #tpu.memory_space<vmem>>) target_semaphore(%arg16 : memref<!tpu.dma_semaphore, #tpu.memory_space<semaphore_mem>>)
      %dma_wait3A_903 = arith.constant 4 : i32
      %dma_wait3A_904 = arith.constant 0 : i32
      %dma_wait3A_905 = arith.constant 0 : i32
      %dma_wait3A_906 = tpu.memref_slice %arg11[%dma_wait3A_903, %dma_wait3A_904, %dma_wait3A_905] : memref<8x32x128xf32, #tpu.memory_space<vmem>> -> memref<1x32x128xf32, #tpu.memory_space<vmem>>
      %dma_wait3A_907 = tpu.memref_squeeze %dma_wait3A_906 : memref<1x32x128xf32, #tpu.memory_space<vmem>> -> memref<32x128xf32, #tpu.memory_space<vmem>>
      %dma_wait3A_908 = arith.constant 0 : i32
      %dma_wait3A_909 = arith.constant 0 : i32
      %dma_wait3A_910 = tpu.memref_slice %arg5[%dma_wait3A_908, %dma_wait3A_909] : memref<32x1000000xf32, #tpu.memory_space<hbm>> -> memref<32x128xf32, #tpu.memory_space<hbm>>
      %dma_wait3A_911 = arith.constant 0 : i32
      %dma_wait3A_912 = arith.constant 0 : i32
      %dma_wait3A_913 = tpu.memref_slice %arg11[%dma_wait3A_903, %dma_wait3A_911, %dma_wait3A_912] : memref<8x32x128xf32, #tpu.memory_space<vmem>> -> memref<1x32x128xf32, #tpu.memory_space<vmem>>
      %dma_wait3A_914 = tpu.memref_squeeze %dma_wait3A_913 : memref<1x32x128xf32, #tpu.memory_space<vmem>> -> memref<32x128xf32, #tpu.memory_space<vmem>>
      %dma_wait3A_915 = arith.constant 0 : i32
      %dma_wait3A_916 = arith.constant 0 : i32
      %dma_wait3A_917 = tpu.memref_slice %arg5[%dma_wait3A_915, %dma_wait3A_916] : memref<32x1000000xf32, #tpu.memory_space<hbm>> -> memref<32x128xf32, #tpu.memory_space<hbm>>
      tpu.wait_dma2 semaphore(%arg17 : memref<!tpu.dma_semaphore, #tpu.memory_space<semaphore_mem>>) src(%dma_wait3A_917 : memref<32x128xf32, #tpu.memory_space<hbm>>) dst(%dma_wait3A_914 : memref<32x128xf32, #tpu.memory_space<vmem>>)
      %slice3A_918 = vector.extract_strided_slice %get3A_470 {offsets = [4], sizes = [1], strides = [1]} : vector<16xi32> to vector<1xi32>
      %squeeze3A_919 = vector.extract %slice3A_918[0] : i32 from vector<1xi32>
      %and3A_920 = arith.constant 127 : i32
      %and3A_921 = arith.andi %squeeze3A_919, %and3A_920 : i32
      %broadcast_in_dim3A_922 = arith.constant 4 : i32
      %broadcast_in_dim3A_923 = vector.broadcast %broadcast_in_dim3A_922 : i32 to vector<16xi32>
      %broadcast_in_dim3A_924 = vector.broadcast %and3A_921 : i32 to vector<16xi32>
      %broadcast_in_dim3A_925 = vector.broadcast %add3A_857 : i32 to vector<16xi32>
      %gather3A_926 = tpu.vector_load_idx %arg11[%broadcast_in_dim3A_923, %iota3A, %broadcast_in_dim3A_924] : memref<8x32x128xf32, #tpu.memory_space<vmem>>[vector<16xi32>, vector<16xi32>, vector<16xi32>], vector<16xf32>,
      %gather3A_927 = tpu.vector_load_idx %arg11[%broadcast_in_dim3A_923, %add3A_5, %broadcast_in_dim3A_924] : memref<8x32x128xf32, #tpu.memory_space<vmem>>[vector<16xi32>, vector<16xi32>, vector<16xi32>], vector<16xf32>,
      tpu.vector_store_idx %arg13[%iota3A, %broadcast_in_dim3A_925], %gather3A_926 : memref<32x512xf32, #tpu.memory_space<vmem>>[vector<16xi32>, vector<16xi32>], vector<16xf32>,
      tpu.vector_store_idx %arg13[%add3A_5, %broadcast_in_dim3A_925], %gather3A_927 : memref<32x512xf32, #tpu.memory_space<vmem>>[vector<16xi32>, vector<16xi32>], vector<16xf32>,
      %slice3A_928 = vector.extract_strided_slice %get3A_470 {offsets = [12], sizes = [1], strides = [1]} : vector<16xi32> to vector<1xi32>
      %squeeze3A_929 = vector.extract %slice3A_928[0] : i32 from vector<1xi32>
      %shift_right_logical3A_930 = arith.constant 7 : i32
      %shift_right_logical3A_931 = arith.shrui %squeeze3A_929, %shift_right_logical3A_930 : i32
      %mul3A_932 = arith.constant 128 : i32
      %mul3A_933 = arith.muli %shift_right_logical3A_931, %mul3A_932 : i32
      %multiple_of3A_934 = tpu.assume_multiple %mul3A_933, 128 : i32
      %dma_start3A_935 = arith.constant 4 : i32
      %dma_start3A_936 = arith.constant 0 : i32
      %dma_start3A_937 = arith.constant 0 : i32
      %dma_start3A_938 = tpu.memref_slice %arg11[%dma_start3A_935, %dma_start3A_936, %dma_start3A_937] : memref<8x32x128xf32, #tpu.memory_space<vmem>> -> memref<1x32x128xf32, #tpu.memory_space<vmem>>
      %dma_start3A_939 = tpu.memref_squeeze %dma_start3A_938 : memref<1x32x128xf32, #tpu.memory_space<vmem>> -> memref<32x128xf32, #tpu.memory_space<vmem>>
      %dma_start3A_940 = arith.constant 0 : i32
      %dma_start3A_941 = tpu.memref_slice %arg5[%dma_start3A_940, %multiple_of3A_934] : memref<32x1000000xf32, #tpu.memory_space<hbm>> -> memref<32x128xf32, #tpu.memory_space<hbm>>
      %dma_start3A_942 = arith.constant 0 : i32
      %dma_start3A_943 = arith.constant 0 : i32
      %dma_start3A_944 = tpu.memref_slice %arg11[%dma_start3A_935, %dma_start3A_942, %dma_start3A_943] : memref<8x32x128xf32, #tpu.memory_space<vmem>> -> memref<1x32x128xf32, #tpu.memory_space<vmem>>
      %dma_start3A_945 = tpu.memref_squeeze %dma_start3A_944 : memref<1x32x128xf32, #tpu.memory_space<vmem>> -> memref<32x128xf32, #tpu.memory_space<vmem>>
      %dma_start3A_946 = arith.constant 0 : i32
      %dma_start3A_947 = tpu.memref_slice %arg5[%dma_start3A_946, %multiple_of3A_934] : memref<32x1000000xf32, #tpu.memory_space<hbm>> -> memref<32x128xf32, #tpu.memory_space<hbm>>
      tpu.enqueue_dma source(%dma_start3A_947 : memref<32x128xf32, #tpu.memory_space<hbm>>) target(%dma_start3A_945 : memref<32x128xf32, #tpu.memory_space<vmem>>) target_semaphore(%arg17 : memref<!tpu.dma_semaphore, #tpu.memory_space<semaphore_mem>>)
      %mul3A_948 = arith.constant 16 : i32
      %mul3A_949 = arith.muli %scan3A_462, %mul3A_948 : i32
      %add3A_950 = arith.constant 5 : i32
      %add3A_951 = arith.addi %mul3A_949, %add3A_950 : i32
      %dma_wait3A_952 = arith.constant 5 : i32
      %dma_wait3A_953 = arith.constant 0 : i32
      %dma_wait3A_954 = arith.constant 0 : i32
      %dma_wait3A_955 = tpu.memref_slice %arg10[%dma_wait3A_952, %dma_wait3A_953, %dma_wait3A_954] : memref<8x32x128xf32, #tpu.memory_space<vmem>> -> memref<1x32x128xf32, #tpu.memory_space<vmem>>
      %dma_wait3A_956 = tpu.memref_squeeze %dma_wait3A_955 : memref<1x32x128xf32, #tpu.memory_space<vmem>> -> memref<32x128xf32, #tpu.memory_space<vmem>>
      %dma_wait3A_957 = arith.constant 0 : i32
      %dma_wait3A_958 = arith.constant 0 : i32
      %dma_wait3A_959 = tpu.memref_slice %arg4[%dma_wait3A_957, %dma_wait3A_958] : memref<32x1000000xf32, #tpu.memory_space<hbm>> -> memref<32x128xf32, #tpu.memory_space<hbm>>
      %dma_wait3A_960 = arith.constant 0 : i32
      %dma_wait3A_961 = arith.constant 0 : i32
      %dma_wait3A_962 = tpu.memref_slice %arg10[%dma_wait3A_952, %dma_wait3A_960, %dma_wait3A_961] : memref<8x32x128xf32, #tpu.memory_space<vmem>> -> memref<1x32x128xf32, #tpu.memory_space<vmem>>
      %dma_wait3A_963 = tpu.memref_squeeze %dma_wait3A_962 : memref<1x32x128xf32, #tpu.memory_space<vmem>> -> memref<32x128xf32, #tpu.memory_space<vmem>>
      %dma_wait3A_964 = arith.constant 0 : i32
      %dma_wait3A_965 = arith.constant 0 : i32
      %dma_wait3A_966 = tpu.memref_slice %arg4[%dma_wait3A_964, %dma_wait3A_965] : memref<32x1000000xf32, #tpu.memory_space<hbm>> -> memref<32x128xf32, #tpu.memory_space<hbm>>
      tpu.wait_dma2 semaphore(%arg16 : memref<!tpu.dma_semaphore, #tpu.memory_space<semaphore_mem>>) src(%dma_wait3A_966 : memref<32x128xf32, #tpu.memory_space<hbm>>) dst(%dma_wait3A_963 : memref<32x128xf32, #tpu.memory_space<vmem>>)
      %slice3A_967 = vector.extract_strided_slice %get3A_466 {offsets = [5], sizes = [1], strides = [1]} : vector<16xi32> to vector<1xi32>
      %squeeze3A_968 = vector.extract %slice3A_967[0] : i32 from vector<1xi32>
      %and3A_969 = arith.constant 127 : i32
      %and3A_970 = arith.andi %squeeze3A_968, %and3A_969 : i32
      %broadcast_in_dim3A_971 = arith.constant 5 : i32
      %broadcast_in_dim3A_972 = vector.broadcast %broadcast_in_dim3A_971 : i32 to vector<16xi32>
      %broadcast_in_dim3A_973 = vector.broadcast %and3A_970 : i32 to vector<16xi32>
      %broadcast_in_dim3A_974 = vector.broadcast %add3A_951 : i32 to vector<16xi32>
      %gather3A_975 = tpu.vector_load_idx %arg10[%broadcast_in_dim3A_972, %iota3A, %broadcast_in_dim3A_973] : memref<8x32x128xf32, #tpu.memory_space<vmem>>[vector<16xi32>, vector<16xi32>, vector<16xi32>], vector<16xf32>,
      %gather3A_976 = tpu.vector_load_idx %arg10[%broadcast_in_dim3A_972, %add3A_5, %broadcast_in_dim3A_973] : memref<8x32x128xf32, #tpu.memory_space<vmem>>[vector<16xi32>, vector<16xi32>, vector<16xi32>], vector<16xf32>,
      tpu.vector_store_idx %arg12[%iota3A, %broadcast_in_dim3A_974], %gather3A_975 : memref<32x512xf32, #tpu.memory_space<vmem>>[vector<16xi32>, vector<16xi32>], vector<16xf32>,
      tpu.vector_store_idx %arg12[%add3A_5, %broadcast_in_dim3A_974], %gather3A_976 : memref<32x512xf32, #tpu.memory_space<vmem>>[vector<16xi32>, vector<16xi32>], vector<16xf32>,
      %slice3A_977 = vector.extract_strided_slice %get3A_466 {offsets = [13], sizes = [1], strides = [1]} : vector<16xi32> to vector<1xi32>
      %squeeze3A_978 = vector.extract %slice3A_977[0] : i32 from vector<1xi32>
      %shift_right_logical3A_979 = arith.constant 7 : i32
      %shift_right_logical3A_980 = arith.shrui %squeeze3A_978, %shift_right_logical3A_979 : i32
      %mul3A_981 = arith.constant 128 : i32
      %mul3A_982 = arith.muli %shift_right_logical3A_980, %mul3A_981 : i32
      %multiple_of3A_983 = tpu.assume_multiple %mul3A_982, 128 : i32
      %dma_start3A_984 = arith.constant 5 : i32
      %dma_start3A_985 = arith.constant 0 : i32
      %dma_start3A_986 = arith.constant 0 : i32
      %dma_start3A_987 = tpu.memref_slice %arg10[%dma_start3A_984, %dma_start3A_985, %dma_start3A_986] : memref<8x32x128xf32, #tpu.memory_space<vmem>> -> memref<1x32x128xf32, #tpu.memory_space<vmem>>
      %dma_start3A_988 = tpu.memref_squeeze %dma_start3A_987 : memref<1x32x128xf32, #tpu.memory_space<vmem>> -> memref<32x128xf32, #tpu.memory_space<vmem>>
      %dma_start3A_989 = arith.constant 0 : i32
      %dma_start3A_990 = tpu.memref_slice %arg4[%dma_start3A_989, %multiple_of3A_983] : memref<32x1000000xf32, #tpu.memory_space<hbm>> -> memref<32x128xf32, #tpu.memory_space<hbm>>
      %dma_start3A_991 = arith.constant 0 : i32
      %dma_start3A_992 = arith.constant 0 : i32
      %dma_start3A_993 = tpu.memref_slice %arg10[%dma_start3A_984, %dma_start3A_991, %dma_start3A_992] : memref<8x32x128xf32, #tpu.memory_space<vmem>> -> memref<1x32x128xf32, #tpu.memory_space<vmem>>
      %dma_start3A_994 = tpu.memref_squeeze %dma_start3A_993 : memref<1x32x128xf32, #tpu.memory_space<vmem>> -> memref<32x128xf32, #tpu.memory_space<vmem>>
      %dma_start3A_995 = arith.constant 0 : i32
      %dma_start3A_996 = tpu.memref_slice %arg4[%dma_start3A_995, %multiple_of3A_983] : memref<32x1000000xf32, #tpu.memory_space<hbm>> -> memref<32x128xf32, #tpu.memory_space<hbm>>
      tpu.enqueue_dma source(%dma_start3A_996 : memref<32x128xf32, #tpu.memory_space<hbm>>) target(%dma_start3A_994 : memref<32x128xf32, #tpu.memory_space<vmem>>) target_semaphore(%arg16 : memref<!tpu.dma_semaphore, #tpu.memory_space<semaphore_mem>>)
      %dma_wait3A_997 = arith.constant 5 : i32
      %dma_wait3A_998 = arith.constant 0 : i32
      %dma_wait3A_999 = arith.constant 0 : i32
      %dma_wait3A_1000 = tpu.memref_slice %arg11[%dma_wait3A_997, %dma_wait3A_998, %dma_wait3A_999] : memref<8x32x128xf32, #tpu.memory_space<vmem>> -> memref<1x32x128xf32, #tpu.memory_space<vmem>>
      %dma_wait3A_1001 = tpu.memref_squeeze %dma_wait3A_1000 : memref<1x32x128xf32, #tpu.memory_space<vmem>> -> memref<32x128xf32, #tpu.memory_space<vmem>>
      %dma_wait3A_1002 = arith.constant 0 : i32
      %dma_wait3A_1003 = arith.constant 0 : i32
      %dma_wait3A_1004 = tpu.memref_slice %arg5[%dma_wait3A_1002, %dma_wait3A_1003] : memref<32x1000000xf32, #tpu.memory_space<hbm>> -> memref<32x128xf32, #tpu.memory_space<hbm>>
      %dma_wait3A_1005 = arith.constant 0 : i32
      %dma_wait3A_1006 = arith.constant 0 : i32
      %dma_wait3A_1007 = tpu.memref_slice %arg11[%dma_wait3A_997, %dma_wait3A_1005, %dma_wait3A_1006] : memref<8x32x128xf32, #tpu.memory_space<vmem>> -> memref<1x32x128xf32, #tpu.memory_space<vmem>>
      %dma_wait3A_1008 = tpu.memref_squeeze %dma_wait3A_1007 : memref<1x32x128xf32, #tpu.memory_space<vmem>> -> memref<32x128xf32, #tpu.memory_space<vmem>>
      %dma_wait3A_1009 = arith.constant 0 : i32
      %dma_wait3A_1010 = arith.constant 0 : i32
      %dma_wait3A_1011 = tpu.memref_slice %arg5[%dma_wait3A_1009, %dma_wait3A_1010] : memref<32x1000000xf32, #tpu.memory_space<hbm>> -> memref<32x128xf32, #tpu.memory_space<hbm>>
      tpu.wait_dma2 semaphore(%arg17 : memref<!tpu.dma_semaphore, #tpu.memory_space<semaphore_mem>>) src(%dma_wait3A_1011 : memref<32x128xf32, #tpu.memory_space<hbm>>) dst(%dma_wait3A_1008 : memref<32x128xf32, #tpu.memory_space<vmem>>)
      %slice3A_1012 = vector.extract_strided_slice %get3A_470 {offsets = [5], sizes = [1], strides = [1]} : vector<16xi32> to vector<1xi32>
      %squeeze3A_1013 = vector.extract %slice3A_1012[0] : i32 from vector<1xi32>
      %and3A_1014 = arith.constant 127 : i32
      %and3A_1015 = arith.andi %squeeze3A_1013, %and3A_1014 : i32
      %broadcast_in_dim3A_1016 = arith.constant 5 : i32
      %broadcast_in_dim3A_1017 = vector.broadcast %broadcast_in_dim3A_1016 : i32 to vector<16xi32>
      %broadcast_in_dim3A_1018 = vector.broadcast %and3A_1015 : i32 to vector<16xi32>
      %broadcast_in_dim3A_1019 = vector.broadcast %add3A_951 : i32 to vector<16xi32>
      %gather3A_1020 = tpu.vector_load_idx %arg11[%broadcast_in_dim3A_1017, %iota3A, %broadcast_in_dim3A_1018] : memref<8x32x128xf32, #tpu.memory_space<vmem>>[vector<16xi32>, vector<16xi32>, vector<16xi32>], vector<16xf32>,
      %gather3A_1021 = tpu.vector_load_idx %arg11[%broadcast_in_dim3A_1017, %add3A_5, %broadcast_in_dim3A_1018] : memref<8x32x128xf32, #tpu.memory_space<vmem>>[vector<16xi32>, vector<16xi32>, vector<16xi32>], vector<16xf32>,
      tpu.vector_store_idx %arg13[%iota3A, %broadcast_in_dim3A_1019], %gather3A_1020 : memref<32x512xf32, #tpu.memory_space<vmem>>[vector<16xi32>, vector<16xi32>], vector<16xf32>,
      tpu.vector_store_idx %arg13[%add3A_5, %broadcast_in_dim3A_1019], %gather3A_1021 : memref<32x512xf32, #tpu.memory_space<vmem>>[vector<16xi32>, vector<16xi32>], vector<16xf32>,
      %slice3A_1022 = vector.extract_strided_slice %get3A_470 {offsets = [13], sizes = [1], strides = [1]} : vector<16xi32> to vector<1xi32>
      %squeeze3A_1023 = vector.extract %slice3A_1022[0] : i32 from vector<1xi32>
      %shift_right_logical3A_1024 = arith.constant 7 : i32
      %shift_right_logical3A_1025 = arith.shrui %squeeze3A_1023, %shift_right_logical3A_1024 : i32
      %mul3A_1026 = arith.constant 128 : i32
      %mul3A_1027 = arith.muli %shift_right_logical3A_1025, %mul3A_1026 : i32
      %multiple_of3A_1028 = tpu.assume_multiple %mul3A_1027, 128 : i32
      %dma_start3A_1029 = arith.constant 5 : i32
      %dma_start3A_1030 = arith.constant 0 : i32
      %dma_start3A_1031 = arith.constant 0 : i32
      %dma_start3A_1032 = tpu.memref_slice %arg11[%dma_start3A_1029, %dma_start3A_1030, %dma_start3A_1031] : memref<8x32x128xf32, #tpu.memory_space<vmem>> -> memref<1x32x128xf32, #tpu.memory_space<vmem>>
      %dma_start3A_1033 = tpu.memref_squeeze %dma_start3A_1032 : memref<1x32x128xf32, #tpu.memory_space<vmem>> -> memref<32x128xf32, #tpu.memory_space<vmem>>
      %dma_start3A_1034 = arith.constant 0 : i32
      %dma_start3A_1035 = tpu.memref_slice %arg5[%dma_start3A_1034, %multiple_of3A_1028] : memref<32x1000000xf32, #tpu.memory_space<hbm>> -> memref<32x128xf32, #tpu.memory_space<hbm>>
      %dma_start3A_1036 = arith.constant 0 : i32
      %dma_start3A_1037 = arith.constant 0 : i32
      %dma_start3A_1038 = tpu.memref_slice %arg11[%dma_start3A_1029, %dma_start3A_1036, %dma_start3A_1037] : memref<8x32x128xf32, #tpu.memory_space<vmem>> -> memref<1x32x128xf32, #tpu.memory_space<vmem>>
      %dma_start3A_1039 = tpu.memref_squeeze %dma_start3A_1038 : memref<1x32x128xf32, #tpu.memory_space<vmem>> -> memref<32x128xf32, #tpu.memory_space<vmem>>
      %dma_start3A_1040 = arith.constant 0 : i32
      %dma_start3A_1041 = tpu.memref_slice %arg5[%dma_start3A_1040, %multiple_of3A_1028] : memref<32x1000000xf32, #tpu.memory_space<hbm>> -> memref<32x128xf32, #tpu.memory_space<hbm>>
      tpu.enqueue_dma source(%dma_start3A_1041 : memref<32x128xf32, #tpu.memory_space<hbm>>) target(%dma_start3A_1039 : memref<32x128xf32, #tpu.memory_space<vmem>>) target_semaphore(%arg17 : memref<!tpu.dma_semaphore, #tpu.memory_space<semaphore_mem>>)
      %mul3A_1042 = arith.constant 16 : i32
      %mul3A_1043 = arith.muli %scan3A_462, %mul3A_1042 : i32
      %add3A_1044 = arith.constant 6 : i32
      %add3A_1045 = arith.addi %mul3A_1043, %add3A_1044 : i32
      %dma_wait3A_1046 = arith.constant 6 : i32
      %dma_wait3A_1047 = arith.constant 0 : i32
      %dma_wait3A_1048 = arith.constant 0 : i32
      %dma_wait3A_1049 = tpu.memref_slice %arg10[%dma_wait3A_1046, %dma_wait3A_1047, %dma_wait3A_1048] : memref<8x32x128xf32, #tpu.memory_space<vmem>> -> memref<1x32x128xf32, #tpu.memory_space<vmem>>
      %dma_wait3A_1050 = tpu.memref_squeeze %dma_wait3A_1049 : memref<1x32x128xf32, #tpu.memory_space<vmem>> -> memref<32x128xf32, #tpu.memory_space<vmem>>
      %dma_wait3A_1051 = arith.constant 0 : i32
      %dma_wait3A_1052 = arith.constant 0 : i32
      %dma_wait3A_1053 = tpu.memref_slice %arg4[%dma_wait3A_1051, %dma_wait3A_1052] : memref<32x1000000xf32, #tpu.memory_space<hbm>> -> memref<32x128xf32, #tpu.memory_space<hbm>>
      %dma_wait3A_1054 = arith.constant 0 : i32
      %dma_wait3A_1055 = arith.constant 0 : i32
      %dma_wait3A_1056 = tpu.memref_slice %arg10[%dma_wait3A_1046, %dma_wait3A_1054, %dma_wait3A_1055] : memref<8x32x128xf32, #tpu.memory_space<vmem>> -> memref<1x32x128xf32, #tpu.memory_space<vmem>>
      %dma_wait3A_1057 = tpu.memref_squeeze %dma_wait3A_1056 : memref<1x32x128xf32, #tpu.memory_space<vmem>> -> memref<32x128xf32, #tpu.memory_space<vmem>>
      %dma_wait3A_1058 = arith.constant 0 : i32
      %dma_wait3A_1059 = arith.constant 0 : i32
      %dma_wait3A_1060 = tpu.memref_slice %arg4[%dma_wait3A_1058, %dma_wait3A_1059] : memref<32x1000000xf32, #tpu.memory_space<hbm>> -> memref<32x128xf32, #tpu.memory_space<hbm>>
      tpu.wait_dma2 semaphore(%arg16 : memref<!tpu.dma_semaphore, #tpu.memory_space<semaphore_mem>>) src(%dma_wait3A_1060 : memref<32x128xf32, #tpu.memory_space<hbm>>) dst(%dma_wait3A_1057 : memref<32x128xf32, #tpu.memory_space<vmem>>)
      %slice3A_1061 = vector.extract_strided_slice %get3A_466 {offsets = [6], sizes = [1], strides = [1]} : vector<16xi32> to vector<1xi32>
      %squeeze3A_1062 = vector.extract %slice3A_1061[0] : i32 from vector<1xi32>
      %and3A_1063 = arith.constant 127 : i32
      %and3A_1064 = arith.andi %squeeze3A_1062, %and3A_1063 : i32
      %broadcast_in_dim3A_1065 = arith.constant 6 : i32
      %broadcast_in_dim3A_1066 = vector.broadcast %broadcast_in_dim3A_1065 : i32 to vector<16xi32>
      %broadcast_in_dim3A_1067 = vector.broadcast %and3A_1064 : i32 to vector<16xi32>
      %broadcast_in_dim3A_1068 = vector.broadcast %add3A_1045 : i32 to vector<16xi32>
      %gather3A_1069 = tpu.vector_load_idx %arg10[%broadcast_in_dim3A_1066, %iota3A, %broadcast_in_dim3A_1067] : memref<8x32x128xf32, #tpu.memory_space<vmem>>[vector<16xi32>, vector<16xi32>, vector<16xi32>], vector<16xf32>,
      %gather3A_1070 = tpu.vector_load_idx %arg10[%broadcast_in_dim3A_1066, %add3A_5, %broadcast_in_dim3A_1067] : memref<8x32x128xf32, #tpu.memory_space<vmem>>[vector<16xi32>, vector<16xi32>, vector<16xi32>], vector<16xf32>,
      tpu.vector_store_idx %arg12[%iota3A, %broadcast_in_dim3A_1068], %gather3A_1069 : memref<32x512xf32, #tpu.memory_space<vmem>>[vector<16xi32>, vector<16xi32>], vector<16xf32>,
      tpu.vector_store_idx %arg12[%add3A_5, %broadcast_in_dim3A_1068], %gather3A_1070 : memref<32x512xf32, #tpu.memory_space<vmem>>[vector<16xi32>, vector<16xi32>], vector<16xf32>,
      %slice3A_1071 = vector.extract_strided_slice %get3A_466 {offsets = [14], sizes = [1], strides = [1]} : vector<16xi32> to vector<1xi32>
      %squeeze3A_1072 = vector.extract %slice3A_1071[0] : i32 from vector<1xi32>
      %shift_right_logical3A_1073 = arith.constant 7 : i32
      %shift_right_logical3A_1074 = arith.shrui %squeeze3A_1072, %shift_right_logical3A_1073 : i32
      %mul3A_1075 = arith.constant 128 : i32
      %mul3A_1076 = arith.muli %shift_right_logical3A_1074, %mul3A_1075 : i32
      %multiple_of3A_1077 = tpu.assume_multiple %mul3A_1076, 128 : i32
      %dma_start3A_1078 = arith.constant 6 : i32
      %dma_start3A_1079 = arith.constant 0 : i32
      %dma_start3A_1080 = arith.constant 0 : i32
      %dma_start3A_1081 = tpu.memref_slice %arg10[%dma_start3A_1078, %dma_start3A_1079, %dma_start3A_1080] : memref<8x32x128xf32, #tpu.memory_space<vmem>> -> memref<1x32x128xf32, #tpu.memory_space<vmem>>
      %dma_start3A_1082 = tpu.memref_squeeze %dma_start3A_1081 : memref<1x32x128xf32, #tpu.memory_space<vmem>> -> memref<32x128xf32, #tpu.memory_space<vmem>>
      %dma_start3A_1083 = arith.constant 0 : i32
      %dma_start3A_1084 = tpu.memref_slice %arg4[%dma_start3A_1083, %multiple_of3A_1077] : memref<32x1000000xf32, #tpu.memory_space<hbm>> -> memref<32x128xf32, #tpu.memory_space<hbm>>
      %dma_start3A_1085 = arith.constant 0 : i32
      %dma_start3A_1086 = arith.constant 0 : i32
      %dma_start3A_1087 = tpu.memref_slice %arg10[%dma_start3A_1078, %dma_start3A_1085, %dma_start3A_1086] : memref<8x32x128xf32, #tpu.memory_space<vmem>> -> memref<1x32x128xf32, #tpu.memory_space<vmem>>
      %dma_start3A_1088 = tpu.memref_squeeze %dma_start3A_1087 : memref<1x32x128xf32, #tpu.memory_space<vmem>> -> memref<32x128xf32, #tpu.memory_space<vmem>>
      %dma_start3A_1089 = arith.constant 0 : i32
      %dma_start3A_1090 = tpu.memref_slice %arg4[%dma_start3A_1089, %multiple_of3A_1077] : memref<32x1000000xf32, #tpu.memory_space<hbm>> -> memref<32x128xf32, #tpu.memory_space<hbm>>
      tpu.enqueue_dma source(%dma_start3A_1090 : memref<32x128xf32, #tpu.memory_space<hbm>>) target(%dma_start3A_1088 : memref<32x128xf32, #tpu.memory_space<vmem>>) target_semaphore(%arg16 : memref<!tpu.dma_semaphore, #tpu.memory_space<semaphore_mem>>)
      %dma_wait3A_1091 = arith.constant 6 : i32
      %dma_wait3A_1092 = arith.constant 0 : i32
      %dma_wait3A_1093 = arith.constant 0 : i32
      %dma_wait3A_1094 = tpu.memref_slice %arg11[%dma_wait3A_1091, %dma_wait3A_1092, %dma_wait3A_1093] : memref<8x32x128xf32, #tpu.memory_space<vmem>> -> memref<1x32x128xf32, #tpu.memory_space<vmem>>
      %dma_wait3A_1095 = tpu.memref_squeeze %dma_wait3A_1094 : memref<1x32x128xf32, #tpu.memory_space<vmem>> -> memref<32x128xf32, #tpu.memory_space<vmem>>
      %dma_wait3A_1096 = arith.constant 0 : i32
      %dma_wait3A_1097 = arith.constant 0 : i32
      %dma_wait3A_1098 = tpu.memref_slice %arg5[%dma_wait3A_1096, %dma_wait3A_1097] : memref<32x1000000xf32, #tpu.memory_space<hbm>> -> memref<32x128xf32, #tpu.memory_space<hbm>>
      %dma_wait3A_1099 = arith.constant 0 : i32
      %dma_wait3A_1100 = arith.constant 0 : i32
      %dma_wait3A_1101 = tpu.memref_slice %arg11[%dma_wait3A_1091, %dma_wait3A_1099, %dma_wait3A_1100] : memref<8x32x128xf32, #tpu.memory_space<vmem>> -> memref<1x32x128xf32, #tpu.memory_space<vmem>>
      %dma_wait3A_1102 = tpu.memref_squeeze %dma_wait3A_1101 : memref<1x32x128xf32, #tpu.memory_space<vmem>> -> memref<32x128xf32, #tpu.memory_space<vmem>>
      %dma_wait3A_1103 = arith.constant 0 : i32
      %dma_wait3A_1104 = arith.constant 0 : i32
      %dma_wait3A_1105 = tpu.memref_slice %arg5[%dma_wait3A_1103, %dma_wait3A_1104] : memref<32x1000000xf32, #tpu.memory_space<hbm>> -> memref<32x128xf32, #tpu.memory_space<hbm>>
      tpu.wait_dma2 semaphore(%arg17 : memref<!tpu.dma_semaphore, #tpu.memory_space<semaphore_mem>>) src(%dma_wait3A_1105 : memref<32x128xf32, #tpu.memory_space<hbm>>) dst(%dma_wait3A_1102 : memref<32x128xf32, #tpu.memory_space<vmem>>)
      %slice3A_1106 = vector.extract_strided_slice %get3A_470 {offsets = [6], sizes = [1], strides = [1]} : vector<16xi32> to vector<1xi32>
      %squeeze3A_1107 = vector.extract %slice3A_1106[0] : i32 from vector<1xi32>
      %and3A_1108 = arith.constant 127 : i32
      %and3A_1109 = arith.andi %squeeze3A_1107, %and3A_1108 : i32
      %broadcast_in_dim3A_1110 = arith.constant 6 : i32
      %broadcast_in_dim3A_1111 = vector.broadcast %broadcast_in_dim3A_1110 : i32 to vector<16xi32>
      %broadcast_in_dim3A_1112 = vector.broadcast %and3A_1109 : i32 to vector<16xi32>
      %broadcast_in_dim3A_1113 = vector.broadcast %add3A_1045 : i32 to vector<16xi32>
      %gather3A_1114 = tpu.vector_load_idx %arg11[%broadcast_in_dim3A_1111, %iota3A, %broadcast_in_dim3A_1112] : memref<8x32x128xf32, #tpu.memory_space<vmem>>[vector<16xi32>, vector<16xi32>, vector<16xi32>], vector<16xf32>,
      %gather3A_1115 = tpu.vector_load_idx %arg11[%broadcast_in_dim3A_1111, %add3A_5, %broadcast_in_dim3A_1112] : memref<8x32x128xf32, #tpu.memory_space<vmem>>[vector<16xi32>, vector<16xi32>, vector<16xi32>], vector<16xf32>,
      tpu.vector_store_idx %arg13[%iota3A, %broadcast_in_dim3A_1113], %gather3A_1114 : memref<32x512xf32, #tpu.memory_space<vmem>>[vector<16xi32>, vector<16xi32>], vector<16xf32>,
      tpu.vector_store_idx %arg13[%add3A_5, %broadcast_in_dim3A_1113], %gather3A_1115 : memref<32x512xf32, #tpu.memory_space<vmem>>[vector<16xi32>, vector<16xi32>], vector<16xf32>,
      %slice3A_1116 = vector.extract_strided_slice %get3A_470 {offsets = [14], sizes = [1], strides = [1]} : vector<16xi32> to vector<1xi32>
      %squeeze3A_1117 = vector.extract %slice3A_1116[0] : i32 from vector<1xi32>
      %shift_right_logical3A_1118 = arith.constant 7 : i32
      %shift_right_logical3A_1119 = arith.shrui %squeeze3A_1117, %shift_right_logical3A_1118 : i32
      %mul3A_1120 = arith.constant 128 : i32
      %mul3A_1121 = arith.muli %shift_right_logical3A_1119, %mul3A_1120 : i32
      %multiple_of3A_1122 = tpu.assume_multiple %mul3A_1121, 128 : i32
      %dma_start3A_1123 = arith.constant 6 : i32
      %dma_start3A_1124 = arith.constant 0 : i32
      %dma_start3A_1125 = arith.constant 0 : i32
      %dma_start3A_1126 = tpu.memref_slice %arg11[%dma_start3A_1123, %dma_start3A_1124, %dma_start3A_1125] : memref<8x32x128xf32, #tpu.memory_space<vmem>> -> memref<1x32x128xf32, #tpu.memory_space<vmem>>
      %dma_start3A_1127 = tpu.memref_squeeze %dma_start3A_1126 : memref<1x32x128xf32, #tpu.memory_space<vmem>> -> memref<32x128xf32, #tpu.memory_space<vmem>>
      %dma_start3A_1128 = arith.constant 0 : i32
      %dma_start3A_1129 = tpu.memref_slice %arg5[%dma_start3A_1128, %multiple_of3A_1122] : memref<32x1000000xf32, #tpu.memory_space<hbm>> -> memref<32x128xf32, #tpu.memory_space<hbm>>
      %dma_start3A_1130 = arith.constant 0 : i32
      %dma_start3A_1131 = arith.constant 0 : i32
      %dma_start3A_1132 = tpu.memref_slice %arg11[%dma_start3A_1123, %dma_start3A_1130, %dma_start3A_1131] : memref<8x32x128xf32, #tpu.memory_space<vmem>> -> memref<1x32x128xf32, #tpu.memory_space<vmem>>
      %dma_start3A_1133 = tpu.memref_squeeze %dma_start3A_1132 : memref<1x32x128xf32, #tpu.memory_space<vmem>> -> memref<32x128xf32, #tpu.memory_space<vmem>>
      %dma_start3A_1134 = arith.constant 0 : i32
      %dma_start3A_1135 = tpu.memref_slice %arg5[%dma_start3A_1134, %multiple_of3A_1122] : memref<32x1000000xf32, #tpu.memory_space<hbm>> -> memref<32x128xf32, #tpu.memory_space<hbm>>
      tpu.enqueue_dma source(%dma_start3A_1135 : memref<32x128xf32, #tpu.memory_space<hbm>>) target(%dma_start3A_1133 : memref<32x128xf32, #tpu.memory_space<vmem>>) target_semaphore(%arg17 : memref<!tpu.dma_semaphore, #tpu.memory_space<semaphore_mem>>)
      %mul3A_1136 = arith.constant 16 : i32
      %mul3A_1137 = arith.muli %scan3A_462, %mul3A_1136 : i32
      %add3A_1138 = arith.constant 7 : i32
      %add3A_1139 = arith.addi %mul3A_1137, %add3A_1138 : i32
      %dma_wait3A_1140 = arith.constant 7 : i32
      %dma_wait3A_1141 = arith.constant 0 : i32
      %dma_wait3A_1142 = arith.constant 0 : i32
      %dma_wait3A_1143 = tpu.memref_slice %arg10[%dma_wait3A_1140, %dma_wait3A_1141, %dma_wait3A_1142] : memref<8x32x128xf32, #tpu.memory_space<vmem>> -> memref<1x32x128xf32, #tpu.memory_space<vmem>>
      %dma_wait3A_1144 = tpu.memref_squeeze %dma_wait3A_1143 : memref<1x32x128xf32, #tpu.memory_space<vmem>> -> memref<32x128xf32, #tpu.memory_space<vmem>>
      %dma_wait3A_1145 = arith.constant 0 : i32
      %dma_wait3A_1146 = arith.constant 0 : i32
      %dma_wait3A_1147 = tpu.memref_slice %arg4[%dma_wait3A_1145, %dma_wait3A_1146] : memref<32x1000000xf32, #tpu.memory_space<hbm>> -> memref<32x128xf32, #tpu.memory_space<hbm>>
      %dma_wait3A_1148 = arith.constant 0 : i32
      %dma_wait3A_1149 = arith.constant 0 : i32
      %dma_wait3A_1150 = tpu.memref_slice %arg10[%dma_wait3A_1140, %dma_wait3A_1148, %dma_wait3A_1149] : memref<8x32x128xf32, #tpu.memory_space<vmem>> -> memref<1x32x128xf32, #tpu.memory_space<vmem>>
      %dma_wait3A_1151 = tpu.memref_squeeze %dma_wait3A_1150 : memref<1x32x128xf32, #tpu.memory_space<vmem>> -> memref<32x128xf32, #tpu.memory_space<vmem>>
      %dma_wait3A_1152 = arith.constant 0 : i32
      %dma_wait3A_1153 = arith.constant 0 : i32
      %dma_wait3A_1154 = tpu.memref_slice %arg4[%dma_wait3A_1152, %dma_wait3A_1153] : memref<32x1000000xf32, #tpu.memory_space<hbm>> -> memref<32x128xf32, #tpu.memory_space<hbm>>
      tpu.wait_dma2 semaphore(%arg16 : memref<!tpu.dma_semaphore, #tpu.memory_space<semaphore_mem>>) src(%dma_wait3A_1154 : memref<32x128xf32, #tpu.memory_space<hbm>>) dst(%dma_wait3A_1151 : memref<32x128xf32, #tpu.memory_space<vmem>>)
      %slice3A_1155 = vector.extract_strided_slice %get3A_466 {offsets = [7], sizes = [1], strides = [1]} : vector<16xi32> to vector<1xi32>
      %squeeze3A_1156 = vector.extract %slice3A_1155[0] : i32 from vector<1xi32>
      %and3A_1157 = arith.constant 127 : i32
      %and3A_1158 = arith.andi %squeeze3A_1156, %and3A_1157 : i32
      %broadcast_in_dim3A_1159 = arith.constant 7 : i32
      %broadcast_in_dim3A_1160 = vector.broadcast %broadcast_in_dim3A_1159 : i32 to vector<16xi32>
      %broadcast_in_dim3A_1161 = vector.broadcast %and3A_1158 : i32 to vector<16xi32>
      %broadcast_in_dim3A_1162 = vector.broadcast %add3A_1139 : i32 to vector<16xi32>
      %gather3A_1163 = tpu.vector_load_idx %arg10[%broadcast_in_dim3A_1160, %iota3A, %broadcast_in_dim3A_1161] : memref<8x32x128xf32, #tpu.memory_space<vmem>>[vector<16xi32>, vector<16xi32>, vector<16xi32>], vector<16xf32>,
      %gather3A_1164 = tpu.vector_load_idx %arg10[%broadcast_in_dim3A_1160, %add3A_5, %broadcast_in_dim3A_1161] : memref<8x32x128xf32, #tpu.memory_space<vmem>>[vector<16xi32>, vector<16xi32>, vector<16xi32>], vector<16xf32>,
      tpu.vector_store_idx %arg12[%iota3A, %broadcast_in_dim3A_1162], %gather3A_1163 : memref<32x512xf32, #tpu.memory_space<vmem>>[vector<16xi32>, vector<16xi32>], vector<16xf32>,
      tpu.vector_store_idx %arg12[%add3A_5, %broadcast_in_dim3A_1162], %gather3A_1164 : memref<32x512xf32, #tpu.memory_space<vmem>>[vector<16xi32>, vector<16xi32>], vector<16xf32>,
      %slice3A_1165 = vector.extract_strided_slice %get3A_466 {offsets = [15], sizes = [1], strides = [1]} : vector<16xi32> to vector<1xi32>
      %squeeze3A_1166 = vector.extract %slice3A_1165[0] : i32 from vector<1xi32>
      %shift_right_logical3A_1167 = arith.constant 7 : i32
      %shift_right_logical3A_1168 = arith.shrui %squeeze3A_1166, %shift_right_logical3A_1167 : i32
      %mul3A_1169 = arith.constant 128 : i32
      %mul3A_1170 = arith.muli %shift_right_logical3A_1168, %mul3A_1169 : i32
      %multiple_of3A_1171 = tpu.assume_multiple %mul3A_1170, 128 : i32
      %dma_start3A_1172 = arith.constant 7 : i32
      %dma_start3A_1173 = arith.constant 0 : i32
      %dma_start3A_1174 = arith.constant 0 : i32
      %dma_start3A_1175 = tpu.memref_slice %arg10[%dma_start3A_1172, %dma_start3A_1173, %dma_start3A_1174] : memref<8x32x128xf32, #tpu.memory_space<vmem>> -> memref<1x32x128xf32, #tpu.memory_space<vmem>>
      %dma_start3A_1176 = tpu.memref_squeeze %dma_start3A_1175 : memref<1x32x128xf32, #tpu.memory_space<vmem>> -> memref<32x128xf32, #tpu.memory_space<vmem>>
      %dma_start3A_1177 = arith.constant 0 : i32
      %dma_start3A_1178 = tpu.memref_slice %arg4[%dma_start3A_1177, %multiple_of3A_1171] : memref<32x1000000xf32, #tpu.memory_space<hbm>> -> memref<32x128xf32, #tpu.memory_space<hbm>>
      %dma_start3A_1179 = arith.constant 0 : i32
      %dma_start3A_1180 = arith.constant 0 : i32
      %dma_start3A_1181 = tpu.memref_slice %arg10[%dma_start3A_1172, %dma_start3A_1179, %dma_start3A_1180] : memref<8x32x128xf32, #tpu.memory_space<vmem>> -> memref<1x32x128xf32, #tpu.memory_space<vmem>>
      %dma_start3A_1182 = tpu.memref_squeeze %dma_start3A_1181 : memref<1x32x128xf32, #tpu.memory_space<vmem>> -> memref<32x128xf32, #tpu.memory_space<vmem>>
      %dma_start3A_1183 = arith.constant 0 : i32
      %dma_start3A_1184 = tpu.memref_slice %arg4[%dma_start3A_1183, %multiple_of3A_1171] : memref<32x1000000xf32, #tpu.memory_space<hbm>> -> memref<32x128xf32, #tpu.memory_space<hbm>>
      tpu.enqueue_dma source(%dma_start3A_1184 : memref<32x128xf32, #tpu.memory_space<hbm>>) target(%dma_start3A_1182 : memref<32x128xf32, #tpu.memory_space<vmem>>) target_semaphore(%arg16 : memref<!tpu.dma_semaphore, #tpu.memory_space<semaphore_mem>>)
      %dma_wait3A_1185 = arith.constant 7 : i32
      %dma_wait3A_1186 = arith.constant 0 : i32
      %dma_wait3A_1187 = arith.constant 0 : i32
      %dma_wait3A_1188 = tpu.memref_slice %arg11[%dma_wait3A_1185, %dma_wait3A_1186, %dma_wait3A_1187] : memref<8x32x128xf32, #tpu.memory_space<vmem>> -> memref<1x32x128xf32, #tpu.memory_space<vmem>>
      %dma_wait3A_1189 = tpu.memref_squeeze %dma_wait3A_1188 : memref<1x32x128xf32, #tpu.memory_space<vmem>> -> memref<32x128xf32, #tpu.memory_space<vmem>>
      %dma_wait3A_1190 = arith.constant 0 : i32
      %dma_wait3A_1191 = arith.constant 0 : i32
      %dma_wait3A_1192 = tpu.memref_slice %arg5[%dma_wait3A_1190, %dma_wait3A_1191] : memref<32x1000000xf32, #tpu.memory_space<hbm>> -> memref<32x128xf32, #tpu.memory_space<hbm>>
      %dma_wait3A_1193 = arith.constant 0 : i32
      %dma_wait3A_1194 = arith.constant 0 : i32
      %dma_wait3A_1195 = tpu.memref_slice %arg11[%dma_wait3A_1185, %dma_wait3A_1193, %dma_wait3A_1194] : memref<8x32x128xf32, #tpu.memory_space<vmem>> -> memref<1x32x128xf32, #tpu.memory_space<vmem>>
      %dma_wait3A_1196 = tpu.memref_squeeze %dma_wait3A_1195 : memref<1x32x128xf32, #tpu.memory_space<vmem>> -> memref<32x128xf32, #tpu.memory_space<vmem>>
      %dma_wait3A_1197 = arith.constant 0 : i32
      %dma_wait3A_1198 = arith.constant 0 : i32
      %dma_wait3A_1199 = tpu.memref_slice %arg5[%dma_wait3A_1197, %dma_wait3A_1198] : memref<32x1000000xf32, #tpu.memory_space<hbm>> -> memref<32x128xf32, #tpu.memory_space<hbm>>
      tpu.wait_dma2 semaphore(%arg17 : memref<!tpu.dma_semaphore, #tpu.memory_space<semaphore_mem>>) src(%dma_wait3A_1199 : memref<32x128xf32, #tpu.memory_space<hbm>>) dst(%dma_wait3A_1196 : memref<32x128xf32, #tpu.memory_space<vmem>>)
      %slice3A_1200 = vector.extract_strided_slice %get3A_470 {offsets = [7], sizes = [1], strides = [1]} : vector<16xi32> to vector<1xi32>
      %squeeze3A_1201 = vector.extract %slice3A_1200[0] : i32 from vector<1xi32>
      %and3A_1202 = arith.constant 127 : i32
      %and3A_1203 = arith.andi %squeeze3A_1201, %and3A_1202 : i32
      %broadcast_in_dim3A_1204 = arith.constant 7 : i32
      %broadcast_in_dim3A_1205 = vector.broadcast %broadcast_in_dim3A_1204 : i32 to vector<16xi32>
      %broadcast_in_dim3A_1206 = vector.broadcast %and3A_1203 : i32 to vector<16xi32>
      %broadcast_in_dim3A_1207 = vector.broadcast %add3A_1139 : i32 to vector<16xi32>
      %gather3A_1208 = tpu.vector_load_idx %arg11[%broadcast_in_dim3A_1205, %iota3A, %broadcast_in_dim3A_1206] : memref<8x32x128xf32, #tpu.memory_space<vmem>>[vector<16xi32>, vector<16xi32>, vector<16xi32>], vector<16xf32>,
      %gather3A_1209 = tpu.vector_load_idx %arg11[%broadcast_in_dim3A_1205, %add3A_5, %broadcast_in_dim3A_1206] : memref<8x32x128xf32, #tpu.memory_space<vmem>>[vector<16xi32>, vector<16xi32>, vector<16xi32>], vector<16xf32>,
      tpu.vector_store_idx %arg13[%iota3A, %broadcast_in_dim3A_1207], %gather3A_1208 : memref<32x512xf32, #tpu.memory_space<vmem>>[vector<16xi32>, vector<16xi32>], vector<16xf32>,
      tpu.vector_store_idx %arg13[%add3A_5, %broadcast_in_dim3A_1207], %gather3A_1209 : memref<32x512xf32, #tpu.memory_space<vmem>>[vector<16xi32>, vector<16xi32>], vector<16xf32>,
      %slice3A_1210 = vector.extract_strided_slice %get3A_470 {offsets = [15], sizes = [1], strides = [1]} : vector<16xi32> to vector<1xi32>
      %squeeze3A_1211 = vector.extract %slice3A_1210[0] : i32 from vector<1xi32>
      %shift_right_logical3A_1212 = arith.constant 7 : i32
      %shift_right_logical3A_1213 = arith.shrui %squeeze3A_1211, %shift_right_logical3A_1212 : i32
      %mul3A_1214 = arith.constant 128 : i32
      %mul3A_1215 = arith.muli %shift_right_logical3A_1213, %mul3A_1214 : i32
      %multiple_of3A_1216 = tpu.assume_multiple %mul3A_1215, 128 : i32
      %dma_start3A_1217 = arith.constant 7 : i32
      %dma_start3A_1218 = arith.constant 0 : i32
      %dma_start3A_1219 = arith.constant 0 : i32
      %dma_start3A_1220 = tpu.memref_slice %arg11[%dma_start3A_1217, %dma_start3A_1218, %dma_start3A_1219] : memref<8x32x128xf32, #tpu.memory_space<vmem>> -> memref<1x32x128xf32, #tpu.memory_space<vmem>>
      %dma_start3A_1221 = tpu.memref_squeeze %dma_start3A_1220 : memref<1x32x128xf32, #tpu.memory_space<vmem>> -> memref<32x128xf32, #tpu.memory_space<vmem>>
      %dma_start3A_1222 = arith.constant 0 : i32
      %dma_start3A_1223 = tpu.memref_slice %arg5[%dma_start3A_1222, %multiple_of3A_1216] : memref<32x1000000xf32, #tpu.memory_space<hbm>> -> memref<32x128xf32, #tpu.memory_space<hbm>>
      %dma_start3A_1224 = arith.constant 0 : i32
      %dma_start3A_1225 = arith.constant 0 : i32
      %dma_start3A_1226 = tpu.memref_slice %arg11[%dma_start3A_1217, %dma_start3A_1224, %dma_start3A_1225] : memref<8x32x128xf32, #tpu.memory_space<vmem>> -> memref<1x32x128xf32, #tpu.memory_space<vmem>>
      %dma_start3A_1227 = tpu.memref_squeeze %dma_start3A_1226 : memref<1x32x128xf32, #tpu.memory_space<vmem>> -> memref<32x128xf32, #tpu.memory_space<vmem>>
      %dma_start3A_1228 = arith.constant 0 : i32
      %dma_start3A_1229 = tpu.memref_slice %arg5[%dma_start3A_1228, %multiple_of3A_1216] : memref<32x1000000xf32, #tpu.memory_space<hbm>> -> memref<32x128xf32, #tpu.memory_space<hbm>>
      tpu.enqueue_dma source(%dma_start3A_1229 : memref<32x128xf32, #tpu.memory_space<hbm>>) target(%dma_start3A_1227 : memref<32x128xf32, #tpu.memory_space<vmem>>) target_semaphore(%arg17 : memref<!tpu.dma_semaphore, #tpu.memory_space<semaphore_mem>>)
      %mul3A_1230 = arith.constant 16 : i32
      %mul3A_1231 = arith.muli %scan3A_462, %mul3A_1230 : i32
      %add3A_1232 = arith.constant 8 : i32
      %add3A_1233 = arith.addi %mul3A_1231, %add3A_1232 : i32
      %dma_wait3A_1234 = arith.constant 0 : i32
      %dma_wait3A_1235 = arith.constant 0 : i32
      %dma_wait3A_1236 = arith.constant 0 : i32
      %dma_wait3A_1237 = tpu.memref_slice %arg10[%dma_wait3A_1234, %dma_wait3A_1235, %dma_wait3A_1236] : memref<8x32x128xf32, #tpu.memory_space<vmem>> -> memref<1x32x128xf32, #tpu.memory_space<vmem>>
      %dma_wait3A_1238 = tpu.memref_squeeze %dma_wait3A_1237 : memref<1x32x128xf32, #tpu.memory_space<vmem>> -> memref<32x128xf32, #tpu.memory_space<vmem>>
      %dma_wait3A_1239 = arith.constant 0 : i32
      %dma_wait3A_1240 = arith.constant 0 : i32
      %dma_wait3A_1241 = tpu.memref_slice %arg4[%dma_wait3A_1239, %dma_wait3A_1240] : memref<32x1000000xf32, #tpu.memory_space<hbm>> -> memref<32x128xf32, #tpu.memory_space<hbm>>
      %dma_wait3A_1242 = arith.constant 0 : i32
      %dma_wait3A_1243 = arith.constant 0 : i32
      %dma_wait3A_1244 = tpu.memref_slice %arg10[%dma_wait3A_1234, %dma_wait3A_1242, %dma_wait3A_1243] : memref<8x32x128xf32, #tpu.memory_space<vmem>> -> memref<1x32x128xf32, #tpu.memory_space<vmem>>
      %dma_wait3A_1245 = tpu.memref_squeeze %dma_wait3A_1244 : memref<1x32x128xf32, #tpu.memory_space<vmem>> -> memref<32x128xf32, #tpu.memory_space<vmem>>
      %dma_wait3A_1246 = arith.constant 0 : i32
      %dma_wait3A_1247 = arith.constant 0 : i32
      %dma_wait3A_1248 = tpu.memref_slice %arg4[%dma_wait3A_1246, %dma_wait3A_1247] : memref<32x1000000xf32, #tpu.memory_space<hbm>> -> memref<32x128xf32, #tpu.memory_space<hbm>>
      tpu.wait_dma2 semaphore(%arg16 : memref<!tpu.dma_semaphore, #tpu.memory_space<semaphore_mem>>) src(%dma_wait3A_1248 : memref<32x128xf32, #tpu.memory_space<hbm>>) dst(%dma_wait3A_1245 : memref<32x128xf32, #tpu.memory_space<vmem>>)
      %slice3A_1249 = vector.extract_strided_slice %get3A_466 {offsets = [8], sizes = [1], strides = [1]} : vector<16xi32> to vector<1xi32>
      %squeeze3A_1250 = vector.extract %slice3A_1249[0] : i32 from vector<1xi32>
      %and3A_1251 = arith.constant 127 : i32
      %and3A_1252 = arith.andi %squeeze3A_1250, %and3A_1251 : i32
      %broadcast_in_dim3A_1253 = arith.constant 0 : i32
      %broadcast_in_dim3A_1254 = vector.broadcast %broadcast_in_dim3A_1253 : i32 to vector<16xi32>
      %broadcast_in_dim3A_1255 = vector.broadcast %and3A_1252 : i32 to vector<16xi32>
      %broadcast_in_dim3A_1256 = vector.broadcast %add3A_1233 : i32 to vector<16xi32>
      %gather3A_1257 = tpu.vector_load_idx %arg10[%broadcast_in_dim3A_1254, %iota3A, %broadcast_in_dim3A_1255] : memref<8x32x128xf32, #tpu.memory_space<vmem>>[vector<16xi32>, vector<16xi32>, vector<16xi32>], vector<16xf32>,
      %gather3A_1258 = tpu.vector_load_idx %arg10[%broadcast_in_dim3A_1254, %add3A_5, %broadcast_in_dim3A_1255] : memref<8x32x128xf32, #tpu.memory_space<vmem>>[vector<16xi32>, vector<16xi32>, vector<16xi32>], vector<16xf32>,
      tpu.vector_store_idx %arg12[%iota3A, %broadcast_in_dim3A_1256], %gather3A_1257 : memref<32x512xf32, #tpu.memory_space<vmem>>[vector<16xi32>, vector<16xi32>], vector<16xf32>,
      tpu.vector_store_idx %arg12[%add3A_5, %broadcast_in_dim3A_1256], %gather3A_1258 : memref<32x512xf32, #tpu.memory_space<vmem>>[vector<16xi32>, vector<16xi32>], vector<16xf32>,
      %lt3A = arith.constant 31 : i32
      %lt3A_1259 = arith.cmpi slt, %scan3A_462, %lt3A : i32
      %convert_element_type3A = arith.extui %lt3A_1259 : i1 to i32
      %cond3A = arith.constant 0 : i32
      %cond3A_1260 = arith.cmpi ne, %convert_element_type3A, %cond3A : i32
      scf.if %cond3A_1260 {
        %slice3A_2102 = vector.extract_strided_slice %get3A_477 {offsets = [0], sizes = [1], strides = [1]} : vector<16xi32> to vector<1xi32>
        %squeeze3A_2103 = vector.extract %slice3A_2102[0] : i32 from vector<1xi32>
        %shift_right_logical3A_2104 = arith.constant 7 : i32
        %shift_right_logical3A_2105 = arith.shrui %squeeze3A_2103, %shift_right_logical3A_2104 : i32
        %mul3A_2106 = arith.constant 128 : i32
        %mul3A_2107 = arith.muli %shift_right_logical3A_2105, %mul3A_2106 : i32
        %multiple_of3A_2108 = tpu.assume_multiple %mul3A_2107, 128 : i32
        %dma_start3A_2109 = arith.constant 0 : i32
        %dma_start3A_2110 = arith.constant 0 : i32
        %dma_start3A_2111 = arith.constant 0 : i32
        %dma_start3A_2112 = tpu.memref_slice %arg10[%dma_start3A_2109, %dma_start3A_2110, %dma_start3A_2111] : memref<8x32x128xf32, #tpu.memory_space<vmem>> -> memref<1x32x128xf32, #tpu.memory_space<vmem>>
        %dma_start3A_2113 = tpu.memref_squeeze %dma_start3A_2112 : memref<1x32x128xf32, #tpu.memory_space<vmem>> -> memref<32x128xf32, #tpu.memory_space<vmem>>
        %dma_start3A_2114 = arith.constant 0 : i32
        %dma_start3A_2115 = tpu.memref_slice %arg4[%dma_start3A_2114, %multiple_of3A_2108] : memref<32x1000000xf32, #tpu.memory_space<hbm>> -> memref<32x128xf32, #tpu.memory_space<hbm>>
        %dma_start3A_2116 = arith.constant 0 : i32
        %dma_start3A_2117 = arith.constant 0 : i32
        %dma_start3A_2118 = tpu.memref_slice %arg10[%dma_start3A_2109, %dma_start3A_2116, %dma_start3A_2117] : memref<8x32x128xf32, #tpu.memory_space<vmem>> -> memref<1x32x128xf32, #tpu.memory_space<vmem>>
        %dma_start3A_2119 = tpu.memref_squeeze %dma_start3A_2118 : memref<1x32x128xf32, #tpu.memory_space<vmem>> -> memref<32x128xf32, #tpu.memory_space<vmem>>
        %dma_start3A_2120 = arith.constant 0 : i32
        %dma_start3A_2121 = tpu.memref_slice %arg4[%dma_start3A_2120, %multiple_of3A_2108] : memref<32x1000000xf32, #tpu.memory_space<hbm>> -> memref<32x128xf32, #tpu.memory_space<hbm>>
        tpu.enqueue_dma source(%dma_start3A_2121 : memref<32x128xf32, #tpu.memory_space<hbm>>) target(%dma_start3A_2119 : memref<32x128xf32, #tpu.memory_space<vmem>>) target_semaphore(%arg16 : memref<!tpu.dma_semaphore, #tpu.memory_space<semaphore_mem>>)
      } else {
      }
      %dma_wait3A_1261 = arith.constant 0 : i32
      %dma_wait3A_1262 = arith.constant 0 : i32
      %dma_wait3A_1263 = arith.constant 0 : i32
      %dma_wait3A_1264 = tpu.memref_slice %arg11[%dma_wait3A_1261, %dma_wait3A_1262, %dma_wait3A_1263] : memref<8x32x128xf32, #tpu.memory_space<vmem>> -> memref<1x32x128xf32, #tpu.memory_space<vmem>>
      %dma_wait3A_1265 = tpu.memref_squeeze %dma_wait3A_1264 : memref<1x32x128xf32, #tpu.memory_space<vmem>> -> memref<32x128xf32, #tpu.memory_space<vmem>>
      %dma_wait3A_1266 = arith.constant 0 : i32
      %dma_wait3A_1267 = arith.constant 0 : i32
      %dma_wait3A_1268 = tpu.memref_slice %arg5[%dma_wait3A_1266, %dma_wait3A_1267] : memref<32x1000000xf32, #tpu.memory_space<hbm>> -> memref<32x128xf32, #tpu.memory_space<hbm>>
      %dma_wait3A_1269 = arith.constant 0 : i32
      %dma_wait3A_1270 = arith.constant 0 : i32
      %dma_wait3A_1271 = tpu.memref_slice %arg11[%dma_wait3A_1261, %dma_wait3A_1269, %dma_wait3A_1270] : memref<8x32x128xf32, #tpu.memory_space<vmem>> -> memref<1x32x128xf32, #tpu.memory_space<vmem>>
      %dma_wait3A_1272 = tpu.memref_squeeze %dma_wait3A_1271 : memref<1x32x128xf32, #tpu.memory_space<vmem>> -> memref<32x128xf32, #tpu.memory_space<vmem>>
      %dma_wait3A_1273 = arith.constant 0 : i32
      %dma_wait3A_1274 = arith.constant 0 : i32
      %dma_wait3A_1275 = tpu.memref_slice %arg5[%dma_wait3A_1273, %dma_wait3A_1274] : memref<32x1000000xf32, #tpu.memory_space<hbm>> -> memref<32x128xf32, #tpu.memory_space<hbm>>
      tpu.wait_dma2 semaphore(%arg17 : memref<!tpu.dma_semaphore, #tpu.memory_space<semaphore_mem>>) src(%dma_wait3A_1275 : memref<32x128xf32, #tpu.memory_space<hbm>>) dst(%dma_wait3A_1272 : memref<32x128xf32, #tpu.memory_space<vmem>>)
      %slice3A_1276 = vector.extract_strided_slice %get3A_470 {offsets = [8], sizes = [1], strides = [1]} : vector<16xi32> to vector<1xi32>
      %squeeze3A_1277 = vector.extract %slice3A_1276[0] : i32 from vector<1xi32>
      %and3A_1278 = arith.constant 127 : i32
      %and3A_1279 = arith.andi %squeeze3A_1277, %and3A_1278 : i32
      %broadcast_in_dim3A_1280 = arith.constant 0 : i32
      %broadcast_in_dim3A_1281 = vector.broadcast %broadcast_in_dim3A_1280 : i32 to vector<16xi32>
      %broadcast_in_dim3A_1282 = vector.broadcast %and3A_1279 : i32 to vector<16xi32>
      %broadcast_in_dim3A_1283 = vector.broadcast %add3A_1233 : i32 to vector<16xi32>
      %gather3A_1284 = tpu.vector_load_idx %arg11[%broadcast_in_dim3A_1281, %iota3A, %broadcast_in_dim3A_1282] : memref<8x32x128xf32, #tpu.memory_space<vmem>>[vector<16xi32>, vector<16xi32>, vector<16xi32>], vector<16xf32>,
      %gather3A_1285 = tpu.vector_load_idx %arg11[%broadcast_in_dim3A_1281, %add3A_5, %broadcast_in_dim3A_1282] : memref<8x32x128xf32, #tpu.memory_space<vmem>>[vector<16xi32>, vector<16xi32>, vector<16xi32>], vector<16xf32>,
      tpu.vector_store_idx %arg13[%iota3A, %broadcast_in_dim3A_1283], %gather3A_1284 : memref<32x512xf32, #tpu.memory_space<vmem>>[vector<16xi32>, vector<16xi32>], vector<16xf32>,
      tpu.vector_store_idx %arg13[%add3A_5, %broadcast_in_dim3A_1283], %gather3A_1285 : memref<32x512xf32, #tpu.memory_space<vmem>>[vector<16xi32>, vector<16xi32>], vector<16xf32>,
      %lt3A_1286 = arith.constant 31 : i32
      %lt3A_1287 = arith.cmpi slt, %scan3A_462, %lt3A_1286 : i32
      %convert_element_type3A_1288 = arith.extui %lt3A_1287 : i1 to i32
      %cond3A_1289 = arith.constant 0 : i32
      %cond3A_1290 = arith.cmpi ne, %convert_element_type3A_1288, %cond3A_1289 : i32
      scf.if %cond3A_1290 {
        %slice3A_2102 = vector.extract_strided_slice %get3A_481 {offsets = [0], sizes = [1], strides = [1]} : vector<16xi32> to vector<1xi32>
        %squeeze3A_2103 = vector.extract %slice3A_2102[0] : i32 from vector<1xi32>
        %shift_right_logical3A_2104 = arith.constant 7 : i32
        %shift_right_logical3A_2105 = arith.shrui %squeeze3A_2103, %shift_right_logical3A_2104 : i32
        %mul3A_2106 = arith.constant 128 : i32
        %mul3A_2107 = arith.muli %shift_right_logical3A_2105, %mul3A_2106 : i32
        %multiple_of3A_2108 = tpu.assume_multiple %mul3A_2107, 128 : i32
        %dma_start3A_2109 = arith.constant 0 : i32
        %dma_start3A_2110 = arith.constant 0 : i32
        %dma_start3A_2111 = arith.constant 0 : i32
        %dma_start3A_2112 = tpu.memref_slice %arg11[%dma_start3A_2109, %dma_start3A_2110, %dma_start3A_2111] : memref<8x32x128xf32, #tpu.memory_space<vmem>> -> memref<1x32x128xf32, #tpu.memory_space<vmem>>
        %dma_start3A_2113 = tpu.memref_squeeze %dma_start3A_2112 : memref<1x32x128xf32, #tpu.memory_space<vmem>> -> memref<32x128xf32, #tpu.memory_space<vmem>>
        %dma_start3A_2114 = arith.constant 0 : i32
        %dma_start3A_2115 = tpu.memref_slice %arg5[%dma_start3A_2114, %multiple_of3A_2108] : memref<32x1000000xf32, #tpu.memory_space<hbm>> -> memref<32x128xf32, #tpu.memory_space<hbm>>
        %dma_start3A_2116 = arith.constant 0 : i32
        %dma_start3A_2117 = arith.constant 0 : i32
        %dma_start3A_2118 = tpu.memref_slice %arg11[%dma_start3A_2109, %dma_start3A_2116, %dma_start3A_2117] : memref<8x32x128xf32, #tpu.memory_space<vmem>> -> memref<1x32x128xf32, #tpu.memory_space<vmem>>
        %dma_start3A_2119 = tpu.memref_squeeze %dma_start3A_2118 : memref<1x32x128xf32, #tpu.memory_space<vmem>> -> memref<32x128xf32, #tpu.memory_space<vmem>>
        %dma_start3A_2120 = arith.constant 0 : i32
        %dma_start3A_2121 = tpu.memref_slice %arg5[%dma_start3A_2120, %multiple_of3A_2108] : memref<32x1000000xf32, #tpu.memory_space<hbm>> -> memref<32x128xf32, #tpu.memory_space<hbm>>
        tpu.enqueue_dma source(%dma_start3A_2121 : memref<32x128xf32, #tpu.memory_space<hbm>>) target(%dma_start3A_2119 : memref<32x128xf32, #tpu.memory_space<vmem>>) target_semaphore(%arg17 : memref<!tpu.dma_semaphore, #tpu.memory_space<semaphore_mem>>)
      } else {
      }
      %mul3A_1291 = arith.constant 16 : i32
      %mul3A_1292 = arith.muli %scan3A_462, %mul3A_1291 : i32
      %add3A_1293 = arith.constant 9 : i32
      %add3A_1294 = arith.addi %mul3A_1292, %add3A_1293 : i32
      %dma_wait3A_1295 = arith.constant 1 : i32
      %dma_wait3A_1296 = arith.constant 0 : i32
      %dma_wait3A_1297 = arith.constant 0 : i32
      %dma_wait3A_1298 = tpu.memref_slice %arg10[%dma_wait3A_1295, %dma_wait3A_1296, %dma_wait3A_1297] : memref<8x32x128xf32, #tpu.memory_space<vmem>> -> memref<1x32x128xf32, #tpu.memory_space<vmem>>
      %dma_wait3A_1299 = tpu.memref_squeeze %dma_wait3A_1298 : memref<1x32x128xf32, #tpu.memory_space<vmem>> -> memref<32x128xf32, #tpu.memory_space<vmem>>
      %dma_wait3A_1300 = arith.constant 0 : i32
      %dma_wait3A_1301 = arith.constant 0 : i32
      %dma_wait3A_1302 = tpu.memref_slice %arg4[%dma_wait3A_1300, %dma_wait3A_1301] : memref<32x1000000xf32, #tpu.memory_space<hbm>> -> memref<32x128xf32, #tpu.memory_space<hbm>>
      %dma_wait3A_1303 = arith.constant 0 : i32
      %dma_wait3A_1304 = arith.constant 0 : i32
      %dma_wait3A_1305 = tpu.memref_slice %arg10[%dma_wait3A_1295, %dma_wait3A_1303, %dma_wait3A_1304] : memref<8x32x128xf32, #tpu.memory_space<vmem>> -> memref<1x32x128xf32, #tpu.memory_space<vmem>>
      %dma_wait3A_1306 = tpu.memref_squeeze %dma_wait3A_1305 : memref<1x32x128xf32, #tpu.memory_space<vmem>> -> memref<32x128xf32, #tpu.memory_space<vmem>>
      %dma_wait3A_1307 = arith.constant 0 : i32
      %dma_wait3A_1308 = arith.constant 0 : i32
      %dma_wait3A_1309 = tpu.memref_slice %arg4[%dma_wait3A_1307, %dma_wait3A_1308] : memref<32x1000000xf32, #tpu.memory_space<hbm>> -> memref<32x128xf32, #tpu.memory_space<hbm>>
      tpu.wait_dma2 semaphore(%arg16 : memref<!tpu.dma_semaphore, #tpu.memory_space<semaphore_mem>>) src(%dma_wait3A_1309 : memref<32x128xf32, #tpu.memory_space<hbm>>) dst(%dma_wait3A_1306 : memref<32x128xf32, #tpu.memory_space<vmem>>)
      %slice3A_1310 = vector.extract_strided_slice %get3A_466 {offsets = [9], sizes = [1], strides = [1]} : vector<16xi32> to vector<1xi32>
      %squeeze3A_1311 = vector.extract %slice3A_1310[0] : i32 from vector<1xi32>
      %and3A_1312 = arith.constant 127 : i32
      %and3A_1313 = arith.andi %squeeze3A_1311, %and3A_1312 : i32
      %broadcast_in_dim3A_1314 = arith.constant 1 : i32
      %broadcast_in_dim3A_1315 = vector.broadcast %broadcast_in_dim3A_1314 : i32 to vector<16xi32>
      %broadcast_in_dim3A_1316 = vector.broadcast %and3A_1313 : i32 to vector<16xi32>
      %broadcast_in_dim3A_1317 = vector.broadcast %add3A_1294 : i32 to vector<16xi32>
      %gather3A_1318 = tpu.vector_load_idx %arg10[%broadcast_in_dim3A_1315, %iota3A, %broadcast_in_dim3A_1316] : memref<8x32x128xf32, #tpu.memory_space<vmem>>[vector<16xi32>, vector<16xi32>, vector<16xi32>], vector<16xf32>,
      %gather3A_1319 = tpu.vector_load_idx %arg10[%broadcast_in_dim3A_1315, %add3A_5, %broadcast_in_dim3A_1316] : memref<8x32x128xf32, #tpu.memory_space<vmem>>[vector<16xi32>, vector<16xi32>, vector<16xi32>], vector<16xf32>,
      tpu.vector_store_idx %arg12[%iota3A, %broadcast_in_dim3A_1317], %gather3A_1318 : memref<32x512xf32, #tpu.memory_space<vmem>>[vector<16xi32>, vector<16xi32>], vector<16xf32>,
      tpu.vector_store_idx %arg12[%add3A_5, %broadcast_in_dim3A_1317], %gather3A_1319 : memref<32x512xf32, #tpu.memory_space<vmem>>[vector<16xi32>, vector<16xi32>], vector<16xf32>,
      %lt3A_1320 = arith.constant 31 : i32
      %lt3A_1321 = arith.cmpi slt, %scan3A_462, %lt3A_1320 : i32
      %convert_element_type3A_1322 = arith.extui %lt3A_1321 : i1 to i32
      %cond3A_1323 = arith.constant 0 : i32
      %cond3A_1324 = arith.cmpi ne, %convert_element_type3A_1322, %cond3A_1323 : i32
      scf.if %cond3A_1324 {
        %slice3A_2102 = vector.extract_strided_slice %get3A_477 {offsets = [1], sizes = [1], strides = [1]} : vector<16xi32> to vector<1xi32>
        %squeeze3A_2103 = vector.extract %slice3A_2102[0] : i32 from vector<1xi32>
        %shift_right_logical3A_2104 = arith.constant 7 : i32
        %shift_right_logical3A_2105 = arith.shrui %squeeze3A_2103, %shift_right_logical3A_2104 : i32
        %mul3A_2106 = arith.constant 128 : i32
        %mul3A_2107 = arith.muli %shift_right_logical3A_2105, %mul3A_2106 : i32
        %multiple_of3A_2108 = tpu.assume_multiple %mul3A_2107, 128 : i32
        %dma_start3A_2109 = arith.constant 1 : i32
        %dma_start3A_2110 = arith.constant 0 : i32
        %dma_start3A_2111 = arith.constant 0 : i32
        %dma_start3A_2112 = tpu.memref_slice %arg10[%dma_start3A_2109, %dma_start3A_2110, %dma_start3A_2111] : memref<8x32x128xf32, #tpu.memory_space<vmem>> -> memref<1x32x128xf32, #tpu.memory_space<vmem>>
        %dma_start3A_2113 = tpu.memref_squeeze %dma_start3A_2112 : memref<1x32x128xf32, #tpu.memory_space<vmem>> -> memref<32x128xf32, #tpu.memory_space<vmem>>
        %dma_start3A_2114 = arith.constant 0 : i32
        %dma_start3A_2115 = tpu.memref_slice %arg4[%dma_start3A_2114, %multiple_of3A_2108] : memref<32x1000000xf32, #tpu.memory_space<hbm>> -> memref<32x128xf32, #tpu.memory_space<hbm>>
        %dma_start3A_2116 = arith.constant 0 : i32
        %dma_start3A_2117 = arith.constant 0 : i32
        %dma_start3A_2118 = tpu.memref_slice %arg10[%dma_start3A_2109, %dma_start3A_2116, %dma_start3A_2117] : memref<8x32x128xf32, #tpu.memory_space<vmem>> -> memref<1x32x128xf32, #tpu.memory_space<vmem>>
        %dma_start3A_2119 = tpu.memref_squeeze %dma_start3A_2118 : memref<1x32x128xf32, #tpu.memory_space<vmem>> -> memref<32x128xf32, #tpu.memory_space<vmem>>
        %dma_start3A_2120 = arith.constant 0 : i32
        %dma_start3A_2121 = tpu.memref_slice %arg4[%dma_start3A_2120, %multiple_of3A_2108] : memref<32x1000000xf32, #tpu.memory_space<hbm>> -> memref<32x128xf32, #tpu.memory_space<hbm>>
        tpu.enqueue_dma source(%dma_start3A_2121 : memref<32x128xf32, #tpu.memory_space<hbm>>) target(%dma_start3A_2119 : memref<32x128xf32, #tpu.memory_space<vmem>>) target_semaphore(%arg16 : memref<!tpu.dma_semaphore, #tpu.memory_space<semaphore_mem>>)
      } else {
      }
      %dma_wait3A_1325 = arith.constant 1 : i32
      %dma_wait3A_1326 = arith.constant 0 : i32
      %dma_wait3A_1327 = arith.constant 0 : i32
      %dma_wait3A_1328 = tpu.memref_slice %arg11[%dma_wait3A_1325, %dma_wait3A_1326, %dma_wait3A_1327] : memref<8x32x128xf32, #tpu.memory_space<vmem>> -> memref<1x32x128xf32, #tpu.memory_space<vmem>>
      %dma_wait3A_1329 = tpu.memref_squeeze %dma_wait3A_1328 : memref<1x32x128xf32, #tpu.memory_space<vmem>> -> memref<32x128xf32, #tpu.memory_space<vmem>>
      %dma_wait3A_1330 = arith.constant 0 : i32
      %dma_wait3A_1331 = arith.constant 0 : i32
      %dma_wait3A_1332 = tpu.memref_slice %arg5[%dma_wait3A_1330, %dma_wait3A_1331] : memref<32x1000000xf32, #tpu.memory_space<hbm>> -> memref<32x128xf32, #tpu.memory_space<hbm>>
      %dma_wait3A_1333 = arith.constant 0 : i32
      %dma_wait3A_1334 = arith.constant 0 : i32
      %dma_wait3A_1335 = tpu.memref_slice %arg11[%dma_wait3A_1325, %dma_wait3A_1333, %dma_wait3A_1334] : memref<8x32x128xf32, #tpu.memory_space<vmem>> -> memref<1x32x128xf32, #tpu.memory_space<vmem>>
      %dma_wait3A_1336 = tpu.memref_squeeze %dma_wait3A_1335 : memref<1x32x128xf32, #tpu.memory_space<vmem>> -> memref<32x128xf32, #tpu.memory_space<vmem>>
      %dma_wait3A_1337 = arith.constant 0 : i32
      %dma_wait3A_1338 = arith.constant 0 : i32
      %dma_wait3A_1339 = tpu.memref_slice %arg5[%dma_wait3A_1337, %dma_wait3A_1338] : memref<32x1000000xf32, #tpu.memory_space<hbm>> -> memref<32x128xf32, #tpu.memory_space<hbm>>
      tpu.wait_dma2 semaphore(%arg17 : memref<!tpu.dma_semaphore, #tpu.memory_space<semaphore_mem>>) src(%dma_wait3A_1339 : memref<32x128xf32, #tpu.memory_space<hbm>>) dst(%dma_wait3A_1336 : memref<32x128xf32, #tpu.memory_space<vmem>>)
      %slice3A_1340 = vector.extract_strided_slice %get3A_470 {offsets = [9], sizes = [1], strides = [1]} : vector<16xi32> to vector<1xi32>
      %squeeze3A_1341 = vector.extract %slice3A_1340[0] : i32 from vector<1xi32>
      %and3A_1342 = arith.constant 127 : i32
      %and3A_1343 = arith.andi %squeeze3A_1341, %and3A_1342 : i32
      %broadcast_in_dim3A_1344 = arith.constant 1 : i32
      %broadcast_in_dim3A_1345 = vector.broadcast %broadcast_in_dim3A_1344 : i32 to vector<16xi32>
      %broadcast_in_dim3A_1346 = vector.broadcast %and3A_1343 : i32 to vector<16xi32>
      %broadcast_in_dim3A_1347 = vector.broadcast %add3A_1294 : i32 to vector<16xi32>
      %gather3A_1348 = tpu.vector_load_idx %arg11[%broadcast_in_dim3A_1345, %iota3A, %broadcast_in_dim3A_1346] : memref<8x32x128xf32, #tpu.memory_space<vmem>>[vector<16xi32>, vector<16xi32>, vector<16xi32>], vector<16xf32>,
      %gather3A_1349 = tpu.vector_load_idx %arg11[%broadcast_in_dim3A_1345, %add3A_5, %broadcast_in_dim3A_1346] : memref<8x32x128xf32, #tpu.memory_space<vmem>>[vector<16xi32>, vector<16xi32>, vector<16xi32>], vector<16xf32>,
      tpu.vector_store_idx %arg13[%iota3A, %broadcast_in_dim3A_1347], %gather3A_1348 : memref<32x512xf32, #tpu.memory_space<vmem>>[vector<16xi32>, vector<16xi32>], vector<16xf32>,
      tpu.vector_store_idx %arg13[%add3A_5, %broadcast_in_dim3A_1347], %gather3A_1349 : memref<32x512xf32, #tpu.memory_space<vmem>>[vector<16xi32>, vector<16xi32>], vector<16xf32>,
      %lt3A_1350 = arith.constant 31 : i32
      %lt3A_1351 = arith.cmpi slt, %scan3A_462, %lt3A_1350 : i32
      %convert_element_type3A_1352 = arith.extui %lt3A_1351 : i1 to i32
      %cond3A_1353 = arith.constant 0 : i32
      %cond3A_1354 = arith.cmpi ne, %convert_element_type3A_1352, %cond3A_1353 : i32
      scf.if %cond3A_1354 {
        %slice3A_2102 = vector.extract_strided_slice %get3A_481 {offsets = [1], sizes = [1], strides = [1]} : vector<16xi32> to vector<1xi32>
        %squeeze3A_2103 = vector.extract %slice3A_2102[0] : i32 from vector<1xi32>
        %shift_right_logical3A_2104 = arith.constant 7 : i32
        %shift_right_logical3A_2105 = arith.shrui %squeeze3A_2103, %shift_right_logical3A_2104 : i32
        %mul3A_2106 = arith.constant 128 : i32
        %mul3A_2107 = arith.muli %shift_right_logical3A_2105, %mul3A_2106 : i32
        %multiple_of3A_2108 = tpu.assume_multiple %mul3A_2107, 128 : i32
        %dma_start3A_2109 = arith.constant 1 : i32
        %dma_start3A_2110 = arith.constant 0 : i32
        %dma_start3A_2111 = arith.constant 0 : i32
        %dma_start3A_2112 = tpu.memref_slice %arg11[%dma_start3A_2109, %dma_start3A_2110, %dma_start3A_2111] : memref<8x32x128xf32, #tpu.memory_space<vmem>> -> memref<1x32x128xf32, #tpu.memory_space<vmem>>
        %dma_start3A_2113 = tpu.memref_squeeze %dma_start3A_2112 : memref<1x32x128xf32, #tpu.memory_space<vmem>> -> memref<32x128xf32, #tpu.memory_space<vmem>>
        %dma_start3A_2114 = arith.constant 0 : i32
        %dma_start3A_2115 = tpu.memref_slice %arg5[%dma_start3A_2114, %multiple_of3A_2108] : memref<32x1000000xf32, #tpu.memory_space<hbm>> -> memref<32x128xf32, #tpu.memory_space<hbm>>
        %dma_start3A_2116 = arith.constant 0 : i32
        %dma_start3A_2117 = arith.constant 0 : i32
        %dma_start3A_2118 = tpu.memref_slice %arg11[%dma_start3A_2109, %dma_start3A_2116, %dma_start3A_2117] : memref<8x32x128xf32, #tpu.memory_space<vmem>> -> memref<1x32x128xf32, #tpu.memory_space<vmem>>
        %dma_start3A_2119 = tpu.memref_squeeze %dma_start3A_2118 : memref<1x32x128xf32, #tpu.memory_space<vmem>> -> memref<32x128xf32, #tpu.memory_space<vmem>>
        %dma_start3A_2120 = arith.constant 0 : i32
        %dma_start3A_2121 = tpu.memref_slice %arg5[%dma_start3A_2120, %multiple_of3A_2108] : memref<32x1000000xf32, #tpu.memory_space<hbm>> -> memref<32x128xf32, #tpu.memory_space<hbm>>
        tpu.enqueue_dma source(%dma_start3A_2121 : memref<32x128xf32, #tpu.memory_space<hbm>>) target(%dma_start3A_2119 : memref<32x128xf32, #tpu.memory_space<vmem>>) target_semaphore(%arg17 : memref<!tpu.dma_semaphore, #tpu.memory_space<semaphore_mem>>)
      } else {
      }
      %mul3A_1355 = arith.constant 16 : i32
      %mul3A_1356 = arith.muli %scan3A_462, %mul3A_1355 : i32
      %add3A_1357 = arith.constant 10 : i32
      %add3A_1358 = arith.addi %mul3A_1356, %add3A_1357 : i32
      %dma_wait3A_1359 = arith.constant 2 : i32
      %dma_wait3A_1360 = arith.constant 0 : i32
      %dma_wait3A_1361 = arith.constant 0 : i32
      %dma_wait3A_1362 = tpu.memref_slice %arg10[%dma_wait3A_1359, %dma_wait3A_1360, %dma_wait3A_1361] : memref<8x32x128xf32, #tpu.memory_space<vmem>> -> memref<1x32x128xf32, #tpu.memory_space<vmem>>
      %dma_wait3A_1363 = tpu.memref_squeeze %dma_wait3A_1362 : memref<1x32x128xf32, #tpu.memory_space<vmem>> -> memref<32x128xf32, #tpu.memory_space<vmem>>
      %dma_wait3A_1364 = arith.constant 0 : i32
      %dma_wait3A_1365 = arith.constant 0 : i32
      %dma_wait3A_1366 = tpu.memref_slice %arg4[%dma_wait3A_1364, %dma_wait3A_1365] : memref<32x1000000xf32, #tpu.memory_space<hbm>> -> memref<32x128xf32, #tpu.memory_space<hbm>>
      %dma_wait3A_1367 = arith.constant 0 : i32
      %dma_wait3A_1368 = arith.constant 0 : i32
      %dma_wait3A_1369 = tpu.memref_slice %arg10[%dma_wait3A_1359, %dma_wait3A_1367, %dma_wait3A_1368] : memref<8x32x128xf32, #tpu.memory_space<vmem>> -> memref<1x32x128xf32, #tpu.memory_space<vmem>>
      %dma_wait3A_1370 = tpu.memref_squeeze %dma_wait3A_1369 : memref<1x32x128xf32, #tpu.memory_space<vmem>> -> memref<32x128xf32, #tpu.memory_space<vmem>>
      %dma_wait3A_1371 = arith.constant 0 : i32
      %dma_wait3A_1372 = arith.constant 0 : i32
      %dma_wait3A_1373 = tpu.memref_slice %arg4[%dma_wait3A_1371, %dma_wait3A_1372] : memref<32x1000000xf32, #tpu.memory_space<hbm>> -> memref<32x128xf32, #tpu.memory_space<hbm>>
      tpu.wait_dma2 semaphore(%arg16 : memref<!tpu.dma_semaphore, #tpu.memory_space<semaphore_mem>>) src(%dma_wait3A_1373 : memref<32x128xf32, #tpu.memory_space<hbm>>) dst(%dma_wait3A_1370 : memref<32x128xf32, #tpu.memory_space<vmem>>)
      %slice3A_1374 = vector.extract_strided_slice %get3A_466 {offsets = [10], sizes = [1], strides = [1]} : vector<16xi32> to vector<1xi32>
      %squeeze3A_1375 = vector.extract %slice3A_1374[0] : i32 from vector<1xi32>
      %and3A_1376 = arith.constant 127 : i32
      %and3A_1377 = arith.andi %squeeze3A_1375, %and3A_1376 : i32
      %broadcast_in_dim3A_1378 = arith.constant 2 : i32
      %broadcast_in_dim3A_1379 = vector.broadcast %broadcast_in_dim3A_1378 : i32 to vector<16xi32>
      %broadcast_in_dim3A_1380 = vector.broadcast %and3A_1377 : i32 to vector<16xi32>
      %broadcast_in_dim3A_1381 = vector.broadcast %add3A_1358 : i32 to vector<16xi32>
      %gather3A_1382 = tpu.vector_load_idx %arg10[%broadcast_in_dim3A_1379, %iota3A, %broadcast_in_dim3A_1380] : memref<8x32x128xf32, #tpu.memory_space<vmem>>[vector<16xi32>, vector<16xi32>, vector<16xi32>], vector<16xf32>,
      %gather3A_1383 = tpu.vector_load_idx %arg10[%broadcast_in_dim3A_1379, %add3A_5, %broadcast_in_dim3A_1380] : memref<8x32x128xf32, #tpu.memory_space<vmem>>[vector<16xi32>, vector<16xi32>, vector<16xi32>], vector<16xf32>,
      tpu.vector_store_idx %arg12[%iota3A, %broadcast_in_dim3A_1381], %gather3A_1382 : memref<32x512xf32, #tpu.memory_space<vmem>>[vector<16xi32>, vector<16xi32>], vector<16xf32>,
      tpu.vector_store_idx %arg12[%add3A_5, %broadcast_in_dim3A_1381], %gather3A_1383 : memref<32x512xf32, #tpu.memory_space<vmem>>[vector<16xi32>, vector<16xi32>], vector<16xf32>,
      %lt3A_1384 = arith.constant 31 : i32
      %lt3A_1385 = arith.cmpi slt, %scan3A_462, %lt3A_1384 : i32
      %convert_element_type3A_1386 = arith.extui %lt3A_1385 : i1 to i32
      %cond3A_1387 = arith.constant 0 : i32
      %cond3A_1388 = arith.cmpi ne, %convert_element_type3A_1386, %cond3A_1387 : i32
      scf.if %cond3A_1388 {
        %slice3A_2102 = vector.extract_strided_slice %get3A_477 {offsets = [2], sizes = [1], strides = [1]} : vector<16xi32> to vector<1xi32>
        %squeeze3A_2103 = vector.extract %slice3A_2102[0] : i32 from vector<1xi32>
        %shift_right_logical3A_2104 = arith.constant 7 : i32
        %shift_right_logical3A_2105 = arith.shrui %squeeze3A_2103, %shift_right_logical3A_2104 : i32
        %mul3A_2106 = arith.constant 128 : i32
        %mul3A_2107 = arith.muli %shift_right_logical3A_2105, %mul3A_2106 : i32
        %multiple_of3A_2108 = tpu.assume_multiple %mul3A_2107, 128 : i32
        %dma_start3A_2109 = arith.constant 2 : i32
        %dma_start3A_2110 = arith.constant 0 : i32
        %dma_start3A_2111 = arith.constant 0 : i32
        %dma_start3A_2112 = tpu.memref_slice %arg10[%dma_start3A_2109, %dma_start3A_2110, %dma_start3A_2111] : memref<8x32x128xf32, #tpu.memory_space<vmem>> -> memref<1x32x128xf32, #tpu.memory_space<vmem>>
        %dma_start3A_2113 = tpu.memref_squeeze %dma_start3A_2112 : memref<1x32x128xf32, #tpu.memory_space<vmem>> -> memref<32x128xf32, #tpu.memory_space<vmem>>
        %dma_start3A_2114 = arith.constant 0 : i32
        %dma_start3A_2115 = tpu.memref_slice %arg4[%dma_start3A_2114, %multiple_of3A_2108] : memref<32x1000000xf32, #tpu.memory_space<hbm>> -> memref<32x128xf32, #tpu.memory_space<hbm>>
        %dma_start3A_2116 = arith.constant 0 : i32
        %dma_start3A_2117 = arith.constant 0 : i32
        %dma_start3A_2118 = tpu.memref_slice %arg10[%dma_start3A_2109, %dma_start3A_2116, %dma_start3A_2117] : memref<8x32x128xf32, #tpu.memory_space<vmem>> -> memref<1x32x128xf32, #tpu.memory_space<vmem>>
        %dma_start3A_2119 = tpu.memref_squeeze %dma_start3A_2118 : memref<1x32x128xf32, #tpu.memory_space<vmem>> -> memref<32x128xf32, #tpu.memory_space<vmem>>
        %dma_start3A_2120 = arith.constant 0 : i32
        %dma_start3A_2121 = tpu.memref_slice %arg4[%dma_start3A_2120, %multiple_of3A_2108] : memref<32x1000000xf32, #tpu.memory_space<hbm>> -> memref<32x128xf32, #tpu.memory_space<hbm>>
        tpu.enqueue_dma source(%dma_start3A_2121 : memref<32x128xf32, #tpu.memory_space<hbm>>) target(%dma_start3A_2119 : memref<32x128xf32, #tpu.memory_space<vmem>>) target_semaphore(%arg16 : memref<!tpu.dma_semaphore, #tpu.memory_space<semaphore_mem>>)
      } else {
      }
      %dma_wait3A_1389 = arith.constant 2 : i32
      %dma_wait3A_1390 = arith.constant 0 : i32
      %dma_wait3A_1391 = arith.constant 0 : i32
      %dma_wait3A_1392 = tpu.memref_slice %arg11[%dma_wait3A_1389, %dma_wait3A_1390, %dma_wait3A_1391] : memref<8x32x128xf32, #tpu.memory_space<vmem>> -> memref<1x32x128xf32, #tpu.memory_space<vmem>>
      %dma_wait3A_1393 = tpu.memref_squeeze %dma_wait3A_1392 : memref<1x32x128xf32, #tpu.memory_space<vmem>> -> memref<32x128xf32, #tpu.memory_space<vmem>>
      %dma_wait3A_1394 = arith.constant 0 : i32
      %dma_wait3A_1395 = arith.constant 0 : i32
      %dma_wait3A_1396 = tpu.memref_slice %arg5[%dma_wait3A_1394, %dma_wait3A_1395] : memref<32x1000000xf32, #tpu.memory_space<hbm>> -> memref<32x128xf32, #tpu.memory_space<hbm>>
      %dma_wait3A_1397 = arith.constant 0 : i32
      %dma_wait3A_1398 = arith.constant 0 : i32
      %dma_wait3A_1399 = tpu.memref_slice %arg11[%dma_wait3A_1389, %dma_wait3A_1397, %dma_wait3A_1398] : memref<8x32x128xf32, #tpu.memory_space<vmem>> -> memref<1x32x128xf32, #tpu.memory_space<vmem>>
      %dma_wait3A_1400 = tpu.memref_squeeze %dma_wait3A_1399 : memref<1x32x128xf32, #tpu.memory_space<vmem>> -> memref<32x128xf32, #tpu.memory_space<vmem>>
      %dma_wait3A_1401 = arith.constant 0 : i32
      %dma_wait3A_1402 = arith.constant 0 : i32
      %dma_wait3A_1403 = tpu.memref_slice %arg5[%dma_wait3A_1401, %dma_wait3A_1402] : memref<32x1000000xf32, #tpu.memory_space<hbm>> -> memref<32x128xf32, #tpu.memory_space<hbm>>
      tpu.wait_dma2 semaphore(%arg17 : memref<!tpu.dma_semaphore, #tpu.memory_space<semaphore_mem>>) src(%dma_wait3A_1403 : memref<32x128xf32, #tpu.memory_space<hbm>>) dst(%dma_wait3A_1400 : memref<32x128xf32, #tpu.memory_space<vmem>>)
      %slice3A_1404 = vector.extract_strided_slice %get3A_470 {offsets = [10], sizes = [1], strides = [1]} : vector<16xi32> to vector<1xi32>
      %squeeze3A_1405 = vector.extract %slice3A_1404[0] : i32 from vector<1xi32>
      %and3A_1406 = arith.constant 127 : i32
      %and3A_1407 = arith.andi %squeeze3A_1405, %and3A_1406 : i32
      %broadcast_in_dim3A_1408 = arith.constant 2 : i32
      %broadcast_in_dim3A_1409 = vector.broadcast %broadcast_in_dim3A_1408 : i32 to vector<16xi32>
      %broadcast_in_dim3A_1410 = vector.broadcast %and3A_1407 : i32 to vector<16xi32>
      %broadcast_in_dim3A_1411 = vector.broadcast %add3A_1358 : i32 to vector<16xi32>
      %gather3A_1412 = tpu.vector_load_idx %arg11[%broadcast_in_dim3A_1409, %iota3A, %broadcast_in_dim3A_1410] : memref<8x32x128xf32, #tpu.memory_space<vmem>>[vector<16xi32>, vector<16xi32>, vector<16xi32>], vector<16xf32>,
      %gather3A_1413 = tpu.vector_load_idx %arg11[%broadcast_in_dim3A_1409, %add3A_5, %broadcast_in_dim3A_1410] : memref<8x32x128xf32, #tpu.memory_space<vmem>>[vector<16xi32>, vector<16xi32>, vector<16xi32>], vector<16xf32>,
      tpu.vector_store_idx %arg13[%iota3A, %broadcast_in_dim3A_1411], %gather3A_1412 : memref<32x512xf32, #tpu.memory_space<vmem>>[vector<16xi32>, vector<16xi32>], vector<16xf32>,
      tpu.vector_store_idx %arg13[%add3A_5, %broadcast_in_dim3A_1411], %gather3A_1413 : memref<32x512xf32, #tpu.memory_space<vmem>>[vector<16xi32>, vector<16xi32>], vector<16xf32>,
      %lt3A_1414 = arith.constant 31 : i32
      %lt3A_1415 = arith.cmpi slt, %scan3A_462, %lt3A_1414 : i32
      %convert_element_type3A_1416 = arith.extui %lt3A_1415 : i1 to i32
      %cond3A_1417 = arith.constant 0 : i32
      %cond3A_1418 = arith.cmpi ne, %convert_element_type3A_1416, %cond3A_1417 : i32
      scf.if %cond3A_1418 {
        %slice3A_2102 = vector.extract_strided_slice %get3A_481 {offsets = [2], sizes = [1], strides = [1]} : vector<16xi32> to vector<1xi32>
        %squeeze3A_2103 = vector.extract %slice3A_2102[0] : i32 from vector<1xi32>
        %shift_right_logical3A_2104 = arith.constant 7 : i32
        %shift_right_logical3A_2105 = arith.shrui %squeeze3A_2103, %shift_right_logical3A_2104 : i32
        %mul3A_2106 = arith.constant 128 : i32
        %mul3A_2107 = arith.muli %shift_right_logical3A_2105, %mul3A_2106 : i32
        %multiple_of3A_2108 = tpu.assume_multiple %mul3A_2107, 128 : i32
        %dma_start3A_2109 = arith.constant 2 : i32
        %dma_start3A_2110 = arith.constant 0 : i32
        %dma_start3A_2111 = arith.constant 0 : i32
        %dma_start3A_2112 = tpu.memref_slice %arg11[%dma_start3A_2109, %dma_start3A_2110, %dma_start3A_2111] : memref<8x32x128xf32, #tpu.memory_space<vmem>> -> memref<1x32x128xf32, #tpu.memory_space<vmem>>
        %dma_start3A_2113 = tpu.memref_squeeze %dma_start3A_2112 : memref<1x32x128xf32, #tpu.memory_space<vmem>> -> memref<32x128xf32, #tpu.memory_space<vmem>>
        %dma_start3A_2114 = arith.constant 0 : i32
        %dma_start3A_2115 = tpu.memref_slice %arg5[%dma_start3A_2114, %multiple_of3A_2108] : memref<32x1000000xf32, #tpu.memory_space<hbm>> -> memref<32x128xf32, #tpu.memory_space<hbm>>
        %dma_start3A_2116 = arith.constant 0 : i32
        %dma_start3A_2117 = arith.constant 0 : i32
        %dma_start3A_2118 = tpu.memref_slice %arg11[%dma_start3A_2109, %dma_start3A_2116, %dma_start3A_2117] : memref<8x32x128xf32, #tpu.memory_space<vmem>> -> memref<1x32x128xf32, #tpu.memory_space<vmem>>
        %dma_start3A_2119 = tpu.memref_squeeze %dma_start3A_2118 : memref<1x32x128xf32, #tpu.memory_space<vmem>> -> memref<32x128xf32, #tpu.memory_space<vmem>>
        %dma_start3A_2120 = arith.constant 0 : i32
        %dma_start3A_2121 = tpu.memref_slice %arg5[%dma_start3A_2120, %multiple_of3A_2108] : memref<32x1000000xf32, #tpu.memory_space<hbm>> -> memref<32x128xf32, #tpu.memory_space<hbm>>
        tpu.enqueue_dma source(%dma_start3A_2121 : memref<32x128xf32, #tpu.memory_space<hbm>>) target(%dma_start3A_2119 : memref<32x128xf32, #tpu.memory_space<vmem>>) target_semaphore(%arg17 : memref<!tpu.dma_semaphore, #tpu.memory_space<semaphore_mem>>)
      } else {
      }
      %mul3A_1419 = arith.constant 16 : i32
      %mul3A_1420 = arith.muli %scan3A_462, %mul3A_1419 : i32
      %add3A_1421 = arith.constant 11 : i32
      %add3A_1422 = arith.addi %mul3A_1420, %add3A_1421 : i32
      %dma_wait3A_1423 = arith.constant 3 : i32
      %dma_wait3A_1424 = arith.constant 0 : i32
      %dma_wait3A_1425 = arith.constant 0 : i32
      %dma_wait3A_1426 = tpu.memref_slice %arg10[%dma_wait3A_1423, %dma_wait3A_1424, %dma_wait3A_1425] : memref<8x32x128xf32, #tpu.memory_space<vmem>> -> memref<1x32x128xf32, #tpu.memory_space<vmem>>
      %dma_wait3A_1427 = tpu.memref_squeeze %dma_wait3A_1426 : memref<1x32x128xf32, #tpu.memory_space<vmem>> -> memref<32x128xf32, #tpu.memory_space<vmem>>
      %dma_wait3A_1428 = arith.constant 0 : i32
      %dma_wait3A_1429 = arith.constant 0 : i32
      %dma_wait3A_1430 = tpu.memref_slice %arg4[%dma_wait3A_1428, %dma_wait3A_1429] : memref<32x1000000xf32, #tpu.memory_space<hbm>> -> memref<32x128xf32, #tpu.memory_space<hbm>>
      %dma_wait3A_1431 = arith.constant 0 : i32
      %dma_wait3A_1432 = arith.constant 0 : i32
      %dma_wait3A_1433 = tpu.memref_slice %arg10[%dma_wait3A_1423, %dma_wait3A_1431, %dma_wait3A_1432] : memref<8x32x128xf32, #tpu.memory_space<vmem>> -> memref<1x32x128xf32, #tpu.memory_space<vmem>>
      %dma_wait3A_1434 = tpu.memref_squeeze %dma_wait3A_1433 : memref<1x32x128xf32, #tpu.memory_space<vmem>> -> memref<32x128xf32, #tpu.memory_space<vmem>>
      %dma_wait3A_1435 = arith.constant 0 : i32
      %dma_wait3A_1436 = arith.constant 0 : i32
      %dma_wait3A_1437 = tpu.memref_slice %arg4[%dma_wait3A_1435, %dma_wait3A_1436] : memref<32x1000000xf32, #tpu.memory_space<hbm>> -> memref<32x128xf32, #tpu.memory_space<hbm>>
      tpu.wait_dma2 semaphore(%arg16 : memref<!tpu.dma_semaphore, #tpu.memory_space<semaphore_mem>>) src(%dma_wait3A_1437 : memref<32x128xf32, #tpu.memory_space<hbm>>) dst(%dma_wait3A_1434 : memref<32x128xf32, #tpu.memory_space<vmem>>)
      %slice3A_1438 = vector.extract_strided_slice %get3A_466 {offsets = [11], sizes = [1], strides = [1]} : vector<16xi32> to vector<1xi32>
      %squeeze3A_1439 = vector.extract %slice3A_1438[0] : i32 from vector<1xi32>
      %and3A_1440 = arith.constant 127 : i32
      %and3A_1441 = arith.andi %squeeze3A_1439, %and3A_1440 : i32
      %broadcast_in_dim3A_1442 = arith.constant 3 : i32
      %broadcast_in_dim3A_1443 = vector.broadcast %broadcast_in_dim3A_1442 : i32 to vector<16xi32>
      %broadcast_in_dim3A_1444 = vector.broadcast %and3A_1441 : i32 to vector<16xi32>
      %broadcast_in_dim3A_1445 = vector.broadcast %add3A_1422 : i32 to vector<16xi32>
      %gather3A_1446 = tpu.vector_load_idx %arg10[%broadcast_in_dim3A_1443, %iota3A, %broadcast_in_dim3A_1444] : memref<8x32x128xf32, #tpu.memory_space<vmem>>[vector<16xi32>, vector<16xi32>, vector<16xi32>], vector<16xf32>,
      %gather3A_1447 = tpu.vector_load_idx %arg10[%broadcast_in_dim3A_1443, %add3A_5, %broadcast_in_dim3A_1444] : memref<8x32x128xf32, #tpu.memory_space<vmem>>[vector<16xi32>, vector<16xi32>, vector<16xi32>], vector<16xf32>,
      tpu.vector_store_idx %arg12[%iota3A, %broadcast_in_dim3A_1445], %gather3A_1446 : memref<32x512xf32, #tpu.memory_space<vmem>>[vector<16xi32>, vector<16xi32>], vector<16xf32>,
      tpu.vector_store_idx %arg12[%add3A_5, %broadcast_in_dim3A_1445], %gather3A_1447 : memref<32x512xf32, #tpu.memory_space<vmem>>[vector<16xi32>, vector<16xi32>], vector<16xf32>,
      %lt3A_1448 = arith.constant 31 : i32
      %lt3A_1449 = arith.cmpi slt, %scan3A_462, %lt3A_1448 : i32
      %convert_element_type3A_1450 = arith.extui %lt3A_1449 : i1 to i32
      %cond3A_1451 = arith.constant 0 : i32
      %cond3A_1452 = arith.cmpi ne, %convert_element_type3A_1450, %cond3A_1451 : i32
      scf.if %cond3A_1452 {
        %slice3A_2102 = vector.extract_strided_slice %get3A_477 {offsets = [3], sizes = [1], strides = [1]} : vector<16xi32> to vector<1xi32>
        %squeeze3A_2103 = vector.extract %slice3A_2102[0] : i32 from vector<1xi32>
        %shift_right_logical3A_2104 = arith.constant 7 : i32
        %shift_right_logical3A_2105 = arith.shrui %squeeze3A_2103, %shift_right_logical3A_2104 : i32
        %mul3A_2106 = arith.constant 128 : i32
        %mul3A_2107 = arith.muli %shift_right_logical3A_2105, %mul3A_2106 : i32
        %multiple_of3A_2108 = tpu.assume_multiple %mul3A_2107, 128 : i32
        %dma_start3A_2109 = arith.constant 3 : i32
        %dma_start3A_2110 = arith.constant 0 : i32
        %dma_start3A_2111 = arith.constant 0 : i32
        %dma_start3A_2112 = tpu.memref_slice %arg10[%dma_start3A_2109, %dma_start3A_2110, %dma_start3A_2111] : memref<8x32x128xf32, #tpu.memory_space<vmem>> -> memref<1x32x128xf32, #tpu.memory_space<vmem>>
        %dma_start3A_2113 = tpu.memref_squeeze %dma_start3A_2112 : memref<1x32x128xf32, #tpu.memory_space<vmem>> -> memref<32x128xf32, #tpu.memory_space<vmem>>
        %dma_start3A_2114 = arith.constant 0 : i32
        %dma_start3A_2115 = tpu.memref_slice %arg4[%dma_start3A_2114, %multiple_of3A_2108] : memref<32x1000000xf32, #tpu.memory_space<hbm>> -> memref<32x128xf32, #tpu.memory_space<hbm>>
        %dma_start3A_2116 = arith.constant 0 : i32
        %dma_start3A_2117 = arith.constant 0 : i32
        %dma_start3A_2118 = tpu.memref_slice %arg10[%dma_start3A_2109, %dma_start3A_2116, %dma_start3A_2117] : memref<8x32x128xf32, #tpu.memory_space<vmem>> -> memref<1x32x128xf32, #tpu.memory_space<vmem>>
        %dma_start3A_2119 = tpu.memref_squeeze %dma_start3A_2118 : memref<1x32x128xf32, #tpu.memory_space<vmem>> -> memref<32x128xf32, #tpu.memory_space<vmem>>
        %dma_start3A_2120 = arith.constant 0 : i32
        %dma_start3A_2121 = tpu.memref_slice %arg4[%dma_start3A_2120, %multiple_of3A_2108] : memref<32x1000000xf32, #tpu.memory_space<hbm>> -> memref<32x128xf32, #tpu.memory_space<hbm>>
        tpu.enqueue_dma source(%dma_start3A_2121 : memref<32x128xf32, #tpu.memory_space<hbm>>) target(%dma_start3A_2119 : memref<32x128xf32, #tpu.memory_space<vmem>>) target_semaphore(%arg16 : memref<!tpu.dma_semaphore, #tpu.memory_space<semaphore_mem>>)
      } else {
      }
      %dma_wait3A_1453 = arith.constant 3 : i32
      %dma_wait3A_1454 = arith.constant 0 : i32
      %dma_wait3A_1455 = arith.constant 0 : i32
      %dma_wait3A_1456 = tpu.memref_slice %arg11[%dma_wait3A_1453, %dma_wait3A_1454, %dma_wait3A_1455] : memref<8x32x128xf32, #tpu.memory_space<vmem>> -> memref<1x32x128xf32, #tpu.memory_space<vmem>>
      %dma_wait3A_1457 = tpu.memref_squeeze %dma_wait3A_1456 : memref<1x32x128xf32, #tpu.memory_space<vmem>> -> memref<32x128xf32, #tpu.memory_space<vmem>>
      %dma_wait3A_1458 = arith.constant 0 : i32
      %dma_wait3A_1459 = arith.constant 0 : i32
      %dma_wait3A_1460 = tpu.memref_slice %arg5[%dma_wait3A_1458, %dma_wait3A_1459] : memref<32x1000000xf32, #tpu.memory_space<hbm>> -> memref<32x128xf32, #tpu.memory_space<hbm>>
      %dma_wait3A_1461 = arith.constant 0 : i32
      %dma_wait3A_1462 = arith.constant 0 : i32
      %dma_wait3A_1463 = tpu.memref_slice %arg11[%dma_wait3A_1453, %dma_wait3A_1461, %dma_wait3A_1462] : memref<8x32x128xf32, #tpu.memory_space<vmem>> -> memref<1x32x128xf32, #tpu.memory_space<vmem>>
      %dma_wait3A_1464 = tpu.memref_squeeze %dma_wait3A_1463 : memref<1x32x128xf32, #tpu.memory_space<vmem>> -> memref<32x128xf32, #tpu.memory_space<vmem>>
      %dma_wait3A_1465 = arith.constant 0 : i32
      %dma_wait3A_1466 = arith.constant 0 : i32
      %dma_wait3A_1467 = tpu.memref_slice %arg5[%dma_wait3A_1465, %dma_wait3A_1466] : memref<32x1000000xf32, #tpu.memory_space<hbm>> -> memref<32x128xf32, #tpu.memory_space<hbm>>
      tpu.wait_dma2 semaphore(%arg17 : memref<!tpu.dma_semaphore, #tpu.memory_space<semaphore_mem>>) src(%dma_wait3A_1467 : memref<32x128xf32, #tpu.memory_space<hbm>>) dst(%dma_wait3A_1464 : memref<32x128xf32, #tpu.memory_space<vmem>>)
      %slice3A_1468 = vector.extract_strided_slice %get3A_470 {offsets = [11], sizes = [1], strides = [1]} : vector<16xi32> to vector<1xi32>
      %squeeze3A_1469 = vector.extract %slice3A_1468[0] : i32 from vector<1xi32>
      %and3A_1470 = arith.constant 127 : i32
      %and3A_1471 = arith.andi %squeeze3A_1469, %and3A_1470 : i32
      %broadcast_in_dim3A_1472 = arith.constant 3 : i32
      %broadcast_in_dim3A_1473 = vector.broadcast %broadcast_in_dim3A_1472 : i32 to vector<16xi32>
      %broadcast_in_dim3A_1474 = vector.broadcast %and3A_1471 : i32 to vector<16xi32>
      %broadcast_in_dim3A_1475 = vector.broadcast %add3A_1422 : i32 to vector<16xi32>
      %gather3A_1476 = tpu.vector_load_idx %arg11[%broadcast_in_dim3A_1473, %iota3A, %broadcast_in_dim3A_1474] : memref<8x32x128xf32, #tpu.memory_space<vmem>>[vector<16xi32>, vector<16xi32>, vector<16xi32>], vector<16xf32>,
      %gather3A_1477 = tpu.vector_load_idx %arg11[%broadcast_in_dim3A_1473, %add3A_5, %broadcast_in_dim3A_1474] : memref<8x32x128xf32, #tpu.memory_space<vmem>>[vector<16xi32>, vector<16xi32>, vector<16xi32>], vector<16xf32>,
      tpu.vector_store_idx %arg13[%iota3A, %broadcast_in_dim3A_1475], %gather3A_1476 : memref<32x512xf32, #tpu.memory_space<vmem>>[vector<16xi32>, vector<16xi32>], vector<16xf32>,
      tpu.vector_store_idx %arg13[%add3A_5, %broadcast_in_dim3A_1475], %gather3A_1477 : memref<32x512xf32, #tpu.memory_space<vmem>>[vector<16xi32>, vector<16xi32>], vector<16xf32>,
      %lt3A_1478 = arith.constant 31 : i32
      %lt3A_1479 = arith.cmpi slt, %scan3A_462, %lt3A_1478 : i32
      %convert_element_type3A_1480 = arith.extui %lt3A_1479 : i1 to i32
      %cond3A_1481 = arith.constant 0 : i32
      %cond3A_1482 = arith.cmpi ne, %convert_element_type3A_1480, %cond3A_1481 : i32
      scf.if %cond3A_1482 {
        %slice3A_2102 = vector.extract_strided_slice %get3A_481 {offsets = [3], sizes = [1], strides = [1]} : vector<16xi32> to vector<1xi32>
        %squeeze3A_2103 = vector.extract %slice3A_2102[0] : i32 from vector<1xi32>
        %shift_right_logical3A_2104 = arith.constant 7 : i32
        %shift_right_logical3A_2105 = arith.shrui %squeeze3A_2103, %shift_right_logical3A_2104 : i32
        %mul3A_2106 = arith.constant 128 : i32
        %mul3A_2107 = arith.muli %shift_right_logical3A_2105, %mul3A_2106 : i32
        %multiple_of3A_2108 = tpu.assume_multiple %mul3A_2107, 128 : i32
        %dma_start3A_2109 = arith.constant 3 : i32
        %dma_start3A_2110 = arith.constant 0 : i32
        %dma_start3A_2111 = arith.constant 0 : i32
        %dma_start3A_2112 = tpu.memref_slice %arg11[%dma_start3A_2109, %dma_start3A_2110, %dma_start3A_2111] : memref<8x32x128xf32, #tpu.memory_space<vmem>> -> memref<1x32x128xf32, #tpu.memory_space<vmem>>
        %dma_start3A_2113 = tpu.memref_squeeze %dma_start3A_2112 : memref<1x32x128xf32, #tpu.memory_space<vmem>> -> memref<32x128xf32, #tpu.memory_space<vmem>>
        %dma_start3A_2114 = arith.constant 0 : i32
        %dma_start3A_2115 = tpu.memref_slice %arg5[%dma_start3A_2114, %multiple_of3A_2108] : memref<32x1000000xf32, #tpu.memory_space<hbm>> -> memref<32x128xf32, #tpu.memory_space<hbm>>
        %dma_start3A_2116 = arith.constant 0 : i32
        %dma_start3A_2117 = arith.constant 0 : i32
        %dma_start3A_2118 = tpu.memref_slice %arg11[%dma_start3A_2109, %dma_start3A_2116, %dma_start3A_2117] : memref<8x32x128xf32, #tpu.memory_space<vmem>> -> memref<1x32x128xf32, #tpu.memory_space<vmem>>
        %dma_start3A_2119 = tpu.memref_squeeze %dma_start3A_2118 : memref<1x32x128xf32, #tpu.memory_space<vmem>> -> memref<32x128xf32, #tpu.memory_space<vmem>>
        %dma_start3A_2120 = arith.constant 0 : i32
        %dma_start3A_2121 = tpu.memref_slice %arg5[%dma_start3A_2120, %multiple_of3A_2108] : memref<32x1000000xf32, #tpu.memory_space<hbm>> -> memref<32x128xf32, #tpu.memory_space<hbm>>
        tpu.enqueue_dma source(%dma_start3A_2121 : memref<32x128xf32, #tpu.memory_space<hbm>>) target(%dma_start3A_2119 : memref<32x128xf32, #tpu.memory_space<vmem>>) target_semaphore(%arg17 : memref<!tpu.dma_semaphore, #tpu.memory_space<semaphore_mem>>)
      } else {
      }
      %mul3A_1483 = arith.constant 16 : i32
      %mul3A_1484 = arith.muli %scan3A_462, %mul3A_1483 : i32
      %add3A_1485 = arith.constant 12 : i32
      %add3A_1486 = arith.addi %mul3A_1484, %add3A_1485 : i32
      %dma_wait3A_1487 = arith.constant 4 : i32
      %dma_wait3A_1488 = arith.constant 0 : i32
      %dma_wait3A_1489 = arith.constant 0 : i32
      %dma_wait3A_1490 = tpu.memref_slice %arg10[%dma_wait3A_1487, %dma_wait3A_1488, %dma_wait3A_1489] : memref<8x32x128xf32, #tpu.memory_space<vmem>> -> memref<1x32x128xf32, #tpu.memory_space<vmem>>
      %dma_wait3A_1491 = tpu.memref_squeeze %dma_wait3A_1490 : memref<1x32x128xf32, #tpu.memory_space<vmem>> -> memref<32x128xf32, #tpu.memory_space<vmem>>
      %dma_wait3A_1492 = arith.constant 0 : i32
      %dma_wait3A_1493 = arith.constant 0 : i32
      %dma_wait3A_1494 = tpu.memref_slice %arg4[%dma_wait3A_1492, %dma_wait3A_1493] : memref<32x1000000xf32, #tpu.memory_space<hbm>> -> memref<32x128xf32, #tpu.memory_space<hbm>>
      %dma_wait3A_1495 = arith.constant 0 : i32
      %dma_wait3A_1496 = arith.constant 0 : i32
      %dma_wait3A_1497 = tpu.memref_slice %arg10[%dma_wait3A_1487, %dma_wait3A_1495, %dma_wait3A_1496] : memref<8x32x128xf32, #tpu.memory_space<vmem>> -> memref<1x32x128xf32, #tpu.memory_space<vmem>>
      %dma_wait3A_1498 = tpu.memref_squeeze %dma_wait3A_1497 : memref<1x32x128xf32, #tpu.memory_space<vmem>> -> memref<32x128xf32, #tpu.memory_space<vmem>>
      %dma_wait3A_1499 = arith.constant 0 : i32
      %dma_wait3A_1500 = arith.constant 0 : i32
      %dma_wait3A_1501 = tpu.memref_slice %arg4[%dma_wait3A_1499, %dma_wait3A_1500] : memref<32x1000000xf32, #tpu.memory_space<hbm>> -> memref<32x128xf32, #tpu.memory_space<hbm>>
      tpu.wait_dma2 semaphore(%arg16 : memref<!tpu.dma_semaphore, #tpu.memory_space<semaphore_mem>>) src(%dma_wait3A_1501 : memref<32x128xf32, #tpu.memory_space<hbm>>) dst(%dma_wait3A_1498 : memref<32x128xf32, #tpu.memory_space<vmem>>)
      %slice3A_1502 = vector.extract_strided_slice %get3A_466 {offsets = [12], sizes = [1], strides = [1]} : vector<16xi32> to vector<1xi32>
      %squeeze3A_1503 = vector.extract %slice3A_1502[0] : i32 from vector<1xi32>
      %and3A_1504 = arith.constant 127 : i32
      %and3A_1505 = arith.andi %squeeze3A_1503, %and3A_1504 : i32
      %broadcast_in_dim3A_1506 = arith.constant 4 : i32
      %broadcast_in_dim3A_1507 = vector.broadcast %broadcast_in_dim3A_1506 : i32 to vector<16xi32>
      %broadcast_in_dim3A_1508 = vector.broadcast %and3A_1505 : i32 to vector<16xi32>
      %broadcast_in_dim3A_1509 = vector.broadcast %add3A_1486 : i32 to vector<16xi32>
      %gather3A_1510 = tpu.vector_load_idx %arg10[%broadcast_in_dim3A_1507, %iota3A, %broadcast_in_dim3A_1508] : memref<8x32x128xf32, #tpu.memory_space<vmem>>[vector<16xi32>, vector<16xi32>, vector<16xi32>], vector<16xf32>,
      %gather3A_1511 = tpu.vector_load_idx %arg10[%broadcast_in_dim3A_1507, %add3A_5, %broadcast_in_dim3A_1508] : memref<8x32x128xf32, #tpu.memory_space<vmem>>[vector<16xi32>, vector<16xi32>, vector<16xi32>], vector<16xf32>,
      tpu.vector_store_idx %arg12[%iota3A, %broadcast_in_dim3A_1509], %gather3A_1510 : memref<32x512xf32, #tpu.memory_space<vmem>>[vector<16xi32>, vector<16xi32>], vector<16xf32>,
      tpu.vector_store_idx %arg12[%add3A_5, %broadcast_in_dim3A_1509], %gather3A_1511 : memref<32x512xf32, #tpu.memory_space<vmem>>[vector<16xi32>, vector<16xi32>], vector<16xf32>,
      %lt3A_1512 = arith.constant 31 : i32
      %lt3A_1513 = arith.cmpi slt, %scan3A_462, %lt3A_1512 : i32
      %convert_element_type3A_1514 = arith.extui %lt3A_1513 : i1 to i32
      %cond3A_1515 = arith.constant 0 : i32
      %cond3A_1516 = arith.cmpi ne, %convert_element_type3A_1514, %cond3A_1515 : i32
      scf.if %cond3A_1516 {
        %slice3A_2102 = vector.extract_strided_slice %get3A_477 {offsets = [4], sizes = [1], strides = [1]} : vector<16xi32> to vector<1xi32>
        %squeeze3A_2103 = vector.extract %slice3A_2102[0] : i32 from vector<1xi32>
        %shift_right_logical3A_2104 = arith.constant 7 : i32
        %shift_right_logical3A_2105 = arith.shrui %squeeze3A_2103, %shift_right_logical3A_2104 : i32
        %mul3A_2106 = arith.constant 128 : i32
        %mul3A_2107 = arith.muli %shift_right_logical3A_2105, %mul3A_2106 : i32
        %multiple_of3A_2108 = tpu.assume_multiple %mul3A_2107, 128 : i32
        %dma_start3A_2109 = arith.constant 4 : i32
        %dma_start3A_2110 = arith.constant 0 : i32
        %dma_start3A_2111 = arith.constant 0 : i32
        %dma_start3A_2112 = tpu.memref_slice %arg10[%dma_start3A_2109, %dma_start3A_2110, %dma_start3A_2111] : memref<8x32x128xf32, #tpu.memory_space<vmem>> -> memref<1x32x128xf32, #tpu.memory_space<vmem>>
        %dma_start3A_2113 = tpu.memref_squeeze %dma_start3A_2112 : memref<1x32x128xf32, #tpu.memory_space<vmem>> -> memref<32x128xf32, #tpu.memory_space<vmem>>
        %dma_start3A_2114 = arith.constant 0 : i32
        %dma_start3A_2115 = tpu.memref_slice %arg4[%dma_start3A_2114, %multiple_of3A_2108] : memref<32x1000000xf32, #tpu.memory_space<hbm>> -> memref<32x128xf32, #tpu.memory_space<hbm>>
        %dma_start3A_2116 = arith.constant 0 : i32
        %dma_start3A_2117 = arith.constant 0 : i32
        %dma_start3A_2118 = tpu.memref_slice %arg10[%dma_start3A_2109, %dma_start3A_2116, %dma_start3A_2117] : memref<8x32x128xf32, #tpu.memory_space<vmem>> -> memref<1x32x128xf32, #tpu.memory_space<vmem>>
        %dma_start3A_2119 = tpu.memref_squeeze %dma_start3A_2118 : memref<1x32x128xf32, #tpu.memory_space<vmem>> -> memref<32x128xf32, #tpu.memory_space<vmem>>
        %dma_start3A_2120 = arith.constant 0 : i32
        %dma_start3A_2121 = tpu.memref_slice %arg4[%dma_start3A_2120, %multiple_of3A_2108] : memref<32x1000000xf32, #tpu.memory_space<hbm>> -> memref<32x128xf32, #tpu.memory_space<hbm>>
        tpu.enqueue_dma source(%dma_start3A_2121 : memref<32x128xf32, #tpu.memory_space<hbm>>) target(%dma_start3A_2119 : memref<32x128xf32, #tpu.memory_space<vmem>>) target_semaphore(%arg16 : memref<!tpu.dma_semaphore, #tpu.memory_space<semaphore_mem>>)
      } else {
      }
      %dma_wait3A_1517 = arith.constant 4 : i32
      %dma_wait3A_1518 = arith.constant 0 : i32
      %dma_wait3A_1519 = arith.constant 0 : i32
      %dma_wait3A_1520 = tpu.memref_slice %arg11[%dma_wait3A_1517, %dma_wait3A_1518, %dma_wait3A_1519] : memref<8x32x128xf32, #tpu.memory_space<vmem>> -> memref<1x32x128xf32, #tpu.memory_space<vmem>>
      %dma_wait3A_1521 = tpu.memref_squeeze %dma_wait3A_1520 : memref<1x32x128xf32, #tpu.memory_space<vmem>> -> memref<32x128xf32, #tpu.memory_space<vmem>>
      %dma_wait3A_1522 = arith.constant 0 : i32
      %dma_wait3A_1523 = arith.constant 0 : i32
      %dma_wait3A_1524 = tpu.memref_slice %arg5[%dma_wait3A_1522, %dma_wait3A_1523] : memref<32x1000000xf32, #tpu.memory_space<hbm>> -> memref<32x128xf32, #tpu.memory_space<hbm>>
      %dma_wait3A_1525 = arith.constant 0 : i32
      %dma_wait3A_1526 = arith.constant 0 : i32
      %dma_wait3A_1527 = tpu.memref_slice %arg11[%dma_wait3A_1517, %dma_wait3A_1525, %dma_wait3A_1526] : memref<8x32x128xf32, #tpu.memory_space<vmem>> -> memref<1x32x128xf32, #tpu.memory_space<vmem>>
      %dma_wait3A_1528 = tpu.memref_squeeze %dma_wait3A_1527 : memref<1x32x128xf32, #tpu.memory_space<vmem>> -> memref<32x128xf32, #tpu.memory_space<vmem>>
      %dma_wait3A_1529 = arith.constant 0 : i32
      %dma_wait3A_1530 = arith.constant 0 : i32
      %dma_wait3A_1531 = tpu.memref_slice %arg5[%dma_wait3A_1529, %dma_wait3A_1530] : memref<32x1000000xf32, #tpu.memory_space<hbm>> -> memref<32x128xf32, #tpu.memory_space<hbm>>
      tpu.wait_dma2 semaphore(%arg17 : memref<!tpu.dma_semaphore, #tpu.memory_space<semaphore_mem>>) src(%dma_wait3A_1531 : memref<32x128xf32, #tpu.memory_space<hbm>>) dst(%dma_wait3A_1528 : memref<32x128xf32, #tpu.memory_space<vmem>>)
      %slice3A_1532 = vector.extract_strided_slice %get3A_470 {offsets = [12], sizes = [1], strides = [1]} : vector<16xi32> to vector<1xi32>
      %squeeze3A_1533 = vector.extract %slice3A_1532[0] : i32 from vector<1xi32>
      %and3A_1534 = arith.constant 127 : i32
      %and3A_1535 = arith.andi %squeeze3A_1533, %and3A_1534 : i32
      %broadcast_in_dim3A_1536 = arith.constant 4 : i32
      %broadcast_in_dim3A_1537 = vector.broadcast %broadcast_in_dim3A_1536 : i32 to vector<16xi32>
      %broadcast_in_dim3A_1538 = vector.broadcast %and3A_1535 : i32 to vector<16xi32>
      %broadcast_in_dim3A_1539 = vector.broadcast %add3A_1486 : i32 to vector<16xi32>
      %gather3A_1540 = tpu.vector_load_idx %arg11[%broadcast_in_dim3A_1537, %iota3A, %broadcast_in_dim3A_1538] : memref<8x32x128xf32, #tpu.memory_space<vmem>>[vector<16xi32>, vector<16xi32>, vector<16xi32>], vector<16xf32>,
      %gather3A_1541 = tpu.vector_load_idx %arg11[%broadcast_in_dim3A_1537, %add3A_5, %broadcast_in_dim3A_1538] : memref<8x32x128xf32, #tpu.memory_space<vmem>>[vector<16xi32>, vector<16xi32>, vector<16xi32>], vector<16xf32>,
      tpu.vector_store_idx %arg13[%iota3A, %broadcast_in_dim3A_1539], %gather3A_1540 : memref<32x512xf32, #tpu.memory_space<vmem>>[vector<16xi32>, vector<16xi32>], vector<16xf32>,
      tpu.vector_store_idx %arg13[%add3A_5, %broadcast_in_dim3A_1539], %gather3A_1541 : memref<32x512xf32, #tpu.memory_space<vmem>>[vector<16xi32>, vector<16xi32>], vector<16xf32>,
      %lt3A_1542 = arith.constant 31 : i32
      %lt3A_1543 = arith.cmpi slt, %scan3A_462, %lt3A_1542 : i32
      %convert_element_type3A_1544 = arith.extui %lt3A_1543 : i1 to i32
      %cond3A_1545 = arith.constant 0 : i32
      %cond3A_1546 = arith.cmpi ne, %convert_element_type3A_1544, %cond3A_1545 : i32
      scf.if %cond3A_1546 {
        %slice3A_2102 = vector.extract_strided_slice %get3A_481 {offsets = [4], sizes = [1], strides = [1]} : vector<16xi32> to vector<1xi32>
        %squeeze3A_2103 = vector.extract %slice3A_2102[0] : i32 from vector<1xi32>
        %shift_right_logical3A_2104 = arith.constant 7 : i32
        %shift_right_logical3A_2105 = arith.shrui %squeeze3A_2103, %shift_right_logical3A_2104 : i32
        %mul3A_2106 = arith.constant 128 : i32
        %mul3A_2107 = arith.muli %shift_right_logical3A_2105, %mul3A_2106 : i32
        %multiple_of3A_2108 = tpu.assume_multiple %mul3A_2107, 128 : i32
        %dma_start3A_2109 = arith.constant 4 : i32
        %dma_start3A_2110 = arith.constant 0 : i32
        %dma_start3A_2111 = arith.constant 0 : i32
        %dma_start3A_2112 = tpu.memref_slice %arg11[%dma_start3A_2109, %dma_start3A_2110, %dma_start3A_2111] : memref<8x32x128xf32, #tpu.memory_space<vmem>> -> memref<1x32x128xf32, #tpu.memory_space<vmem>>
        %dma_start3A_2113 = tpu.memref_squeeze %dma_start3A_2112 : memref<1x32x128xf32, #tpu.memory_space<vmem>> -> memref<32x128xf32, #tpu.memory_space<vmem>>
        %dma_start3A_2114 = arith.constant 0 : i32
        %dma_start3A_2115 = tpu.memref_slice %arg5[%dma_start3A_2114, %multiple_of3A_2108] : memref<32x1000000xf32, #tpu.memory_space<hbm>> -> memref<32x128xf32, #tpu.memory_space<hbm>>
        %dma_start3A_2116 = arith.constant 0 : i32
        %dma_start3A_2117 = arith.constant 0 : i32
        %dma_start3A_2118 = tpu.memref_slice %arg11[%dma_start3A_2109, %dma_start3A_2116, %dma_start3A_2117] : memref<8x32x128xf32, #tpu.memory_space<vmem>> -> memref<1x32x128xf32, #tpu.memory_space<vmem>>
        %dma_start3A_2119 = tpu.memref_squeeze %dma_start3A_2118 : memref<1x32x128xf32, #tpu.memory_space<vmem>> -> memref<32x128xf32, #tpu.memory_space<vmem>>
        %dma_start3A_2120 = arith.constant 0 : i32
        %dma_start3A_2121 = tpu.memref_slice %arg5[%dma_start3A_2120, %multiple_of3A_2108] : memref<32x1000000xf32, #tpu.memory_space<hbm>> -> memref<32x128xf32, #tpu.memory_space<hbm>>
        tpu.enqueue_dma source(%dma_start3A_2121 : memref<32x128xf32, #tpu.memory_space<hbm>>) target(%dma_start3A_2119 : memref<32x128xf32, #tpu.memory_space<vmem>>) target_semaphore(%arg17 : memref<!tpu.dma_semaphore, #tpu.memory_space<semaphore_mem>>)
      } else {
      }
      %mul3A_1547 = arith.constant 16 : i32
      %mul3A_1548 = arith.muli %scan3A_462, %mul3A_1547 : i32
      %add3A_1549 = arith.constant 13 : i32
      %add3A_1550 = arith.addi %mul3A_1548, %add3A_1549 : i32
      %dma_wait3A_1551 = arith.constant 5 : i32
      %dma_wait3A_1552 = arith.constant 0 : i32
      %dma_wait3A_1553 = arith.constant 0 : i32
      %dma_wait3A_1554 = tpu.memref_slice %arg10[%dma_wait3A_1551, %dma_wait3A_1552, %dma_wait3A_1553] : memref<8x32x128xf32, #tpu.memory_space<vmem>> -> memref<1x32x128xf32, #tpu.memory_space<vmem>>
      %dma_wait3A_1555 = tpu.memref_squeeze %dma_wait3A_1554 : memref<1x32x128xf32, #tpu.memory_space<vmem>> -> memref<32x128xf32, #tpu.memory_space<vmem>>
      %dma_wait3A_1556 = arith.constant 0 : i32
      %dma_wait3A_1557 = arith.constant 0 : i32
      %dma_wait3A_1558 = tpu.memref_slice %arg4[%dma_wait3A_1556, %dma_wait3A_1557] : memref<32x1000000xf32, #tpu.memory_space<hbm>> -> memref<32x128xf32, #tpu.memory_space<hbm>>
      %dma_wait3A_1559 = arith.constant 0 : i32
      %dma_wait3A_1560 = arith.constant 0 : i32
      %dma_wait3A_1561 = tpu.memref_slice %arg10[%dma_wait3A_1551, %dma_wait3A_1559, %dma_wait3A_1560] : memref<8x32x128xf32, #tpu.memory_space<vmem>> -> memref<1x32x128xf32, #tpu.memory_space<vmem>>
      %dma_wait3A_1562 = tpu.memref_squeeze %dma_wait3A_1561 : memref<1x32x128xf32, #tpu.memory_space<vmem>> -> memref<32x128xf32, #tpu.memory_space<vmem>>
      %dma_wait3A_1563 = arith.constant 0 : i32
      %dma_wait3A_1564 = arith.constant 0 : i32
      %dma_wait3A_1565 = tpu.memref_slice %arg4[%dma_wait3A_1563, %dma_wait3A_1564] : memref<32x1000000xf32, #tpu.memory_space<hbm>> -> memref<32x128xf32, #tpu.memory_space<hbm>>
      tpu.wait_dma2 semaphore(%arg16 : memref<!tpu.dma_semaphore, #tpu.memory_space<semaphore_mem>>) src(%dma_wait3A_1565 : memref<32x128xf32, #tpu.memory_space<hbm>>) dst(%dma_wait3A_1562 : memref<32x128xf32, #tpu.memory_space<vmem>>)
      %slice3A_1566 = vector.extract_strided_slice %get3A_466 {offsets = [13], sizes = [1], strides = [1]} : vector<16xi32> to vector<1xi32>
      %squeeze3A_1567 = vector.extract %slice3A_1566[0] : i32 from vector<1xi32>
      %and3A_1568 = arith.constant 127 : i32
      %and3A_1569 = arith.andi %squeeze3A_1567, %and3A_1568 : i32
      %broadcast_in_dim3A_1570 = arith.constant 5 : i32
      %broadcast_in_dim3A_1571 = vector.broadcast %broadcast_in_dim3A_1570 : i32 to vector<16xi32>
      %broadcast_in_dim3A_1572 = vector.broadcast %and3A_1569 : i32 to vector<16xi32>
      %broadcast_in_dim3A_1573 = vector.broadcast %add3A_1550 : i32 to vector<16xi32>
      %gather3A_1574 = tpu.vector_load_idx %arg10[%broadcast_in_dim3A_1571, %iota3A, %broadcast_in_dim3A_1572] : memref<8x32x128xf32, #tpu.memory_space<vmem>>[vector<16xi32>, vector<16xi32>, vector<16xi32>], vector<16xf32>,
      %gather3A_1575 = tpu.vector_load_idx %arg10[%broadcast_in_dim3A_1571, %add3A_5, %broadcast_in_dim3A_1572] : memref<8x32x128xf32, #tpu.memory_space<vmem>>[vector<16xi32>, vector<16xi32>, vector<16xi32>], vector<16xf32>,
      tpu.vector_store_idx %arg12[%iota3A, %broadcast_in_dim3A_1573], %gather3A_1574 : memref<32x512xf32, #tpu.memory_space<vmem>>[vector<16xi32>, vector<16xi32>], vector<16xf32>,
      tpu.vector_store_idx %arg12[%add3A_5, %broadcast_in_dim3A_1573], %gather3A_1575 : memref<32x512xf32, #tpu.memory_space<vmem>>[vector<16xi32>, vector<16xi32>], vector<16xf32>,
      %lt3A_1576 = arith.constant 31 : i32
      %lt3A_1577 = arith.cmpi slt, %scan3A_462, %lt3A_1576 : i32
      %convert_element_type3A_1578 = arith.extui %lt3A_1577 : i1 to i32
      %cond3A_1579 = arith.constant 0 : i32
      %cond3A_1580 = arith.cmpi ne, %convert_element_type3A_1578, %cond3A_1579 : i32
      scf.if %cond3A_1580 {
        %slice3A_2102 = vector.extract_strided_slice %get3A_477 {offsets = [5], sizes = [1], strides = [1]} : vector<16xi32> to vector<1xi32>
        %squeeze3A_2103 = vector.extract %slice3A_2102[0] : i32 from vector<1xi32>
        %shift_right_logical3A_2104 = arith.constant 7 : i32
        %shift_right_logical3A_2105 = arith.shrui %squeeze3A_2103, %shift_right_logical3A_2104 : i32
        %mul3A_2106 = arith.constant 128 : i32
        %mul3A_2107 = arith.muli %shift_right_logical3A_2105, %mul3A_2106 : i32
        %multiple_of3A_2108 = tpu.assume_multiple %mul3A_2107, 128 : i32
        %dma_start3A_2109 = arith.constant 5 : i32
        %dma_start3A_2110 = arith.constant 0 : i32
        %dma_start3A_2111 = arith.constant 0 : i32
        %dma_start3A_2112 = tpu.memref_slice %arg10[%dma_start3A_2109, %dma_start3A_2110, %dma_start3A_2111] : memref<8x32x128xf32, #tpu.memory_space<vmem>> -> memref<1x32x128xf32, #tpu.memory_space<vmem>>
        %dma_start3A_2113 = tpu.memref_squeeze %dma_start3A_2112 : memref<1x32x128xf32, #tpu.memory_space<vmem>> -> memref<32x128xf32, #tpu.memory_space<vmem>>
        %dma_start3A_2114 = arith.constant 0 : i32
        %dma_start3A_2115 = tpu.memref_slice %arg4[%dma_start3A_2114, %multiple_of3A_2108] : memref<32x1000000xf32, #tpu.memory_space<hbm>> -> memref<32x128xf32, #tpu.memory_space<hbm>>
        %dma_start3A_2116 = arith.constant 0 : i32
        %dma_start3A_2117 = arith.constant 0 : i32
        %dma_start3A_2118 = tpu.memref_slice %arg10[%dma_start3A_2109, %dma_start3A_2116, %dma_start3A_2117] : memref<8x32x128xf32, #tpu.memory_space<vmem>> -> memref<1x32x128xf32, #tpu.memory_space<vmem>>
        %dma_start3A_2119 = tpu.memref_squeeze %dma_start3A_2118 : memref<1x32x128xf32, #tpu.memory_space<vmem>> -> memref<32x128xf32, #tpu.memory_space<vmem>>
        %dma_start3A_2120 = arith.constant 0 : i32
        %dma_start3A_2121 = tpu.memref_slice %arg4[%dma_start3A_2120, %multiple_of3A_2108] : memref<32x1000000xf32, #tpu.memory_space<hbm>> -> memref<32x128xf32, #tpu.memory_space<hbm>>
        tpu.enqueue_dma source(%dma_start3A_2121 : memref<32x128xf32, #tpu.memory_space<hbm>>) target(%dma_start3A_2119 : memref<32x128xf32, #tpu.memory_space<vmem>>) target_semaphore(%arg16 : memref<!tpu.dma_semaphore, #tpu.memory_space<semaphore_mem>>)
      } else {
      }
      %dma_wait3A_1581 = arith.constant 5 : i32
      %dma_wait3A_1582 = arith.constant 0 : i32
      %dma_wait3A_1583 = arith.constant 0 : i32
      %dma_wait3A_1584 = tpu.memref_slice %arg11[%dma_wait3A_1581, %dma_wait3A_1582, %dma_wait3A_1583] : memref<8x32x128xf32, #tpu.memory_space<vmem>> -> memref<1x32x128xf32, #tpu.memory_space<vmem>>
      %dma_wait3A_1585 = tpu.memref_squeeze %dma_wait3A_1584 : memref<1x32x128xf32, #tpu.memory_space<vmem>> -> memref<32x128xf32, #tpu.memory_space<vmem>>
      %dma_wait3A_1586 = arith.constant 0 : i32
      %dma_wait3A_1587 = arith.constant 0 : i32
      %dma_wait3A_1588 = tpu.memref_slice %arg5[%dma_wait3A_1586, %dma_wait3A_1587] : memref<32x1000000xf32, #tpu.memory_space<hbm>> -> memref<32x128xf32, #tpu.memory_space<hbm>>
      %dma_wait3A_1589 = arith.constant 0 : i32
      %dma_wait3A_1590 = arith.constant 0 : i32
      %dma_wait3A_1591 = tpu.memref_slice %arg11[%dma_wait3A_1581, %dma_wait3A_1589, %dma_wait3A_1590] : memref<8x32x128xf32, #tpu.memory_space<vmem>> -> memref<1x32x128xf32, #tpu.memory_space<vmem>>
      %dma_wait3A_1592 = tpu.memref_squeeze %dma_wait3A_1591 : memref<1x32x128xf32, #tpu.memory_space<vmem>> -> memref<32x128xf32, #tpu.memory_space<vmem>>
      %dma_wait3A_1593 = arith.constant 0 : i32
      %dma_wait3A_1594 = arith.constant 0 : i32
      %dma_wait3A_1595 = tpu.memref_slice %arg5[%dma_wait3A_1593, %dma_wait3A_1594] : memref<32x1000000xf32, #tpu.memory_space<hbm>> -> memref<32x128xf32, #tpu.memory_space<hbm>>
      tpu.wait_dma2 semaphore(%arg17 : memref<!tpu.dma_semaphore, #tpu.memory_space<semaphore_mem>>) src(%dma_wait3A_1595 : memref<32x128xf32, #tpu.memory_space<hbm>>) dst(%dma_wait3A_1592 : memref<32x128xf32, #tpu.memory_space<vmem>>)
      %slice3A_1596 = vector.extract_strided_slice %get3A_470 {offsets = [13], sizes = [1], strides = [1]} : vector<16xi32> to vector<1xi32>
      %squeeze3A_1597 = vector.extract %slice3A_1596[0] : i32 from vector<1xi32>
      %and3A_1598 = arith.constant 127 : i32
      %and3A_1599 = arith.andi %squeeze3A_1597, %and3A_1598 : i32
      %broadcast_in_dim3A_1600 = arith.constant 5 : i32
      %broadcast_in_dim3A_1601 = vector.broadcast %broadcast_in_dim3A_1600 : i32 to vector<16xi32>
      %broadcast_in_dim3A_1602 = vector.broadcast %and3A_1599 : i32 to vector<16xi32>
      %broadcast_in_dim3A_1603 = vector.broadcast %add3A_1550 : i32 to vector<16xi32>
      %gather3A_1604 = tpu.vector_load_idx %arg11[%broadcast_in_dim3A_1601, %iota3A, %broadcast_in_dim3A_1602] : memref<8x32x128xf32, #tpu.memory_space<vmem>>[vector<16xi32>, vector<16xi32>, vector<16xi32>], vector<16xf32>,
      %gather3A_1605 = tpu.vector_load_idx %arg11[%broadcast_in_dim3A_1601, %add3A_5, %broadcast_in_dim3A_1602] : memref<8x32x128xf32, #tpu.memory_space<vmem>>[vector<16xi32>, vector<16xi32>, vector<16xi32>], vector<16xf32>,
      tpu.vector_store_idx %arg13[%iota3A, %broadcast_in_dim3A_1603], %gather3A_1604 : memref<32x512xf32, #tpu.memory_space<vmem>>[vector<16xi32>, vector<16xi32>], vector<16xf32>,
      tpu.vector_store_idx %arg13[%add3A_5, %broadcast_in_dim3A_1603], %gather3A_1605 : memref<32x512xf32, #tpu.memory_space<vmem>>[vector<16xi32>, vector<16xi32>], vector<16xf32>,
      %lt3A_1606 = arith.constant 31 : i32
      %lt3A_1607 = arith.cmpi slt, %scan3A_462, %lt3A_1606 : i32
      %convert_element_type3A_1608 = arith.extui %lt3A_1607 : i1 to i32
      %cond3A_1609 = arith.constant 0 : i32
      %cond3A_1610 = arith.cmpi ne, %convert_element_type3A_1608, %cond3A_1609 : i32
      scf.if %cond3A_1610 {
        %slice3A_2102 = vector.extract_strided_slice %get3A_481 {offsets = [5], sizes = [1], strides = [1]} : vector<16xi32> to vector<1xi32>
        %squeeze3A_2103 = vector.extract %slice3A_2102[0] : i32 from vector<1xi32>
        %shift_right_logical3A_2104 = arith.constant 7 : i32
        %shift_right_logical3A_2105 = arith.shrui %squeeze3A_2103, %shift_right_logical3A_2104 : i32
        %mul3A_2106 = arith.constant 128 : i32
        %mul3A_2107 = arith.muli %shift_right_logical3A_2105, %mul3A_2106 : i32
        %multiple_of3A_2108 = tpu.assume_multiple %mul3A_2107, 128 : i32
        %dma_start3A_2109 = arith.constant 5 : i32
        %dma_start3A_2110 = arith.constant 0 : i32
        %dma_start3A_2111 = arith.constant 0 : i32
        %dma_start3A_2112 = tpu.memref_slice %arg11[%dma_start3A_2109, %dma_start3A_2110, %dma_start3A_2111] : memref<8x32x128xf32, #tpu.memory_space<vmem>> -> memref<1x32x128xf32, #tpu.memory_space<vmem>>
        %dma_start3A_2113 = tpu.memref_squeeze %dma_start3A_2112 : memref<1x32x128xf32, #tpu.memory_space<vmem>> -> memref<32x128xf32, #tpu.memory_space<vmem>>
        %dma_start3A_2114 = arith.constant 0 : i32
        %dma_start3A_2115 = tpu.memref_slice %arg5[%dma_start3A_2114, %multiple_of3A_2108] : memref<32x1000000xf32, #tpu.memory_space<hbm>> -> memref<32x128xf32, #tpu.memory_space<hbm>>
        %dma_start3A_2116 = arith.constant 0 : i32
        %dma_start3A_2117 = arith.constant 0 : i32
        %dma_start3A_2118 = tpu.memref_slice %arg11[%dma_start3A_2109, %dma_start3A_2116, %dma_start3A_2117] : memref<8x32x128xf32, #tpu.memory_space<vmem>> -> memref<1x32x128xf32, #tpu.memory_space<vmem>>
        %dma_start3A_2119 = tpu.memref_squeeze %dma_start3A_2118 : memref<1x32x128xf32, #tpu.memory_space<vmem>> -> memref<32x128xf32, #tpu.memory_space<vmem>>
        %dma_start3A_2120 = arith.constant 0 : i32
        %dma_start3A_2121 = tpu.memref_slice %arg5[%dma_start3A_2120, %multiple_of3A_2108] : memref<32x1000000xf32, #tpu.memory_space<hbm>> -> memref<32x128xf32, #tpu.memory_space<hbm>>
        tpu.enqueue_dma source(%dma_start3A_2121 : memref<32x128xf32, #tpu.memory_space<hbm>>) target(%dma_start3A_2119 : memref<32x128xf32, #tpu.memory_space<vmem>>) target_semaphore(%arg17 : memref<!tpu.dma_semaphore, #tpu.memory_space<semaphore_mem>>)
      } else {
      }
      %mul3A_1611 = arith.constant 16 : i32
      %mul3A_1612 = arith.muli %scan3A_462, %mul3A_1611 : i32
      %add3A_1613 = arith.constant 14 : i32
      %add3A_1614 = arith.addi %mul3A_1612, %add3A_1613 : i32
      %dma_wait3A_1615 = arith.constant 6 : i32
      %dma_wait3A_1616 = arith.constant 0 : i32
      %dma_wait3A_1617 = arith.constant 0 : i32
      %dma_wait3A_1618 = tpu.memref_slice %arg10[%dma_wait3A_1615, %dma_wait3A_1616, %dma_wait3A_1617] : memref<8x32x128xf32, #tpu.memory_space<vmem>> -> memref<1x32x128xf32, #tpu.memory_space<vmem>>
      %dma_wait3A_1619 = tpu.memref_squeeze %dma_wait3A_1618 : memref<1x32x128xf32, #tpu.memory_space<vmem>> -> memref<32x128xf32, #tpu.memory_space<vmem>>
      %dma_wait3A_1620 = arith.constant 0 : i32
      %dma_wait3A_1621 = arith.constant 0 : i32
      %dma_wait3A_1622 = tpu.memref_slice %arg4[%dma_wait3A_1620, %dma_wait3A_1621] : memref<32x1000000xf32, #tpu.memory_space<hbm>> -> memref<32x128xf32, #tpu.memory_space<hbm>>
      %dma_wait3A_1623 = arith.constant 0 : i32
      %dma_wait3A_1624 = arith.constant 0 : i32
      %dma_wait3A_1625 = tpu.memref_slice %arg10[%dma_wait3A_1615, %dma_wait3A_1623, %dma_wait3A_1624] : memref<8x32x128xf32, #tpu.memory_space<vmem>> -> memref<1x32x128xf32, #tpu.memory_space<vmem>>
      %dma_wait3A_1626 = tpu.memref_squeeze %dma_wait3A_1625 : memref<1x32x128xf32, #tpu.memory_space<vmem>> -> memref<32x128xf32, #tpu.memory_space<vmem>>
      %dma_wait3A_1627 = arith.constant 0 : i32
      %dma_wait3A_1628 = arith.constant 0 : i32
      %dma_wait3A_1629 = tpu.memref_slice %arg4[%dma_wait3A_1627, %dma_wait3A_1628] : memref<32x1000000xf32, #tpu.memory_space<hbm>> -> memref<32x128xf32, #tpu.memory_space<hbm>>
      tpu.wait_dma2 semaphore(%arg16 : memref<!tpu.dma_semaphore, #tpu.memory_space<semaphore_mem>>) src(%dma_wait3A_1629 : memref<32x128xf32, #tpu.memory_space<hbm>>) dst(%dma_wait3A_1626 : memref<32x128xf32, #tpu.memory_space<vmem>>)
      %slice3A_1630 = vector.extract_strided_slice %get3A_466 {offsets = [14], sizes = [1], strides = [1]} : vector<16xi32> to vector<1xi32>
      %squeeze3A_1631 = vector.extract %slice3A_1630[0] : i32 from vector<1xi32>
      %and3A_1632 = arith.constant 127 : i32
      %and3A_1633 = arith.andi %squeeze3A_1631, %and3A_1632 : i32
      %broadcast_in_dim3A_1634 = arith.constant 6 : i32
      %broadcast_in_dim3A_1635 = vector.broadcast %broadcast_in_dim3A_1634 : i32 to vector<16xi32>
      %broadcast_in_dim3A_1636 = vector.broadcast %and3A_1633 : i32 to vector<16xi32>
      %broadcast_in_dim3A_1637 = vector.broadcast %add3A_1614 : i32 to vector<16xi32>
      %gather3A_1638 = tpu.vector_load_idx %arg10[%broadcast_in_dim3A_1635, %iota3A, %broadcast_in_dim3A_1636] : memref<8x32x128xf32, #tpu.memory_space<vmem>>[vector<16xi32>, vector<16xi32>, vector<16xi32>], vector<16xf32>,
      %gather3A_1639 = tpu.vector_load_idx %arg10[%broadcast_in_dim3A_1635, %add3A_5, %broadcast_in_dim3A_1636] : memref<8x32x128xf32, #tpu.memory_space<vmem>>[vector<16xi32>, vector<16xi32>, vector<16xi32>], vector<16xf32>,
      tpu.vector_store_idx %arg12[%iota3A, %broadcast_in_dim3A_1637], %gather3A_1638 : memref<32x512xf32, #tpu.memory_space<vmem>>[vector<16xi32>, vector<16xi32>], vector<16xf32>,
      tpu.vector_store_idx %arg12[%add3A_5, %broadcast_in_dim3A_1637], %gather3A_1639 : memref<32x512xf32, #tpu.memory_space<vmem>>[vector<16xi32>, vector<16xi32>], vector<16xf32>,
      %lt3A_1640 = arith.constant 31 : i32
      %lt3A_1641 = arith.cmpi slt, %scan3A_462, %lt3A_1640 : i32
      %convert_element_type3A_1642 = arith.extui %lt3A_1641 : i1 to i32
      %cond3A_1643 = arith.constant 0 : i32
      %cond3A_1644 = arith.cmpi ne, %convert_element_type3A_1642, %cond3A_1643 : i32
      scf.if %cond3A_1644 {
        %slice3A_2102 = vector.extract_strided_slice %get3A_477 {offsets = [6], sizes = [1], strides = [1]} : vector<16xi32> to vector<1xi32>
        %squeeze3A_2103 = vector.extract %slice3A_2102[0] : i32 from vector<1xi32>
        %shift_right_logical3A_2104 = arith.constant 7 : i32
        %shift_right_logical3A_2105 = arith.shrui %squeeze3A_2103, %shift_right_logical3A_2104 : i32
        %mul3A_2106 = arith.constant 128 : i32
        %mul3A_2107 = arith.muli %shift_right_logical3A_2105, %mul3A_2106 : i32
        %multiple_of3A_2108 = tpu.assume_multiple %mul3A_2107, 128 : i32
        %dma_start3A_2109 = arith.constant 6 : i32
        %dma_start3A_2110 = arith.constant 0 : i32
        %dma_start3A_2111 = arith.constant 0 : i32
        %dma_start3A_2112 = tpu.memref_slice %arg10[%dma_start3A_2109, %dma_start3A_2110, %dma_start3A_2111] : memref<8x32x128xf32, #tpu.memory_space<vmem>> -> memref<1x32x128xf32, #tpu.memory_space<vmem>>
        %dma_start3A_2113 = tpu.memref_squeeze %dma_start3A_2112 : memref<1x32x128xf32, #tpu.memory_space<vmem>> -> memref<32x128xf32, #tpu.memory_space<vmem>>
        %dma_start3A_2114 = arith.constant 0 : i32
        %dma_start3A_2115 = tpu.memref_slice %arg4[%dma_start3A_2114, %multiple_of3A_2108] : memref<32x1000000xf32, #tpu.memory_space<hbm>> -> memref<32x128xf32, #tpu.memory_space<hbm>>
        %dma_start3A_2116 = arith.constant 0 : i32
        %dma_start3A_2117 = arith.constant 0 : i32
        %dma_start3A_2118 = tpu.memref_slice %arg10[%dma_start3A_2109, %dma_start3A_2116, %dma_start3A_2117] : memref<8x32x128xf32, #tpu.memory_space<vmem>> -> memref<1x32x128xf32, #tpu.memory_space<vmem>>
        %dma_start3A_2119 = tpu.memref_squeeze %dma_start3A_2118 : memref<1x32x128xf32, #tpu.memory_space<vmem>> -> memref<32x128xf32, #tpu.memory_space<vmem>>
        %dma_start3A_2120 = arith.constant 0 : i32
        %dma_start3A_2121 = tpu.memref_slice %arg4[%dma_start3A_2120, %multiple_of3A_2108] : memref<32x1000000xf32, #tpu.memory_space<hbm>> -> memref<32x128xf32, #tpu.memory_space<hbm>>
        tpu.enqueue_dma source(%dma_start3A_2121 : memref<32x128xf32, #tpu.memory_space<hbm>>) target(%dma_start3A_2119 : memref<32x128xf32, #tpu.memory_space<vmem>>) target_semaphore(%arg16 : memref<!tpu.dma_semaphore, #tpu.memory_space<semaphore_mem>>)
      } else {
      }
      %dma_wait3A_1645 = arith.constant 6 : i32
      %dma_wait3A_1646 = arith.constant 0 : i32
      %dma_wait3A_1647 = arith.constant 0 : i32
      %dma_wait3A_1648 = tpu.memref_slice %arg11[%dma_wait3A_1645, %dma_wait3A_1646, %dma_wait3A_1647] : memref<8x32x128xf32, #tpu.memory_space<vmem>> -> memref<1x32x128xf32, #tpu.memory_space<vmem>>
      %dma_wait3A_1649 = tpu.memref_squeeze %dma_wait3A_1648 : memref<1x32x128xf32, #tpu.memory_space<vmem>> -> memref<32x128xf32, #tpu.memory_space<vmem>>
      %dma_wait3A_1650 = arith.constant 0 : i32
      %dma_wait3A_1651 = arith.constant 0 : i32
      %dma_wait3A_1652 = tpu.memref_slice %arg5[%dma_wait3A_1650, %dma_wait3A_1651] : memref<32x1000000xf32, #tpu.memory_space<hbm>> -> memref<32x128xf32, #tpu.memory_space<hbm>>
      %dma_wait3A_1653 = arith.constant 0 : i32
      %dma_wait3A_1654 = arith.constant 0 : i32
      %dma_wait3A_1655 = tpu.memref_slice %arg11[%dma_wait3A_1645, %dma_wait3A_1653, %dma_wait3A_1654] : memref<8x32x128xf32, #tpu.memory_space<vmem>> -> memref<1x32x128xf32, #tpu.memory_space<vmem>>
      %dma_wait3A_1656 = tpu.memref_squeeze %dma_wait3A_1655 : memref<1x32x128xf32, #tpu.memory_space<vmem>> -> memref<32x128xf32, #tpu.memory_space<vmem>>
      %dma_wait3A_1657 = arith.constant 0 : i32
      %dma_wait3A_1658 = arith.constant 0 : i32
      %dma_wait3A_1659 = tpu.memref_slice %arg5[%dma_wait3A_1657, %dma_wait3A_1658] : memref<32x1000000xf32, #tpu.memory_space<hbm>> -> memref<32x128xf32, #tpu.memory_space<hbm>>
      tpu.wait_dma2 semaphore(%arg17 : memref<!tpu.dma_semaphore, #tpu.memory_space<semaphore_mem>>) src(%dma_wait3A_1659 : memref<32x128xf32, #tpu.memory_space<hbm>>) dst(%dma_wait3A_1656 : memref<32x128xf32, #tpu.memory_space<vmem>>)
      %slice3A_1660 = vector.extract_strided_slice %get3A_470 {offsets = [14], sizes = [1], strides = [1]} : vector<16xi32> to vector<1xi32>
      %squeeze3A_1661 = vector.extract %slice3A_1660[0] : i32 from vector<1xi32>
      %and3A_1662 = arith.constant 127 : i32
      %and3A_1663 = arith.andi %squeeze3A_1661, %and3A_1662 : i32
      %broadcast_in_dim3A_1664 = arith.constant 6 : i32
      %broadcast_in_dim3A_1665 = vector.broadcast %broadcast_in_dim3A_1664 : i32 to vector<16xi32>
      %broadcast_in_dim3A_1666 = vector.broadcast %and3A_1663 : i32 to vector<16xi32>
      %broadcast_in_dim3A_1667 = vector.broadcast %add3A_1614 : i32 to vector<16xi32>
      %gather3A_1668 = tpu.vector_load_idx %arg11[%broadcast_in_dim3A_1665, %iota3A, %broadcast_in_dim3A_1666] : memref<8x32x128xf32, #tpu.memory_space<vmem>>[vector<16xi32>, vector<16xi32>, vector<16xi32>], vector<16xf32>,
      %gather3A_1669 = tpu.vector_load_idx %arg11[%broadcast_in_dim3A_1665, %add3A_5, %broadcast_in_dim3A_1666] : memref<8x32x128xf32, #tpu.memory_space<vmem>>[vector<16xi32>, vector<16xi32>, vector<16xi32>], vector<16xf32>,
      tpu.vector_store_idx %arg13[%iota3A, %broadcast_in_dim3A_1667], %gather3A_1668 : memref<32x512xf32, #tpu.memory_space<vmem>>[vector<16xi32>, vector<16xi32>], vector<16xf32>,
      tpu.vector_store_idx %arg13[%add3A_5, %broadcast_in_dim3A_1667], %gather3A_1669 : memref<32x512xf32, #tpu.memory_space<vmem>>[vector<16xi32>, vector<16xi32>], vector<16xf32>,
      %lt3A_1670 = arith.constant 31 : i32
      %lt3A_1671 = arith.cmpi slt, %scan3A_462, %lt3A_1670 : i32
      %convert_element_type3A_1672 = arith.extui %lt3A_1671 : i1 to i32
      %cond3A_1673 = arith.constant 0 : i32
      %cond3A_1674 = arith.cmpi ne, %convert_element_type3A_1672, %cond3A_1673 : i32
      scf.if %cond3A_1674 {
        %slice3A_2102 = vector.extract_strided_slice %get3A_481 {offsets = [6], sizes = [1], strides = [1]} : vector<16xi32> to vector<1xi32>
        %squeeze3A_2103 = vector.extract %slice3A_2102[0] : i32 from vector<1xi32>
        %shift_right_logical3A_2104 = arith.constant 7 : i32
        %shift_right_logical3A_2105 = arith.shrui %squeeze3A_2103, %shift_right_logical3A_2104 : i32
        %mul3A_2106 = arith.constant 128 : i32
        %mul3A_2107 = arith.muli %shift_right_logical3A_2105, %mul3A_2106 : i32
        %multiple_of3A_2108 = tpu.assume_multiple %mul3A_2107, 128 : i32
        %dma_start3A_2109 = arith.constant 6 : i32
        %dma_start3A_2110 = arith.constant 0 : i32
        %dma_start3A_2111 = arith.constant 0 : i32
        %dma_start3A_2112 = tpu.memref_slice %arg11[%dma_start3A_2109, %dma_start3A_2110, %dma_start3A_2111] : memref<8x32x128xf32, #tpu.memory_space<vmem>> -> memref<1x32x128xf32, #tpu.memory_space<vmem>>
        %dma_start3A_2113 = tpu.memref_squeeze %dma_start3A_2112 : memref<1x32x128xf32, #tpu.memory_space<vmem>> -> memref<32x128xf32, #tpu.memory_space<vmem>>
        %dma_start3A_2114 = arith.constant 0 : i32
        %dma_start3A_2115 = tpu.memref_slice %arg5[%dma_start3A_2114, %multiple_of3A_2108] : memref<32x1000000xf32, #tpu.memory_space<hbm>> -> memref<32x128xf32, #tpu.memory_space<hbm>>
        %dma_start3A_2116 = arith.constant 0 : i32
        %dma_start3A_2117 = arith.constant 0 : i32
        %dma_start3A_2118 = tpu.memref_slice %arg11[%dma_start3A_2109, %dma_start3A_2116, %dma_start3A_2117] : memref<8x32x128xf32, #tpu.memory_space<vmem>> -> memref<1x32x128xf32, #tpu.memory_space<vmem>>
        %dma_start3A_2119 = tpu.memref_squeeze %dma_start3A_2118 : memref<1x32x128xf32, #tpu.memory_space<vmem>> -> memref<32x128xf32, #tpu.memory_space<vmem>>
        %dma_start3A_2120 = arith.constant 0 : i32
        %dma_start3A_2121 = tpu.memref_slice %arg5[%dma_start3A_2120, %multiple_of3A_2108] : memref<32x1000000xf32, #tpu.memory_space<hbm>> -> memref<32x128xf32, #tpu.memory_space<hbm>>
        tpu.enqueue_dma source(%dma_start3A_2121 : memref<32x128xf32, #tpu.memory_space<hbm>>) target(%dma_start3A_2119 : memref<32x128xf32, #tpu.memory_space<vmem>>) target_semaphore(%arg17 : memref<!tpu.dma_semaphore, #tpu.memory_space<semaphore_mem>>)
      } else {
      }
      %mul3A_1675 = arith.constant 16 : i32
      %mul3A_1676 = arith.muli %scan3A_462, %mul3A_1675 : i32
      %add3A_1677 = arith.constant 15 : i32
      %add3A_1678 = arith.addi %mul3A_1676, %add3A_1677 : i32
      %dma_wait3A_1679 = arith.constant 7 : i32
      %dma_wait3A_1680 = arith.constant 0 : i32
      %dma_wait3A_1681 = arith.constant 0 : i32
      %dma_wait3A_1682 = tpu.memref_slice %arg10[%dma_wait3A_1679, %dma_wait3A_1680, %dma_wait3A_1681] : memref<8x32x128xf32, #tpu.memory_space<vmem>> -> memref<1x32x128xf32, #tpu.memory_space<vmem>>
      %dma_wait3A_1683 = tpu.memref_squeeze %dma_wait3A_1682 : memref<1x32x128xf32, #tpu.memory_space<vmem>> -> memref<32x128xf32, #tpu.memory_space<vmem>>
      %dma_wait3A_1684 = arith.constant 0 : i32
      %dma_wait3A_1685 = arith.constant 0 : i32
      %dma_wait3A_1686 = tpu.memref_slice %arg4[%dma_wait3A_1684, %dma_wait3A_1685] : memref<32x1000000xf32, #tpu.memory_space<hbm>> -> memref<32x128xf32, #tpu.memory_space<hbm>>
      %dma_wait3A_1687 = arith.constant 0 : i32
      %dma_wait3A_1688 = arith.constant 0 : i32
      %dma_wait3A_1689 = tpu.memref_slice %arg10[%dma_wait3A_1679, %dma_wait3A_1687, %dma_wait3A_1688] : memref<8x32x128xf32, #tpu.memory_space<vmem>> -> memref<1x32x128xf32, #tpu.memory_space<vmem>>
      %dma_wait3A_1690 = tpu.memref_squeeze %dma_wait3A_1689 : memref<1x32x128xf32, #tpu.memory_space<vmem>> -> memref<32x128xf32, #tpu.memory_space<vmem>>
      %dma_wait3A_1691 = arith.constant 0 : i32
      %dma_wait3A_1692 = arith.constant 0 : i32
      %dma_wait3A_1693 = tpu.memref_slice %arg4[%dma_wait3A_1691, %dma_wait3A_1692] : memref<32x1000000xf32, #tpu.memory_space<hbm>> -> memref<32x128xf32, #tpu.memory_space<hbm>>
      tpu.wait_dma2 semaphore(%arg16 : memref<!tpu.dma_semaphore, #tpu.memory_space<semaphore_mem>>) src(%dma_wait3A_1693 : memref<32x128xf32, #tpu.memory_space<hbm>>) dst(%dma_wait3A_1690 : memref<32x128xf32, #tpu.memory_space<vmem>>)
      %slice3A_1694 = vector.extract_strided_slice %get3A_466 {offsets = [15], sizes = [1], strides = [1]} : vector<16xi32> to vector<1xi32>
      %squeeze3A_1695 = vector.extract %slice3A_1694[0] : i32 from vector<1xi32>
      %and3A_1696 = arith.constant 127 : i32
      %and3A_1697 = arith.andi %squeeze3A_1695, %and3A_1696 : i32
      %broadcast_in_dim3A_1698 = arith.constant 7 : i32
      %broadcast_in_dim3A_1699 = vector.broadcast %broadcast_in_dim3A_1698 : i32 to vector<16xi32>
      %broadcast_in_dim3A_1700 = vector.broadcast %and3A_1697 : i32 to vector<16xi32>
      %broadcast_in_dim3A_1701 = vector.broadcast %add3A_1678 : i32 to vector<16xi32>
      %gather3A_1702 = tpu.vector_load_idx %arg10[%broadcast_in_dim3A_1699, %iota3A, %broadcast_in_dim3A_1700] : memref<8x32x128xf32, #tpu.memory_space<vmem>>[vector<16xi32>, vector<16xi32>, vector<16xi32>], vector<16xf32>,
      %gather3A_1703 = tpu.vector_load_idx %arg10[%broadcast_in_dim3A_1699, %add3A_5, %broadcast_in_dim3A_1700] : memref<8x32x128xf32, #tpu.memory_space<vmem>>[vector<16xi32>, vector<16xi32>, vector<16xi32>], vector<16xf32>,
      tpu.vector_store_idx %arg12[%iota3A, %broadcast_in_dim3A_1701], %gather3A_1702 : memref<32x512xf32, #tpu.memory_space<vmem>>[vector<16xi32>, vector<16xi32>], vector<16xf32>,
      tpu.vector_store_idx %arg12[%add3A_5, %broadcast_in_dim3A_1701], %gather3A_1703 : memref<32x512xf32, #tpu.memory_space<vmem>>[vector<16xi32>, vector<16xi32>], vector<16xf32>,
      %lt3A_1704 = arith.constant 31 : i32
      %lt3A_1705 = arith.cmpi slt, %scan3A_462, %lt3A_1704 : i32
      %convert_element_type3A_1706 = arith.extui %lt3A_1705 : i1 to i32
      %cond3A_1707 = arith.constant 0 : i32
      %cond3A_1708 = arith.cmpi ne, %convert_element_type3A_1706, %cond3A_1707 : i32
      scf.if %cond3A_1708 {
        %slice3A_2102 = vector.extract_strided_slice %get3A_477 {offsets = [7], sizes = [1], strides = [1]} : vector<16xi32> to vector<1xi32>
        %squeeze3A_2103 = vector.extract %slice3A_2102[0] : i32 from vector<1xi32>
        %shift_right_logical3A_2104 = arith.constant 7 : i32
        %shift_right_logical3A_2105 = arith.shrui %squeeze3A_2103, %shift_right_logical3A_2104 : i32
        %mul3A_2106 = arith.constant 128 : i32
        %mul3A_2107 = arith.muli %shift_right_logical3A_2105, %mul3A_2106 : i32
        %multiple_of3A_2108 = tpu.assume_multiple %mul3A_2107, 128 : i32
        %dma_start3A_2109 = arith.constant 7 : i32
        %dma_start3A_2110 = arith.constant 0 : i32
        %dma_start3A_2111 = arith.constant 0 : i32
        %dma_start3A_2112 = tpu.memref_slice %arg10[%dma_start3A_2109, %dma_start3A_2110, %dma_start3A_2111] : memref<8x32x128xf32, #tpu.memory_space<vmem>> -> memref<1x32x128xf32, #tpu.memory_space<vmem>>
        %dma_start3A_2113 = tpu.memref_squeeze %dma_start3A_2112 : memref<1x32x128xf32, #tpu.memory_space<vmem>> -> memref<32x128xf32, #tpu.memory_space<vmem>>
        %dma_start3A_2114 = arith.constant 0 : i32
        %dma_start3A_2115 = tpu.memref_slice %arg4[%dma_start3A_2114, %multiple_of3A_2108] : memref<32x1000000xf32, #tpu.memory_space<hbm>> -> memref<32x128xf32, #tpu.memory_space<hbm>>
        %dma_start3A_2116 = arith.constant 0 : i32
        %dma_start3A_2117 = arith.constant 0 : i32
        %dma_start3A_2118 = tpu.memref_slice %arg10[%dma_start3A_2109, %dma_start3A_2116, %dma_start3A_2117] : memref<8x32x128xf32, #tpu.memory_space<vmem>> -> memref<1x32x128xf32, #tpu.memory_space<vmem>>
        %dma_start3A_2119 = tpu.memref_squeeze %dma_start3A_2118 : memref<1x32x128xf32, #tpu.memory_space<vmem>> -> memref<32x128xf32, #tpu.memory_space<vmem>>
        %dma_start3A_2120 = arith.constant 0 : i32
        %dma_start3A_2121 = tpu.memref_slice %arg4[%dma_start3A_2120, %multiple_of3A_2108] : memref<32x1000000xf32, #tpu.memory_space<hbm>> -> memref<32x128xf32, #tpu.memory_space<hbm>>
        tpu.enqueue_dma source(%dma_start3A_2121 : memref<32x128xf32, #tpu.memory_space<hbm>>) target(%dma_start3A_2119 : memref<32x128xf32, #tpu.memory_space<vmem>>) target_semaphore(%arg16 : memref<!tpu.dma_semaphore, #tpu.memory_space<semaphore_mem>>)
      } else {
      }
      %dma_wait3A_1709 = arith.constant 7 : i32
      %dma_wait3A_1710 = arith.constant 0 : i32
      %dma_wait3A_1711 = arith.constant 0 : i32
      %dma_wait3A_1712 = tpu.memref_slice %arg11[%dma_wait3A_1709, %dma_wait3A_1710, %dma_wait3A_1711] : memref<8x32x128xf32, #tpu.memory_space<vmem>> -> memref<1x32x128xf32, #tpu.memory_space<vmem>>
      %dma_wait3A_1713 = tpu.memref_squeeze %dma_wait3A_1712 : memref<1x32x128xf32, #tpu.memory_space<vmem>> -> memref<32x128xf32, #tpu.memory_space<vmem>>
      %dma_wait3A_1714 = arith.constant 0 : i32
      %dma_wait3A_1715 = arith.constant 0 : i32
      %dma_wait3A_1716 = tpu.memref_slice %arg5[%dma_wait3A_1714, %dma_wait3A_1715] : memref<32x1000000xf32, #tpu.memory_space<hbm>> -> memref<32x128xf32, #tpu.memory_space<hbm>>
      %dma_wait3A_1717 = arith.constant 0 : i32
      %dma_wait3A_1718 = arith.constant 0 : i32
      %dma_wait3A_1719 = tpu.memref_slice %arg11[%dma_wait3A_1709, %dma_wait3A_1717, %dma_wait3A_1718] : memref<8x32x128xf32, #tpu.memory_space<vmem>> -> memref<1x32x128xf32, #tpu.memory_space<vmem>>
      %dma_wait3A_1720 = tpu.memref_squeeze %dma_wait3A_1719 : memref<1x32x128xf32, #tpu.memory_space<vmem>> -> memref<32x128xf32, #tpu.memory_space<vmem>>
      %dma_wait3A_1721 = arith.constant 0 : i32
      %dma_wait3A_1722 = arith.constant 0 : i32
      %dma_wait3A_1723 = tpu.memref_slice %arg5[%dma_wait3A_1721, %dma_wait3A_1722] : memref<32x1000000xf32, #tpu.memory_space<hbm>> -> memref<32x128xf32, #tpu.memory_space<hbm>>
      tpu.wait_dma2 semaphore(%arg17 : memref<!tpu.dma_semaphore, #tpu.memory_space<semaphore_mem>>) src(%dma_wait3A_1723 : memref<32x128xf32, #tpu.memory_space<hbm>>) dst(%dma_wait3A_1720 : memref<32x128xf32, #tpu.memory_space<vmem>>)
      %slice3A_1724 = vector.extract_strided_slice %get3A_470 {offsets = [15], sizes = [1], strides = [1]} : vector<16xi32> to vector<1xi32>
      %squeeze3A_1725 = vector.extract %slice3A_1724[0] : i32 from vector<1xi32>
      %and3A_1726 = arith.constant 127 : i32
      %and3A_1727 = arith.andi %squeeze3A_1725, %and3A_1726 : i32
      %broadcast_in_dim3A_1728 = arith.constant 7 : i32
      %broadcast_in_dim3A_1729 = vector.broadcast %broadcast_in_dim3A_1728 : i32 to vector<16xi32>
      %broadcast_in_dim3A_1730 = vector.broadcast %and3A_1727 : i32 to vector<16xi32>
      %broadcast_in_dim3A_1731 = vector.broadcast %add3A_1678 : i32 to vector<16xi32>
      %gather3A_1732 = tpu.vector_load_idx %arg11[%broadcast_in_dim3A_1729, %iota3A, %broadcast_in_dim3A_1730] : memref<8x32x128xf32, #tpu.memory_space<vmem>>[vector<16xi32>, vector<16xi32>, vector<16xi32>], vector<16xf32>,
      %gather3A_1733 = tpu.vector_load_idx %arg11[%broadcast_in_dim3A_1729, %add3A_5, %broadcast_in_dim3A_1730] : memref<8x32x128xf32, #tpu.memory_space<vmem>>[vector<16xi32>, vector<16xi32>, vector<16xi32>], vector<16xf32>,
      tpu.vector_store_idx %arg13[%iota3A, %broadcast_in_dim3A_1731], %gather3A_1732 : memref<32x512xf32, #tpu.memory_space<vmem>>[vector<16xi32>, vector<16xi32>], vector<16xf32>,
      tpu.vector_store_idx %arg13[%add3A_5, %broadcast_in_dim3A_1731], %gather3A_1733 : memref<32x512xf32, #tpu.memory_space<vmem>>[vector<16xi32>, vector<16xi32>], vector<16xf32>,
      %lt3A_1734 = arith.constant 31 : i32
      %lt3A_1735 = arith.cmpi slt, %scan3A_462, %lt3A_1734 : i32
      %convert_element_type3A_1736 = arith.extui %lt3A_1735 : i1 to i32
      %cond3A_1737 = arith.constant 0 : i32
      %cond3A_1738 = arith.cmpi ne, %convert_element_type3A_1736, %cond3A_1737 : i32
      scf.if %cond3A_1738 {
        %slice3A_2102 = vector.extract_strided_slice %get3A_481 {offsets = [7], sizes = [1], strides = [1]} : vector<16xi32> to vector<1xi32>
        %squeeze3A_2103 = vector.extract %slice3A_2102[0] : i32 from vector<1xi32>
        %shift_right_logical3A_2104 = arith.constant 7 : i32
        %shift_right_logical3A_2105 = arith.shrui %squeeze3A_2103, %shift_right_logical3A_2104 : i32
        %mul3A_2106 = arith.constant 128 : i32
        %mul3A_2107 = arith.muli %shift_right_logical3A_2105, %mul3A_2106 : i32
        %multiple_of3A_2108 = tpu.assume_multiple %mul3A_2107, 128 : i32
        %dma_start3A_2109 = arith.constant 7 : i32
        %dma_start3A_2110 = arith.constant 0 : i32
        %dma_start3A_2111 = arith.constant 0 : i32
        %dma_start3A_2112 = tpu.memref_slice %arg11[%dma_start3A_2109, %dma_start3A_2110, %dma_start3A_2111] : memref<8x32x128xf32, #tpu.memory_space<vmem>> -> memref<1x32x128xf32, #tpu.memory_space<vmem>>
        %dma_start3A_2113 = tpu.memref_squeeze %dma_start3A_2112 : memref<1x32x128xf32, #tpu.memory_space<vmem>> -> memref<32x128xf32, #tpu.memory_space<vmem>>
        %dma_start3A_2114 = arith.constant 0 : i32
        %dma_start3A_2115 = tpu.memref_slice %arg5[%dma_start3A_2114, %multiple_of3A_2108] : memref<32x1000000xf32, #tpu.memory_space<hbm>> -> memref<32x128xf32, #tpu.memory_space<hbm>>
        %dma_start3A_2116 = arith.constant 0 : i32
        %dma_start3A_2117 = arith.constant 0 : i32
        %dma_start3A_2118 = tpu.memref_slice %arg11[%dma_start3A_2109, %dma_start3A_2116, %dma_start3A_2117] : memref<8x32x128xf32, #tpu.memory_space<vmem>> -> memref<1x32x128xf32, #tpu.memory_space<vmem>>
        %dma_start3A_2119 = tpu.memref_squeeze %dma_start3A_2118 : memref<1x32x128xf32, #tpu.memory_space<vmem>> -> memref<32x128xf32, #tpu.memory_space<vmem>>
        %dma_start3A_2120 = arith.constant 0 : i32
        %dma_start3A_2121 = tpu.memref_slice %arg5[%dma_start3A_2120, %multiple_of3A_2108] : memref<32x1000000xf32, #tpu.memory_space<hbm>> -> memref<32x128xf32, #tpu.memory_space<hbm>>
        tpu.enqueue_dma source(%dma_start3A_2121 : memref<32x128xf32, #tpu.memory_space<hbm>>) target(%dma_start3A_2119 : memref<32x128xf32, #tpu.memory_space<vmem>>) target_semaphore(%arg17 : memref<!tpu.dma_semaphore, #tpu.memory_space<semaphore_mem>>)
      } else {
      }
      %mul3A_1739 = arith.constant 16 : i32
      %mul3A_1740 = arith.muli %scan3A_462, %mul3A_1739 : i32
      %get3A_1741 = arith.constant 0 : i32
      %get3A_1742 = arith.index_cast %get3A_1741 : i32 to index
      %get3A_1743 = arith.index_cast %mul3A_1740 : i32 to index
      %get3A_1744 = tpu.vector_load %arg12[%get3A_1742, %get3A_1743] {strides = array<i32>} : memref<32x512xf32, #tpu.memory_space<vmem>>, vector<16xf32>,
      %get3A_1745 = arith.constant 0 : i32
      %get3A_1746 = arith.index_cast %get3A_1745 : i32 to index
      %get3A_1747 = arith.index_cast %mul3A_1740 : i32 to index
      %get3A_1748 = tpu.vector_load %arg13[%get3A_1746, %get3A_1747] {strides = array<i32>} : memref<32x512xf32, #tpu.memory_space<vmem>>, vector<16xf32>,
      %mul3A_1749 = arith.mulf %get3A_1744, %get3A_1748 : vector<16xf32>
      %mul3A_1750 = arith.mulf %mul3A_1749, %get3A_328 : vector<16xf32>
      %add3A_1751 = arith.addf %get3A_456, %mul3A_1750 : vector<16xf32>
      %get3A_1752 = arith.constant 1 : i32
      %get3A_1753 = arith.index_cast %get3A_1752 : i32 to index
      %get3A_1754 = arith.index_cast %mul3A_1740 : i32 to index
      %get3A_1755 = tpu.vector_load %arg12[%get3A_1753, %get3A_1754] {strides = array<i32>} : memref<32x512xf32, #tpu.memory_space<vmem>>, vector<16xf32>,
      %get3A_1756 = arith.constant 1 : i32
      %get3A_1757 = arith.index_cast %get3A_1756 : i32 to index
      %get3A_1758 = arith.index_cast %mul3A_1740 : i32 to index
      %get3A_1759 = tpu.vector_load %arg13[%get3A_1757, %get3A_1758] {strides = array<i32>} : memref<32x512xf32, #tpu.memory_space<vmem>>, vector<16xf32>,
      %mul3A_1760 = arith.mulf %get3A_1755, %get3A_1759 : vector<16xf32>
      %mul3A_1761 = arith.mulf %mul3A_1760, %get3A_332 : vector<16xf32>
      %add3A_1762 = arith.addf %add3A_1751, %mul3A_1761 : vector<16xf32>
      %get3A_1763 = arith.constant 2 : i32
      %get3A_1764 = arith.index_cast %get3A_1763 : i32 to index
      %get3A_1765 = arith.index_cast %mul3A_1740 : i32 to index
      %get3A_1766 = tpu.vector_load %arg12[%get3A_1764, %get3A_1765] {strides = array<i32>} : memref<32x512xf32, #tpu.memory_space<vmem>>, vector<16xf32>,
      %get3A_1767 = arith.constant 2 : i32
      %get3A_1768 = arith.index_cast %get3A_1767 : i32 to index
      %get3A_1769 = arith.index_cast %mul3A_1740 : i32 to index
      %get3A_1770 = tpu.vector_load %arg13[%get3A_1768, %get3A_1769] {strides = array<i32>} : memref<32x512xf32, #tpu.memory_space<vmem>>, vector<16xf32>,
      %mul3A_1771 = arith.mulf %get3A_1766, %get3A_1770 : vector<16xf32>
      %mul3A_1772 = arith.mulf %mul3A_1771, %get3A_336 : vector<16xf32>
      %add3A_1773 = arith.addf %add3A_1762, %mul3A_1772 : vector<16xf32>
      %get3A_1774 = arith.constant 3 : i32
      %get3A_1775 = arith.index_cast %get3A_1774 : i32 to index
      %get3A_1776 = arith.index_cast %mul3A_1740 : i32 to index
      %get3A_1777 = tpu.vector_load %arg12[%get3A_1775, %get3A_1776] {strides = array<i32>} : memref<32x512xf32, #tpu.memory_space<vmem>>, vector<16xf32>,
      %get3A_1778 = arith.constant 3 : i32
      %get3A_1779 = arith.index_cast %get3A_1778 : i32 to index
      %get3A_1780 = arith.index_cast %mul3A_1740 : i32 to index
      %get3A_1781 = tpu.vector_load %arg13[%get3A_1779, %get3A_1780] {strides = array<i32>} : memref<32x512xf32, #tpu.memory_space<vmem>>, vector<16xf32>,
      %mul3A_1782 = arith.mulf %get3A_1777, %get3A_1781 : vector<16xf32>
      %mul3A_1783 = arith.mulf %mul3A_1782, %get3A_340 : vector<16xf32>
      %add3A_1784 = arith.addf %add3A_1773, %mul3A_1783 : vector<16xf32>
      %get3A_1785 = arith.constant 4 : i32
      %get3A_1786 = arith.index_cast %get3A_1785 : i32 to index
      %get3A_1787 = arith.index_cast %mul3A_1740 : i32 to index
      %get3A_1788 = tpu.vector_load %arg12[%get3A_1786, %get3A_1787] {strides = array<i32>} : memref<32x512xf32, #tpu.memory_space<vmem>>, vector<16xf32>,
      %get3A_1789 = arith.constant 4 : i32
      %get3A_1790 = arith.index_cast %get3A_1789 : i32 to index
      %get3A_1791 = arith.index_cast %mul3A_1740 : i32 to index
      %get3A_1792 = tpu.vector_load %arg13[%get3A_1790, %get3A_1791] {strides = array<i32>} : memref<32x512xf32, #tpu.memory_space<vmem>>, vector<16xf32>,
      %mul3A_1793 = arith.mulf %get3A_1788, %get3A_1792 : vector<16xf32>
      %mul3A_1794 = arith.mulf %mul3A_1793, %get3A_344 : vector<16xf32>
      %add3A_1795 = arith.addf %add3A_1784, %mul3A_1794 : vector<16xf32>
      %get3A_1796 = arith.constant 5 : i32
      %get3A_1797 = arith.index_cast %get3A_1796 : i32 to index
      %get3A_1798 = arith.index_cast %mul3A_1740 : i32 to index
      %get3A_1799 = tpu.vector_load %arg12[%get3A_1797, %get3A_1798] {strides = array<i32>} : memref<32x512xf32, #tpu.memory_space<vmem>>, vector<16xf32>,
      %get3A_1800 = arith.constant 5 : i32
      %get3A_1801 = arith.index_cast %get3A_1800 : i32 to index
      %get3A_1802 = arith.index_cast %mul3A_1740 : i32 to index
      %get3A_1803 = tpu.vector_load %arg13[%get3A_1801, %get3A_1802] {strides = array<i32>} : memref<32x512xf32, #tpu.memory_space<vmem>>, vector<16xf32>,
      %mul3A_1804 = arith.mulf %get3A_1799, %get3A_1803 : vector<16xf32>
      %mul3A_1805 = arith.mulf %mul3A_1804, %get3A_348 : vector<16xf32>
      %add3A_1806 = arith.addf %add3A_1795, %mul3A_1805 : vector<16xf32>
      %get3A_1807 = arith.constant 6 : i32
      %get3A_1808 = arith.index_cast %get3A_1807 : i32 to index
      %get3A_1809 = arith.index_cast %mul3A_1740 : i32 to index
      %get3A_1810 = tpu.vector_load %arg12[%get3A_1808, %get3A_1809] {strides = array<i32>} : memref<32x512xf32, #tpu.memory_space<vmem>>, vector<16xf32>,
      %get3A_1811 = arith.constant 6 : i32
      %get3A_1812 = arith.index_cast %get3A_1811 : i32 to index
      %get3A_1813 = arith.index_cast %mul3A_1740 : i32 to index
      %get3A_1814 = tpu.vector_load %arg13[%get3A_1812, %get3A_1813] {strides = array<i32>} : memref<32x512xf32, #tpu.memory_space<vmem>>, vector<16xf32>,
      %mul3A_1815 = arith.mulf %get3A_1810, %get3A_1814 : vector<16xf32>
      %mul3A_1816 = arith.mulf %mul3A_1815, %get3A_352 : vector<16xf32>
      %add3A_1817 = arith.addf %add3A_1806, %mul3A_1816 : vector<16xf32>
      %get3A_1818 = arith.constant 7 : i32
      %get3A_1819 = arith.index_cast %get3A_1818 : i32 to index
      %get3A_1820 = arith.index_cast %mul3A_1740 : i32 to index
      %get3A_1821 = tpu.vector_load %arg12[%get3A_1819, %get3A_1820] {strides = array<i32>} : memref<32x512xf32, #tpu.memory_space<vmem>>, vector<16xf32>,
      %get3A_1822 = arith.constant 7 : i32
      %get3A_1823 = arith.index_cast %get3A_1822 : i32 to index
      %get3A_1824 = arith.index_cast %mul3A_1740 : i32 to index
      %get3A_1825 = tpu.vector_load %arg13[%get3A_1823, %get3A_1824] {strides = array<i32>} : memref<32x512xf32, #tpu.memory_space<vmem>>, vector<16xf32>,
      %mul3A_1826 = arith.mulf %get3A_1821, %get3A_1825 : vector<16xf32>
      %mul3A_1827 = arith.mulf %mul3A_1826, %get3A_356 : vector<16xf32>
      %add3A_1828 = arith.addf %add3A_1817, %mul3A_1827 : vector<16xf32>
      %get3A_1829 = arith.constant 8 : i32
      %get3A_1830 = arith.index_cast %get3A_1829 : i32 to index
      %get3A_1831 = arith.index_cast %mul3A_1740 : i32 to index
      %get3A_1832 = tpu.vector_load %arg12[%get3A_1830, %get3A_1831] {strides = array<i32>} : memref<32x512xf32, #tpu.memory_space<vmem>>, vector<16xf32>,
      %get3A_1833 = arith.constant 8 : i32
      %get3A_1834 = arith.index_cast %get3A_1833 : i32 to index
      %get3A_1835 = arith.index_cast %mul3A_1740 : i32 to index
      %get3A_1836 = tpu.vector_load %arg13[%get3A_1834, %get3A_1835] {strides = array<i32>} : memref<32x512xf32, #tpu.memory_space<vmem>>, vector<16xf32>,
      %mul3A_1837 = arith.mulf %get3A_1832, %get3A_1836 : vector<16xf32>
      %mul3A_1838 = arith.mulf %mul3A_1837, %get3A_360 : vector<16xf32>
      %add3A_1839 = arith.addf %add3A_1828, %mul3A_1838 : vector<16xf32>
      %get3A_1840 = arith.constant 9 : i32
      %get3A_1841 = arith.index_cast %get3A_1840 : i32 to index
      %get3A_1842 = arith.index_cast %mul3A_1740 : i32 to index
      %get3A_1843 = tpu.vector_load %arg12[%get3A_1841, %get3A_1842] {strides = array<i32>} : memref<32x512xf32, #tpu.memory_space<vmem>>, vector<16xf32>,
      %get3A_1844 = arith.constant 9 : i32
      %get3A_1845 = arith.index_cast %get3A_1844 : i32 to index
      %get3A_1846 = arith.index_cast %mul3A_1740 : i32 to index
      %get3A_1847 = tpu.vector_load %arg13[%get3A_1845, %get3A_1846] {strides = array<i32>} : memref<32x512xf32, #tpu.memory_space<vmem>>, vector<16xf32>,
      %mul3A_1848 = arith.mulf %get3A_1843, %get3A_1847 : vector<16xf32>
      %mul3A_1849 = arith.mulf %mul3A_1848, %get3A_364 : vector<16xf32>
      %add3A_1850 = arith.addf %add3A_1839, %mul3A_1849 : vector<16xf32>
      %get3A_1851 = arith.constant 10 : i32
      %get3A_1852 = arith.index_cast %get3A_1851 : i32 to index
      %get3A_1853 = arith.index_cast %mul3A_1740 : i32 to index
      %get3A_1854 = tpu.vector_load %arg12[%get3A_1852, %get3A_1853] {strides = array<i32>} : memref<32x512xf32, #tpu.memory_space<vmem>>, vector<16xf32>,
      %get3A_1855 = arith.constant 10 : i32
      %get3A_1856 = arith.index_cast %get3A_1855 : i32 to index
      %get3A_1857 = arith.index_cast %mul3A_1740 : i32 to index
      %get3A_1858 = tpu.vector_load %arg13[%get3A_1856, %get3A_1857] {strides = array<i32>} : memref<32x512xf32, #tpu.memory_space<vmem>>, vector<16xf32>,
      %mul3A_1859 = arith.mulf %get3A_1854, %get3A_1858 : vector<16xf32>
      %mul3A_1860 = arith.mulf %mul3A_1859, %get3A_368 : vector<16xf32>
      %add3A_1861 = arith.addf %add3A_1850, %mul3A_1860 : vector<16xf32>
      %get3A_1862 = arith.constant 11 : i32
      %get3A_1863 = arith.index_cast %get3A_1862 : i32 to index
      %get3A_1864 = arith.index_cast %mul3A_1740 : i32 to index
      %get3A_1865 = tpu.vector_load %arg12[%get3A_1863, %get3A_1864] {strides = array<i32>} : memref<32x512xf32, #tpu.memory_space<vmem>>, vector<16xf32>,
      %get3A_1866 = arith.constant 11 : i32
      %get3A_1867 = arith.index_cast %get3A_1866 : i32 to index
      %get3A_1868 = arith.index_cast %mul3A_1740 : i32 to index
      %get3A_1869 = tpu.vector_load %arg13[%get3A_1867, %get3A_1868] {strides = array<i32>} : memref<32x512xf32, #tpu.memory_space<vmem>>, vector<16xf32>,
      %mul3A_1870 = arith.mulf %get3A_1865, %get3A_1869 : vector<16xf32>
      %mul3A_1871 = arith.mulf %mul3A_1870, %get3A_372 : vector<16xf32>
      %add3A_1872 = arith.addf %add3A_1861, %mul3A_1871 : vector<16xf32>
      %get3A_1873 = arith.constant 12 : i32
      %get3A_1874 = arith.index_cast %get3A_1873 : i32 to index
      %get3A_1875 = arith.index_cast %mul3A_1740 : i32 to index
      %get3A_1876 = tpu.vector_load %arg12[%get3A_1874, %get3A_1875] {strides = array<i32>} : memref<32x512xf32, #tpu.memory_space<vmem>>, vector<16xf32>,
      %get3A_1877 = arith.constant 12 : i32
      %get3A_1878 = arith.index_cast %get3A_1877 : i32 to index
      %get3A_1879 = arith.index_cast %mul3A_1740 : i32 to index
      %get3A_1880 = tpu.vector_load %arg13[%get3A_1878, %get3A_1879] {strides = array<i32>} : memref<32x512xf32, #tpu.memory_space<vmem>>, vector<16xf32>,
      %mul3A_1881 = arith.mulf %get3A_1876, %get3A_1880 : vector<16xf32>
      %mul3A_1882 = arith.mulf %mul3A_1881, %get3A_376 : vector<16xf32>
      %add3A_1883 = arith.addf %add3A_1872, %mul3A_1882 : vector<16xf32>
      %get3A_1884 = arith.constant 13 : i32
      %get3A_1885 = arith.index_cast %get3A_1884 : i32 to index
      %get3A_1886 = arith.index_cast %mul3A_1740 : i32 to index
      %get3A_1887 = tpu.vector_load %arg12[%get3A_1885, %get3A_1886] {strides = array<i32>} : memref<32x512xf32, #tpu.memory_space<vmem>>, vector<16xf32>,
      %get3A_1888 = arith.constant 13 : i32
      %get3A_1889 = arith.index_cast %get3A_1888 : i32 to index
      %get3A_1890 = arith.index_cast %mul3A_1740 : i32 to index
      %get3A_1891 = tpu.vector_load %arg13[%get3A_1889, %get3A_1890] {strides = array<i32>} : memref<32x512xf32, #tpu.memory_space<vmem>>, vector<16xf32>,
      %mul3A_1892 = arith.mulf %get3A_1887, %get3A_1891 : vector<16xf32>
      %mul3A_1893 = arith.mulf %mul3A_1892, %get3A_380 : vector<16xf32>
      %add3A_1894 = arith.addf %add3A_1883, %mul3A_1893 : vector<16xf32>
      %get3A_1895 = arith.constant 14 : i32
      %get3A_1896 = arith.index_cast %get3A_1895 : i32 to index
      %get3A_1897 = arith.index_cast %mul3A_1740 : i32 to index
      %get3A_1898 = tpu.vector_load %arg12[%get3A_1896, %get3A_1897] {strides = array<i32>} : memref<32x512xf32, #tpu.memory_space<vmem>>, vector<16xf32>,
      %get3A_1899 = arith.constant 14 : i32
      %get3A_1900 = arith.index_cast %get3A_1899 : i32 to index
      %get3A_1901 = arith.index_cast %mul3A_1740 : i32 to index
      %get3A_1902 = tpu.vector_load %arg13[%get3A_1900, %get3A_1901] {strides = array<i32>} : memref<32x512xf32, #tpu.memory_space<vmem>>, vector<16xf32>,
      %mul3A_1903 = arith.mulf %get3A_1898, %get3A_1902 : vector<16xf32>
      %mul3A_1904 = arith.mulf %mul3A_1903, %get3A_384 : vector<16xf32>
      %add3A_1905 = arith.addf %add3A_1894, %mul3A_1904 : vector<16xf32>
      %get3A_1906 = arith.constant 15 : i32
      %get3A_1907 = arith.index_cast %get3A_1906 : i32 to index
      %get3A_1908 = arith.index_cast %mul3A_1740 : i32 to index
      %get3A_1909 = tpu.vector_load %arg12[%get3A_1907, %get3A_1908] {strides = array<i32>} : memref<32x512xf32, #tpu.memory_space<vmem>>, vector<16xf32>,
      %get3A_1910 = arith.constant 15 : i32
      %get3A_1911 = arith.index_cast %get3A_1910 : i32 to index
      %get3A_1912 = arith.index_cast %mul3A_1740 : i32 to index
      %get3A_1913 = tpu.vector_load %arg13[%get3A_1911, %get3A_1912] {strides = array<i32>} : memref<32x512xf32, #tpu.memory_space<vmem>>, vector<16xf32>,
      %mul3A_1914 = arith.mulf %get3A_1909, %get3A_1913 : vector<16xf32>
      %mul3A_1915 = arith.mulf %mul3A_1914, %get3A_388 : vector<16xf32>
      %add3A_1916 = arith.addf %add3A_1905, %mul3A_1915 : vector<16xf32>
      %get3A_1917 = arith.constant 16 : i32
      %get3A_1918 = arith.index_cast %get3A_1917 : i32 to index
      %get3A_1919 = arith.index_cast %mul3A_1740 : i32 to index
      %get3A_1920 = tpu.vector_load %arg12[%get3A_1918, %get3A_1919] {strides = array<i32>} : memref<32x512xf32, #tpu.memory_space<vmem>>, vector<16xf32>,
      %get3A_1921 = arith.constant 16 : i32
      %get3A_1922 = arith.index_cast %get3A_1921 : i32 to index
      %get3A_1923 = arith.index_cast %mul3A_1740 : i32 to index
      %get3A_1924 = tpu.vector_load %arg13[%get3A_1922, %get3A_1923] {strides = array<i32>} : memref<32x512xf32, #tpu.memory_space<vmem>>, vector<16xf32>,
      %mul3A_1925 = arith.mulf %get3A_1920, %get3A_1924 : vector<16xf32>
      %mul3A_1926 = arith.mulf %mul3A_1925, %get3A_392 : vector<16xf32>
      %add3A_1927 = arith.addf %add3A_1916, %mul3A_1926 : vector<16xf32>
      %get3A_1928 = arith.constant 17 : i32
      %get3A_1929 = arith.index_cast %get3A_1928 : i32 to index
      %get3A_1930 = arith.index_cast %mul3A_1740 : i32 to index
      %get3A_1931 = tpu.vector_load %arg12[%get3A_1929, %get3A_1930] {strides = array<i32>} : memref<32x512xf32, #tpu.memory_space<vmem>>, vector<16xf32>,
      %get3A_1932 = arith.constant 17 : i32
      %get3A_1933 = arith.index_cast %get3A_1932 : i32 to index
      %get3A_1934 = arith.index_cast %mul3A_1740 : i32 to index
      %get3A_1935 = tpu.vector_load %arg13[%get3A_1933, %get3A_1934] {strides = array<i32>} : memref<32x512xf32, #tpu.memory_space<vmem>>, vector<16xf32>,
      %mul3A_1936 = arith.mulf %get3A_1931, %get3A_1935 : vector<16xf32>
      %mul3A_1937 = arith.mulf %mul3A_1936, %get3A_396 : vector<16xf32>
      %add3A_1938 = arith.addf %add3A_1927, %mul3A_1937 : vector<16xf32>
      %get3A_1939 = arith.constant 18 : i32
      %get3A_1940 = arith.index_cast %get3A_1939 : i32 to index
      %get3A_1941 = arith.index_cast %mul3A_1740 : i32 to index
      %get3A_1942 = tpu.vector_load %arg12[%get3A_1940, %get3A_1941] {strides = array<i32>} : memref<32x512xf32, #tpu.memory_space<vmem>>, vector<16xf32>,
      %get3A_1943 = arith.constant 18 : i32
      %get3A_1944 = arith.index_cast %get3A_1943 : i32 to index
      %get3A_1945 = arith.index_cast %mul3A_1740 : i32 to index
      %get3A_1946 = tpu.vector_load %arg13[%get3A_1944, %get3A_1945] {strides = array<i32>} : memref<32x512xf32, #tpu.memory_space<vmem>>, vector<16xf32>,
      %mul3A_1947 = arith.mulf %get3A_1942, %get3A_1946 : vector<16xf32>
      %mul3A_1948 = arith.mulf %mul3A_1947, %get3A_400 : vector<16xf32>
      %add3A_1949 = arith.addf %add3A_1938, %mul3A_1948 : vector<16xf32>
      %get3A_1950 = arith.constant 19 : i32
      %get3A_1951 = arith.index_cast %get3A_1950 : i32 to index
      %get3A_1952 = arith.index_cast %mul3A_1740 : i32 to index
      %get3A_1953 = tpu.vector_load %arg12[%get3A_1951, %get3A_1952] {strides = array<i32>} : memref<32x512xf32, #tpu.memory_space<vmem>>, vector<16xf32>,
      %get3A_1954 = arith.constant 19 : i32
      %get3A_1955 = arith.index_cast %get3A_1954 : i32 to index
      %get3A_1956 = arith.index_cast %mul3A_1740 : i32 to index
      %get3A_1957 = tpu.vector_load %arg13[%get3A_1955, %get3A_1956] {strides = array<i32>} : memref<32x512xf32, #tpu.memory_space<vmem>>, vector<16xf32>,
      %mul3A_1958 = arith.mulf %get3A_1953, %get3A_1957 : vector<16xf32>
      %mul3A_1959 = arith.mulf %mul3A_1958, %get3A_404 : vector<16xf32>
      %add3A_1960 = arith.addf %add3A_1949, %mul3A_1959 : vector<16xf32>
      %get3A_1961 = arith.constant 20 : i32
      %get3A_1962 = arith.index_cast %get3A_1961 : i32 to index
      %get3A_1963 = arith.index_cast %mul3A_1740 : i32 to index
      %get3A_1964 = tpu.vector_load %arg12[%get3A_1962, %get3A_1963] {strides = array<i32>} : memref<32x512xf32, #tpu.memory_space<vmem>>, vector<16xf32>,
      %get3A_1965 = arith.constant 20 : i32
      %get3A_1966 = arith.index_cast %get3A_1965 : i32 to index
      %get3A_1967 = arith.index_cast %mul3A_1740 : i32 to index
      %get3A_1968 = tpu.vector_load %arg13[%get3A_1966, %get3A_1967] {strides = array<i32>} : memref<32x512xf32, #tpu.memory_space<vmem>>, vector<16xf32>,
      %mul3A_1969 = arith.mulf %get3A_1964, %get3A_1968 : vector<16xf32>
      %mul3A_1970 = arith.mulf %mul3A_1969, %get3A_408 : vector<16xf32>
      %add3A_1971 = arith.addf %add3A_1960, %mul3A_1970 : vector<16xf32>
      %get3A_1972 = arith.constant 21 : i32
      %get3A_1973 = arith.index_cast %get3A_1972 : i32 to index
      %get3A_1974 = arith.index_cast %mul3A_1740 : i32 to index
      %get3A_1975 = tpu.vector_load %arg12[%get3A_1973, %get3A_1974] {strides = array<i32>} : memref<32x512xf32, #tpu.memory_space<vmem>>, vector<16xf32>,
      %get3A_1976 = arith.constant 21 : i32
      %get3A_1977 = arith.index_cast %get3A_1976 : i32 to index
      %get3A_1978 = arith.index_cast %mul3A_1740 : i32 to index
      %get3A_1979 = tpu.vector_load %arg13[%get3A_1977, %get3A_1978] {strides = array<i32>} : memref<32x512xf32, #tpu.memory_space<vmem>>, vector<16xf32>,
      %mul3A_1980 = arith.mulf %get3A_1975, %get3A_1979 : vector<16xf32>
      %mul3A_1981 = arith.mulf %mul3A_1980, %get3A_412 : vector<16xf32>
      %add3A_1982 = arith.addf %add3A_1971, %mul3A_1981 : vector<16xf32>
      %get3A_1983 = arith.constant 22 : i32
      %get3A_1984 = arith.index_cast %get3A_1983 : i32 to index
      %get3A_1985 = arith.index_cast %mul3A_1740 : i32 to index
      %get3A_1986 = tpu.vector_load %arg12[%get3A_1984, %get3A_1985] {strides = array<i32>} : memref<32x512xf32, #tpu.memory_space<vmem>>, vector<16xf32>,
      %get3A_1987 = arith.constant 22 : i32
      %get3A_1988 = arith.index_cast %get3A_1987 : i32 to index
      %get3A_1989 = arith.index_cast %mul3A_1740 : i32 to index
      %get3A_1990 = tpu.vector_load %arg13[%get3A_1988, %get3A_1989] {strides = array<i32>} : memref<32x512xf32, #tpu.memory_space<vmem>>, vector<16xf32>,
      %mul3A_1991 = arith.mulf %get3A_1986, %get3A_1990 : vector<16xf32>
      %mul3A_1992 = arith.mulf %mul3A_1991, %get3A_416 : vector<16xf32>
      %add3A_1993 = arith.addf %add3A_1982, %mul3A_1992 : vector<16xf32>
      %get3A_1994 = arith.constant 23 : i32
      %get3A_1995 = arith.index_cast %get3A_1994 : i32 to index
      %get3A_1996 = arith.index_cast %mul3A_1740 : i32 to index
      %get3A_1997 = tpu.vector_load %arg12[%get3A_1995, %get3A_1996] {strides = array<i32>} : memref<32x512xf32, #tpu.memory_space<vmem>>, vector<16xf32>,
      %get3A_1998 = arith.constant 23 : i32
      %get3A_1999 = arith.index_cast %get3A_1998 : i32 to index
      %get3A_2000 = arith.index_cast %mul3A_1740 : i32 to index
      %get3A_2001 = tpu.vector_load %arg13[%get3A_1999, %get3A_2000] {strides = array<i32>} : memref<32x512xf32, #tpu.memory_space<vmem>>, vector<16xf32>,
      %mul3A_2002 = arith.mulf %get3A_1997, %get3A_2001 : vector<16xf32>
      %mul3A_2003 = arith.mulf %mul3A_2002, %get3A_420 : vector<16xf32>
      %add3A_2004 = arith.addf %add3A_1993, %mul3A_2003 : vector<16xf32>
      %get3A_2005 = arith.constant 24 : i32
      %get3A_2006 = arith.index_cast %get3A_2005 : i32 to index
      %get3A_2007 = arith.index_cast %mul3A_1740 : i32 to index
      %get3A_2008 = tpu.vector_load %arg12[%get3A_2006, %get3A_2007] {strides = array<i32>} : memref<32x512xf32, #tpu.memory_space<vmem>>, vector<16xf32>,
      %get3A_2009 = arith.constant 24 : i32
      %get3A_2010 = arith.index_cast %get3A_2009 : i32 to index
      %get3A_2011 = arith.index_cast %mul3A_1740 : i32 to index
      %get3A_2012 = tpu.vector_load %arg13[%get3A_2010, %get3A_2011] {strides = array<i32>} : memref<32x512xf32, #tpu.memory_space<vmem>>, vector<16xf32>,
      %mul3A_2013 = arith.mulf %get3A_2008, %get3A_2012 : vector<16xf32>
      %mul3A_2014 = arith.mulf %mul3A_2013, %get3A_424 : vector<16xf32>
      %add3A_2015 = arith.addf %add3A_2004, %mul3A_2014 : vector<16xf32>
      %get3A_2016 = arith.constant 25 : i32
      %get3A_2017 = arith.index_cast %get3A_2016 : i32 to index
      %get3A_2018 = arith.index_cast %mul3A_1740 : i32 to index
      %get3A_2019 = tpu.vector_load %arg12[%get3A_2017, %get3A_2018] {strides = array<i32>} : memref<32x512xf32, #tpu.memory_space<vmem>>, vector<16xf32>,
      %get3A_2020 = arith.constant 25 : i32
      %get3A_2021 = arith.index_cast %get3A_2020 : i32 to index
      %get3A_2022 = arith.index_cast %mul3A_1740 : i32 to index
      %get3A_2023 = tpu.vector_load %arg13[%get3A_2021, %get3A_2022] {strides = array<i32>} : memref<32x512xf32, #tpu.memory_space<vmem>>, vector<16xf32>,
      %mul3A_2024 = arith.mulf %get3A_2019, %get3A_2023 : vector<16xf32>
      %mul3A_2025 = arith.mulf %mul3A_2024, %get3A_428 : vector<16xf32>
      %add3A_2026 = arith.addf %add3A_2015, %mul3A_2025 : vector<16xf32>
      %get3A_2027 = arith.constant 26 : i32
      %get3A_2028 = arith.index_cast %get3A_2027 : i32 to index
      %get3A_2029 = arith.index_cast %mul3A_1740 : i32 to index
      %get3A_2030 = tpu.vector_load %arg12[%get3A_2028, %get3A_2029] {strides = array<i32>} : memref<32x512xf32, #tpu.memory_space<vmem>>, vector<16xf32>,
      %get3A_2031 = arith.constant 26 : i32
      %get3A_2032 = arith.index_cast %get3A_2031 : i32 to index
      %get3A_2033 = arith.index_cast %mul3A_1740 : i32 to index
      %get3A_2034 = tpu.vector_load %arg13[%get3A_2032, %get3A_2033] {strides = array<i32>} : memref<32x512xf32, #tpu.memory_space<vmem>>, vector<16xf32>,
      %mul3A_2035 = arith.mulf %get3A_2030, %get3A_2034 : vector<16xf32>
      %mul3A_2036 = arith.mulf %mul3A_2035, %get3A_432 : vector<16xf32>
      %add3A_2037 = arith.addf %add3A_2026, %mul3A_2036 : vector<16xf32>
      %get3A_2038 = arith.constant 27 : i32
      %get3A_2039 = arith.index_cast %get3A_2038 : i32 to index
      %get3A_2040 = arith.index_cast %mul3A_1740 : i32 to index
      %get3A_2041 = tpu.vector_load %arg12[%get3A_2039, %get3A_2040] {strides = array<i32>} : memref<32x512xf32, #tpu.memory_space<vmem>>, vector<16xf32>,
      %get3A_2042 = arith.constant 27 : i32
      %get3A_2043 = arith.index_cast %get3A_2042 : i32 to index
      %get3A_2044 = arith.index_cast %mul3A_1740 : i32 to index
      %get3A_2045 = tpu.vector_load %arg13[%get3A_2043, %get3A_2044] {strides = array<i32>} : memref<32x512xf32, #tpu.memory_space<vmem>>, vector<16xf32>,
      %mul3A_2046 = arith.mulf %get3A_2041, %get3A_2045 : vector<16xf32>
      %mul3A_2047 = arith.mulf %mul3A_2046, %get3A_436 : vector<16xf32>
      %add3A_2048 = arith.addf %add3A_2037, %mul3A_2047 : vector<16xf32>
      %get3A_2049 = arith.constant 28 : i32
      %get3A_2050 = arith.index_cast %get3A_2049 : i32 to index
      %get3A_2051 = arith.index_cast %mul3A_1740 : i32 to index
      %get3A_2052 = tpu.vector_load %arg12[%get3A_2050, %get3A_2051] {strides = array<i32>} : memref<32x512xf32, #tpu.memory_space<vmem>>, vector<16xf32>,
      %get3A_2053 = arith.constant 28 : i32
      %get3A_2054 = arith.index_cast %get3A_2053 : i32 to index
      %get3A_2055 = arith.index_cast %mul3A_1740 : i32 to index
      %get3A_2056 = tpu.vector_load %arg13[%get3A_2054, %get3A_2055] {strides = array<i32>} : memref<32x512xf32, #tpu.memory_space<vmem>>, vector<16xf32>,
      %mul3A_2057 = arith.mulf %get3A_2052, %get3A_2056 : vector<16xf32>
      %mul3A_2058 = arith.mulf %mul3A_2057, %get3A_440 : vector<16xf32>
      %add3A_2059 = arith.addf %add3A_2048, %mul3A_2058 : vector<16xf32>
      %get3A_2060 = arith.constant 29 : i32
      %get3A_2061 = arith.index_cast %get3A_2060 : i32 to index
      %get3A_2062 = arith.index_cast %mul3A_1740 : i32 to index
      %get3A_2063 = tpu.vector_load %arg12[%get3A_2061, %get3A_2062] {strides = array<i32>} : memref<32x512xf32, #tpu.memory_space<vmem>>, vector<16xf32>,
      %get3A_2064 = arith.constant 29 : i32
      %get3A_2065 = arith.index_cast %get3A_2064 : i32 to index
      %get3A_2066 = arith.index_cast %mul3A_1740 : i32 to index
      %get3A_2067 = tpu.vector_load %arg13[%get3A_2065, %get3A_2066] {strides = array<i32>} : memref<32x512xf32, #tpu.memory_space<vmem>>, vector<16xf32>,
      %mul3A_2068 = arith.mulf %get3A_2063, %get3A_2067 : vector<16xf32>
      %mul3A_2069 = arith.mulf %mul3A_2068, %get3A_444 : vector<16xf32>
      %add3A_2070 = arith.addf %add3A_2059, %mul3A_2069 : vector<16xf32>
      %get3A_2071 = arith.constant 30 : i32
      %get3A_2072 = arith.index_cast %get3A_2071 : i32 to index
      %get3A_2073 = arith.index_cast %mul3A_1740 : i32 to index
      %get3A_2074 = tpu.vector_load %arg12[%get3A_2072, %get3A_2073] {strides = array<i32>} : memref<32x512xf32, #tpu.memory_space<vmem>>, vector<16xf32>,
      %get3A_2075 = arith.constant 30 : i32
      %get3A_2076 = arith.index_cast %get3A_2075 : i32 to index
      %get3A_2077 = arith.index_cast %mul3A_1740 : i32 to index
      %get3A_2078 = tpu.vector_load %arg13[%get3A_2076, %get3A_2077] {strides = array<i32>} : memref<32x512xf32, #tpu.memory_space<vmem>>, vector<16xf32>,
      %mul3A_2079 = arith.mulf %get3A_2074, %get3A_2078 : vector<16xf32>
      %mul3A_2080 = arith.mulf %mul3A_2079, %get3A_448 : vector<16xf32>
      %add3A_2081 = arith.addf %add3A_2070, %mul3A_2080 : vector<16xf32>
      %get3A_2082 = arith.constant 31 : i32
      %get3A_2083 = arith.index_cast %get3A_2082 : i32 to index
      %get3A_2084 = arith.index_cast %mul3A_1740 : i32 to index
      %get3A_2085 = tpu.vector_load %arg12[%get3A_2083, %get3A_2084] {strides = array<i32>} : memref<32x512xf32, #tpu.memory_space<vmem>>, vector<16xf32>,
      %get3A_2086 = arith.constant 31 : i32
      %get3A_2087 = arith.index_cast %get3A_2086 : i32 to index
      %get3A_2088 = arith.index_cast %mul3A_1740 : i32 to index
      %get3A_2089 = tpu.vector_load %arg13[%get3A_2087, %get3A_2088] {strides = array<i32>} : memref<32x512xf32, #tpu.memory_space<vmem>>, vector<16xf32>,
      %mul3A_2090 = arith.mulf %get3A_2085, %get3A_2089 : vector<16xf32>
      %mul3A_2091 = arith.mulf %mul3A_2090, %get3A_452 : vector<16xf32>
      %add3A_2092 = arith.addf %add3A_2081, %mul3A_2091 : vector<16xf32>
      %neg3A = arith.constant 0.000000e+00 : f32
      %neg3A_2093 = vector.broadcast %neg3A : f32 to vector<16xf32>
      %neg3A_2094 = arith.subf %neg3A_2093, %add3A_2092 : vector<16xf32>
      %exp3A = math.exp %neg3A_2094 : vector<16xf32>
      %add3A_2095 = arith.constant 1.000000e+00 : f32
      %add3A_2096 = vector.broadcast %add3A_2095 : f32 to vector<16xf32>
      %add3A_2097 = arith.addf %add3A_2096, %exp3A : vector<16xf32>
      %div3A = arith.constant 1.000000e+00 : f32
      %div3A_2098 = vector.broadcast %div3A : f32 to vector<16xf32>
      %div3A_2099 = arith.divf %div3A_2098, %add3A_2097 : vector<16xf32>
      %add3A_2100 = vector.broadcast %mul3A_1740 : i32 to vector<16xi32>
      %add3A_2101 = arith.addi %add3A_2100, %iota3A_324 : vector<16xi32>
      tpu.vector_store_idx %arg15[%add3A_2101], %div3A_2099 : memref<512xf32, #tpu.memory_space<vmem>>[vector<16xi32>], vector<16xf32>,
    }
    %scan3A_461 = arith.constant 32 : i32
    "tpu.region"() ({
      %run_scoped3A = tpu.sem_alloc : memref<!tpu.dma_semaphore, #tpu.memory_space<semaphore_mem>>
      %dma_start3A_462 = tpu.memref_slice %arg7[%mul3A_2] : memref<16384xf32, #tpu.memory_space<hbm>> -> memref<512xf32, #tpu.memory_space<hbm>>
      %dma_start3A_463 = tpu.memref_slice %arg7[%mul3A_2] : memref<16384xf32, #tpu.memory_space<hbm>> -> memref<512xf32, #tpu.memory_space<hbm>>
      tpu.enqueue_dma source(%arg15 : memref<512xf32, #tpu.memory_space<vmem>>) target(%dma_start3A_463 : memref<512xf32, #tpu.memory_space<hbm>>) target_semaphore(%run_scoped3A : memref<!tpu.dma_semaphore, #tpu.memory_space<semaphore_mem>>)
      %dma_wait3A = tpu.memref_slice %arg7[%mul3A_2] : memref<16384xf32, #tpu.memory_space<hbm>> -> memref<512xf32, #tpu.memory_space<hbm>>
      %dma_wait3A_464 = tpu.memref_slice %arg7[%mul3A_2] : memref<16384xf32, #tpu.memory_space<hbm>> -> memref<512xf32, #tpu.memory_space<hbm>>
      tpu.wait_dma2 semaphore(%run_scoped3A : memref<!tpu.dma_semaphore, #tpu.memory_space<semaphore_mem>>) src(%arg15 : memref<512xf32, #tpu.memory_space<vmem>>) dst(%dma_wait3A_464 : memref<512xf32, #tpu.memory_space<hbm>>)
      tpu.yield
    }) : () -> ()
    return
  }
}

</mosaic_0001>

<sc_bundles>
// kernel: kernel.3.cloned.1.call-start
scs
__scs_entry_jumppad:
0x0: {  	(pc) =	sbr.rel $0x88, $3  }
0x1: {  	(tag) =	ssettag $0x0;
	lr =	simm.s32 $0x1  }
0x2: {  	[smem:$0x3F9B] =	sst lr;
	_ =	strace $0xD0000000  }
0x3: {  	_ = 	snop  }
0x4: {  	_ = 	snop  }
0x5: {  	_ = 	snop  }
0x6: {  	_ = 	snop  }
0x7: {  	_ = 	snop  }
__scs_overlays_trampoline_lowered:
0x8: {  	[smem:$0x3FAA] =	sst s0  }
0x9: {  	[smem:$0x3FAB] =	sst s1  }
0xa: {  	[smem:$0x3FAC] =	sst s2  }
0xb: {  	[smem:$0x3FAD] =	sst s3  }
0xc: {  	[smem:$0x3FAE] =	sst s4  }
0xd: {  	[smem:$0x3FAF] =	sst s5  }
0xe: {  	[smem:$0x3FB0] =	sst s6  }
0xf: {  	[smem:$0x3FB1] =	sst s7  }
0x10: {  	[smem:$0x3FB2] =	sst s8  }
0x11: {  	[smem:$0x3FB3] =	sst s9;
	s0 =	simm.s32 @!p0 $0x0  }
0x12: {  	s1 =	sld [smem:$0x3F99];
	s0 =	simm.s32 @p0 $0x1  }
0x13: {  	[smem:$0x3FB4] =	sst s0;
	s0 =	simm.s32 @!p1 $0x0  }
0x14: {  	s2 =	sld [smem:$0x3F98];
	s0 =	simm.s32 @p1 $0x1  }
0x15: {  	[smem:$0x3FB5] =	sst s0;
	s0 =	simm.s32 @!p2 $0x0  }
0x16: {  	s3 =	sld [smem:$0x3FDB];
	s0 =	simm.s32 @p2 $0x1  }
0x17: {  	s4 =	simm.s32 $0x1BF5;
	[smem:$0x3FB7] =	sst s0  }
0x18: {  	s0 =	sld [smem:$0x3F9A];
	_ =	swait.ge [sflag:s4], $0x0  }
0x19: {  	s7 =	sld [smem:$0x3F9B]  }
0x1a: {  	s8 =	sadd.s32 $0xFFFFE003, lr  }
0x1b: {  	s9 =	sadd.s32 $0xFFFFFEF7, lr;
	s5 =	simm.s32 $0xFFFFFFFF;
	p2 =	slt.u32 s8, $0xFFFFF086  }
0x1c: {  	p1 =	slt.u32 s9, $0xF7A;
	s5 =	simm.s32 @!p2 $0x0  }
0x1d: {  	s5 =	simm.s32 @p1 $0x1;
	p0 =	seq.s32 s7, s2  }
0x1e: {  	s7 =	smul.u32 @!p0 $0xF7A, s2;
	p2 =	seq.s32 @!p0 s5, $0x0  }
0x1f: {  	s9 =	smul.u32 $0xF7A, s1;
	s8 =	simm.s32 @!p0 $0x1BF5;
	p2 =	por !p2, p0  }
0x20: {  	[sflag:s8] =	ssyncset.s32 @!p0 $0xFFFFF086;
	s6 =	sadd.s32 @!p0 s3, s7;
	s7 =	simm.s32 @!p0 $0x108  }
0x21: {  	s3 =	sadd.s32 s3, s9;
	s6 =	sadd.s32 @!p0 $0x88, s6;
	s7 =	simm.s32 @p2 $0x1082  }
0x22: {  	[simem:s7], [sflag:s8] =	dma.local @!p0 [hbm:s6], $0xF7A  }
0x23: {  	s9 =	sor.u32 $0xD0000000, s2;
	s6 =	simm.s32 $0x108;
	_ =	swait.ge @!p0 [sflag:s8], $0x0  }
0x24: {  	s3 =	sadd.s32 $0x88, s3;
	s6 =	simm.s32 @!p1 $0x1082;
	[sflag:s4] =	ssyncset.s32 $0xFFFFF086  }
0x25: {  	[simem:s6], [sflag:s4] =	dma.local [hbm:s3], $0xF7A  }
0x26: {  	[smem:$0x3F9B] =	sst s1;
	(tag) =	ssettag s2;
	_ =	strace s9  }
0x27: {  	s1 =	sld [smem:$0x3FAB]  }
0x28: {  	s2 =	sld [smem:$0x3FAC]  }
0x29: {  	s4 =	sld [smem:$0x3FAE]  }
0x2a: {  	p0 =	seq.s32 s5, $0x0;
	s5 =	sld [smem:$0x3FAF]  }
0x2b: {  	s6 =	sld [smem:$0x3FB0]  }
0x2c: {  	s7 =	sld [smem:$0x3FB1]  }
0x2d: {  	s3 =	simm.s32 $0x108;
	s8 =	sld [smem:$0x3FB2]  }
0x2e: {  	s3 =	simm.s32 @!p0 $0x1082;
	s9 =	sld [smem:$0x3FB3]  }
0x2f: {  	lr =	sadd.s32 s0, s3;
	s0 =	sld [smem:$0x3FAA]  }
0x30: {  	s3 =	sld [smem:$0x3FAD]  }
0x31: {  	[smem:$0x3FB6] =	sst s10  }
0x32: {  	s10 =	sld [smem:$0x3FB4];
	_ =	sdelay $0x3  }
0x33: {  	p0 =	seq.s32 s10, $0x1;
	s10 =	sld [smem:$0x3FB6];
	_ =	sdelay $0x3  }
0x34: {  	[smem:$0x3FB6] =	sst s10  }
0x35: {  	s10 =	sld [smem:$0x3FB5];
	_ =	sdelay $0x3  }
0x36: {  	p1 =	seq.s32 s10, $0x1;
	s10 =	sld [smem:$0x3FB6];
	_ =	sdelay $0x3  }
0x37: {  	[smem:$0x3FB6] =	sst s10  }
0x38: {  	s10 =	sld [smem:$0x3FB7]  }
0x39: {  	_ = 	snop;
	(pc) =	sbr.ind lr, $3  }
0x3a: {  	_ = 	snop  }
0x3b: {  	_ = 	snop  }
0x3c: {  	p2 =	seq.s32 s10, $0x1;
	s10 =	sld [smem:$0x3FB6]  }
0x3d: {  	_ =	shalt  }
0x3e: {  	_ =	shalt  }
0x3f: {  	_ =	shalt  }
0x40: {  	_ =	shalt  }
0x41: {  	_ =	shalt  }
0x42: {  	_ =	shalt  }
0x43: {  	_ =	shalt  }
0x44: {  	_ =	shalt  }
0x45: {  	_ =	shalt  }
0x46: {  	_ =	shalt  }
0x47: {  	_ =	shalt  }
0x48: {  	_ =	shalt  }
0x49: {  	_ =	shalt  }
0x4a: {  	_ =	shalt  }
0x4b: {  	_ =	shalt  }
0x4c: {  	_ =	shalt  }
0x4d: {  	_ =	shalt  }
0x4e: {  	_ =	shalt  }
0x4f: {  	_ =	shalt  }
0x50: {  	_ =	shalt  }
0x51: {  	_ =	shalt  }
0x52: {  	_ =	shalt  }
0x53: {  	_ =	shalt  }
0x54: {  	_ =	shalt  }
0x55: {  	_ =	shalt  }
0x56: {  	_ =	shalt  }
0x57: {  	_ =	shalt  }
0x58: {  	_ =	shalt  }
0x59: {  	_ =	shalt  }
0x5a: {  	_ =	shalt  }
0x5b: {  	_ =	shalt  }
0x5c: {  	_ =	shalt  }
0x5d: {  	_ =	shalt  }
0x5e: {  	_ =	shalt  }
0x5f: {  	_ =	shalt  }
0x60: {  	_ =	shalt  }
0x61: {  	_ =	shalt  }
0x62: {  	_ =	shalt  }
0x63: {  	_ =	shalt  }
0x64: {  	_ =	shalt  }
0x65: {  	_ =	shalt  }
0x66: {  	_ =	shalt  }
0x67: {  	_ =	shalt  }
0x68: {  	_ =	shalt  }
0x69: {  	_ =	shalt  }
0x6a: {  	_ =	shalt  }
0x6b: {  	_ =	shalt  }
0x6c: {  	_ =	shalt  }
0x6d: {  	_ =	shalt  }
0x6e: {  	_ =	shalt  }
0x6f: {  	_ =	shalt  }
0x70: {  	_ =	shalt  }
0x71: {  	_ =	shalt  }
0x72: {  	_ =	shalt  }
0x73: {  	_ =	shalt  }
0x74: {  	_ =	shalt  }
0x75: {  	_ =	shalt  }
0x76: {  	_ =	shalt  }
0x77: {  	_ =	shalt  }
0x78: {  	_ =	shalt  }
0x79: {  	_ =	shalt  }
0x7a: {  	_ =	shalt  }
0x7b: {  	_ =	shalt  }
0x7c: {  	_ =	shalt  }
0x7d: {  	_ =	shalt  }
0x7e: {  	_ =	shalt  }
0x7f: {  	_ =	shalt  }
0x80: {  	_ =	shalt  }
0x81: {  	_ =	shalt  }
0x82: {  	_ =	shalt  }
0x83: {  	_ =	shalt  }
0x84: {  	_ =	shalt  }
0x85: {  	_ =	shalt  }
0x86: {  	_ =	shalt  }
0x87: {  	_ =	shalt  }
.Lfunc_end0:
.L_simem_size_0:
called_computation_lowered:
.L_overlay_start_0:
0x88: {  	s2 =	sld [smem:$0x3FD9]  }
0x89: {  	s3 =	sld [smem:$0x3FFE];
	_ =	sdelay $0x1  }
0x8a: {  	s1 =	srdreg.scid  }
0x8b: {  	s0 =	sand.u32 $0x1, s1  }
0x8c: {  	s17 =	sshll.u32 s0, $0xA;
	s2 =	sadd.s32 s3, s2  }
0x8d: {  	s2 =	sadd.s32 s2, s17  }
0x8e: {  	[smem:$0x3FC2] =	sst s2  }
0x8f: {  	_ = 	snop  }
0x90: {  	s2 =	sld [smem:$0x3FC9]  }
0x91: {  	s18 =	sld [smem:$0x3FC8]  }
0x92: {  	s4 =	sld [smem:$0x3FC7]  }
0x93: {  	s5 =	sld [smem:$0x3FC6]  }
0x94: {  	s6 =	sld [smem:$0x3FD0];
	(tm) =	ssettm $0x1  }
0x95: {  	s7 =	sld [smem:$0x3FFB];
	_ =	sdelay $0x3  }
0x96: {  	_ =	strace s7  }
0x97: {  	s7 =	sld [smem:$0x3FFC];
	_ =	sdelay $0x3  }
0x98: {  	_ =	strace s7  }
0x99: {  	s7 =	sld [smem:$0x3FFD];
	_ =	sdelay $0x3  }
0x9a: {  	_ =	strace s7  }
0x9b: {  	_ =	strace $0x8FFFFFFF  }
0x9c: {  	s19 =	sld [smem:$0x3FDB];
	_ =	sdelay $0x1  }
0x9d: {  	s8 =	simm.s32 $_scs_section_size  }
0x9e: {  	s9 =	simm.s32 $_size__tile_overlayer_lowered;
	s10 =	simm.s32 $_tile_overlayer_lowered  }
0x9f: {  	s22 =	simm.s32 $0x1BFF;
	s21 =	sshll.u32 s10, $0x1;
	s7 =	sadd.s32 s8, s19  }
0xa0: {  	s11 =	simm.s32 $0x0;
	s20 =	sshll.u32 s9, $0x1;
	s9 =	sadd.s32 s21, s7  }
0xa1: {  	[timem:s11], [sflag:s22] =	dma.local [hbm:s9], s20  }
0xa2: {  	_ =	swait.ge [sflag:s22], s20  }
0xa3: {  	s8 =	ssub.s32 $0x0, s20;
	[sflag:s22] =	ssyncset.done $0x0  }
0xa4: {  	[sflag:s22] =	ssyncadd.s32 s8;
	_ =	sdelay $0x1  }
0xa5: {  	s23 =	simm.s32 $0x1B8B  }
0xa6: {  	_ =	swait.ge [sflag:s23], $0x1  }
0xa7: {  	[sflag:s23] =	ssyncset.done $0x0  }
0xa8: {  	s25 =	simm.s32 $0x1B8E;
	s24 =	sld [smem:$0x3FFE];
	[sflag:s23] =	ssyncadd.s32 $0xFFFFFFFF  }
0xa9: {  	s26 =	simm.s32 $execute0_lowered;
	[smem:$0x3FD2] =	sst s25  }
0xaa: {  	s9 =	sshll.u32 s26, $0x1;
	_ =	strace $0x80000046;
	[dreg:$0x1] =	wrdreg $0xFFFFFFFF  }
0xab: {  	s28 =	simm.s32 $_size_execute0_lowered;
	s7 =	sadd.s32 s7, s9;
	[dreg:$0x0] =	wrdreg $0x0  }
0xac: {  	s9 =	sshll.u32 s28, $0x1;
	[dreg:$0x2] =	wrdreg s7  }
0xad: {  	[dreg:$0x3] =	wrdreg s9  }
0xae: {  	[dreg:$0x4] =	wrdreg $0xC0  }
0xaf: {  	_ =	task [dreg:s11], $0x5FFFF  }
0xb0: {  	[dreg:$0x1] =	wrdreg $0xFFFFFFFF  }
0xb1: {  	[dreg:$0x0] =	wrdreg $0x60  }
0xb2: {  	[dreg:$0x2] =	wrdreg s2  }
0xb3: {  	[dreg:$0x3] =	wrdreg s18  }
0xb4: {  	[dreg:$0x4] =	wrdreg s4  }
0xb5: {  	[dreg:$0x5] =	wrdreg s5  }
0xb6: {  	[dreg:$0x6] =	wrdreg s24  }
0xb7: {  	[dreg:$0x7] =	wrdreg s6  }
0xb8: {  	[dreg:$0x8] =	wrdreg $0x9  }
0xb9: {  	_ =	task.clear_ibuf [dreg:s11], $0x9FFFF;
	_ =	strace $0x90000046  }
0xba: {  	s29 =	simm.s32 $0x9;
	_ =	strace $0x80000048  }
0xbb: {  	_ =	swait.ge [sflag:s29], $0x1  }
0xbc: {  	[sflag:s29] =	ssyncadd.s32 $0xFFFFFFFF  }
0xbd: {  	_ =	strace $0x90000048  }
0xbe: {  	_ =	sfence  }
0xbf: {  	s30 =	sld [smem:$0x0];
	_ =	sdelay $0x2  }
0xc0: {  	s31 =	sshll.u32 s1, $0xD;
	s1 =	sshrl.u32 s1, $0x2  }
0xc1: {  	s3 =	sand.u32 $0x4000, s31;
	s1 =	sadd.s32 s1, s30  }
0xc2: {  	s0 =	sor.u32 s3, s0;
	s1 =	sshll.u32 s1, $0x11  }
0xc3: {  	s0 =	sor.u32 s1, s0  }
0xc4: {  	s0 =	sadd.s32 $0x8F2B, s0  }
0xc5: {  	[sflag:s0] =	ssyncadd.remote.s32 $0x1  }
0xc6: {  	_ =	sfence.sel $0xFFFF  }
0xc7: {  	[dreg:$0x0] =	wrdreg $0xFFFFFFFF;
	(pc) =	sbr.abs _section_cstart, $3  }
0xc8: {  	[dreg:$0x1] =	wrdreg $0xFFFFFFFF  }
0xc9: {  	_ =	task.clear_ibuf [dreg:s11], $0x2FFFF;
	_ =	strace $0x9FFFFFFF  }
0xca: {  	(tm) =	ssettm $0x7FFFFFFF  }
0xcb: {  	_ =	shalt  }
tec
execute0_lowered:
.L_overlay_start_1:
0x0: {  	(tag) =	ssettag $0x1  }
0x1: {  	v0 =	vlaneseq.u32  }
0x2: {  	s2 =	rddreg [dreg:$0x0];
	v2 =	vimm.s32 $0x1380;
	vm0 =	vcmask $0x300;
	vm1 =	vcmask $0x704  }
0x3: {  	s3 =	rddreg [dreg:$0x1];
	v3 =	vimm.s32 $0x3380;
	vm2 =	vcmask $0xB08;
	vm4 =	vcmask $0xF0C  }
0x4: {  	s0 =	rddreg [dreg:$0x2];
	vm5 =	vcmask $0x1310;
	vm6 =	vcmask $0x1714;
	vm7 =	vcmask $0x1B18  }
0x5: {  	s1 =	rddreg [dreg:$0x3];
	vm8 =	vcmask $0x1F1C;
	vm9 =	vcmask $0x2320;
	vm10 =	vcmask $0x2724  }
0x6: {  	s4 =	rddreg [dreg:$0x4];
	vm11 =	vcmask $0x2B28;
	vm12 =	vcmask $0x2F2C;
	vm13 =	vcmask $0x3330  }
0x7: {  	s5 =	rddreg [dreg:$0x5];
	vm14 =	vcmask $0x3734;
	v2 =	vsel vm0, $0x0, v2;
	v3 =	vsel vm0, $0x2000, v3  }
0x8: {  	s9 =	simm.s32 $0x0;
	s6 =	srdreg.scid;
	s12 =	simm.s32 $0x7A1400;
	v1 =	vmul.u32 $0x80, v0;
	v2 =	vsel vm1, $0x80, v2;
	v3 =	vsel vm1, $0x2080, v3  }
0x9: {  	s8 =	stileid.u32;
	s13 =	simm.s32 $0x400;
	s14 =	simm.s32 $0x8400;
	vm15 =	vcmask $0x3B38;
	v2 =	vsel vm2, $0x100, v2;
	v3 =	vsel vm2, $0x2100, v3  }
0xa: {  	s15 =	simm.s32 $0x1400;
	s16 =	simm.s32 $0x9400;
	s17 =	simm.s32 $0x2400;
	v6 =	vor.u32 $0x1800, v1;
	v7 =	vor.u32 $0x2000, v1;
	v2 =	vsel vm4, $0x180, v2  }
0xb: {  	s20 =	simm.s32 $0xA400;
	s22 =	simm.s32 $0x3400;
	s28 =	simm.s32 $0xC400;
	v8 =	vor.u32 $0x2800, v1;
	v3 =	vsel vm4, $0x2180, v3;
	v2 =	vsel vm5, $0x200, v2  }
0xc: {  	s29 =	simm.s32 $0x5400;
	s10 =	simm.s32 $0xE400;
	s11 =	simm.s32 $0x7400;
	v9 =	vor.u32 $0x3000, v1;
	v3 =	vsel vm5, $0x2200, v3;
	v2 =	vsel vm6, $0x280, v2  }
0xd: {  	s18 =	simm.s32 $0xF400;
	s30 =	simm.s32 $0x1;
	s31 =	simm.s32 $0x10400;
	v10 =	vor.u32 $0x3800, v1;
	v3 =	vsel vm6, $0x2280, v3;
	v2 =	vsel vm7, $0x300, v2  }
0xe: {  	[smem:$0x7FF] =	sst s9;
	s6 =	sand.u32 $0x1, s6;
	s8 =	sshll.u32 s8, $0x7;
	v11 =	vor.u32 $0x4000, v1;
	v3 =	vsel vm7, $0x2300, v3;
	v2 =	vsel vm8, $0x380, v2  }
0xf: {  	s4 =	sadd.s32 $0x400, s4;
	s7 =	ssub.s32 $0x2, s6;
	s6 =	sshll.u32 s6, $0x6;
	v12 =	vor.u32 $0x4800, v1;
	v3 =	vsel vm8, $0x2380, v3;
	v2 =	vsel vm9, $0x1000, v2  }
0x10: {  	_ =	strace $0x80000047;
	[dreg:$0x7] =	wrdreg s4;
	s6 =	sor.u32 s6, s8;
	v13 =	vor.u32 $0x5000, v1;
	v3 =	vsel vm9, $0x3000, v3;
	v2 =	vsel vm10, $0x1080, v2  }
0x11: {  	s23 =	sshrl.u32 s7, $0x1;
	s8 =	simm.s32 $0x6400;
	v14 =	vor.u32 $0x5800, v1;
	s2 =	sadd.s32 s2, s6;
	v3 =	vsel vm10, $0x3080, v3;
	v2 =	vsel vm11, $0x1100, v2  }
0x12: {  	v15 =	vor.u32 $0x6000, v1;
	s4 =	ssub.s32 s7, s23;
	s24 =	sadd.s32 s3, s6;
	[dreg:$0x8] =	wrdreg s2;
	v3 =	vsel vm11, $0x3100, v3;
	v2 =	vsel vm12, $0x1180, v2  }
0x13: {  	v16 =	vor.u32 $0x6800, v1;
	s25 =	sadd.s32 s5, s6;
	s6 =	simm.s32 $0x3;
	[dreg:$0x9] =	wrdreg s24;
	v3 =	vsel vm12, $0x3180, v3;
	v2 =	vsel vm13, $0x1200, v2  }
0x14: {  	v17 =	vor.u32 $0x7000, v1;
	s7 =	simm.s32 $0xD400;
	s5 =	simm.s32 $0x0;
	[dreg:$0xa] =	wrdreg s25;
	v5 =	vsel vm13, $0x3200, v3;
	v4 =	vsel vm14, $0x1280, v2  }
0x15: {  	v18 =	vor.u32 $0x7800, v1;
	s26 =	smax.u32 s4, $0x1;
	s24 =	simm.s32 $0xB400;
	s2 =	simm.s32 $0x2;
	v3 =	vsel vm15, $0x1300, v4;
	v4 =	vsel vm14, $0x3280, v5  }
0x16: {  	s4 =	simm.s32 $0x14400;
	[dreg:$0xb] =	wrdreg s26;
	s26 =	simm.s32 $0x4400;
	v2 =	vor.u32 $0x800, v1;
	v5 =	vor.u32 $0x1000, v1;
	v4 =	vsel vm15, $0x3300, v4  }
.LBB2_1:
0x17: {  	[dreg:$0xc] =	wrdreg s5  }
0x18: {  	s3 =	rddreg [dreg:$0x7];
	s25 =	simm.s32 $0x18400  }
0x19: {  	[tilespmem:s25], [sflag:$0x3] =	stream.linear.gather [hbm4b:s3+s9], $0x1080, $0x38;
	[tilespmem:$0x19A00] =	vst v63  }
0x1a: {  	_ =	swait.ge [sflag:s6], $0x1080  }
0x1b: {  	[sflag:s6] =	ssyncset.done $0x0  }
0x1c: {  	s5 =	rddreg [dreg:$0x8];
	[sflag:s6] =	ssyncadd.s32 $0xFFFFEF80  }
0x1d: {  	[tilespmem:s9], [sflag:$0x3] =	stream.linear.gather [hbm4b:s5+s9], $0x200, $0x38;
	[tilespmem:$0x19A00] =	vst v63  }
0x1e: {  	_ =	swait.ge [sflag:s6], $0x200  }
0x1f: {  	[sflag:s6] =	ssyncset.done $0x0  }
0x20: {  	s21 =	simm.s32 $0x200;
	s19 =	rddreg [dreg:$0x9];
	[sflag:s6] =	ssyncadd.s32 $0xFFFFFE00  }
0x21: {  	[tilespmem:s21], [sflag:$0x3] =	stream.linear.gather [hbm4b:s19+s9], $0x200, $0x38;
	[tilespmem:$0x19A00] =	vst v63  }
0x22: {  	_ =	swait.ge [sflag:s6], $0x200  }
0x23: {  	[sflag:s6] =	ssyncset.done $0x0  }
0x24: {  	[sflag:s6] =	ssyncadd.s32 $0xFFFFFE00  }
0x25: {  	v19 =	vld [tilespmem:$0x0]  }
0x26: {  	v20 =	vld [tilespmem:$0x200];
	_ =	sdelay $0x3  }
0x27: {  	(v2sf) =	vpush v19, $0x0  }
0x28: {  	(v2sf) =	vpush v20, $0x0;
	_ =	sdelay $0x5  }
0x29: {  	(v2sf) =	vpush v19, $0x1;
	_ =	sdelay $0x1  }
0x2a: {  	(v2sf) =	vpush v20, $0x1;
	_ =	sdelay $0x5  }
0x2b: {  	s23 =	spop (v2sf);
	(v2sf) =	vpush v19, $0x2  }
0x2c: {  	s25 =	spop (v2sf);
	(v2sf) =	vpush v20, $0x2;
	_ =	sdelay $0x4  }
0x2d: {  	s3 =	sand.u32 $0xFFFFF80, s23  }
0x2e: {  	s3 =	sadd.s32 s0, s3;
	s5 =	spop (v2sf);
	(v2sf) =	vpush v19, $0x3  }
0x2f: {  	[tilespmem:s13], [sflag:$0x1] =	stream.strided.gather [hbm4b:s3+s13], $0x1000, s12, s13, $0x38;
	[tilespmem:$0x19A00] =	vst v63  }
0x30: {  	s3 =	sand.u32 $0xFFFFF80, s25;
	s6 =	spop (v2sf);
	(v2sf) =	vpush v20, $0x3  }
0x31: {  	s3 =	sadd.s32 s1, s3  }
0x32: {  	[tilespmem:s14], [sflag:$0x2] =	stream.strided.gather [hbm4b:s3+s13], $0x1000, s12, s13, $0x38;
	[tilespmem:$0x19A00] =	vst v63  }
0x33: {  	s3 =	sand.u32 $0xFFFFF80, s5  }
0x34: {  	s3 =	sadd.s32 s0, s3  }
0x35: {  	[tilespmem:s15], [sflag:$0x1] =	stream.strided.gather [hbm4b:s3+s13], $0x1000, s12, s13, $0x38;
	[tilespmem:$0x19A00] =	vst v63  }
0x36: {  	s3 =	sand.u32 $0xFFFFF80, s6;
	s9 =	spop (v2sf);
	(v2sf) =	vpush v19, $0x4  }
0x37: {  	s3 =	sadd.s32 s1, s3;
	s19 =	spop (v2sf);
	(v2sf) =	vpush v20, $0x4  }
0x38: {  	[tilespmem:s16], [sflag:$0x2] =	stream.strided.gather [hbm4b:s3+s13], $0x1000, s12, s13, $0x38;
	[tilespmem:$0x19A00] =	vst v63  }
0x39: {  	s3 =	sand.u32 $0xFFFFF80, s9;
	(v2sf) =	vpush v19, $0x5  }
0x3a: {  	s3 =	sadd.s32 s0, s3  }
0x3b: {  	[tilespmem:s17], [sflag:$0x1] =	stream.strided.gather [hbm4b:s3+s13], $0x1000, s12, s13, $0x38;
	[tilespmem:$0x19A00] =	vst v63  }
0x3c: {  	s3 =	sand.u32 $0xFFFFF80, s19  }
0x3d: {  	s23 =	spop (v2sf);
	s3 =	sadd.s32 s1, s3  }
0x3e: {  	(v2sf) =	vpush v20, $0x5;
	[tilespmem:s20], [sflag:$0x2] =	stream.strided.gather [hbm4b:s3+s13], $0x1000, s12, s13, $0x38;
	[tilespmem:$0x19A00] =	vst v63  }
0x3f: {  	s25 =	spop (v2sf);
	(v2sf) =	vpush v19, $0x6;
	s3 =	sand.u32 $0xFFFFF80, s23  }
0x40: {  	s3 =	sadd.s32 s0, s3  }
0x41: {  	[tilespmem:s22], [sflag:$0x1] =	stream.strided.gather [hbm4b:s3+s13], $0x1000, s12, s13, $0x38;
	[tilespmem:$0x19A00] =	vst v63  }
0x42: {  	s3 =	sand.u32 $0xFFFFF80, s25  }
0x43: {  	s3 =	sadd.s32 s1, s3  }
0x44: {  	[tilespmem:s24], [sflag:$0x2] =	stream.strided.gather [hbm4b:s3+s13], $0x1000, s12, s13, $0x38;
	[tilespmem:$0x19A00] =	vst v63  }
0x45: {  	s5 =	spop (v2sf);
	(v2sf) =	vpush v20, $0x6  }
0x46: {  	s6 =	spop (v2sf);
	(v2sf) =	vpush v19, $0x7  }
0x47: {  	s3 =	sand.u32 $0xFFFFF80, s5  }
0x48: {  	s3 =	sadd.s32 s0, s3;
	s9 =	spop (v2sf)  }
0x49: {  	(v2sf) =	vpush v20, $0x7;
	[tilespmem:s26], [sflag:$0x1] =	stream.strided.gather [hbm4b:s3+s13], $0x1000, s12, s13, $0x38;
	[tilespmem:$0x19A00] =	vst v63  }
0x4a: {  	s3 =	sand.u32 $0xFFFFF80, s6  }
0x4b: {  	s3 =	sadd.s32 s1, s3  }
0x4c: {  	[tilespmem:s28], [sflag:$0x2] =	stream.strided.gather [hbm4b:s3+s13], $0x1000, s12, s13, $0x38;
	[tilespmem:$0x19A00] =	vst v63  }
0x4d: {  	s19 =	spop (v2sf);
	s3 =	sand.u32 $0xFFFFF80, s9  }
0x4e: {  	s23 =	sand.u32 $0xFFFFF80, s19;
	s25 =	spop (v2sf);
	s3 =	sadd.s32 s0, s3  }
0x4f: {  	[tilespmem:s29], [sflag:$0x1] =	stream.strided.gather [hbm4b:s3+s13], $0x1000, s12, s13, $0x38;
	[tilespmem:$0x19A00] =	vst v63  }
0x50: {  	s6 =	sand.u32 $0xFFFFF80, s25;
	s3 =	sadd.s32 s1, s23  }
0x51: {  	[tilespmem:s7], [sflag:$0x2] =	stream.strided.gather [hbm4b:s3+s13], $0x1000, s12, s13, $0x38;
	[tilespmem:$0x19A00] =	vst v63  }
0x52: {  	s3 =	sadd.s32 s0, s6  }
0x53: {  	[tilespmem:s8], [sflag:$0x1] =	stream.strided.gather [hbm4b:s3+s13], $0x1000, s12, s13, $0x38;
	[tilespmem:$0x19A00] =	vst v63  }
0x54: {  	s7 =	spop (v2sf)  }
0x55: {  	s9 =	sand.u32 $0xFFFFF80, s7;
	s19 =	spop (v2sf)  }
0x56: {  	s3 =	sadd.s32 s1, s9;
	s23 =	sand.u32 $0xFFFFF80, s19  }
0x57: {  	[tilespmem:s10], [sflag:$0x2] =	stream.strided.gather [hbm4b:s3+s13], $0x1000, s12, s13, $0x38;
	[tilespmem:$0x19A00] =	vst v63  }
0x58: {  	s25 =	spop (v2sf);
	s3 =	sadd.s32 s0, s23  }
0x59: {  	[tilespmem:s11], [sflag:$0x1] =	stream.strided.gather [hbm4b:s3+s13], $0x1000, s12, s13, $0x38;
	[tilespmem:$0x19A00] =	vst v63  }
0x5a: {  	s3 =	sand.u32 $0xFFFFF80, s25  }
0x5b: {  	s3 =	sadd.s32 s1, s3  }
0x5c: {  	[tilespmem:s18], [sflag:$0x2] =	stream.strided.gather [hbm4b:s3+s13], $0x1000, s12, s13, $0x38;
	[tilespmem:$0x19A00] =	vst v63  }
0x5d: {  	v19 =	vld [tilespmem:$0x18400]  }
0x5e: {  	v20 =	vld [tilespmem:$0x18480]  }
0x5f: {  	v21 =	vld [tilespmem:$0x18500]  }
0x60: {  	v22 =	vld [tilespmem:$0x18580]  }
0x61: {  	v23 =	vld [tilespmem:$0x18600]  }
0x62: {  	v24 =	vld [tilespmem:$0x18680]  }
0x63: {  	v25 =	vld [tilespmem:$0x18700]  }
0x64: {  	v26 =	vld [tilespmem:$0x18780]  }
0x65: {  	v27 =	vld [tilespmem:$0x18800]  }
0x66: {  	v28 =	vld [tilespmem:$0x18880]  }
0x67: {  	v29 =	vld [tilespmem:$0x18900]  }
0x68: {  	v30 =	vld [tilespmem:$0x18980]  }
0x69: {  	v31 =	vld [tilespmem:$0x18A00]  }
0x6a: {  	v32 =	vld [tilespmem:$0x18A80]  }
0x6b: {  	v33 =	vld [tilespmem:$0x18B00]  }
0x6c: {  	v34 =	vld [tilespmem:$0x18B80]  }
0x6d: {  	v35 =	vld [tilespmem:$0x18C00]  }
0x6e: {  	v36 =	vld [tilespmem:$0x18C80]  }
0x6f: {  	v37 =	vld [tilespmem:$0x18D00]  }
0x70: {  	v38 =	vld [tilespmem:$0x18D80]  }
0x71: {  	v39 =	vld [tilespmem:$0x18E00]  }
0x72: {  	v40 =	vld [tilespmem:$0x18E80]  }
0x73: {  	v41 =	vld [tilespmem:$0x18F00]  }
0x74: {  	v42 =	vld [tilespmem:$0x18F80]  }
0x75: {  	v43 =	vld [tilespmem:$0x19000]  }
0x76: {  	v44 =	vld [tilespmem:$0x19080]  }
0x77: {  	v45 =	vld [tilespmem:$0x19100]  }
0x78: {  	v46 =	vld [tilespmem:$0x19180]  }
0x79: {  	v47 =	vld [tilespmem:$0x19200]  }
0x7a: {  	v48 =	vld [tilespmem:$0x19280]  }
0x7b: {  	v49 =	vld [tilespmem:$0x19300]  }
0x7c: {  	s8 =	simm.s32 $0x1;
	v50 =	vld [tilespmem:$0x19380]  }
0x7d: {  	s7 =	simm.s32 $0x0;
	s9 =	simm.s32 $0x0;
	s3 =	simm.s32 $0x0;
	v51 =	vld [tilespmem:$0x19400]  }
.LBB2_2:
0x7e: {  	v56 =	vld [tilespmem:s7+$0x0]  }
0x7f: {  	s5 =	smin.u32 s8, $0x1F  }
0x80: {  	v55 =	vld [tilespmem:s21+$0x0];
	s5 =	sshll.u32 s5, $0x4  }
0x81: {  	[dreg:$0xd] =	wrdreg s21;
	v54 =	vld [tilespmem:s5+$0x0]  }
0x82: {  	v53 =	vld [tilespmem:s5+$0x200];
	_ =	swait.ge [sflag:s30], $0x1000  }
0x83: {  	(v2sf) =	vpush v56, $0x0;
	_ =	sdelay $0xa  }
0x84: {  	(v2sf) =	vpush v56, $0x8;
	_ =	sdelay $0x3  }
0x85: {  	s19 =	spop (v2sf)  }
0x86: {  	s5 =	sand.u32 $0x7F, s19  }
0x87: {  	v57 =	vor.u32 s5, v1  }
0x88: {  	v52 =	vmov s9;
	v58 =	vor.u32 s5, v2  }
0x89: {  	v59 =	vshll.u32 v52, $0x3  }
0x8a: {  	v60 =	vand.u32 $0x70, v52;
	v59 =	vand.u32 $0xC00, v59;
	[sflag:s30] =	ssyncset.done $0x0  }
0x8b: {  	v59 =	vor.u32 v60, v59;
	[sflag:s30] =	ssyncadd.s32 $0xFFFFF000  }
0x8c: {  	v60 =	vor.u32 v3, v59;
	v57 =	vld.idx.msk [tilespmem:v57+s13+$0x0], $0xffff  }
0x8d: {  	v59 =	vor.u32 v4, v59;
	v58 =	vld.idx.msk [tilespmem:v58+s13+$0x0], $0xffff;
	_ =	sdelay $0x2  }
0x8e: {  	s18 =	spop (v2sf)  }
0x8f: {  	s21 =	sand.u32 $0xFFFFF80, s18;
	[tilespmem:v60+s31+$0x0] =	vst.idx.msk $0xffff, v57  }
0x90: {  	s5 =	sadd.s32 s0, s21;
	[tilespmem:v59+s31+$0x0] =	vst.idx.msk $0xffff, v58  }
0x91: {  	[tilespmem:s13], [sflag:$0x1] =	stream.strided.gather [hbm4b:s5+s13], $0x1000, s12, s13, $0x38;
	[tilespmem:$0x19A00] =	vst v63  }
0x92: {  	_ =	swait.ge [sflag:s2], $0x1000  }
0x93: {  	(v2sf) =	vpush v55, $0x0;
	_ =	sdelay $0xa  }
0x94: {  	(v2sf) =	vpush v55, $0x8;
	_ =	sdelay $0x3  }
0x95: {  	s23 =	spop (v2sf)  }
0x96: {  	s5 =	sand.u32 $0x7F, s23  }
0x97: {  	v62 =	vor.u32 s5, v1  }
0x98: {  	v63 =	vor.u32 s5, v2;
	_ =	sdelay $0x1  }
0x99: {  	[sflag:s2] =	ssyncset.done $0x0  }
0x9a: {  	[sflag:s2] =	ssyncadd.s32 $0xFFFFF000  }
0x9b: {  	v57 =	vld.idx.msk [tilespmem:v62+s14+$0x0], $0xffff  }
0x9c: {  	v58 =	vld.idx.msk [tilespmem:v63+s14+$0x0], $0xffff;
	_ =	sdelay $0x2  }
0x9d: {  	s11 =	spop (v2sf)  }
0x9e: {  	s25 =	sand.u32 $0xFFFFF80, s11;
	[tilespmem:v60+s4+$0x0] =	vst.idx.msk $0xffff, v57  }
0x9f: {  	s5 =	sadd.s32 s1, s25;
	[tilespmem:v59+s4+$0x0] =	vst.idx.msk $0xffff, v58  }
0xa0: {  	[tilespmem:s14], [sflag:$0x2] =	stream.strided.gather [hbm4b:s5+s13], $0x1000, s12, s13, $0x38;
	[tilespmem:$0x19A00] =	vst v63  }
0xa1: {  	_ =	swait.ge [sflag:s30], $0x1000  }
0xa2: {  	(v2sf) =	vpush v56, $0x1;
	_ =	sdelay $0xa  }
0xa3: {  	(v2sf) =	vpush v56, $0x9;
	_ =	sdelay $0x3  }
0xa4: {  	s6 =	spop (v2sf)  }
0xa5: {  	s5 =	sand.u32 $0x7F, s6  }
0xa6: {  	s10 =	sadd.s32 $0x1, s9;
	v57 =	vor.u32 s5, v5  }
0xa7: {  	v58 =	vmov s10;
	v59 =	vor.u32 s5, v6  }
0xa8: {  	v60 =	vshll.u32 v58, $0x3  }
0xa9: {  	v58 =	vand.u32 $0x71, v58;
	v60 =	vand.u32 $0xC00, v60;
	[sflag:s30] =	ssyncset.done $0x0  }
0xaa: {  	v58 =	vor.u32 v58, v60;
	[sflag:s30] =	ssyncadd.s32 $0xFFFFF000  }
0xab: {  	v60 =	vor.u32 v3, v58;
	v57 =	vld.idx.msk [tilespmem:v57+s13+$0x0], $0xffff  }
0xac: {  	v58 =	vor.u32 v4, v58;
	v59 =	vld.idx.msk [tilespmem:v59+s13+$0x0], $0xffff;
	_ =	sdelay $0x2  }
0xad: {  	s19 =	spop (v2sf)  }
0xae: {  	s10 =	sand.u32 $0xFFFFF80, s19;
	[tilespmem:v60+s31+$0x0] =	vst.idx.msk $0xffff, v57  }
0xaf: {  	s5 =	sadd.s32 s0, s10;
	[tilespmem:v58+s31+$0x0] =	vst.idx.msk $0xffff, v59  }
0xb0: {  	[tilespmem:s15], [sflag:$0x1] =	stream.strided.gather [hbm4b:s5+s13], $0x1000, s12, s13, $0x38;
	[tilespmem:$0x19A00] =	vst v63  }
0xb1: {  	_ =	swait.ge [sflag:s2], $0x1000  }
0xb2: {  	(v2sf) =	vpush v55, $0x1;
	_ =	sdelay $0xa  }
0xb3: {  	(v2sf) =	vpush v55, $0x9;
	_ =	sdelay $0x3  }
0xb4: {  	s21 =	spop (v2sf)  }
0xb5: {  	s5 =	sand.u32 $0x7F, s21  }
0xb6: {  	v61 =	vor.u32 s5, v5  }
0xb7: {  	v62 =	vor.u32 s5, v6;
	_ =	sdelay $0x1  }
0xb8: {  	[sflag:s2] =	ssyncset.done $0x0  }
0xb9: {  	[sflag:s2] =	ssyncadd.s32 $0xFFFFF000  }
0xba: {  	v57 =	vld.idx.msk [tilespmem:v61+s14+$0x0], $0xffff  }
0xbb: {  	v59 =	vld.idx.msk [tilespmem:v62+s14+$0x0], $0xffff;
	_ =	sdelay $0x2  }
0xbc: {  	s5 =	spop (v2sf)  }
0xbd: {  	s23 =	sand.u32 $0xFFFFF80, s5;
	[tilespmem:v60+s4+$0x0] =	vst.idx.msk $0xffff, v57  }
0xbe: {  	s10 =	sadd.s32 s1, s23;
	[tilespmem:v58+s4+$0x0] =	vst.idx.msk $0xffff, v59  }
0xbf: {  	[tilespmem:s16], [sflag:$0x2] =	stream.strided.gather [hbm4b:s10+s13], $0x1000, s12, s13, $0x38;
	[tilespmem:$0x19A00] =	vst v63  }
0xc0: {  	_ =	swait.ge [sflag:s30], $0x1000  }
0xc1: {  	(v2sf) =	vpush v56, $0x2;
	_ =	sdelay $0xa  }
0xc2: {  	(v2sf) =	vpush v56, $0xA;
	_ =	sdelay $0x3  }
0xc3: {  	s25 =	spop (v2sf)  }
0xc4: {  	s10 =	sand.u32 $0x7F, s25  }
0xc5: {  	s6 =	sadd.s32 $0x2, s9;
	v57 =	vor.u32 s10, v7  }
0xc6: {  	v58 =	vmov s6;
	v59 =	vor.u32 s10, v8  }
0xc7: {  	v60 =	vshll.u32 v58, $0x3  }
0xc8: {  	v58 =	vand.u32 $0x72, v58;
	v60 =	vand.u32 $0xC00, v60;
	[sflag:s30] =	ssyncset.done $0x0  }
0xc9: {  	v58 =	vor.u32 v58, v60;
	[sflag:s30] =	ssyncadd.s32 $0xFFFFF000  }
0xca: {  	v60 =	vor.u32 v3, v58;
	v57 =	vld.idx.msk [tilespmem:v57+s13+$0x0], $0xffff  }
0xcb: {  	v58 =	vor.u32 v4, v58;
	v59 =	vld.idx.msk [tilespmem:v59+s13+$0x0], $0xffff;
	_ =	sdelay $0x2  }
0xcc: {  	s21 =	spop (v2sf)  }
0xcd: {  	s16 =	sand.u32 $0xFFFFF80, s21;
	[tilespmem:v60+s31+$0x0] =	vst.idx.msk $0xffff, v57  }
0xce: {  	s10 =	sadd.s32 s0, s16;
	[tilespmem:v58+s31+$0x0] =	vst.idx.msk $0xffff, v59  }
0xcf: {  	[tilespmem:s17], [sflag:$0x1] =	stream.strided.gather [hbm4b:s10+s13], $0x1000, s12, s13, $0x38;
	[tilespmem:$0x19A00] =	vst v63  }
0xd0: {  	_ =	swait.ge [sflag:s2], $0x1000  }
0xd1: {  	(v2sf) =	vpush v55, $0x2;
	_ =	sdelay $0xa  }
0xd2: {  	(v2sf) =	vpush v55, $0xA;
	_ =	sdelay $0x3  }
0xd3: {  	s17 =	spop (v2sf)  }
0xd4: {  	s10 =	sand.u32 $0x7F, s17  }
0xd5: {  	v63 =	vor.u32 s10, v7  }
0xd6: {  	v61 =	vor.u32 s10, v8;
	_ =	sdelay $0x1  }
0xd7: {  	[sflag:s2] =	ssyncset.done $0x0  }
0xd8: {  	[sflag:s2] =	ssyncadd.s32 $0xFFFFF000  }
0xd9: {  	v57 =	vld.idx.msk [tilespmem:v63+s14+$0x0], $0xffff  }
0xda: {  	v59 =	vld.idx.msk [tilespmem:v61+s14+$0x0], $0xffff;
	_ =	sdelay $0x2  }
0xdb: {  	s15 =	spop (v2sf)  }
0xdc: {  	s23 =	sand.u32 $0xFFFFF80, s15;
	[tilespmem:v60+s4+$0x0] =	vst.idx.msk $0xffff, v57  }
0xdd: {  	s10 =	sadd.s32 s1, s23;
	[tilespmem:v58+s4+$0x0] =	vst.idx.msk $0xffff, v59  }
0xde: {  	[tilespmem:s20], [sflag:$0x2] =	stream.strided.gather [hbm4b:s10+s13], $0x1000, s12, s13, $0x38;
	[tilespmem:$0x19A00] =	vst v63  }
0xdf: {  	_ =	swait.ge [sflag:s30], $0x1000  }
0xe0: {  	(v2sf) =	vpush v56, $0x3;
	_ =	sdelay $0xa  }
0xe1: {  	(v2sf) =	vpush v56, $0xB;
	_ =	sdelay $0x3  }
0xe2: {  	s25 =	spop (v2sf)  }
0xe3: {  	s10 =	sand.u32 $0x7F, s25  }
0xe4: {  	s6 =	sadd.s32 $0x3, s9;
	v57 =	vor.u32 s10, v9  }
0xe5: {  	v58 =	vmov s6;
	v59 =	vor.u32 s10, v10  }
0xe6: {  	v60 =	vshll.u32 v58, $0x3  }
0xe7: {  	v58 =	vand.u32 $0x73, v58;
	v60 =	vand.u32 $0xC00, v60;
	[sflag:s30] =	ssyncset.done $0x0  }
0xe8: {  	v58 =	vor.u32 v58, v60;
	[sflag:s30] =	ssyncadd.s32 $0xFFFFF000  }
0xe9: {  	v60 =	vor.u32 v3, v58;
	v57 =	vld.idx.msk [tilespmem:v57+s13+$0x0], $0xffff  }
0xea: {  	v58 =	vor.u32 v4, v58;
	v59 =	vld.idx.msk [tilespmem:v59+s13+$0x0], $0xffff;
	_ =	sdelay $0x2  }
0xeb: {  	s23 =	spop (v2sf)  }
0xec: {  	s17 =	sand.u32 $0xFFFFF80, s23;
	[tilespmem:v60+s31+$0x0] =	vst.idx.msk $0xffff, v57  }
0xed: {  	s10 =	sadd.s32 s0, s17;
	[tilespmem:v58+s31+$0x0] =	vst.idx.msk $0xffff, v59  }
0xee: {  	[tilespmem:s22], [sflag:$0x1] =	stream.strided.gather [hbm4b:s10+s13], $0x1000, s12, s13, $0x38;
	[tilespmem:$0x19A00] =	vst v63  }
0xef: {  	_ =	swait.ge [sflag:s2], $0x1000  }
0xf0: {  	(v2sf) =	vpush v55, $0x3;
	_ =	sdelay $0xa  }
0xf1: {  	(v2sf) =	vpush v55, $0xB;
	_ =	sdelay $0x3  }
0xf2: {  	s20 =	spop (v2sf)  }
0xf3: {  	s10 =	sand.u32 $0x7F, s20  }
0xf4: {  	v62 =	vor.u32 s10, v9  }
0xf5: {  	v63 =	vor.u32 s10, v10;
	_ =	sdelay $0x1  }
0xf6: {  	[sflag:s2] =	ssyncset.done $0x0  }
0xf7: {  	[sflag:s2] =	ssyncadd.s32 $0xFFFFF000  }
0xf8: {  	v57 =	vld.idx.msk [tilespmem:v62+s14+$0x0], $0xffff  }
0xf9: {  	v59 =	vld.idx.msk [tilespmem:v63+s14+$0x0], $0xffff;
	_ =	sdelay $0x2  }
0xfa: {  	s16 =	spop (v2sf)  }
0xfb: {  	s22 =	sand.u32 $0xFFFFF80, s16;
	[tilespmem:v60+s4+$0x0] =	vst.idx.msk $0xffff, v57  }
0xfc: {  	s10 =	sadd.s32 s1, s22;
	[tilespmem:v58+s4+$0x0] =	vst.idx.msk $0xffff, v59  }
0xfd: {  	[tilespmem:s24], [sflag:$0x2] =	stream.strided.gather [hbm4b:s10+s13], $0x1000, s12, s13, $0x38;
	[tilespmem:$0x19A00] =	vst v63  }
0xfe: {  	_ =	swait.ge [sflag:s30], $0x1000  }
0xff: {  	(v2sf) =	vpush v56, $0x4;
	_ =	sdelay $0xa  }
0x100: {  	(v2sf) =	vpush v56, $0xC;
	_ =	sdelay $0x3  }
0x101: {  	s25 =	spop (v2sf)  }
0x102: {  	s10 =	sand.u32 $0x7F, s25  }
0x103: {  	s6 =	sadd.s32 $0x4, s9;
	v57 =	vor.u32 s10, v11  }
0x104: {  	v58 =	vmov s6;
	v59 =	vor.u32 s10, v12  }
0x105: {  	v60 =	vshll.u32 v58, $0x3  }
0x106: {  	v58 =	vand.u32 $0x74, v58;
	v60 =	vand.u32 $0xC00, v60;
	[sflag:s30] =	ssyncset.done $0x0  }
0x107: {  	v58 =	vor.u32 v58, v60;
	[sflag:s30] =	ssyncadd.s32 $0xFFFFF000  }
0x108: {  	v60 =	vor.u32 v3, v58;
	v57 =	vld.idx.msk [tilespmem:v57+s13+$0x0], $0xffff  }
0x109: {  	v58 =	vor.u32 v4, v58;
	v59 =	vld.idx.msk [tilespmem:v59+s13+$0x0], $0xffff;
	_ =	sdelay $0x2  }
0x10a: {  	s25 =	spop (v2sf)  }
0x10b: {  	s20 =	sand.u32 $0xFFFFF80, s25;
	[tilespmem:v60+s31+$0x0] =	vst.idx.msk $0xffff, v57  }
0x10c: {  	s10 =	sadd.s32 s0, s20;
	[tilespmem:v58+s31+$0x0] =	vst.idx.msk $0xffff, v59  }
0x10d: {  	[tilespmem:s26], [sflag:$0x1] =	stream.strided.gather [hbm4b:s10+s13], $0x1000, s12, s13, $0x38;
	[tilespmem:$0x19A00] =	vst v63  }
0x10e: {  	_ =	swait.ge [sflag:s2], $0x1000  }
0x10f: {  	(v2sf) =	vpush v55, $0x4;
	_ =	sdelay $0xa  }
0x110: {  	(v2sf) =	vpush v55, $0xC;
	_ =	sdelay $0x3  }
0x111: {  	s22 =	spop (v2sf)  }
0x112: {  	s10 =	sand.u32 $0x7F, s22  }
0x113: {  	v61 =	vor.u32 s10, v11  }
0x114: {  	v62 =	vor.u32 s10, v12;
	_ =	sdelay $0x1  }
0x115: {  	[sflag:s2] =	ssyncset.done $0x0  }
0x116: {  	[sflag:s2] =	ssyncadd.s32 $0xFFFFF000  }
0x117: {  	v57 =	vld.idx.msk [tilespmem:v61+s14+$0x0], $0xffff  }
0x118: {  	v59 =	vld.idx.msk [tilespmem:v62+s14+$0x0], $0xffff;
	_ =	sdelay $0x2  }
0x119: {  	s17 =	spop (v2sf)  }
0x11a: {  	s24 =	sand.u32 $0xFFFFF80, s17;
	[tilespmem:v60+s4+$0x0] =	vst.idx.msk $0xffff, v57  }
0x11b: {  	s10 =	sadd.s32 s1, s24;
	[tilespmem:v58+s4+$0x0] =	vst.idx.msk $0xffff, v59  }
0x11c: {  	[tilespmem:s28], [sflag:$0x2] =	stream.strided.gather [hbm4b:s10+s13], $0x1000, s12, s13, $0x38;
	[tilespmem:$0x19A00] =	vst v63  }
0x11d: {  	_ =	swait.ge [sflag:s30], $0x1000  }
0x11e: {  	(v2sf) =	vpush v56, $0x5;
	_ =	sdelay $0xa  }
0x11f: {  	(v2sf) =	vpush v56, $0xD;
	_ =	sdelay $0x3  }
0x120: {  	s26 =	spop (v2sf)  }
0x121: {  	s10 =	sand.u32 $0x7F, s26  }
0x122: {  	s6 =	sadd.s32 $0x5, s9;
	v57 =	vor.u32 s10, v13  }
0x123: {  	v58 =	vmov s6;
	v59 =	vor.u32 s10, v14  }
0x124: {  	v60 =	vshll.u32 v58, $0x3  }
0x125: {  	v58 =	vand.u32 $0x75, v58;
	v60 =	vand.u32 $0xC00, v60;
	[sflag:s30] =	ssyncset.done $0x0  }
0x126: {  	v58 =	vor.u32 v58, v60;
	[sflag:s30] =	ssyncadd.s32 $0xFFFFF000  }
0x127: {  	v60 =	vor.u32 v3, v58;
	v57 =	vld.idx.msk [tilespmem:v57+s13+$0x0], $0xffff  }
0x128: {  	v58 =	vor.u32 v4, v58;
	v59 =	vld.idx.msk [tilespmem:v59+s13+$0x0], $0xffff;
	_ =	sdelay $0x2  }
0x129: {  	s26 =	spop (v2sf)  }
0x12a: {  	s22 =	sand.u32 $0xFFFFF80, s26;
	[tilespmem:v60+s31+$0x0] =	vst.idx.msk $0xffff, v57  }
0x12b: {  	s10 =	sadd.s32 s0, s22;
	[tilespmem:v58+s31+$0x0] =	vst.idx.msk $0xffff, v59  }
0x12c: {  	[tilespmem:s29], [sflag:$0x1] =	stream.strided.gather [hbm4b:s10+s13], $0x1000, s12, s13, $0x38;
	[tilespmem:$0x19A00] =	vst v63  }
0x12d: {  	_ =	swait.ge [sflag:s2], $0x1000  }
0x12e: {  	(v2sf) =	vpush v55, $0x5;
	_ =	sdelay $0xa  }
0x12f: {  	(v2sf) =	vpush v55, $0xD;
	_ =	sdelay $0x3  }
0x130: {  	s24 =	spop (v2sf)  }
0x131: {  	s10 =	sand.u32 $0x7F, s24  }
0x132: {  	v63 =	vor.u32 s10, v13  }
0x133: {  	v61 =	vor.u32 s10, v14;
	_ =	sdelay $0x1  }
0x134: {  	[sflag:s2] =	ssyncset.done $0x0  }
0x135: {  	[sflag:s2] =	ssyncadd.s32 $0xFFFFF000  }
0x136: {  	v57 =	vld.idx.msk [tilespmem:v63+s14+$0x0], $0xffff  }
0x137: {  	v59 =	vld.idx.msk [tilespmem:v61+s14+$0x0], $0xffff;
	_ =	sdelay $0x2  }
0x138: {  	s20 =	spop (v2sf)  }
0x139: {  	s6 =	sand.u32 $0xFFFFF80, s20;
	[tilespmem:v60+s4+$0x0] =	vst.idx.msk $0xffff, v57  }
0x13a: {  	s10 =	sadd.s32 s1, s6;
	s6 =	simm.s32 $0xD400;
	[tilespmem:v58+s4+$0x0] =	vst.idx.msk $0xffff, v59  }
0x13b: {  	[tilespmem:s6], [sflag:$0x2] =	stream.strided.gather [hbm4b:s10+s13], $0x1000, s12, s13, $0x38;
	[tilespmem:$0x19A00] =	vst v63  }
0x13c: {  	_ =	swait.ge [sflag:s30], $0x1000  }
0x13d: {  	(v2sf) =	vpush v56, $0x6;
	_ =	sdelay $0xa  }
0x13e: {  	(v2sf) =	vpush v56, $0xE;
	_ =	sdelay $0x3  }
0x13f: {  	s22 =	spop (v2sf)  }
0x140: {  	s10 =	sand.u32 $0x7F, s22  }
0x141: {  	s24 =	sadd.s32 $0x6, s9;
	v57 =	vor.u32 s10, v15  }
0x142: {  	v58 =	vmov s24;
	v59 =	vor.u32 s10, v16  }
0x143: {  	v60 =	vshll.u32 v58, $0x3  }
0x144: {  	v58 =	vand.u32 $0x76, v58;
	v60 =	vand.u32 $0xC00, v60;
	[sflag:s30] =	ssyncset.done $0x0  }
0x145: {  	v58 =	vor.u32 v58, v60;
	[sflag:s30] =	ssyncadd.s32 $0xFFFFF000  }
0x146: {  	v60 =	vor.u32 v3, v58;
	v57 =	vld.idx.msk [tilespmem:v57+s13+$0x0], $0xffff  }
0x147: {  	v58 =	vor.u32 v4, v58;
	v59 =	vld.idx.msk [tilespmem:v59+s13+$0x0], $0xffff;
	_ =	sdelay $0x2  }
0x148: {  	s28 =	spop (v2sf)  }
0x149: {  	s6 =	sand.u32 $0xFFFFF80, s28;
	[tilespmem:v60+s31+$0x0] =	vst.idx.msk $0xffff, v57  }
0x14a: {  	s22 =	simm.s32 $0x6400;
	s10 =	sadd.s32 s0, s6;
	[tilespmem:v58+s31+$0x0] =	vst.idx.msk $0xffff, v59  }
0x14b: {  	[tilespmem:s22], [sflag:$0x1] =	stream.strided.gather [hbm4b:s10+s13], $0x1000, s12, s13, $0x38;
	[tilespmem:$0x19A00] =	vst v63  }
0x14c: {  	_ =	swait.ge [sflag:s2], $0x1000  }
0x14d: {  	(v2sf) =	vpush v55, $0x6;
	_ =	sdelay $0xa  }
0x14e: {  	(v2sf) =	vpush v55, $0xE;
	_ =	sdelay $0x3  }
0x14f: {  	s24 =	spop (v2sf)  }
0x150: {  	s10 =	sand.u32 $0x7F, s24  }
0x151: {  	v62 =	vor.u32 s10, v15  }
0x152: {  	v63 =	vor.u32 s10, v16;
	_ =	sdelay $0x1  }
0x153: {  	[sflag:s2] =	ssyncset.done $0x0  }
0x154: {  	[sflag:s2] =	ssyncadd.s32 $0xFFFFF000  }
0x155: {  	v57 =	vld.idx.msk [tilespmem:v62+s14+$0x0], $0xffff  }
0x156: {  	v59 =	vld.idx.msk [tilespmem:v63+s14+$0x0], $0xffff;
	_ =	sdelay $0x2  }
0x157: {  	s22 =	spop (v2sf)  }
0x158: {  	s6 =	sand.u32 $0xFFFFF80, s22;
	[tilespmem:v60+s4+$0x0] =	vst.idx.msk $0xffff, v57  }
0x159: {  	s24 =	simm.s32 $0xE400;
	s10 =	sadd.s32 s1, s6;
	[tilespmem:v58+s4+$0x0] =	vst.idx.msk $0xffff, v59  }
0x15a: {  	[tilespmem:s24], [sflag:$0x2] =	stream.strided.gather [hbm4b:s10+s13], $0x1000, s12, s13, $0x38;
	[tilespmem:$0x19A00] =	vst v63  }
0x15b: {  	_ =	swait.ge [sflag:s30], $0x1000  }
0x15c: {  	(v2sf) =	vpush v56, $0x7;
	_ =	sdelay $0xa  }
0x15d: {  	(v2sf) =	vpush v56, $0xF;
	_ =	sdelay $0x3  }
0x15e: {  	s24 =	spop (v2sf)  }
0x15f: {  	s10 =	sand.u32 $0x7F, s24  }
0x160: {  	s6 =	sadd.s32 $0x7, s9;
	v60 =	vor.u32 s10, v17  }
0x161: {  	v61 =	vmov s6;
	v62 =	vor.u32 s10, v18  }
0x162: {  	v63 =	vshll.u32 v61, $0x3  }
0x163: {  	v57 =	vand.u32 $0x77, v61;
	v59 =	vand.u32 $0xC00, v63;
	[sflag:s30] =	ssyncset.done $0x0  }
0x164: {  	v57 =	vor.u32 v57, v59;
	[sflag:s30] =	ssyncadd.s32 $0xFFFFF000  }
0x165: {  	v59 =	vor.u32 v3, v57;
	v56 =	vld.idx.msk [tilespmem:v60+s13+$0x0], $0xffff  }
0x166: {  	v57 =	vor.u32 v4, v57;
	v58 =	vld.idx.msk [tilespmem:v62+s13+$0x0], $0xffff;
	_ =	sdelay $0x2  }
0x167: {  	s29 =	spop (v2sf)  }
0x168: {  	s6 =	sand.u32 $0xFFFFF80, s29;
	[tilespmem:v59+s31+$0x0] =	vst.idx.msk $0xffff, v56  }
0x169: {  	s24 =	simm.s32 $0x7400;
	s10 =	sadd.s32 s0, s6;
	[tilespmem:v57+s31+$0x0] =	vst.idx.msk $0xffff, v58  }
0x16a: {  	[tilespmem:s24], [sflag:$0x1] =	stream.strided.gather [hbm4b:s10+s13], $0x1000, s12, s13, $0x38;
	[tilespmem:$0x19A00] =	vst v63  }
0x16b: {  	_ =	swait.ge [sflag:s2], $0x1000  }
0x16c: {  	(v2sf) =	vpush v55, $0x7;
	_ =	sdelay $0xa  }
0x16d: {  	(v2sf) =	vpush v55, $0xF;
	_ =	sdelay $0x3  }
0x16e: {  	s24 =	spop (v2sf)  }
0x16f: {  	s10 =	sand.u32 $0x7F, s24  }
0x170: {  	v60 =	vor.u32 s10, v17  }
0x171: {  	v61 =	vor.u32 s10, v18;
	_ =	sdelay $0x1  }
0x172: {  	[sflag:s2] =	ssyncset.done $0x0  }
0x173: {  	[sflag:s2] =	ssyncadd.s32 $0xFFFFF000  }
0x174: {  	v55 =	vld.idx.msk [tilespmem:v60+s14+$0x0], $0xffff  }
0x175: {  	v56 =	vld.idx.msk [tilespmem:v61+s14+$0x0], $0xffff;
	_ =	sdelay $0x2  }
0x176: {  	s24 =	spop (v2sf)  }
0x177: {  	s6 =	sand.u32 $0xFFFFF80, s24;
	[tilespmem:v59+s4+$0x0] =	vst.idx.msk $0xffff, v55  }
0x178: {  	s10 =	sadd.s32 s1, s6;
	s6 =	simm.s32 $0xF400;
	[tilespmem:v57+s4+$0x0] =	vst.idx.msk $0xffff, v56  }
0x179: {  	[tilespmem:s6], [sflag:$0x2] =	stream.strided.gather [hbm4b:s10+s13], $0x1000, s12, s13, $0x38;
	[tilespmem:$0x19A00] =	vst v63  }
0x17a: {  	p0 =	seq.s32 s9, $0x1F0;
	_ =	swait.ge [sflag:s30], $0x1000  }
0x17b: {  	(v2sf) =	vpush @!p0 v54, $0x0;
	_ =	sdelay $0x4  }
0x17c: {  	s10 =	sand.u32 $0x7F, s18  }
0x17d: {  	s6 =	sadd.s32 $0x8, s9;
	v62 =	vor.u32 s10, v1  }
0x17e: {  	v63 =	vmov s6;
	v60 =	vor.u32 s10, v2  }
0x17f: {  	v61 =	vshll.u32 v63, $0x3  }
0x180: {  	[sflag:s30] =	ssyncset.done $0x0;
	v56 =	vand.u32 $0x78, v63;
	v58 =	vand.u32 $0xC00, v61  }
0x181: {  	[sflag:s30] =	ssyncadd.s32 $0xFFFFF000;
	v56 =	vor.u32 v56, v58  }
0x182: {  	v58 =	vor.u32 v3, v56;
	v55 =	vld.idx.msk [tilespmem:v62+s13+$0x0], $0xffff  }
0x183: {  	v56 =	vor.u32 v4, v56;
	v57 =	vld.idx.msk [tilespmem:v60+s13+$0x0], $0xffff;
	_ =	sdelay $0x2  }
0x184: {  	s10 =	spop @!p0 (v2sf)  }
0x185: {  	[tilespmem:v58+s31+$0x0] =	vst.idx.msk $0xffff, v55;
	s10 =	sand.u32 @!p0 $0xFFFFF80, s10  }
0x186: {  	s18 =	simm.s32 @!p0 $0x7A1400;
	[tilespmem:v56+s31+$0x0] =	vst.idx.msk $0xffff, v57;
	s6 =	sadd.s32 @!p0 s0, s10;
	s10 =	simm.s32 @!p0 $0x400  }
0x187: {  	[tilespmem:s10], [sflag:$0x1] =	stream.strided.gather @!p0 [hbm4b:s6+s10], $0x1000, s18, s10, $0x38;
	[tilespmem:$0x19A00] =	vst v63  }
0x188: {  	_ =	swait.ge [sflag:s2], $0x1000  }
0x189: {  	(v2sf) =	vpush @!p0 v53, $0x0;
	_ =	sdelay $0x4  }
0x18a: {  	s11 =	sand.u32 $0x7F, s11  }
0x18b: {  	v62 =	vor.u32 s11, v1  }
0x18c: {  	v63 =	vor.u32 s11, v2;
	_ =	sdelay $0x1  }
0x18d: {  	[sflag:s2] =	ssyncset.done $0x0  }
0x18e: {  	[sflag:s2] =	ssyncadd.s32 $0xFFFFF000  }
0x18f: {  	v55 =	vld.idx.msk [tilespmem:v62+s14+$0x0], $0xffff  }
0x190: {  	v57 =	vld.idx.msk [tilespmem:v63+s14+$0x0], $0xffff;
	_ =	sdelay $0x2  }
0x191: {  	s6 =	spop @!p0 (v2sf)  }
0x192: {  	[tilespmem:v58+s4+$0x0] =	vst.idx.msk $0xffff, v55;
	s6 =	sand.u32 @!p0 $0xFFFFF80, s6  }
0x193: {  	s11 =	simm.s32 @!p0 $0x8400;
	[tilespmem:v56+s4+$0x0] =	vst.idx.msk $0xffff, v57;
	s6 =	sadd.s32 @!p0 s1, s6  }
0x194: {  	[tilespmem:s11], [sflag:$0x2] =	stream.strided.gather @!p0 [hbm4b:s6+s10], $0x1000, s18, s10, $0x38;
	[tilespmem:$0x19A00] =	vst v63  }
0x195: {  	_ =	swait.ge [sflag:s30], $0x1000  }
0x196: {  	(v2sf) =	vpush @!p0 v54, $0x1;
	_ =	sdelay $0x4  }
0x197: {  	s6 =	sand.u32 $0x7F, s19  }
0x198: {  	s11 =	sadd.s32 $0x9, s9;
	v60 =	vor.u32 s6, v5  }
0x199: {  	v61 =	vmov s11;
	v62 =	vor.u32 s6, v6  }
0x19a: {  	v63 =	vshll.u32 v61, $0x3  }
0x19b: {  	[sflag:s30] =	ssyncset.done $0x0;
	v56 =	vand.u32 $0x79, v61;
	v58 =	vand.u32 $0xC00, v63  }
0x19c: {  	[sflag:s30] =	ssyncadd.s32 $0xFFFFF000;
	v56 =	vor.u32 v56, v58  }
0x19d: {  	v58 =	vor.u32 v3, v56;
	v55 =	vld.idx.msk [tilespmem:v60+s13+$0x0], $0xffff  }
0x19e: {  	v56 =	vor.u32 v4, v56;
	v57 =	vld.idx.msk [tilespmem:v62+s13+$0x0], $0xffff;
	_ =	sdelay $0x2  }
0x19f: {  	s6 =	spop @!p0 (v2sf)  }
0x1a0: {  	[tilespmem:v58+s31+$0x0] =	vst.idx.msk $0xffff, v55;
	s6 =	sand.u32 @!p0 $0xFFFFF80, s6  }
0x1a1: {  	s11 =	simm.s32 @!p0 $0x1400;
	[tilespmem:v56+s31+$0x0] =	vst.idx.msk $0xffff, v57;
	s6 =	sadd.s32 @!p0 s0, s6  }
0x1a2: {  	[tilespmem:s11], [sflag:$0x1] =	stream.strided.gather @!p0 [hbm4b:s6+s10], $0x1000, s18, s10, $0x38;
	[tilespmem:$0x19A00] =	vst v63  }
0x1a3: {  	_ =	swait.ge [sflag:s2], $0x1000  }
0x1a4: {  	(v2sf) =	vpush @!p0 v53, $0x1;
	_ =	sdelay $0x4  }
0x1a5: {  	s5 =	sand.u32 $0x7F, s5  }
0x1a6: {  	v60 =	vor.u32 s5, v5  }
0x1a7: {  	v61 =	vor.u32 s5, v6;
	_ =	sdelay $0x1  }
0x1a8: {  	[sflag:s2] =	ssyncset.done $0x0  }
0x1a9: {  	[sflag:s2] =	ssyncadd.s32 $0xFFFFF000  }
0x1aa: {  	v55 =	vld.idx.msk [tilespmem:v60+s14+$0x0], $0xffff  }
0x1ab: {  	v57 =	vld.idx.msk [tilespmem:v61+s14+$0x0], $0xffff;
	_ =	sdelay $0x2  }
0x1ac: {  	s5 =	spop @!p0 (v2sf)  }
0x1ad: {  	[tilespmem:v58+s4+$0x0] =	vst.idx.msk $0xffff, v55;
	s5 =	sand.u32 @!p0 $0xFFFFF80, s5  }
0x1ae: {  	s6 =	simm.s32 @!p0 $0x9400;
	[tilespmem:v56+s4+$0x0] =	vst.idx.msk $0xffff, v57;
	s5 =	sadd.s32 @!p0 s1, s5  }
0x1af: {  	[tilespmem:s6], [sflag:$0x2] =	stream.strided.gather @!p0 [hbm4b:s5+s10], $0x1000, s18, s10, $0x38;
	[tilespmem:$0x19A00] =	vst v63  }
0x1b0: {  	_ =	swait.ge [sflag:s30], $0x1000  }
0x1b1: {  	(v2sf) =	vpush @!p0 v54, $0x2;
	_ =	sdelay $0x4  }
0x1b2: {  	s5 =	sand.u32 $0x7F, s21  }
0x1b3: {  	s11 =	sadd.s32 $0xA, s9;
	v62 =	vor.u32 s5, v7  }
0x1b4: {  	v63 =	vmov s11;
	v60 =	vor.u32 s5, v8  }
0x1b5: {  	v61 =	vshll.u32 v63, $0x3  }
0x1b6: {  	v58 =	vand.u32 $0xC00, v61;
	v56 =	vand.u32 $0x7A, v63;
	[sflag:s30] =	ssyncset.done $0x0  }
0x1b7: {  	v56 =	vor.u32 v56, v58;
	[sflag:s30] =	ssyncadd.s32 $0xFFFFF000  }
0x1b8: {  	v58 =	vor.u32 v3, v56;
	v55 =	vld.idx.msk [tilespmem:v62+s13+$0x0], $0xffff  }
0x1b9: {  	v56 =	vor.u32 v4, v56;
	v57 =	vld.idx.msk [tilespmem:v60+s13+$0x0], $0xffff;
	_ =	sdelay $0x2  }
0x1ba: {  	s5 =	spop @!p0 (v2sf)  }
0x1bb: {  	[tilespmem:v58+s31+$0x0] =	vst.idx.msk $0xffff, v55;
	s5 =	sand.u32 @!p0 $0xFFFFF80, s5  }
0x1bc: {  	s6 =	simm.s32 @!p0 $0x2400;
	[tilespmem:v56+s31+$0x0] =	vst.idx.msk $0xffff, v57;
	s5 =	sadd.s32 @!p0 s0, s5  }
0x1bd: {  	[tilespmem:s6], [sflag:$0x1] =	stream.strided.gather @!p0 [hbm4b:s5+s10], $0x1000, s18, s10, $0x38;
	[tilespmem:$0x19A00] =	vst v63  }
0x1be: {  	s21 =	rddreg [dreg:$0xd];
	_ =	swait.ge [sflag:s2], $0x1000  }
0x1bf: {  	(v2sf) =	vpush @!p0 v53, $0x2;
	_ =	sdelay $0x4  }
0x1c0: {  	s6 =	sand.u32 $0x7F, s15  }
0x1c1: {  	v62 =	vor.u32 s6, v7  }
0x1c2: {  	v63 =	vor.u32 s6, v8;
	_ =	sdelay $0x1  }
0x1c3: {  	[sflag:s2] =	ssyncset.done $0x0  }
0x1c4: {  	[sflag:s2] =	ssyncadd.s32 $0xFFFFF000  }
0x1c5: {  	v55 =	vld.idx.msk [tilespmem:v62+s14+$0x0], $0xffff  }
0x1c6: {  	v57 =	vld.idx.msk [tilespmem:v63+s14+$0x0], $0xffff;
	_ =	sdelay $0x2  }
0x1c7: {  	s5 =	spop @!p0 (v2sf)  }
0x1c8: {  	[tilespmem:v58+s4+$0x0] =	vst.idx.msk $0xffff, v55;
	s5 =	sand.u32 @!p0 $0xFFFFF80, s5  }
0x1c9: {  	s6 =	simm.s32 @!p0 $0xA400;
	[tilespmem:v56+s4+$0x0] =	vst.idx.msk $0xffff, v57;
	s5 =	sadd.s32 @!p0 s1, s5  }
0x1ca: {  	[tilespmem:s6], [sflag:$0x2] =	stream.strided.gather @!p0 [hbm4b:s5+s10], $0x1000, s18, s10, $0x38;
	[tilespmem:$0x19A00] =	vst v63  }
0x1cb: {  	_ =	swait.ge [sflag:s30], $0x1000  }
0x1cc: {  	(v2sf) =	vpush @!p0 v54, $0x3;
	_ =	sdelay $0x4  }
0x1cd: {  	s11 =	sand.u32 $0x7F, s23  }
0x1ce: {  	s23 =	sadd.s32 $0xB, s9;
	v60 =	vor.u32 s11, v9  }
0x1cf: {  	v61 =	vmov s23;
	v62 =	vor.u32 s11, v10  }
0x1d0: {  	v63 =	vshll.u32 v61, $0x3  }
0x1d1: {  	v58 =	vand.u32 $0xC00, v63;
	v56 =	vand.u32 $0x7B, v61;
	[sflag:s30] =	ssyncset.done $0x0  }
0x1d2: {  	v56 =	vor.u32 v56, v58;
	[sflag:s30] =	ssyncadd.s32 $0xFFFFF000  }
0x1d3: {  	v58 =	vor.u32 v3, v56;
	v55 =	vld.idx.msk [tilespmem:v60+s13+$0x0], $0xffff  }
0x1d4: {  	v56 =	vor.u32 v4, v56;
	v57 =	vld.idx.msk [tilespmem:v62+s13+$0x0], $0xffff;
	_ =	sdelay $0x2  }
0x1d5: {  	s5 =	spop @!p0 (v2sf)  }
0x1d6: {  	[tilespmem:v58+s31+$0x0] =	vst.idx.msk $0xffff, v55;
	s5 =	sand.u32 @!p0 $0xFFFFF80, s5  }
0x1d7: {  	s6 =	simm.s32 @!p0 $0x3400;
	[tilespmem:v56+s31+$0x0] =	vst.idx.msk $0xffff, v57;
	s5 =	sadd.s32 @!p0 s0, s5  }
0x1d8: {  	[tilespmem:s6], [sflag:$0x1] =	stream.strided.gather @!p0 [hbm4b:s5+s10], $0x1000, s18, s10, $0x38;
	[tilespmem:$0x19A00] =	vst v63  }
0x1d9: {  	_ =	swait.ge [sflag:s2], $0x1000  }
0x1da: {  	(v2sf) =	vpush @!p0 v53, $0x3;
	_ =	sdelay $0x4  }
0x1db: {  	s11 =	sand.u32 $0x7F, s16  }
0x1dc: {  	v60 =	vor.u32 s11, v9  }
0x1dd: {  	v61 =	vor.u32 s11, v10;
	_ =	sdelay $0x1  }
0x1de: {  	[sflag:s2] =	ssyncset.done $0x0  }
0x1df: {  	[sflag:s2] =	ssyncadd.s32 $0xFFFFF000  }
0x1e0: {  	v55 =	vld.idx.msk [tilespmem:v60+s14+$0x0], $0xffff  }
0x1e1: {  	v57 =	vld.idx.msk [tilespmem:v61+s14+$0x0], $0xffff;
	_ =	sdelay $0x2  }
0x1e2: {  	s5 =	spop @!p0 (v2sf)  }
0x1e3: {  	[tilespmem:v58+s4+$0x0] =	vst.idx.msk $0xffff, v55;
	s5 =	sand.u32 @!p0 $0xFFFFF80, s5  }
0x1e4: {  	s6 =	simm.s32 @!p0 $0xB400;
	[tilespmem:v56+s4+$0x0] =	vst.idx.msk $0xffff, v57;
	s5 =	sadd.s32 @!p0 s1, s5  }
0x1e5: {  	[tilespmem:s6], [sflag:$0x2] =	stream.strided.gather @!p0 [hbm4b:s5+s10], $0x1000, s18, s10, $0x38;
	[tilespmem:$0x19A00] =	vst v63  }
0x1e6: {  	_ =	swait.ge [sflag:s30], $0x1000  }
0x1e7: {  	(v2sf) =	vpush @!p0 v54, $0x4;
	_ =	sdelay $0x4  }
0x1e8: {  	s23 =	sand.u32 $0x7F, s25  }
0x1e9: {  	s25 =	sadd.s32 $0xC, s9;
	v62 =	vor.u32 s23, v11  }
0x1ea: {  	v63 =	vmov s25;
	v60 =	vor.u32 s23, v12  }
0x1eb: {  	v61 =	vshll.u32 v63, $0x3  }
0x1ec: {  	v58 =	vand.u32 $0xC00, v61;
	v56 =	vand.u32 $0x7C, v63;
	[sflag:s30] =	ssyncset.done $0x0  }
0x1ed: {  	v56 =	vor.u32 v56, v58;
	[sflag:s30] =	ssyncadd.s32 $0xFFFFF000  }
0x1ee: {  	v58 =	vor.u32 v3, v56;
	v55 =	vld.idx.msk [tilespmem:v62+s13+$0x0], $0xffff  }
0x1ef: {  	v56 =	vor.u32 v4, v56;
	v57 =	vld.idx.msk [tilespmem:v60+s13+$0x0], $0xffff;
	_ =	sdelay $0x2  }
0x1f0: {  	s5 =	spop @!p0 (v2sf)  }
0x1f1: {  	[tilespmem:v58+s31+$0x0] =	vst.idx.msk $0xffff, v55;
	s5 =	sand.u32 @!p0 $0xFFFFF80, s5  }
0x1f2: {  	s6 =	simm.s32 @!p0 $0x4400;
	[tilespmem:v56+s31+$0x0] =	vst.idx.msk $0xffff, v57;
	s5 =	sadd.s32 @!p0 s0, s5  }
0x1f3: {  	[tilespmem:s6], [sflag:$0x1] =	stream.strided.gather @!p0 [hbm4b:s5+s10], $0x1000, s18, s10, $0x38;
	[tilespmem:$0x19A00] =	vst v63  }
0x1f4: {  	_ =	swait.ge [sflag:s2], $0x1000  }
0x1f5: {  	(v2sf) =	vpush @!p0 v53, $0x4;
	_ =	sdelay $0x4  }
0x1f6: {  	s11 =	sand.u32 $0x7F, s17  }
0x1f7: {  	v62 =	vor.u32 s11, v11  }
0x1f8: {  	v63 =	vor.u32 s11, v12;
	_ =	sdelay $0x1  }
0x1f9: {  	[sflag:s2] =	ssyncset.done $0x0  }
0x1fa: {  	[sflag:s2] =	ssyncadd.s32 $0xFFFFF000  }
0x1fb: {  	v55 =	vld.idx.msk [tilespmem:v62+s14+$0x0], $0xffff  }
0x1fc: {  	v57 =	vld.idx.msk [tilespmem:v63+s14+$0x0], $0xffff;
	_ =	sdelay $0x2  }
0x1fd: {  	s5 =	spop @!p0 (v2sf)  }
0x1fe: {  	[tilespmem:v58+s4+$0x0] =	vst.idx.msk $0xffff, v55;
	s5 =	sand.u32 @!p0 $0xFFFFF80, s5  }
0x1ff: {  	s6 =	simm.s32 @!p0 $0xC400;
	[tilespmem:v56+s4+$0x0] =	vst.idx.msk $0xffff, v57;
	s5 =	sadd.s32 @!p0 s1, s5  }
0x200: {  	[tilespmem:s6], [sflag:$0x2] =	stream.strided.gather @!p0 [hbm4b:s5+s10], $0x1000, s18, s10, $0x38;
	[tilespmem:$0x19A00] =	vst v63  }
0x201: {  	_ =	swait.ge [sflag:s30], $0x1000  }
0x202: {  	(v2sf) =	vpush @!p0 v54, $0x5;
	_ =	sdelay $0x4  }
0x203: {  	s23 =	sand.u32 $0x7F, s26  }
0x204: {  	s25 =	sadd.s32 $0xD, s9;
	v60 =	vor.u32 s23, v13  }
0x205: {  	v61 =	vmov s25;
	v62 =	vor.u32 s23, v14  }
0x206: {  	v63 =	vshll.u32 v61, $0x3  }
0x207: {  	v58 =	vand.u32 $0xC00, v63;
	v56 =	vand.u32 $0x7D, v61;
	[sflag:s30] =	ssyncset.done $0x0  }
0x208: {  	v56 =	vor.u32 v56, v58;
	[sflag:s30] =	ssyncadd.s32 $0xFFFFF000  }
0x209: {  	v58 =	vor.u32 v3, v56;
	v55 =	vld.idx.msk [tilespmem:v60+s13+$0x0], $0xffff  }
0x20a: {  	v56 =	vor.u32 v4, v56;
	v57 =	vld.idx.msk [tilespmem:v62+s13+$0x0], $0xffff;
	_ =	sdelay $0x2  }
0x20b: {  	s5 =	spop @!p0 (v2sf)  }
0x20c: {  	[tilespmem:v58+s31+$0x0] =	vst.idx.msk $0xffff, v55;
	s5 =	sand.u32 @!p0 $0xFFFFF80, s5  }
0x20d: {  	s6 =	simm.s32 @!p0 $0x5400;
	[tilespmem:v56+s31+$0x0] =	vst.idx.msk $0xffff, v57;
	s5 =	sadd.s32 @!p0 s0, s5  }
0x20e: {  	[tilespmem:s6], [sflag:$0x1] =	stream.strided.gather @!p0 [hbm4b:s5+s10], $0x1000, s18, s10, $0x38;
	[tilespmem:$0x19A00] =	vst v63  }
0x20f: {  	_ =	swait.ge [sflag:s2], $0x1000  }
0x210: {  	(v2sf) =	vpush @!p0 v53, $0x5;
	_ =	sdelay $0x4  }
0x211: {  	s11 =	sand.u32 $0x7F, s20  }
0x212: {  	v60 =	vor.u32 s11, v13  }
0x213: {  	v61 =	vor.u32 s11, v14;
	_ =	sdelay $0x1  }
0x214: {  	[sflag:s2] =	ssyncset.done $0x0  }
0x215: {  	[sflag:s2] =	ssyncadd.s32 $0xFFFFF000  }
0x216: {  	v55 =	vld.idx.msk [tilespmem:v60+s14+$0x0], $0xffff  }
0x217: {  	v57 =	vld.idx.msk [tilespmem:v61+s14+$0x0], $0xffff;
	_ =	sdelay $0x2  }
0x218: {  	s5 =	spop @!p0 (v2sf)  }
0x219: {  	[tilespmem:v58+s4+$0x0] =	vst.idx.msk $0xffff, v55;
	s5 =	sand.u32 @!p0 $0xFFFFF80, s5  }
0x21a: {  	s6 =	simm.s32 @!p0 $0xD400;
	[tilespmem:v56+s4+$0x0] =	vst.idx.msk $0xffff, v57;
	s5 =	sadd.s32 @!p0 s1, s5  }
0x21b: {  	[tilespmem:s6], [sflag:$0x2] =	stream.strided.gather @!p0 [hbm4b:s5+s10], $0x1000, s18, s10, $0x38;
	[tilespmem:$0x19A00] =	vst v63  }
0x21c: {  	_ =	swait.ge [sflag:s30], $0x1000  }
0x21d: {  	(v2sf) =	vpush @!p0 v54, $0x6;
	_ =	sdelay $0x4  }
0x21e: {  	s23 =	sand.u32 $0x7F, s28  }
0x21f: {  	s25 =	sadd.s32 $0xE, s9;
	v62 =	vor.u32 s23, v15  }
0x220: {  	v63 =	vmov s25;
	v60 =	vor.u32 s23, v16  }
0x221: {  	v61 =	vshll.u32 v63, $0x3  }
0x222: {  	v58 =	vand.u32 $0xC00, v61;
	v56 =	vand.u32 $0x7E, v63;
	[sflag:s30] =	ssyncset.done $0x0  }
0x223: {  	v56 =	vor.u32 v56, v58;
	[sflag:s30] =	ssyncadd.s32 $0xFFFFF000  }
0x224: {  	v58 =	vor.u32 v3, v56;
	v55 =	vld.idx.msk [tilespmem:v62+s13+$0x0], $0xffff  }
0x225: {  	v56 =	vor.u32 v4, v56;
	v57 =	vld.idx.msk [tilespmem:v60+s13+$0x0], $0xffff;
	_ =	sdelay $0x2  }
0x226: {  	s5 =	spop @!p0 (v2sf)  }
0x227: {  	[tilespmem:v58+s31+$0x0] =	vst.idx.msk $0xffff, v55;
	s5 =	sand.u32 @!p0 $0xFFFFF80, s5  }
0x228: {  	s6 =	simm.s32 @!p0 $0x6400;
	[tilespmem:v56+s31+$0x0] =	vst.idx.msk $0xffff, v57;
	s5 =	sadd.s32 @!p0 s0, s5  }
0x229: {  	[tilespmem:s6], [sflag:$0x1] =	stream.strided.gather @!p0 [hbm4b:s5+s10], $0x1000, s18, s10, $0x38;
	[tilespmem:$0x19A00] =	vst v63  }
0x22a: {  	_ =	swait.ge [sflag:s2], $0x1000  }
0x22b: {  	(v2sf) =	vpush @!p0 v53, $0x6;
	_ =	sdelay $0x4  }
0x22c: {  	s11 =	sand.u32 $0x7F, s22  }
0x22d: {  	v62 =	vor.u32 s11, v15  }
0x22e: {  	v63 =	vor.u32 s11, v16;
	_ =	sdelay $0x1  }
0x22f: {  	[sflag:s2] =	ssyncset.done $0x0  }
0x230: {  	[sflag:s2] =	ssyncadd.s32 $0xFFFFF000  }
0x231: {  	v55 =	vld.idx.msk [tilespmem:v62+s14+$0x0], $0xffff  }
0x232: {  	v57 =	vld.idx.msk [tilespmem:v63+s14+$0x0], $0xffff;
	_ =	sdelay $0x2  }
0x233: {  	s5 =	spop @!p0 (v2sf)  }
0x234: {  	[tilespmem:v58+s4+$0x0] =	vst.idx.msk $0xffff, v55;
	s5 =	sand.u32 @!p0 $0xFFFFF80, s5  }
0x235: {  	s6 =	simm.s32 @!p0 $0xE400;
	[tilespmem:v56+s4+$0x0] =	vst.idx.msk $0xffff, v57;
	s5 =	sadd.s32 @!p0 s1, s5  }
0x236: {  	[tilespmem:s6], [sflag:$0x2] =	stream.strided.gather @!p0 [hbm4b:s5+s10], $0x1000, s18, s10, $0x38;
	[tilespmem:$0x19A00] =	vst v63  }
0x237: {  	_ =	swait.ge [sflag:s30], $0x1000  }
0x238: {  	(v2sf) =	vpush @!p0 v54, $0x7;
	_ =	sdelay $0x4  }
0x239: {  	s23 =	sand.u32 $0x7F, s29  }
0x23a: {  	s25 =	sadd.s32 $0xF, s9;
	v60 =	vor.u32 s23, v17  }
0x23b: {  	v61 =	vmov s25;
	v62 =	vor.u32 s23, v18  }
0x23c: {  	v63 =	vshll.u32 v61, $0x3  }
0x23d: {  	v55 =	vand.u32 $0x7F, v61;
	v57 =	vand.u32 $0xC00, v63;
	[sflag:s30] =	ssyncset.done $0x0  }
0x23e: {  	v55 =	vor.u32 v55, v57;
	[sflag:s30] =	ssyncadd.s32 $0xFFFFF000  }
0x23f: {  	v57 =	vor.u32 v3, v55;
	v54 =	vld.idx.msk [tilespmem:v60+s13+$0x0], $0xffff  }
0x240: {  	v55 =	vor.u32 v4, v55;
	v56 =	vld.idx.msk [tilespmem:v62+s13+$0x0], $0xffff;
	_ =	sdelay $0x2  }
0x241: {  	s5 =	spop @!p0 (v2sf)  }
0x242: {  	[tilespmem:v57+s31+$0x0] =	vst.idx.msk $0xffff, v54;
	s5 =	sand.u32 @!p0 $0xFFFFF80, s5  }
0x243: {  	s6 =	simm.s32 @!p0 $0x7400;
	[tilespmem:v55+s31+$0x0] =	vst.idx.msk $0xffff, v56;
	s5 =	sadd.s32 @!p0 s0, s5  }
0x244: {  	[tilespmem:s6], [sflag:$0x1] =	stream.strided.gather @!p0 [hbm4b:s5+s10], $0x1000, s18, s10, $0x38;
	[tilespmem:$0x19A00] =	vst v63  }
0x245: {  	_ =	swait.ge [sflag:s2], $0x1000  }
0x246: {  	(v2sf) =	vpush @!p0 v53, $0x7;
	_ =	sdelay $0x4  }
0x247: {  	s6 =	sand.u32 $0x7F, s24  }
0x248: {  	v60 =	vor.u32 s6, v17  }
0x249: {  	v61 =	vor.u32 s6, v18;
	_ =	sdelay $0x1  }
0x24a: {  	[sflag:s2] =	ssyncset.done $0x0  }
0x24b: {  	[sflag:s2] =	ssyncadd.s32 $0xFFFFF000  }
0x24c: {  	v53 =	vld.idx.msk [tilespmem:v60+s14+$0x0], $0xffff  }
0x24d: {  	v54 =	vld.idx.msk [tilespmem:v61+s14+$0x0], $0xffff;
	_ =	sdelay $0x2  }
0x24e: {  	s5 =	spop @!p0 (v2sf)  }
0x24f: {  	[tilespmem:v57+s4+$0x0] =	vst.idx.msk $0xffff, v53;
	s5 =	sand.u32 @!p0 $0xFFFFF80, s5  }
0x250: {  	s6 =	simm.s32 @!p0 $0xF400;
	[tilespmem:v55+s4+$0x0] =	vst.idx.msk $0xffff, v54;
	s5 =	sadd.s32 @!p0 s1, s5  }
0x251: {  	[tilespmem:s6], [sflag:$0x2] =	stream.strided.gather @!p0 [hbm4b:s5+s10], $0x1000, s18, s10, $0x38;
	[tilespmem:$0x19A00] =	vst v63  }
0x252: {  	s11 =	sand.u32 $0x70, s9;
	s18 =	sand.u32 $0xC00, s3  }
0x253: {  	s5 =	sor.u32 s11, s18  }
0x254: {  	v53 =	vld [tilespmem:s5+$0x10400]  }
0x255: {  	v54 =	vld [tilespmem:s5+$0x14400]  }
0x256: {  	v55 =	vld [tilespmem:s5+$0x10480]  }
0x257: {  	s23 =	sand.u32 $0xFFFFFC00, s3;
	v62 =	vld [tilespmem:s5+$0x14480]  }
0x258: {  	s11 =	sadd.s32 s23, s9;
	v57 =	vld [tilespmem:s5+$0x10500]  }
0x259: {  	v58 =	vld [tilespmem:s5+$0x14500];
	s6 =	sor.u32 $0x180, s11  }
0x25a: {  	v59 =	vld [tilespmem:s6+$0x14400];
	v53 =	vmul.f32 v54, v53  }
0x25b: {  	v54 =	vld [tilespmem:s6+$0x10400]  }
0x25c: {  	v56 =	vld [tilespmem:s5+$0x10600];
	v55 =	vmul.f32 v62, v55;
	v53 =	vmul.f32 v53, v19  }
0x25d: {  	v60 =	vld [tilespmem:s5+$0x14600]  }
0x25e: {  	v61 =	vld [tilespmem:s5+$0x14680];
	v57 =	vmul.f32 v58, v57;
	v55 =	vmul.f32 v55, v20;
	v53 =	vadd.f32 v53, v51  }
0x25f: {  	v58 =	vld [tilespmem:s5+$0x10680]  }
0x260: {  	s10 =	sor.u32 s9, s3;
	v63 =	vmul.f32 v57, v21;
	v57 =	vld [tilespmem:s5+$0x10700];
	v54 =	vmul.f32 v59, v54;
	v53 =	vadd.f32 v55, v53  }
0x261: {  	s25 =	sor.u32 $0x380, s10;
	v59 =	vld [tilespmem:s5+$0x14700]  }
0x262: {  	v55 =	vmul.f32 v60, v56;
	v56 =	vld [tilespmem:s25+$0x10400];
	v54 =	vmul.f32 v54, v22;
	v53 =	vadd.f32 v63, v53  }
0x263: {  	v60 =	vld [tilespmem:s25+$0x14400]  }
0x264: {  	v53 =	vadd.f32 v54, v53;
	v54 =	vmul.f32 v55, v23;
	v55 =	vmul.f32 v61, v58;
	v58 =	vld [tilespmem:s5+$0x11400]  }
0x265: {  	v61 =	vld [tilespmem:s5+$0x15400]  }
0x266: {  	v63 =	vmul.f32 v59, v57;
	v57 =	vld [tilespmem:s5+$0x11480];
	v53 =	vadd.f32 v54, v53;
	v62 =	vmul.f32 v55, v24  }
0x267: {  	v59 =	vld [tilespmem:s5+$0x15480]  }
0x268: {  	v54 =	vmul.f32 v63, v25;
	v55 =	vmul.f32 v60, v56;
	v56 =	vld [tilespmem:s5+$0x11500];
	v53 =	vadd.f32 v62, v53  }
0x269: {  	s18 =	sor.u32 $0x1180, s11;
	v60 =	vld [tilespmem:s5+$0x15500]  }
0x26a: {  	v53 =	vadd.f32 v54, v53;
	v54 =	vmul.f32 v55, v26;
	v55 =	vmul.f32 v61, v58;
	v58 =	vld [tilespmem:s18+$0x10400]  }
0x26b: {  	v61 =	vld [tilespmem:s18+$0x14400]  }
0x26c: {  	v63 =	vmul.f32 v59, v57;
	v57 =	vld [tilespmem:s5+$0x11600];
	v53 =	vadd.f32 v54, v53;
	v62 =	vmul.f32 v55, v27  }
0x26d: {  	v59 =	vld [tilespmem:s5+$0x15600]  }
0x26e: {  	v54 =	vmul.f32 v63, v28;
	v55 =	vmul.f32 v60, v56;
	v56 =	vld [tilespmem:s5+$0x11680];
	v53 =	vadd.f32 v62, v53  }
0x26f: {  	v60 =	vld [tilespmem:s5+$0x15680]  }
0x270: {  	v53 =	vadd.f32 v54, v53;
	v54 =	vmul.f32 v55, v29;
	v55 =	vmul.f32 v61, v58;
	v58 =	vld [tilespmem:s5+$0x11700]  }
0x271: {  	s23 =	sor.u32 $0x1380, s10;
	v61 =	vld [tilespmem:s5+$0x15700]  }
0x272: {  	v63 =	vmul.f32 v59, v57;
	v57 =	vld [tilespmem:s23+$0x10400];
	v53 =	vadd.f32 v54, v53;
	v62 =	vmul.f32 v55, v30  }
0x273: {  	v59 =	vld [tilespmem:s23+$0x14400]  }
0x274: {  	v54 =	vmul.f32 v63, v31;
	v55 =	vmul.f32 v60, v56;
	v56 =	vld [tilespmem:s5+$0x12400];
	v53 =	vadd.f32 v62, v53  }
0x275: {  	v60 =	vld [tilespmem:s5+$0x16400]  }
0x276: {  	v53 =	vadd.f32 v54, v53;
	v54 =	vmul.f32 v55, v32;
	v55 =	vmul.f32 v61, v58;
	v58 =	vld [tilespmem:s5+$0x12480]  }
0x277: {  	v61 =	vld [tilespmem:s5+$0x16480]  }
0x278: {  	v63 =	vmul.f32 v59, v57;
	v57 =	vld [tilespmem:s5+$0x12500];
	v53 =	vadd.f32 v54, v53;
	v62 =	vmul.f32 v55, v33  }
0x279: {  	s25 =	sor.u32 $0x2180, s11;
	v59 =	vld [tilespmem:s5+$0x16500]  }
0x27a: {  	v54 =	vmul.f32 v63, v34;
	v55 =	vmul.f32 v60, v56;
	v56 =	vld [tilespmem:s25+$0x10400];
	v53 =	vadd.f32 v62, v53  }
0x27b: {  	v60 =	vld [tilespmem:s25+$0x14400]  }
0x27c: {  	v53 =	vadd.f32 v54, v53;
	v54 =	vmul.f32 v55, v35;
	v55 =	vmul.f32 v61, v58;
	v58 =	vld [tilespmem:s5+$0x12600]  }
0x27d: {  	v61 =	vld [tilespmem:s5+$0x16600]  }
0x27e: {  	v63 =	vmul.f32 v59, v57;
	v57 =	vld [tilespmem:s5+$0x12680];
	v53 =	vadd.f32 v54, v53;
	v62 =	vmul.f32 v55, v36  }
0x27f: {  	v59 =	vld [tilespmem:s5+$0x16680]  }
0x280: {  	v54 =	vmul.f32 v63, v37;
	v55 =	vmul.f32 v60, v56;
	v56 =	vld [tilespmem:s5+$0x12700];
	v53 =	vadd.f32 v62, v53  }
0x281: {  	s18 =	sor.u32 $0x2380, s10;
	v60 =	vld [tilespmem:s5+$0x16700]  }
0x282: {  	v53 =	vadd.f32 v54, v53;
	v54 =	vmul.f32 v55, v38;
	v55 =	vmul.f32 v61, v58;
	v58 =	vld [tilespmem:s18+$0x10400]  }
0x283: {  	v61 =	vld [tilespmem:s18+$0x14400]  }
0x284: {  	v63 =	vmul.f32 v59, v57;
	v57 =	vld [tilespmem:s5+$0x13400];
	v53 =	vadd.f32 v54, v53;
	v62 =	vmul.f32 v55, v39  }
0x285: {  	v59 =	vld [tilespmem:s5+$0x17400]  }
0x286: {  	v54 =	vmul.f32 v63, v40;
	v55 =	vmul.f32 v60, v56;
	v56 =	vld [tilespmem:s5+$0x13480];
	v53 =	vadd.f32 v62, v53  }
0x287: {  	v60 =	vld [tilespmem:s5+$0x17480]  }
0x288: {  	v53 =	vadd.f32 v54, v53;
	v54 =	vmul.f32 v55, v41;
	v55 =	vmul.f32 v61, v58;
	v58 =	vld [tilespmem:s5+$0x13500]  }
0x289: {  	s23 =	sor.u32 $0x3180, s11;
	v61 =	vld [tilespmem:s5+$0x17500]  }
0x28a: {  	v63 =	vmul.f32 v59, v57;
	v57 =	vld [tilespmem:s23+$0x10400];
	v53 =	vadd.f32 v54, v53;
	v62 =	vmul.f32 v55, v42  }
0x28b: {  	v59 =	vld [tilespmem:s23+$0x14400]  }
0x28c: {  	v54 =	vmul.f32 v63, v43;
	v55 =	vmul.f32 v60, v56;
	v56 =	vld [tilespmem:s5+$0x13600];
	v53 =	vadd.f32 v62, v53  }
0x28d: {  	v60 =	vld [tilespmem:s5+$0x17600]  }
0x28e: {  	v53 =	vadd.f32 v54, v53;
	v54 =	vmul.f32 v55, v44;
	v55 =	vmul.f32 v61, v58;
	v58 =	vld [tilespmem:s5+$0x13680]  }
0x28f: {  	v61 =	vld [tilespmem:s5+$0x17680]  }
0x290: {  	v63 =	vmul.f32 v59, v57;
	v57 =	vld [tilespmem:s5+$0x13700];
	v53 =	vadd.f32 v54, v53;
	v62 =	vmul.f32 v55, v45  }
0x291: {  	s25 =	sor.u32 $0x3380, s10;
	v59 =	vld [tilespmem:s5+$0x17700]  }
0x292: {  	v54 =	vmul.f32 v63, v46;
	v55 =	vmul.f32 v60, v56;
	v56 =	vld [tilespmem:s25+$0x10400];
	v53 =	vadd.f32 v62, v53  }
0x293: {  	v60 =	vld [tilespmem:s25+$0x14400]  }
0x294: {  	v62 =	vmul.f32 v55, v47;
	v63 =	vmul.f32 v61, v58;
	v53 =	vadd.f32 v54, v53;
	_ =	sdelay $0x1  }
0x295: {  	v59 =	vmul.f32 v59, v57;
	v58 =	vmul.f32 v63, v48;
	v53 =	vadd.f32 v62, v53;
	_ =	sdelay $0x1  }
0x296: {  	v61 =	vmul.f32 v59, v49;
	v62 =	vmul.f32 v60, v56;
	v53 =	vadd.f32 v58, v53;
	_ =	sdelay $0x1  }
0x297: {  	v63 =	vmul.f32 v62, v50;
	v53 =	vadd.f32 v61, v53;
	_ =	sdelay $0x1  }
0x298: {  	v53 =	vadd.f32 v63, v53;
	_ =	sdelay $0x1  }
0x299: {  	v53 =	vsub.f32 $0.0e+00, v53;
	_ =	sdelay $0x1  }
0x29a: {  	v53 =	vmul.f32 $1.442695020e+00, v53;
	_ =	sdelay $0x1  }
0x29b: {  	(erf) = vpow2.f32 v53;
	_ =	sdelay $0x8  }
0x29c: {  	v53 =	vpop (erf)  }
0x29d: {  	v53 =	vadd.f32 $1.000000000e+00, v53;
	_ =	sdelay $0x1  }
0x29e: {  	(erf) = vrcp.f32 v53;
	_ =	sdelay $0x3  }
0x29f: {  	s9 =	sadd.s32 $0x10, s9  }
0x2a0: {  	v52 =	vor.u32 v0, v52;
	p0 =	sne.s32 s9, $0x200  }
.Ltmp0:
0x2a1: {  	s8 =	sadd.s32 $0x1, s8;
	s7 =	sadd.s32 $0x10, s7;
	(pc) =	sbr.rel @p0 .LBB2_2-.Ltmp0, $4  }
0x2a2: {  	s19 =	simm.s32 $0x19800;
	s21 =	sadd.s32 $0x10, s21;
	s15 =	simm.s32 $0x1400  }
0x2a3: {  	s16 =	simm.s32 $0x9400;
	s17 =	simm.s32 $0x2400;
	s26 =	simm.s32 $0x4400  }
0x2a4: {  	s20 =	simm.s32 $0xA400;
	s28 =	simm.s32 $0xC400;
	s22 =	simm.s32 $0x3400;
	v53 =	vpop (erf)  }
0x2a5: {  	s29 =	simm.s32 $0x5400;
	s24 =	simm.s32 $0xB400;
	s3 =	sadd.s32 $0x80, s3;
	[tilespmem:v52+s19+$0x0] =	vst.idx.msk $0xffff, v53  }
0x2a6: {  	s9 =	simm.s32 $0x0;
	s3 =	rddreg [dreg:$0xa];
	s6 =	simm.s32 $0x3  }
0x2a7: {  	[hbm4b:s3+s9] =	stream.linear.scatter [tilespmem:s19], [sflag:$0x3], $0x200, $0x38;
	[tilespmem:$0x19A00] =	vst v63  }
0x2a8: {  	_ =	swait.ge [sflag:s6], $0x200  }
0x2a9: {  	s5 =	rddreg [dreg:$0xc]  }
0x2aa: {  	s25 =	rddreg [dreg:$0xb];
	s5 =	sadd.s32 $0x1, s5  }
0x2ab: {  	p0 =	sne.s32 s5, s25  }
.Ltmp1:
0x2ac: {  	_ = 	snop;
	(pc) =	sbr.rel @p0 .LBB2_1-.Ltmp1, $4  }
0x2ad: {  	_ = 	snop  }
0x2ae: {  	s7 =	simm.s32 $0xD400  }
0x2af: {  	s8 =	simm.s32 $0x6400;
	s10 =	simm.s32 $0xE400;
	[sflag:s6] =	ssyncset.done $0x0  }
0x2b0: {  	s11 =	simm.s32 $0x7400;
	s18 =	simm.s32 $0xF400;
	[sflag:s6] =	ssyncadd.s32 $0xFFFFFE00  }
0x2b1: {  	_ =	sfence.sel $0x180000  }
0x2b2: {  	[bflag:$0x0] =	sbarrier.arrive $0xFFFF  }
0x2b3: {  	_ =	strace $0x90000047  }
0x2b4: {  	s0 =	stileid.u32;
	[bflag:$0x2] =	sbarrier.arrive $0xFFFF  }
0x2b5: {  	p0 =	sne.s32 s0, $0x0;
	s0 =	rddreg [dreg:$0x6]  }
0x2b6: {  	s0 =	sadd.s32 @!p0 $0x100000, s0  }
0x2b7: {  	[sflag:s0] =	ssyncadd.tile.s32 @!p0 $0x1;
	_ =	shalt  }
.Lfunc_end2:
_tile_overlayer_lowered:
.L_overlay_start_2:
0x2b8: {  	(tag) =	ssettag $0x2  }
0x2b9: {  	s0 =	rddreg [dreg:$0x0];
	s2 =	stileid.u32  }
0x2ba: {  	s1 =	rddreg [dreg:$0x1];
	p0 =	sne.s32 s2, $0x0  }
0x2bb: {  	s3 =	rddreg [dreg:$0x2];
	[bflag:$0x3] =	sbarrier.arrive $0xFFFF;
	s2 =	simm.s32 @!p0 $0x1C03  }
0x2bc: {  	[timem:s3], [sflag:s2] =	dma.local @!p0 [hbm:s0], s1  }
0x2bd: {  	s0 =	simm.s32 @!p0 $0x3  }
0x2be: {  	_ =	swait.ge @!p0 [sflag:s0], s1  }
0x2bf: {  	s1 =	ssub.s32 @!p0 $0x0, s1;
	[sflag:s0] =	ssyncset.done @!p0 $0x0  }
0x2c0: {  	[sflag:s0] =	ssyncadd.s32 @!p0 s1  }
0x2c1: {  	[bflag:$0x3] =	sbarrier.arrive $0xFFFF  }
0x2c2: {  	_ =	shalt  }

</sc_bundles>
